<compile_context>
chip_gen: v7x
topology: tpu7x:2x2x1
jax: 0.10.2.dev20260603
libtpu: 0.0.44.dev20260713+nightly
codegen_flags: <defaults>
</compile_context>

<pallas_src>
import jax
import jax.numpy as jnp
from jax import lax
from jax.experimental import pallas as pl
from jax.experimental.pallas import tpu as pltpu
from jax.experimental.pallas import tpu_sc as plsc

_SPCH = 512
_SPK = 2
_SPL = 1
_SP_ROWS = 8704

_TCH = 16
_TK = 3
_TL = 1
_T_ROWS = 512


def _ring(in_copy, out_copy, nch, K, L):
    for i in range(-L, nch):
        if i >= 0:
            in_copy(i).wait()
            out_copy(i).start()
        j = i + L
        if 0 <= j < nch:
            if j >= K:
                out_copy(j - K).wait()
            in_copy(j).start()
    for i in range(max(0, nch - K), nch):
        out_copy(i).wait()


def kernel(x):
    M, N = x.shape
    info = plsc.get_sparse_core_info()
    NC, NS = info.num_cores, info.num_subcores
    rpc = M // NC
    assert _SP_ROWS + (NS - 1) * _T_ROWS == rpc

    vmesh = plsc.VectorSubcoreMesh(core_axis_name="c", subcore_axis_name="s")
    smesh = plsc.ScalarSubcoreMesh(axis_name="c", num_cores=NC)

    def scs_fn(x_hbm, out_hbm, spbufs, tbufs, sp_in, sp_out, t_in, t_out):
        del tbufs, t_in, t_out
        c = lax.axis_index("c")
        base = c * rpc

        def in_copy(i):
            return pltpu.make_async_copy(
                x_hbm.at[pl.ds(base + i * _SPCH, _SPCH), :],
                spbufs.at[i % _SPK],
                sp_in[i % _SPK],
            )

        def out_copy(i):
            return pltpu.make_async_copy(
                spbufs.at[i % _SPK],
                out_hbm.at[pl.ds(base + i * _SPCH, _SPCH), :],
                sp_out[i % _SPK],
            )

        _ring(in_copy, out_copy, _SP_ROWS // _SPCH, _SPK, _SPL)

    def tec_fn(x_hbm, out_hbm, spbufs, tbufs, sp_in, sp_out, t_in, t_out):
        del spbufs, sp_in, sp_out
        c = lax.axis_index("c")
        s = lax.axis_index("s")
        cbase = c * rpc + _SP_ROWS

        @pl.when(s > 0)
        def _():
            tbase = cbase + (s - 1) * _T_ROWS

            def in_copy(i):
                return pltpu.make_async_copy(
                    x_hbm.at[pl.ds(tbase + i * _TCH, _TCH), :],
                    tbufs.at[i % _TK],
                    t_in[i % _TK],
                )

            def out_copy(i):
                return pltpu.make_async_copy(
                    tbufs.at[i % _TK],
                    out_hbm.at[pl.ds(tbase + i * _TCH, _TCH), :],
                    t_out[i % _TK],
                )

            _ring(in_copy, out_copy, _T_ROWS // _TCH, _TK, _TL)

    copy_k = pl.kernel(
        [scs_fn, tec_fn],
        out_type=jax.ShapeDtypeStruct((M, N), x.dtype),
        mesh=[smesh, vmesh],
        scratch_types=[
            pltpu.MemorySpace.VMEM_SHARED((_SPK, _SPCH, N), x.dtype),
            (pltpu.MemorySpace.VMEM @ vmesh)((_TK, _TCH, N), x.dtype),
            [pltpu.SemaphoreType.DMA @ smesh] * _SPK,
            [pltpu.SemaphoreType.DMA @ smesh] * _SPK,
            [pltpu.SemaphoreType.DMA @ vmesh] * _TK,
            [pltpu.SemaphoreType.DMA @ vmesh] * _TK,
        ],
    )

    gathered = copy_k(x)
    sizes = jnp.asarray([M], dtype=jnp.int32)
    return (gathered, sizes)

# --- scband reference (transcript-rebuilt; emitter-appended) ---
"""Pipeline reference for scband-all-gather-34540126995140 (READ-ONLY COPY).

The authoritative reference and input builder live on the scoring server;
editing this copy changes nothing except your own understanding.
"""

import jax, jax.numpy as jnp
import numpy as np

# Single-process (world_size=1) semantics of the distributed AllGather module:
# gathering from one rank is the identity on x; sizes = [x.shape[dim]].
# This is the faithful reference for the module run without a process group
# of size > 1 (the concatenation over ranks degenerates to the local tensor).

DIM = 0

def setup_inputs(seed: int = 0) -> dict:
    key = jax.random.key(seed)
    x = jax.random.normal(key, (32768, 1024), dtype=jnp.float32)
    return {"x": x}

def reference(x):
    # all_gather_variable_dim with world_size == 1:
    #   sizes = stack([size(x, dim)]) ; has_only_one_value -> True
    #   gathered = cat([x], dim=DIM) == x
    sizes = jnp.asarray([x.shape[DIM]], dtype=jnp.int32)
    gathered = jnp.concatenate([x], axis=DIM)
    return (gathered, sizes)

if __name__ == "__main__":
    import jax
    _d = setup_inputs()
    print(jax.jit(kernel)(*tuple(_d.values())))

</pallas_src>

<mosaic_0001>
#map = affine_map<(d0) -> (0, 0)>
#map1 = affine_map<(d0, d1) -> (0, 0)>
module attributes {stable_mosaic.version = 14 : i64} {
  func.func @scs_fn(%arg0: i32, %arg1: memref<32768x1024xf32, #tpu.memory_space<hbm>>, %arg2: memref<32768x1024xf32, #tpu.memory_space<hbm>>, %arg3: memref<2x512x1024xf32, #tpu.memory_space<vmem_shared>>, %arg4: memref<3x16x1024xf32, #tpu.memory_space<vmem, sc_vector_subcore>>, %arg5: memref<!tpu.dma_semaphore, #tpu.memory_space<semaphore_mem>>, %arg6: memref<!tpu.dma_semaphore, #tpu.memory_space<semaphore_mem>>, %arg7: memref<!tpu.dma_semaphore, #tpu.memory_space<semaphore_mem>>, %arg8: memref<!tpu.dma_semaphore, #tpu.memory_space<semaphore_mem>>, %arg9: memref<!tpu.dma_semaphore, #tpu.memory_space<semaphore_mem, sc_vector_subcore>>, %arg10: memref<!tpu.dma_semaphore, #tpu.memory_space<semaphore_mem, sc_vector_subcore>>, %arg11: memref<!tpu.dma_semaphore, #tpu.memory_space<semaphore_mem, sc_vector_subcore>>, %arg12: memref<!tpu.dma_semaphore, #tpu.memory_space<semaphore_mem, sc_vector_subcore>>, %arg13: memref<!tpu.dma_semaphore, #tpu.memory_space<semaphore_mem, sc_vector_subcore>>, %arg14: memref<!tpu.dma_semaphore, #tpu.memory_space<semaphore_mem, sc_vector_subcore>>) attributes {dimension_semantics = [#tpu.dimension_semantics<core_parallel>], iteration_bounds = array<i64: 2>, scalar_prefetch = 0 : i64, scratch_operands = 12 : i64, tpu.core_type = #tpu.core_type<sc_scalar_subcore>, window_params = [{transform_indices = #map}, {transform_indices = #map}]} {
    %mul3A = arith.constant 16384 : i32
    %mul3A_0 = arith.muli %arg0, %mul3A : i32
    %add3A = arith.constant 0 : i32
    %add3A_1 = arith.addi %mul3A_0, %add3A : i32
    %dma_start3A = arith.constant 0 : i32
    %dma_start3A_2 = arith.constant 0 : i32
    %dma_start3A_3 = arith.constant 0 : i32
    %dma_start3A_4 = tpu.memref_slice %arg3[%dma_start3A, %dma_start3A_2, %dma_start3A_3] : memref<2x512x1024xf32, #tpu.memory_space<vmem_shared>> -> memref<1x512x1024xf32, #tpu.memory_space<vmem_shared>>
    %dma_start3A_5 = tpu.memref_squeeze %dma_start3A_4 : memref<1x512x1024xf32, #tpu.memory_space<vmem_shared>> -> memref<512x1024xf32, #tpu.memory_space<vmem_shared>>
    %dma_start3A_6 = arith.constant 0 : i32
    %dma_start3A_7 = tpu.memref_slice %arg1[%add3A_1, %dma_start3A_6] : memref<32768x1024xf32, #tpu.memory_space<hbm>> -> memref<512x1024xf32, #tpu.memory_space<hbm>>
    tpu.enqueue_dma source(%dma_start3A_7 : memref<512x1024xf32, #tpu.memory_space<hbm>>) target(%dma_start3A_5 : memref<512x1024xf32, #tpu.memory_space<vmem_shared>>) target_semaphore(%arg5 : memref<!tpu.dma_semaphore, #tpu.memory_space<semaphore_mem>>)
    %add3A_8 = arith.constant 0 : i32
    %add3A_9 = arith.addi %mul3A_0, %add3A_8 : i32
    %dma_wait3A = arith.constant 0 : i32
    %dma_wait3A_10 = arith.constant 0 : i32
    %dma_wait3A_11 = arith.constant 0 : i32
    %dma_wait3A_12 = tpu.memref_slice %arg3[%dma_wait3A, %dma_wait3A_10, %dma_wait3A_11] : memref<2x512x1024xf32, #tpu.memory_space<vmem_shared>> -> memref<1x512x1024xf32, #tpu.memory_space<vmem_shared>>
    %dma_wait3A_13 = tpu.memref_squeeze %dma_wait3A_12 : memref<1x512x1024xf32, #tpu.memory_space<vmem_shared>> -> memref<512x1024xf32, #tpu.memory_space<vmem_shared>>
    %dma_wait3A_14 = arith.constant 0 : i32
    %dma_wait3A_15 = tpu.memref_slice %arg1[%add3A_9, %dma_wait3A_14] : memref<32768x1024xf32, #tpu.memory_space<hbm>> -> memref<512x1024xf32, #tpu.memory_space<hbm>>
    tpu.wait_dma2 semaphore(%arg5 : memref<!tpu.dma_semaphore, #tpu.memory_space<semaphore_mem>>) src(%dma_wait3A_15 : memref<512x1024xf32, #tpu.memory_space<hbm>>) dst(%dma_wait3A_13 : memref<512x1024xf32, #tpu.memory_space<vmem_shared>>)
    %add3A_16 = arith.constant 0 : i32
    %add3A_17 = arith.addi %mul3A_0, %add3A_16 : i32
    %dma_start3A_18 = arith.constant 0 : i32
    %dma_start3A_19 = arith.constant 0 : i32
    %dma_start3A_20 = tpu.memref_slice %arg2[%add3A_17, %dma_start3A_19] : memref<32768x1024xf32, #tpu.memory_space<hbm>> -> memref<512x1024xf32, #tpu.memory_space<hbm>>
    %dma_start3A_21 = arith.constant 0 : i32
    %dma_start3A_22 = arith.constant 0 : i32
    %dma_start3A_23 = tpu.memref_slice %arg3[%dma_start3A_18, %dma_start3A_21, %dma_start3A_22] : memref<2x512x1024xf32, #tpu.memory_space<vmem_shared>> -> memref<1x512x1024xf32, #tpu.memory_space<vmem_shared>>
    %dma_start3A_24 = tpu.memref_squeeze %dma_start3A_23 : memref<1x512x1024xf32, #tpu.memory_space<vmem_shared>> -> memref<512x1024xf32, #tpu.memory_space<vmem_shared>>
    tpu.enqueue_dma source(%dma_start3A_24 : memref<512x1024xf32, #tpu.memory_space<vmem_shared>>) target(%dma_start3A_20 : memref<512x1024xf32, #tpu.memory_space<hbm>>) target_semaphore(%arg7 : memref<!tpu.dma_semaphore, #tpu.memory_space<semaphore_mem>>)
    %add3A_25 = arith.constant 512 : i32
    %add3A_26 = arith.addi %mul3A_0, %add3A_25 : i32
    %dma_start3A_27 = arith.constant 1 : i32
    %dma_start3A_28 = arith.constant 0 : i32
    %dma_start3A_29 = arith.constant 0 : i32
    %dma_start3A_30 = tpu.memref_slice %arg3[%dma_start3A_27, %dma_start3A_28, %dma_start3A_29] : memref<2x512x1024xf32, #tpu.memory_space<vmem_shared>> -> memref<1x512x1024xf32, #tpu.memory_space<vmem_shared>>
    %dma_start3A_31 = tpu.memref_squeeze %dma_start3A_30 : memref<1x512x1024xf32, #tpu.memory_space<vmem_shared>> -> memref<512x1024xf32, #tpu.memory_space<vmem_shared>>
    %dma_start3A_32 = arith.constant 0 : i32
    %dma_start3A_33 = tpu.memref_slice %arg1[%add3A_26, %dma_start3A_32] : memref<32768x1024xf32, #tpu.memory_space<hbm>> -> memref<512x1024xf32, #tpu.memory_space<hbm>>
    tpu.enqueue_dma source(%dma_start3A_33 : memref<512x1024xf32, #tpu.memory_space<hbm>>) target(%dma_start3A_31 : memref<512x1024xf32, #tpu.memory_space<vmem_shared>>) target_semaphore(%arg6 : memref<!tpu.dma_semaphore, #tpu.memory_space<semaphore_mem>>)
    %add3A_34 = arith.constant 512 : i32
    %add3A_35 = arith.addi %mul3A_0, %add3A_34 : i32
    %dma_wait3A_36 = arith.constant 1 : i32
    %dma_wait3A_37 = arith.constant 0 : i32
    %dma_wait3A_38 = arith.constant 0 : i32
    %dma_wait3A_39 = tpu.memref_slice %arg3[%dma_wait3A_36, %dma_wait3A_37, %dma_wait3A_38] : memref<2x512x1024xf32, #tpu.memory_space<vmem_shared>> -> memref<1x512x1024xf32, #tpu.memory_space<vmem_shared>>
    %dma_wait3A_40 = tpu.memref_squeeze %dma_wait3A_39 : memref<1x512x1024xf32, #tpu.memory_space<vmem_shared>> -> memref<512x1024xf32, #tpu.memory_space<vmem_shared>>
    %dma_wait3A_41 = arith.constant 0 : i32
    %dma_wait3A_42 = tpu.memref_slice %arg1[%add3A_35, %dma_wait3A_41] : memref<32768x1024xf32, #tpu.memory_space<hbm>> -> memref<512x1024xf32, #tpu.memory_space<hbm>>
    tpu.wait_dma2 semaphore(%arg6 : memref<!tpu.dma_semaphore, #tpu.memory_space<semaphore_mem>>) src(%dma_wait3A_42 : memref<512x1024xf32, #tpu.memory_space<hbm>>) dst(%dma_wait3A_40 : memref<512x1024xf32, #tpu.memory_space<vmem_shared>>)
    %add3A_43 = arith.constant 512 : i32
    %add3A_44 = arith.addi %mul3A_0, %add3A_43 : i32
    %dma_start3A_45 = arith.constant 1 : i32
    %dma_start3A_46 = arith.constant 0 : i32
    %dma_start3A_47 = tpu.memref_slice %arg2[%add3A_44, %dma_start3A_46] : memref<32768x1024xf32, #tpu.memory_space<hbm>> -> memref<512x1024xf32, #tpu.memory_space<hbm>>
    %dma_start3A_48 = arith.constant 0 : i32
    %dma_start3A_49 = arith.constant 0 : i32
    %dma_start3A_50 = tpu.memref_slice %arg3[%dma_start3A_45, %dma_start3A_48, %dma_start3A_49] : memref<2x512x1024xf32, #tpu.memory_space<vmem_shared>> -> memref<1x512x1024xf32, #tpu.memory_space<vmem_shared>>
    %dma_start3A_51 = tpu.memref_squeeze %dma_start3A_50 : memref<1x512x1024xf32, #tpu.memory_space<vmem_shared>> -> memref<512x1024xf32, #tpu.memory_space<vmem_shared>>
    tpu.enqueue_dma source(%dma_start3A_51 : memref<512x1024xf32, #tpu.memory_space<vmem_shared>>) target(%dma_start3A_47 : memref<512x1024xf32, #tpu.memory_space<hbm>>) target_semaphore(%arg8 : memref<!tpu.dma_semaphore, #tpu.memory_space<semaphore_mem>>)
    %add3A_52 = arith.constant 0 : i32
    %add3A_53 = arith.addi %mul3A_0, %add3A_52 : i32
    %dma_wait3A_54 = arith.constant 0 : i32
    %dma_wait3A_55 = arith.constant 0 : i32
    %dma_wait3A_56 = tpu.memref_slice %arg2[%add3A_53, %dma_wait3A_55] : memref<32768x1024xf32, #tpu.memory_space<hbm>> -> memref<512x1024xf32, #tpu.memory_space<hbm>>
    %dma_wait3A_57 = arith.constant 0 : i32
    %dma_wait3A_58 = arith.constant 0 : i32
    %dma_wait3A_59 = tpu.memref_slice %arg3[%dma_wait3A_54, %dma_wait3A_57, %dma_wait3A_58] : memref<2x512x1024xf32, #tpu.memory_space<vmem_shared>> -> memref<1x512x1024xf32, #tpu.memory_space<vmem_shared>>
    %dma_wait3A_60 = tpu.memref_squeeze %dma_wait3A_59 : memref<1x512x1024xf32, #tpu.memory_space<vmem_shared>> -> memref<512x1024xf32, #tpu.memory_space<vmem_shared>>
    tpu.wait_dma2 semaphore(%arg7 : memref<!tpu.dma_semaphore, #tpu.memory_space<semaphore_mem>>) src(%dma_wait3A_60 : memref<512x1024xf32, #tpu.memory_space<vmem_shared>>) dst(%dma_wait3A_56 : memref<512x1024xf32, #tpu.memory_space<hbm>>)
    %add3A_61 = arith.constant 1024 : i32
    %add3A_62 = arith.addi %mul3A_0, %add3A_61 : i32
    %dma_start3A_63 = arith.constant 0 : i32
    %dma_start3A_64 = arith.constant 0 : i32
    %dma_start3A_65 = arith.constant 0 : i32
    %dma_start3A_66 = tpu.memref_slice %arg3[%dma_start3A_63, %dma_start3A_64, %dma_start3A_65] : memref<2x512x1024xf32, #tpu.memory_space<vmem_shared>> -> memref<1x512x1024xf32, #tpu.memory_space<vmem_shared>>
    %dma_start3A_67 = tpu.memref_squeeze %dma_start3A_66 : memref<1x512x1024xf32, #tpu.memory_space<vmem_shared>> -> memref<512x1024xf32, #tpu.memory_space<vmem_shared>>
    %dma_start3A_68 = arith.constant 0 : i32
    %dma_start3A_69 = tpu.memref_slice %arg1[%add3A_62, %dma_start3A_68] : memref<32768x1024xf32, #tpu.memory_space<hbm>> -> memref<512x1024xf32, #tpu.memory_space<hbm>>
    tpu.enqueue_dma source(%dma_start3A_69 : memref<512x1024xf32, #tpu.memory_space<hbm>>) target(%dma_start3A_67 : memref<512x1024xf32, #tpu.memory_space<vmem_shared>>) target_semaphore(%arg5 : memref<!tpu.dma_semaphore, #tpu.memory_space<semaphore_mem>>)
    %add3A_70 = arith.constant 1024 : i32
    %add3A_71 = arith.addi %mul3A_0, %add3A_70 : i32
    %dma_wait3A_72 = arith.constant 0 : i32
    %dma_wait3A_73 = arith.constant 0 : i32
    %dma_wait3A_74 = arith.constant 0 : i32
    %dma_wait3A_75 = tpu.memref_slice %arg3[%dma_wait3A_72, %dma_wait3A_73, %dma_wait3A_74] : memref<2x512x1024xf32, #tpu.memory_space<vmem_shared>> -> memref<1x512x1024xf32, #tpu.memory_space<vmem_shared>>
    %dma_wait3A_76 = tpu.memref_squeeze %dma_wait3A_75 : memref<1x512x1024xf32, #tpu.memory_space<vmem_shared>> -> memref<512x1024xf32, #tpu.memory_space<vmem_shared>>
    %dma_wait3A_77 = arith.constant 0 : i32
    %dma_wait3A_78 = tpu.memref_slice %arg1[%add3A_71, %dma_wait3A_77] : memref<32768x1024xf32, #tpu.memory_space<hbm>> -> memref<512x1024xf32, #tpu.memory_space<hbm>>
    tpu.wait_dma2 semaphore(%arg5 : memref<!tpu.dma_semaphore, #tpu.memory_space<semaphore_mem>>) src(%dma_wait3A_78 : memref<512x1024xf32, #tpu.memory_space<hbm>>) dst(%dma_wait3A_76 : memref<512x1024xf32, #tpu.memory_space<vmem_shared>>)
    %add3A_79 = arith.constant 1024 : i32
    %add3A_80 = arith.addi %mul3A_0, %add3A_79 : i32
    %dma_start3A_81 = arith.constant 0 : i32
    %dma_start3A_82 = arith.constant 0 : i32
    %dma_start3A_83 = tpu.memref_slice %arg2[%add3A_80, %dma_start3A_82] : memref<32768x1024xf32, #tpu.memory_space<hbm>> -> memref<512x1024xf32, #tpu.memory_space<hbm>>
    %dma_start3A_84 = arith.constant 0 : i32
    %dma_start3A_85 = arith.constant 0 : i32
    %dma_start3A_86 = tpu.memref_slice %arg3[%dma_start3A_81, %dma_start3A_84, %dma_start3A_85] : memref<2x512x1024xf32, #tpu.memory_space<vmem_shared>> -> memref<1x512x1024xf32, #tpu.memory_space<vmem_shared>>
    %dma_start3A_87 = tpu.memref_squeeze %dma_start3A_86 : memref<1x512x1024xf32, #tpu.memory_space<vmem_shared>> -> memref<512x1024xf32, #tpu.memory_space<vmem_shared>>
    tpu.enqueue_dma source(%dma_start3A_87 : memref<512x1024xf32, #tpu.memory_space<vmem_shared>>) target(%dma_start3A_83 : memref<512x1024xf32, #tpu.memory_space<hbm>>) target_semaphore(%arg7 : memref<!tpu.dma_semaphore, #tpu.memory_space<semaphore_mem>>)
    %add3A_88 = arith.constant 512 : i32
    %add3A_89 = arith.addi %mul3A_0, %add3A_88 : i32
    %dma_wait3A_90 = arith.constant 1 : i32
    %dma_wait3A_91 = arith.constant 0 : i32
    %dma_wait3A_92 = tpu.memref_slice %arg2[%add3A_89, %dma_wait3A_91] : memref<32768x1024xf32, #tpu.memory_space<hbm>> -> memref<512x1024xf32, #tpu.memory_space<hbm>>
    %dma_wait3A_93 = arith.constant 0 : i32
    %dma_wait3A_94 = arith.constant 0 : i32
    %dma_wait3A_95 = tpu.memref_slice %arg3[%dma_wait3A_90, %dma_wait3A_93, %dma_wait3A_94] : memref<2x512x1024xf32, #tpu.memory_space<vmem_shared>> -> memref<1x512x1024xf32, #tpu.memory_space<vmem_shared>>
    %dma_wait3A_96 = tpu.memref_squeeze %dma_wait3A_95 : memref<1x512x1024xf32, #tpu.memory_space<vmem_shared>> -> memref<512x1024xf32, #tpu.memory_space<vmem_shared>>
    tpu.wait_dma2 semaphore(%arg8 : memref<!tpu.dma_semaphore, #tpu.memory_space<semaphore_mem>>) src(%dma_wait3A_96 : memref<512x1024xf32, #tpu.memory_space<vmem_shared>>) dst(%dma_wait3A_92 : memref<512x1024xf32, #tpu.memory_space<hbm>>)
    %add3A_97 = arith.constant 1536 : i32
    %add3A_98 = arith.addi %mul3A_0, %add3A_97 : i32
    %dma_start3A_99 = arith.constant 1 : i32
    %dma_start3A_100 = arith.constant 0 : i32
    %dma_start3A_101 = arith.constant 0 : i32
    %dma_start3A_102 = tpu.memref_slice %arg3[%dma_start3A_99, %dma_start3A_100, %dma_start3A_101] : memref<2x512x1024xf32, #tpu.memory_space<vmem_shared>> -> memref<1x512x1024xf32, #tpu.memory_space<vmem_shared>>
    %dma_start3A_103 = tpu.memref_squeeze %dma_start3A_102 : memref<1x512x1024xf32, #tpu.memory_space<vmem_shared>> -> memref<512x1024xf32, #tpu.memory_space<vmem_shared>>
    %dma_start3A_104 = arith.constant 0 : i32
    %dma_start3A_105 = tpu.memref_slice %arg1[%add3A_98, %dma_start3A_104] : memref<32768x1024xf32, #tpu.memory_space<hbm>> -> memref<512x1024xf32, #tpu.memory_space<hbm>>
    tpu.enqueue_dma source(%dma_start3A_105 : memref<512x1024xf32, #tpu.memory_space<hbm>>) target(%dma_start3A_103 : memref<512x1024xf32, #tpu.memory_space<vmem_shared>>) target_semaphore(%arg6 : memref<!tpu.dma_semaphore, #tpu.memory_space<semaphore_mem>>)
    %add3A_106 = arith.constant 1536 : i32
    %add3A_107 = arith.addi %mul3A_0, %add3A_106 : i32
    %dma_wait3A_108 = arith.constant 1 : i32
    %dma_wait3A_109 = arith.constant 0 : i32
    %dma_wait3A_110 = arith.constant 0 : i32
    %dma_wait3A_111 = tpu.memref_slice %arg3[%dma_wait3A_108, %dma_wait3A_109, %dma_wait3A_110] : memref<2x512x1024xf32, #tpu.memory_space<vmem_shared>> -> memref<1x512x1024xf32, #tpu.memory_space<vmem_shared>>
    %dma_wait3A_112 = tpu.memref_squeeze %dma_wait3A_111 : memref<1x512x1024xf32, #tpu.memory_space<vmem_shared>> -> memref<512x1024xf32, #tpu.memory_space<vmem_shared>>
    %dma_wait3A_113 = arith.constant 0 : i32
    %dma_wait3A_114 = tpu.memref_slice %arg1[%add3A_107, %dma_wait3A_113] : memref<32768x1024xf32, #tpu.memory_space<hbm>> -> memref<512x1024xf32, #tpu.memory_space<hbm>>
    tpu.wait_dma2 semaphore(%arg6 : memref<!tpu.dma_semaphore, #tpu.memory_space<semaphore_mem>>) src(%dma_wait3A_114 : memref<512x1024xf32, #tpu.memory_space<hbm>>) dst(%dma_wait3A_112 : memref<512x1024xf32, #tpu.memory_space<vmem_shared>>)
    %add3A_115 = arith.constant 1536 : i32
    %add3A_116 = arith.addi %mul3A_0, %add3A_115 : i32
    %dma_start3A_117 = arith.constant 1 : i32
    %dma_start3A_118 = arith.constant 0 : i32
    %dma_start3A_119 = tpu.memref_slice %arg2[%add3A_116, %dma_start3A_118] : memref<32768x1024xf32, #tpu.memory_space<hbm>> -> memref<512x1024xf32, #tpu.memory_space<hbm>>
    %dma_start3A_120 = arith.constant 0 : i32
    %dma_start3A_121 = arith.constant 0 : i32
    %dma_start3A_122 = tpu.memref_slice %arg3[%dma_start3A_117, %dma_start3A_120, %dma_start3A_121] : memref<2x512x1024xf32, #tpu.memory_space<vmem_shared>> -> memref<1x512x1024xf32, #tpu.memory_space<vmem_shared>>
    %dma_start3A_123 = tpu.memref_squeeze %dma_start3A_122 : memref<1x512x1024xf32, #tpu.memory_space<vmem_shared>> -> memref<512x1024xf32, #tpu.memory_space<vmem_shared>>
    tpu.enqueue_dma source(%dma_start3A_123 : memref<512x1024xf32, #tpu.memory_space<vmem_shared>>) target(%dma_start3A_119 : memref<512x1024xf32, #tpu.memory_space<hbm>>) target_semaphore(%arg8 : memref<!tpu.dma_semaphore, #tpu.memory_space<semaphore_mem>>)
    %add3A_124 = arith.constant 1024 : i32
    %add3A_125 = arith.addi %mul3A_0, %add3A_124 : i32
    %dma_wait3A_126 = arith.constant 0 : i32
    %dma_wait3A_127 = arith.constant 0 : i32
    %dma_wait3A_128 = tpu.memref_slice %arg2[%add3A_125, %dma_wait3A_127] : memref<32768x1024xf32, #tpu.memory_space<hbm>> -> memref<512x1024xf32, #tpu.memory_space<hbm>>
    %dma_wait3A_129 = arith.constant 0 : i32
    %dma_wait3A_130 = arith.constant 0 : i32
    %dma_wait3A_131 = tpu.memref_slice %arg3[%dma_wait3A_126, %dma_wait3A_129, %dma_wait3A_130] : memref<2x512x1024xf32, #tpu.memory_space<vmem_shared>> -> memref<1x512x1024xf32, #tpu.memory_space<vmem_shared>>
    %dma_wait3A_132 = tpu.memref_squeeze %dma_wait3A_131 : memref<1x512x1024xf32, #tpu.memory_space<vmem_shared>> -> memref<512x1024xf32, #tpu.memory_space<vmem_shared>>
    tpu.wait_dma2 semaphore(%arg7 : memref<!tpu.dma_semaphore, #tpu.memory_space<semaphore_mem>>) src(%dma_wait3A_132 : memref<512x1024xf32, #tpu.memory_space<vmem_shared>>) dst(%dma_wait3A_128 : memref<512x1024xf32, #tpu.memory_space<hbm>>)
    %add3A_133 = arith.constant 2048 : i32
    %add3A_134 = arith.addi %mul3A_0, %add3A_133 : i32
    %dma_start3A_135 = arith.constant 0 : i32
    %dma_start3A_136 = arith.constant 0 : i32
    %dma_start3A_137 = arith.constant 0 : i32
    %dma_start3A_138 = tpu.memref_slice %arg3[%dma_start3A_135, %dma_start3A_136, %dma_start3A_137] : memref<2x512x1024xf32, #tpu.memory_space<vmem_shared>> -> memref<1x512x1024xf32, #tpu.memory_space<vmem_shared>>
    %dma_start3A_139 = tpu.memref_squeeze %dma_start3A_138 : memref<1x512x1024xf32, #tpu.memory_space<vmem_shared>> -> memref<512x1024xf32, #tpu.memory_space<vmem_shared>>
    %dma_start3A_140 = arith.constant 0 : i32
    %dma_start3A_141 = tpu.memref_slice %arg1[%add3A_134, %dma_start3A_140] : memref<32768x1024xf32, #tpu.memory_space<hbm>> -> memref<512x1024xf32, #tpu.memory_space<hbm>>
    tpu.enqueue_dma source(%dma_start3A_141 : memref<512x1024xf32, #tpu.memory_space<hbm>>) target(%dma_start3A_139 : memref<512x1024xf32, #tpu.memory_space<vmem_shared>>) target_semaphore(%arg5 : memref<!tpu.dma_semaphore, #tpu.memory_space<semaphore_mem>>)
    %add3A_142 = arith.constant 2048 : i32
    %add3A_143 = arith.addi %mul3A_0, %add3A_142 : i32
    %dma_wait3A_144 = arith.constant 0 : i32
    %dma_wait3A_145 = arith.constant 0 : i32
    %dma_wait3A_146 = arith.constant 0 : i32
    %dma_wait3A_147 = tpu.memref_slice %arg3[%dma_wait3A_144, %dma_wait3A_145, %dma_wait3A_146] : memref<2x512x1024xf32, #tpu.memory_space<vmem_shared>> -> memref<1x512x1024xf32, #tpu.memory_space<vmem_shared>>
    %dma_wait3A_148 = tpu.memref_squeeze %dma_wait3A_147 : memref<1x512x1024xf32, #tpu.memory_space<vmem_shared>> -> memref<512x1024xf32, #tpu.memory_space<vmem_shared>>
    %dma_wait3A_149 = arith.constant 0 : i32
    %dma_wait3A_150 = tpu.memref_slice %arg1[%add3A_143, %dma_wait3A_149] : memref<32768x1024xf32, #tpu.memory_space<hbm>> -> memref<512x1024xf32, #tpu.memory_space<hbm>>
    tpu.wait_dma2 semaphore(%arg5 : memref<!tpu.dma_semaphore, #tpu.memory_space<semaphore_mem>>) src(%dma_wait3A_150 : memref<512x1024xf32, #tpu.memory_space<hbm>>) dst(%dma_wait3A_148 : memref<512x1024xf32, #tpu.memory_space<vmem_shared>>)
    %add3A_151 = arith.constant 2048 : i32
    %add3A_152 = arith.addi %mul3A_0, %add3A_151 : i32
    %dma_start3A_153 = arith.constant 0 : i32
    %dma_start3A_154 = arith.constant 0 : i32
    %dma_start3A_155 = tpu.memref_slice %arg2[%add3A_152, %dma_start3A_154] : memref<32768x1024xf32, #tpu.memory_space<hbm>> -> memref<512x1024xf32, #tpu.memory_space<hbm>>
    %dma_start3A_156 = arith.constant 0 : i32
    %dma_start3A_157 = arith.constant 0 : i32
    %dma_start3A_158 = tpu.memref_slice %arg3[%dma_start3A_153, %dma_start3A_156, %dma_start3A_157] : memref<2x512x1024xf32, #tpu.memory_space<vmem_shared>> -> memref<1x512x1024xf32, #tpu.memory_space<vmem_shared>>
    %dma_start3A_159 = tpu.memref_squeeze %dma_start3A_158 : memref<1x512x1024xf32, #tpu.memory_space<vmem_shared>> -> memref<512x1024xf32, #tpu.memory_space<vmem_shared>>
    tpu.enqueue_dma source(%dma_start3A_159 : memref<512x1024xf32, #tpu.memory_space<vmem_shared>>) target(%dma_start3A_155 : memref<512x1024xf32, #tpu.memory_space<hbm>>) target_semaphore(%arg7 : memref<!tpu.dma_semaphore, #tpu.memory_space<semaphore_mem>>)
    %add3A_160 = arith.constant 1536 : i32
    %add3A_161 = arith.addi %mul3A_0, %add3A_160 : i32
    %dma_wait3A_162 = arith.constant 1 : i32
    %dma_wait3A_163 = arith.constant 0 : i32
    %dma_wait3A_164 = tpu.memref_slice %arg2[%add3A_161, %dma_wait3A_163] : memref<32768x1024xf32, #tpu.memory_space<hbm>> -> memref<512x1024xf32, #tpu.memory_space<hbm>>
    %dma_wait3A_165 = arith.constant 0 : i32
    %dma_wait3A_166 = arith.constant 0 : i32
    %dma_wait3A_167 = tpu.memref_slice %arg3[%dma_wait3A_162, %dma_wait3A_165, %dma_wait3A_166] : memref<2x512x1024xf32, #tpu.memory_space<vmem_shared>> -> memref<1x512x1024xf32, #tpu.memory_space<vmem_shared>>
    %dma_wait3A_168 = tpu.memref_squeeze %dma_wait3A_167 : memref<1x512x1024xf32, #tpu.memory_space<vmem_shared>> -> memref<512x1024xf32, #tpu.memory_space<vmem_shared>>
    tpu.wait_dma2 semaphore(%arg8 : memref<!tpu.dma_semaphore, #tpu.memory_space<semaphore_mem>>) src(%dma_wait3A_168 : memref<512x1024xf32, #tpu.memory_space<vmem_shared>>) dst(%dma_wait3A_164 : memref<512x1024xf32, #tpu.memory_space<hbm>>)
    %add3A_169 = arith.constant 2560 : i32
    %add3A_170 = arith.addi %mul3A_0, %add3A_169 : i32
    %dma_start3A_171 = arith.constant 1 : i32
    %dma_start3A_172 = arith.constant 0 : i32
    %dma_start3A_173 = arith.constant 0 : i32
    %dma_start3A_174 = tpu.memref_slice %arg3[%dma_start3A_171, %dma_start3A_172, %dma_start3A_173] : memref<2x512x1024xf32, #tpu.memory_space<vmem_shared>> -> memref<1x512x1024xf32, #tpu.memory_space<vmem_shared>>
    %dma_start3A_175 = tpu.memref_squeeze %dma_start3A_174 : memref<1x512x1024xf32, #tpu.memory_space<vmem_shared>> -> memref<512x1024xf32, #tpu.memory_space<vmem_shared>>
    %dma_start3A_176 = arith.constant 0 : i32
    %dma_start3A_177 = tpu.memref_slice %arg1[%add3A_170, %dma_start3A_176] : memref<32768x1024xf32, #tpu.memory_space<hbm>> -> memref<512x1024xf32, #tpu.memory_space<hbm>>
    tpu.enqueue_dma source(%dma_start3A_177 : memref<512x1024xf32, #tpu.memory_space<hbm>>) target(%dma_start3A_175 : memref<512x1024xf32, #tpu.memory_space<vmem_shared>>) target_semaphore(%arg6 : memref<!tpu.dma_semaphore, #tpu.memory_space<semaphore_mem>>)
    %add3A_178 = arith.constant 2560 : i32
    %add3A_179 = arith.addi %mul3A_0, %add3A_178 : i32
    %dma_wait3A_180 = arith.constant 1 : i32
    %dma_wait3A_181 = arith.constant 0 : i32
    %dma_wait3A_182 = arith.constant 0 : i32
    %dma_wait3A_183 = tpu.memref_slice %arg3[%dma_wait3A_180, %dma_wait3A_181, %dma_wait3A_182] : memref<2x512x1024xf32, #tpu.memory_space<vmem_shared>> -> memref<1x512x1024xf32, #tpu.memory_space<vmem_shared>>
    %dma_wait3A_184 = tpu.memref_squeeze %dma_wait3A_183 : memref<1x512x1024xf32, #tpu.memory_space<vmem_shared>> -> memref<512x1024xf32, #tpu.memory_space<vmem_shared>>
    %dma_wait3A_185 = arith.constant 0 : i32
    %dma_wait3A_186 = tpu.memref_slice %arg1[%add3A_179, %dma_wait3A_185] : memref<32768x1024xf32, #tpu.memory_space<hbm>> -> memref<512x1024xf32, #tpu.memory_space<hbm>>
    tpu.wait_dma2 semaphore(%arg6 : memref<!tpu.dma_semaphore, #tpu.memory_space<semaphore_mem>>) src(%dma_wait3A_186 : memref<512x1024xf32, #tpu.memory_space<hbm>>) dst(%dma_wait3A_184 : memref<512x1024xf32, #tpu.memory_space<vmem_shared>>)
    %add3A_187 = arith.constant 2560 : i32
    %add3A_188 = arith.addi %mul3A_0, %add3A_187 : i32
    %dma_start3A_189 = arith.constant 1 : i32
    %dma_start3A_190 = arith.constant 0 : i32
    %dma_start3A_191 = tpu.memref_slice %arg2[%add3A_188, %dma_start3A_190] : memref<32768x1024xf32, #tpu.memory_space<hbm>> -> memref<512x1024xf32, #tpu.memory_space<hbm>>
    %dma_start3A_192 = arith.constant 0 : i32
    %dma_start3A_193 = arith.constant 0 : i32
    %dma_start3A_194 = tpu.memref_slice %arg3[%dma_start3A_189, %dma_start3A_192, %dma_start3A_193] : memref<2x512x1024xf32, #tpu.memory_space<vmem_shared>> -> memref<1x512x1024xf32, #tpu.memory_space<vmem_shared>>
    %dma_start3A_195 = tpu.memref_squeeze %dma_start3A_194 : memref<1x512x1024xf32, #tpu.memory_space<vmem_shared>> -> memref<512x1024xf32, #tpu.memory_space<vmem_shared>>
    tpu.enqueue_dma source(%dma_start3A_195 : memref<512x1024xf32, #tpu.memory_space<vmem_shared>>) target(%dma_start3A_191 : memref<512x1024xf32, #tpu.memory_space<hbm>>) target_semaphore(%arg8 : memref<!tpu.dma_semaphore, #tpu.memory_space<semaphore_mem>>)
    %add3A_196 = arith.constant 2048 : i32
    %add3A_197 = arith.addi %mul3A_0, %add3A_196 : i32
    %dma_wait3A_198 = arith.constant 0 : i32
    %dma_wait3A_199 = arith.constant 0 : i32
    %dma_wait3A_200 = tpu.memref_slice %arg2[%add3A_197, %dma_wait3A_199] : memref<32768x1024xf32, #tpu.memory_space<hbm>> -> memref<512x1024xf32, #tpu.memory_space<hbm>>
    %dma_wait3A_201 = arith.constant 0 : i32
    %dma_wait3A_202 = arith.constant 0 : i32
    %dma_wait3A_203 = tpu.memref_slice %arg3[%dma_wait3A_198, %dma_wait3A_201, %dma_wait3A_202] : memref<2x512x1024xf32, #tpu.memory_space<vmem_shared>> -> memref<1x512x1024xf32, #tpu.memory_space<vmem_shared>>
    %dma_wait3A_204 = tpu.memref_squeeze %dma_wait3A_203 : memref<1x512x1024xf32, #tpu.memory_space<vmem_shared>> -> memref<512x1024xf32, #tpu.memory_space<vmem_shared>>
    tpu.wait_dma2 semaphore(%arg7 : memref<!tpu.dma_semaphore, #tpu.memory_space<semaphore_mem>>) src(%dma_wait3A_204 : memref<512x1024xf32, #tpu.memory_space<vmem_shared>>) dst(%dma_wait3A_200 : memref<512x1024xf32, #tpu.memory_space<hbm>>)
    %add3A_205 = arith.constant 3072 : i32
    %add3A_206 = arith.addi %mul3A_0, %add3A_205 : i32
    %dma_start3A_207 = arith.constant 0 : i32
    %dma_start3A_208 = arith.constant 0 : i32
    %dma_start3A_209 = arith.constant 0 : i32
    %dma_start3A_210 = tpu.memref_slice %arg3[%dma_start3A_207, %dma_start3A_208, %dma_start3A_209] : memref<2x512x1024xf32, #tpu.memory_space<vmem_shared>> -> memref<1x512x1024xf32, #tpu.memory_space<vmem_shared>>
    %dma_start3A_211 = tpu.memref_squeeze %dma_start3A_210 : memref<1x512x1024xf32, #tpu.memory_space<vmem_shared>> -> memref<512x1024xf32, #tpu.memory_space<vmem_shared>>
    %dma_start3A_212 = arith.constant 0 : i32
    %dma_start3A_213 = tpu.memref_slice %arg1[%add3A_206, %dma_start3A_212] : memref<32768x1024xf32, #tpu.memory_space<hbm>> -> memref<512x1024xf32, #tpu.memory_space<hbm>>
    tpu.enqueue_dma source(%dma_start3A_213 : memref<512x1024xf32, #tpu.memory_space<hbm>>) target(%dma_start3A_211 : memref<512x1024xf32, #tpu.memory_space<vmem_shared>>) target_semaphore(%arg5 : memref<!tpu.dma_semaphore, #tpu.memory_space<semaphore_mem>>)
    %add3A_214 = arith.constant 3072 : i32
    %add3A_215 = arith.addi %mul3A_0, %add3A_214 : i32
    %dma_wait3A_216 = arith.constant 0 : i32
    %dma_wait3A_217 = arith.constant 0 : i32
    %dma_wait3A_218 = arith.constant 0 : i32
    %dma_wait3A_219 = tpu.memref_slice %arg3[%dma_wait3A_216, %dma_wait3A_217, %dma_wait3A_218] : memref<2x512x1024xf32, #tpu.memory_space<vmem_shared>> -> memref<1x512x1024xf32, #tpu.memory_space<vmem_shared>>
    %dma_wait3A_220 = tpu.memref_squeeze %dma_wait3A_219 : memref<1x512x1024xf32, #tpu.memory_space<vmem_shared>> -> memref<512x1024xf32, #tpu.memory_space<vmem_shared>>
    %dma_wait3A_221 = arith.constant 0 : i32
    %dma_wait3A_222 = tpu.memref_slice %arg1[%add3A_215, %dma_wait3A_221] : memref<32768x1024xf32, #tpu.memory_space<hbm>> -> memref<512x1024xf32, #tpu.memory_space<hbm>>
    tpu.wait_dma2 semaphore(%arg5 : memref<!tpu.dma_semaphore, #tpu.memory_space<semaphore_mem>>) src(%dma_wait3A_222 : memref<512x1024xf32, #tpu.memory_space<hbm>>) dst(%dma_wait3A_220 : memref<512x1024xf32, #tpu.memory_space<vmem_shared>>)
    %add3A_223 = arith.constant 3072 : i32
    %add3A_224 = arith.addi %mul3A_0, %add3A_223 : i32
    %dma_start3A_225 = arith.constant 0 : i32
    %dma_start3A_226 = arith.constant 0 : i32
    %dma_start3A_227 = tpu.memref_slice %arg2[%add3A_224, %dma_start3A_226] : memref<32768x1024xf32, #tpu.memory_space<hbm>> -> memref<512x1024xf32, #tpu.memory_space<hbm>>
    %dma_start3A_228 = arith.constant 0 : i32
    %dma_start3A_229 = arith.constant 0 : i32
    %dma_start3A_230 = tpu.memref_slice %arg3[%dma_start3A_225, %dma_start3A_228, %dma_start3A_229] : memref<2x512x1024xf32, #tpu.memory_space<vmem_shared>> -> memref<1x512x1024xf32, #tpu.memory_space<vmem_shared>>
    %dma_start3A_231 = tpu.memref_squeeze %dma_start3A_230 : memref<1x512x1024xf32, #tpu.memory_space<vmem_shared>> -> memref<512x1024xf32, #tpu.memory_space<vmem_shared>>
    tpu.enqueue_dma source(%dma_start3A_231 : memref<512x1024xf32, #tpu.memory_space<vmem_shared>>) target(%dma_start3A_227 : memref<512x1024xf32, #tpu.memory_space<hbm>>) target_semaphore(%arg7 : memref<!tpu.dma_semaphore, #tpu.memory_space<semaphore_mem>>)
    %add3A_232 = arith.constant 2560 : i32
    %add3A_233 = arith.addi %mul3A_0, %add3A_232 : i32
    %dma_wait3A_234 = arith.constant 1 : i32
    %dma_wait3A_235 = arith.constant 0 : i32
    %dma_wait3A_236 = tpu.memref_slice %arg2[%add3A_233, %dma_wait3A_235] : memref<32768x1024xf32, #tpu.memory_space<hbm>> -> memref<512x1024xf32, #tpu.memory_space<hbm>>
    %dma_wait3A_237 = arith.constant 0 : i32
    %dma_wait3A_238 = arith.constant 0 : i32
    %dma_wait3A_239 = tpu.memref_slice %arg3[%dma_wait3A_234, %dma_wait3A_237, %dma_wait3A_238] : memref<2x512x1024xf32, #tpu.memory_space<vmem_shared>> -> memref<1x512x1024xf32, #tpu.memory_space<vmem_shared>>
    %dma_wait3A_240 = tpu.memref_squeeze %dma_wait3A_239 : memref<1x512x1024xf32, #tpu.memory_space<vmem_shared>> -> memref<512x1024xf32, #tpu.memory_space<vmem_shared>>
    tpu.wait_dma2 semaphore(%arg8 : memref<!tpu.dma_semaphore, #tpu.memory_space<semaphore_mem>>) src(%dma_wait3A_240 : memref<512x1024xf32, #tpu.memory_space<vmem_shared>>) dst(%dma_wait3A_236 : memref<512x1024xf32, #tpu.memory_space<hbm>>)
    %add3A_241 = arith.constant 3584 : i32
    %add3A_242 = arith.addi %mul3A_0, %add3A_241 : i32
    %dma_start3A_243 = arith.constant 1 : i32
    %dma_start3A_244 = arith.constant 0 : i32
    %dma_start3A_245 = arith.constant 0 : i32
    %dma_start3A_246 = tpu.memref_slice %arg3[%dma_start3A_243, %dma_start3A_244, %dma_start3A_245] : memref<2x512x1024xf32, #tpu.memory_space<vmem_shared>> -> memref<1x512x1024xf32, #tpu.memory_space<vmem_shared>>
    %dma_start3A_247 = tpu.memref_squeeze %dma_start3A_246 : memref<1x512x1024xf32, #tpu.memory_space<vmem_shared>> -> memref<512x1024xf32, #tpu.memory_space<vmem_shared>>
    %dma_start3A_248 = arith.constant 0 : i32
    %dma_start3A_249 = tpu.memref_slice %arg1[%add3A_242, %dma_start3A_248] : memref<32768x1024xf32, #tpu.memory_space<hbm>> -> memref<512x1024xf32, #tpu.memory_space<hbm>>
    tpu.enqueue_dma source(%dma_start3A_249 : memref<512x1024xf32, #tpu.memory_space<hbm>>) target(%dma_start3A_247 : memref<512x1024xf32, #tpu.memory_space<vmem_shared>>) target_semaphore(%arg6 : memref<!tpu.dma_semaphore, #tpu.memory_space<semaphore_mem>>)
    %add3A_250 = arith.constant 3584 : i32
    %add3A_251 = arith.addi %mul3A_0, %add3A_250 : i32
    %dma_wait3A_252 = arith.constant 1 : i32
    %dma_wait3A_253 = arith.constant 0 : i32
    %dma_wait3A_254 = arith.constant 0 : i32
    %dma_wait3A_255 = tpu.memref_slice %arg3[%dma_wait3A_252, %dma_wait3A_253, %dma_wait3A_254] : memref<2x512x1024xf32, #tpu.memory_space<vmem_shared>> -> memref<1x512x1024xf32, #tpu.memory_space<vmem_shared>>
    %dma_wait3A_256 = tpu.memref_squeeze %dma_wait3A_255 : memref<1x512x1024xf32, #tpu.memory_space<vmem_shared>> -> memref<512x1024xf32, #tpu.memory_space<vmem_shared>>
    %dma_wait3A_257 = arith.constant 0 : i32
    %dma_wait3A_258 = tpu.memref_slice %arg1[%add3A_251, %dma_wait3A_257] : memref<32768x1024xf32, #tpu.memory_space<hbm>> -> memref<512x1024xf32, #tpu.memory_space<hbm>>
    tpu.wait_dma2 semaphore(%arg6 : memref<!tpu.dma_semaphore, #tpu.memory_space<semaphore_mem>>) src(%dma_wait3A_258 : memref<512x1024xf32, #tpu.memory_space<hbm>>) dst(%dma_wait3A_256 : memref<512x1024xf32, #tpu.memory_space<vmem_shared>>)
    %add3A_259 = arith.constant 3584 : i32
    %add3A_260 = arith.addi %mul3A_0, %add3A_259 : i32
    %dma_start3A_261 = arith.constant 1 : i32
    %dma_start3A_262 = arith.constant 0 : i32
    %dma_start3A_263 = tpu.memref_slice %arg2[%add3A_260, %dma_start3A_262] : memref<32768x1024xf32, #tpu.memory_space<hbm>> -> memref<512x1024xf32, #tpu.memory_space<hbm>>
    %dma_start3A_264 = arith.constant 0 : i32
    %dma_start3A_265 = arith.constant 0 : i32
    %dma_start3A_266 = tpu.memref_slice %arg3[%dma_start3A_261, %dma_start3A_264, %dma_start3A_265] : memref<2x512x1024xf32, #tpu.memory_space<vmem_shared>> -> memref<1x512x1024xf32, #tpu.memory_space<vmem_shared>>
    %dma_start3A_267 = tpu.memref_squeeze %dma_start3A_266 : memref<1x512x1024xf32, #tpu.memory_space<vmem_shared>> -> memref<512x1024xf32, #tpu.memory_space<vmem_shared>>
    tpu.enqueue_dma source(%dma_start3A_267 : memref<512x1024xf32, #tpu.memory_space<vmem_shared>>) target(%dma_start3A_263 : memref<512x1024xf32, #tpu.memory_space<hbm>>) target_semaphore(%arg8 : memref<!tpu.dma_semaphore, #tpu.memory_space<semaphore_mem>>)
    %add3A_268 = arith.constant 3072 : i32
    %add3A_269 = arith.addi %mul3A_0, %add3A_268 : i32
    %dma_wait3A_270 = arith.constant 0 : i32
    %dma_wait3A_271 = arith.constant 0 : i32
    %dma_wait3A_272 = tpu.memref_slice %arg2[%add3A_269, %dma_wait3A_271] : memref<32768x1024xf32, #tpu.memory_space<hbm>> -> memref<512x1024xf32, #tpu.memory_space<hbm>>
    %dma_wait3A_273 = arith.constant 0 : i32
    %dma_wait3A_274 = arith.constant 0 : i32
    %dma_wait3A_275 = tpu.memref_slice %arg3[%dma_wait3A_270, %dma_wait3A_273, %dma_wait3A_274] : memref<2x512x1024xf32, #tpu.memory_space<vmem_shared>> -> memref<1x512x1024xf32, #tpu.memory_space<vmem_shared>>
    %dma_wait3A_276 = tpu.memref_squeeze %dma_wait3A_275 : memref<1x512x1024xf32, #tpu.memory_space<vmem_shared>> -> memref<512x1024xf32, #tpu.memory_space<vmem_shared>>
    tpu.wait_dma2 semaphore(%arg7 : memref<!tpu.dma_semaphore, #tpu.memory_space<semaphore_mem>>) src(%dma_wait3A_276 : memref<512x1024xf32, #tpu.memory_space<vmem_shared>>) dst(%dma_wait3A_272 : memref<512x1024xf32, #tpu.memory_space<hbm>>)
    %add3A_277 = arith.constant 4096 : i32
    %add3A_278 = arith.addi %mul3A_0, %add3A_277 : i32
    %dma_start3A_279 = arith.constant 0 : i32
    %dma_start3A_280 = arith.constant 0 : i32
    %dma_start3A_281 = arith.constant 0 : i32
    %dma_start3A_282 = tpu.memref_slice %arg3[%dma_start3A_279, %dma_start3A_280, %dma_start3A_281] : memref<2x512x1024xf32, #tpu.memory_space<vmem_shared>> -> memref<1x512x1024xf32, #tpu.memory_space<vmem_shared>>
    %dma_start3A_283 = tpu.memref_squeeze %dma_start3A_282 : memref<1x512x1024xf32, #tpu.memory_space<vmem_shared>> -> memref<512x1024xf32, #tpu.memory_space<vmem_shared>>
    %dma_start3A_284 = arith.constant 0 : i32
    %dma_start3A_285 = tpu.memref_slice %arg1[%add3A_278, %dma_start3A_284] : memref<32768x1024xf32, #tpu.memory_space<hbm>> -> memref<512x1024xf32, #tpu.memory_space<hbm>>
    tpu.enqueue_dma source(%dma_start3A_285 : memref<512x1024xf32, #tpu.memory_space<hbm>>) target(%dma_start3A_283 : memref<512x1024xf32, #tpu.memory_space<vmem_shared>>) target_semaphore(%arg5 : memref<!tpu.dma_semaphore, #tpu.memory_space<semaphore_mem>>)
    %add3A_286 = arith.constant 4096 : i32
    %add3A_287 = arith.addi %mul3A_0, %add3A_286 : i32
    %dma_wait3A_288 = arith.constant 0 : i32
    %dma_wait3A_289 = arith.constant 0 : i32
    %dma_wait3A_290 = arith.constant 0 : i32
    %dma_wait3A_291 = tpu.memref_slice %arg3[%dma_wait3A_288, %dma_wait3A_289, %dma_wait3A_290] : memref<2x512x1024xf32, #tpu.memory_space<vmem_shared>> -> memref<1x512x1024xf32, #tpu.memory_space<vmem_shared>>
    %dma_wait3A_292 = tpu.memref_squeeze %dma_wait3A_291 : memref<1x512x1024xf32, #tpu.memory_space<vmem_shared>> -> memref<512x1024xf32, #tpu.memory_space<vmem_shared>>
    %dma_wait3A_293 = arith.constant 0 : i32
    %dma_wait3A_294 = tpu.memref_slice %arg1[%add3A_287, %dma_wait3A_293] : memref<32768x1024xf32, #tpu.memory_space<hbm>> -> memref<512x1024xf32, #tpu.memory_space<hbm>>
    tpu.wait_dma2 semaphore(%arg5 : memref<!tpu.dma_semaphore, #tpu.memory_space<semaphore_mem>>) src(%dma_wait3A_294 : memref<512x1024xf32, #tpu.memory_space<hbm>>) dst(%dma_wait3A_292 : memref<512x1024xf32, #tpu.memory_space<vmem_shared>>)
    %add3A_295 = arith.constant 4096 : i32
    %add3A_296 = arith.addi %mul3A_0, %add3A_295 : i32
    %dma_start3A_297 = arith.constant 0 : i32
    %dma_start3A_298 = arith.constant 0 : i32
    %dma_start3A_299 = tpu.memref_slice %arg2[%add3A_296, %dma_start3A_298] : memref<32768x1024xf32, #tpu.memory_space<hbm>> -> memref<512x1024xf32, #tpu.memory_space<hbm>>
    %dma_start3A_300 = arith.constant 0 : i32
    %dma_start3A_301 = arith.constant 0 : i32
    %dma_start3A_302 = tpu.memref_slice %arg3[%dma_start3A_297, %dma_start3A_300, %dma_start3A_301] : memref<2x512x1024xf32, #tpu.memory_space<vmem_shared>> -> memref<1x512x1024xf32, #tpu.memory_space<vmem_shared>>
    %dma_start3A_303 = tpu.memref_squeeze %dma_start3A_302 : memref<1x512x1024xf32, #tpu.memory_space<vmem_shared>> -> memref<512x1024xf32, #tpu.memory_space<vmem_shared>>
    tpu.enqueue_dma source(%dma_start3A_303 : memref<512x1024xf32, #tpu.memory_space<vmem_shared>>) target(%dma_start3A_299 : memref<512x1024xf32, #tpu.memory_space<hbm>>) target_semaphore(%arg7 : memref<!tpu.dma_semaphore, #tpu.memory_space<semaphore_mem>>)
    %add3A_304 = arith.constant 3584 : i32
    %add3A_305 = arith.addi %mul3A_0, %add3A_304 : i32
    %dma_wait3A_306 = arith.constant 1 : i32
    %dma_wait3A_307 = arith.constant 0 : i32
    %dma_wait3A_308 = tpu.memref_slice %arg2[%add3A_305, %dma_wait3A_307] : memref<32768x1024xf32, #tpu.memory_space<hbm>> -> memref<512x1024xf32, #tpu.memory_space<hbm>>
    %dma_wait3A_309 = arith.constant 0 : i32
    %dma_wait3A_310 = arith.constant 0 : i32
    %dma_wait3A_311 = tpu.memref_slice %arg3[%dma_wait3A_306, %dma_wait3A_309, %dma_wait3A_310] : memref<2x512x1024xf32, #tpu.memory_space<vmem_shared>> -> memref<1x512x1024xf32, #tpu.memory_space<vmem_shared>>
    %dma_wait3A_312 = tpu.memref_squeeze %dma_wait3A_311 : memref<1x512x1024xf32, #tpu.memory_space<vmem_shared>> -> memref<512x1024xf32, #tpu.memory_space<vmem_shared>>
    tpu.wait_dma2 semaphore(%arg8 : memref<!tpu.dma_semaphore, #tpu.memory_space<semaphore_mem>>) src(%dma_wait3A_312 : memref<512x1024xf32, #tpu.memory_space<vmem_shared>>) dst(%dma_wait3A_308 : memref<512x1024xf32, #tpu.memory_space<hbm>>)
    %add3A_313 = arith.constant 4608 : i32
    %add3A_314 = arith.addi %mul3A_0, %add3A_313 : i32
    %dma_start3A_315 = arith.constant 1 : i32
    %dma_start3A_316 = arith.constant 0 : i32
    %dma_start3A_317 = arith.constant 0 : i32
    %dma_start3A_318 = tpu.memref_slice %arg3[%dma_start3A_315, %dma_start3A_316, %dma_start3A_317] : memref<2x512x1024xf32, #tpu.memory_space<vmem_shared>> -> memref<1x512x1024xf32, #tpu.memory_space<vmem_shared>>
    %dma_start3A_319 = tpu.memref_squeeze %dma_start3A_318 : memref<1x512x1024xf32, #tpu.memory_space<vmem_shared>> -> memref<512x1024xf32, #tpu.memory_space<vmem_shared>>
    %dma_start3A_320 = arith.constant 0 : i32
    %dma_start3A_321 = tpu.memref_slice %arg1[%add3A_314, %dma_start3A_320] : memref<32768x1024xf32, #tpu.memory_space<hbm>> -> memref<512x1024xf32, #tpu.memory_space<hbm>>
    tpu.enqueue_dma source(%dma_start3A_321 : memref<512x1024xf32, #tpu.memory_space<hbm>>) target(%dma_start3A_319 : memref<512x1024xf32, #tpu.memory_space<vmem_shared>>) target_semaphore(%arg6 : memref<!tpu.dma_semaphore, #tpu.memory_space<semaphore_mem>>)
    %add3A_322 = arith.constant 4608 : i32
    %add3A_323 = arith.addi %mul3A_0, %add3A_322 : i32
    %dma_wait3A_324 = arith.constant 1 : i32
    %dma_wait3A_325 = arith.constant 0 : i32
    %dma_wait3A_326 = arith.constant 0 : i32
    %dma_wait3A_327 = tpu.memref_slice %arg3[%dma_wait3A_324, %dma_wait3A_325, %dma_wait3A_326] : memref<2x512x1024xf32, #tpu.memory_space<vmem_shared>> -> memref<1x512x1024xf32, #tpu.memory_space<vmem_shared>>
    %dma_wait3A_328 = tpu.memref_squeeze %dma_wait3A_327 : memref<1x512x1024xf32, #tpu.memory_space<vmem_shared>> -> memref<512x1024xf32, #tpu.memory_space<vmem_shared>>
    %dma_wait3A_329 = arith.constant 0 : i32
    %dma_wait3A_330 = tpu.memref_slice %arg1[%add3A_323, %dma_wait3A_329] : memref<32768x1024xf32, #tpu.memory_space<hbm>> -> memref<512x1024xf32, #tpu.memory_space<hbm>>
    tpu.wait_dma2 semaphore(%arg6 : memref<!tpu.dma_semaphore, #tpu.memory_space<semaphore_mem>>) src(%dma_wait3A_330 : memref<512x1024xf32, #tpu.memory_space<hbm>>) dst(%dma_wait3A_328 : memref<512x1024xf32, #tpu.memory_space<vmem_shared>>)
    %add3A_331 = arith.constant 4608 : i32
    %add3A_332 = arith.addi %mul3A_0, %add3A_331 : i32
    %dma_start3A_333 = arith.constant 1 : i32
    %dma_start3A_334 = arith.constant 0 : i32
    %dma_start3A_335 = tpu.memref_slice %arg2[%add3A_332, %dma_start3A_334] : memref<32768x1024xf32, #tpu.memory_space<hbm>> -> memref<512x1024xf32, #tpu.memory_space<hbm>>
    %dma_start3A_336 = arith.constant 0 : i32
    %dma_start3A_337 = arith.constant 0 : i32
    %dma_start3A_338 = tpu.memref_slice %arg3[%dma_start3A_333, %dma_start3A_336, %dma_start3A_337] : memref<2x512x1024xf32, #tpu.memory_space<vmem_shared>> -> memref<1x512x1024xf32, #tpu.memory_space<vmem_shared>>
    %dma_start3A_339 = tpu.memref_squeeze %dma_start3A_338 : memref<1x512x1024xf32, #tpu.memory_space<vmem_shared>> -> memref<512x1024xf32, #tpu.memory_space<vmem_shared>>
    tpu.enqueue_dma source(%dma_start3A_339 : memref<512x1024xf32, #tpu.memory_space<vmem_shared>>) target(%dma_start3A_335 : memref<512x1024xf32, #tpu.memory_space<hbm>>) target_semaphore(%arg8 : memref<!tpu.dma_semaphore, #tpu.memory_space<semaphore_mem>>)
    %add3A_340 = arith.constant 4096 : i32
    %add3A_341 = arith.addi %mul3A_0, %add3A_340 : i32
    %dma_wait3A_342 = arith.constant 0 : i32
    %dma_wait3A_343 = arith.constant 0 : i32
    %dma_wait3A_344 = tpu.memref_slice %arg2[%add3A_341, %dma_wait3A_343] : memref<32768x1024xf32, #tpu.memory_space<hbm>> -> memref<512x1024xf32, #tpu.memory_space<hbm>>
    %dma_wait3A_345 = arith.constant 0 : i32
    %dma_wait3A_346 = arith.constant 0 : i32
    %dma_wait3A_347 = tpu.memref_slice %arg3[%dma_wait3A_342, %dma_wait3A_345, %dma_wait3A_346] : memref<2x512x1024xf32, #tpu.memory_space<vmem_shared>> -> memref<1x512x1024xf32, #tpu.memory_space<vmem_shared>>
    %dma_wait3A_348 = tpu.memref_squeeze %dma_wait3A_347 : memref<1x512x1024xf32, #tpu.memory_space<vmem_shared>> -> memref<512x1024xf32, #tpu.memory_space<vmem_shared>>
    tpu.wait_dma2 semaphore(%arg7 : memref<!tpu.dma_semaphore, #tpu.memory_space<semaphore_mem>>) src(%dma_wait3A_348 : memref<512x1024xf32, #tpu.memory_space<vmem_shared>>) dst(%dma_wait3A_344 : memref<512x1024xf32, #tpu.memory_space<hbm>>)
    %add3A_349 = arith.constant 5120 : i32
    %add3A_350 = arith.addi %mul3A_0, %add3A_349 : i32
    %dma_start3A_351 = arith.constant 0 : i32
    %dma_start3A_352 = arith.constant 0 : i32
    %dma_start3A_353 = arith.constant 0 : i32
    %dma_start3A_354 = tpu.memref_slice %arg3[%dma_start3A_351, %dma_start3A_352, %dma_start3A_353] : memref<2x512x1024xf32, #tpu.memory_space<vmem_shared>> -> memref<1x512x1024xf32, #tpu.memory_space<vmem_shared>>
    %dma_start3A_355 = tpu.memref_squeeze %dma_start3A_354 : memref<1x512x1024xf32, #tpu.memory_space<vmem_shared>> -> memref<512x1024xf32, #tpu.memory_space<vmem_shared>>
    %dma_start3A_356 = arith.constant 0 : i32
    %dma_start3A_357 = tpu.memref_slice %arg1[%add3A_350, %dma_start3A_356] : memref<32768x1024xf32, #tpu.memory_space<hbm>> -> memref<512x1024xf32, #tpu.memory_space<hbm>>
    tpu.enqueue_dma source(%dma_start3A_357 : memref<512x1024xf32, #tpu.memory_space<hbm>>) target(%dma_start3A_355 : memref<512x1024xf32, #tpu.memory_space<vmem_shared>>) target_semaphore(%arg5 : memref<!tpu.dma_semaphore, #tpu.memory_space<semaphore_mem>>)
    %add3A_358 = arith.constant 5120 : i32
    %add3A_359 = arith.addi %mul3A_0, %add3A_358 : i32
    %dma_wait3A_360 = arith.constant 0 : i32
    %dma_wait3A_361 = arith.constant 0 : i32
    %dma_wait3A_362 = arith.constant 0 : i32
    %dma_wait3A_363 = tpu.memref_slice %arg3[%dma_wait3A_360, %dma_wait3A_361, %dma_wait3A_362] : memref<2x512x1024xf32, #tpu.memory_space<vmem_shared>> -> memref<1x512x1024xf32, #tpu.memory_space<vmem_shared>>
    %dma_wait3A_364 = tpu.memref_squeeze %dma_wait3A_363 : memref<1x512x1024xf32, #tpu.memory_space<vmem_shared>> -> memref<512x1024xf32, #tpu.memory_space<vmem_shared>>
    %dma_wait3A_365 = arith.constant 0 : i32
    %dma_wait3A_366 = tpu.memref_slice %arg1[%add3A_359, %dma_wait3A_365] : memref<32768x1024xf32, #tpu.memory_space<hbm>> -> memref<512x1024xf32, #tpu.memory_space<hbm>>
    tpu.wait_dma2 semaphore(%arg5 : memref<!tpu.dma_semaphore, #tpu.memory_space<semaphore_mem>>) src(%dma_wait3A_366 : memref<512x1024xf32, #tpu.memory_space<hbm>>) dst(%dma_wait3A_364 : memref<512x1024xf32, #tpu.memory_space<vmem_shared>>)
    %add3A_367 = arith.constant 5120 : i32
    %add3A_368 = arith.addi %mul3A_0, %add3A_367 : i32
    %dma_start3A_369 = arith.constant 0 : i32
    %dma_start3A_370 = arith.constant 0 : i32
    %dma_start3A_371 = tpu.memref_slice %arg2[%add3A_368, %dma_start3A_370] : memref<32768x1024xf32, #tpu.memory_space<hbm>> -> memref<512x1024xf32, #tpu.memory_space<hbm>>
    %dma_start3A_372 = arith.constant 0 : i32
    %dma_start3A_373 = arith.constant 0 : i32
    %dma_start3A_374 = tpu.memref_slice %arg3[%dma_start3A_369, %dma_start3A_372, %dma_start3A_373] : memref<2x512x1024xf32, #tpu.memory_space<vmem_shared>> -> memref<1x512x1024xf32, #tpu.memory_space<vmem_shared>>
    %dma_start3A_375 = tpu.memref_squeeze %dma_start3A_374 : memref<1x512x1024xf32, #tpu.memory_space<vmem_shared>> -> memref<512x1024xf32, #tpu.memory_space<vmem_shared>>
    tpu.enqueue_dma source(%dma_start3A_375 : memref<512x1024xf32, #tpu.memory_space<vmem_shared>>) target(%dma_start3A_371 : memref<512x1024xf32, #tpu.memory_space<hbm>>) target_semaphore(%arg7 : memref<!tpu.dma_semaphore, #tpu.memory_space<semaphore_mem>>)
    %add3A_376 = arith.constant 4608 : i32
    %add3A_377 = arith.addi %mul3A_0, %add3A_376 : i32
    %dma_wait3A_378 = arith.constant 1 : i32
    %dma_wait3A_379 = arith.constant 0 : i32
    %dma_wait3A_380 = tpu.memref_slice %arg2[%add3A_377, %dma_wait3A_379] : memref<32768x1024xf32, #tpu.memory_space<hbm>> -> memref<512x1024xf32, #tpu.memory_space<hbm>>
    %dma_wait3A_381 = arith.constant 0 : i32
    %dma_wait3A_382 = arith.constant 0 : i32
    %dma_wait3A_383 = tpu.memref_slice %arg3[%dma_wait3A_378, %dma_wait3A_381, %dma_wait3A_382] : memref<2x512x1024xf32, #tpu.memory_space<vmem_shared>> -> memref<1x512x1024xf32, #tpu.memory_space<vmem_shared>>
    %dma_wait3A_384 = tpu.memref_squeeze %dma_wait3A_383 : memref<1x512x1024xf32, #tpu.memory_space<vmem_shared>> -> memref<512x1024xf32, #tpu.memory_space<vmem_shared>>
    tpu.wait_dma2 semaphore(%arg8 : memref<!tpu.dma_semaphore, #tpu.memory_space<semaphore_mem>>) src(%dma_wait3A_384 : memref<512x1024xf32, #tpu.memory_space<vmem_shared>>) dst(%dma_wait3A_380 : memref<512x1024xf32, #tpu.memory_space<hbm>>)
    %add3A_385 = arith.constant 5632 : i32
    %add3A_386 = arith.addi %mul3A_0, %add3A_385 : i32
    %dma_start3A_387 = arith.constant 1 : i32
    %dma_start3A_388 = arith.constant 0 : i32
    %dma_start3A_389 = arith.constant 0 : i32
    %dma_start3A_390 = tpu.memref_slice %arg3[%dma_start3A_387, %dma_start3A_388, %dma_start3A_389] : memref<2x512x1024xf32, #tpu.memory_space<vmem_shared>> -> memref<1x512x1024xf32, #tpu.memory_space<vmem_shared>>
    %dma_start3A_391 = tpu.memref_squeeze %dma_start3A_390 : memref<1x512x1024xf32, #tpu.memory_space<vmem_shared>> -> memref<512x1024xf32, #tpu.memory_space<vmem_shared>>
    %dma_start3A_392 = arith.constant 0 : i32
    %dma_start3A_393 = tpu.memref_slice %arg1[%add3A_386, %dma_start3A_392] : memref<32768x1024xf32, #tpu.memory_space<hbm>> -> memref<512x1024xf32, #tpu.memory_space<hbm>>
    tpu.enqueue_dma source(%dma_start3A_393 : memref<512x1024xf32, #tpu.memory_space<hbm>>) target(%dma_start3A_391 : memref<512x1024xf32, #tpu.memory_space<vmem_shared>>) target_semaphore(%arg6 : memref<!tpu.dma_semaphore, #tpu.memory_space<semaphore_mem>>)
    %add3A_394 = arith.constant 5632 : i32
    %add3A_395 = arith.addi %mul3A_0, %add3A_394 : i32
    %dma_wait3A_396 = arith.constant 1 : i32
    %dma_wait3A_397 = arith.constant 0 : i32
    %dma_wait3A_398 = arith.constant 0 : i32
    %dma_wait3A_399 = tpu.memref_slice %arg3[%dma_wait3A_396, %dma_wait3A_397, %dma_wait3A_398] : memref<2x512x1024xf32, #tpu.memory_space<vmem_shared>> -> memref<1x512x1024xf32, #tpu.memory_space<vmem_shared>>
    %dma_wait3A_400 = tpu.memref_squeeze %dma_wait3A_399 : memref<1x512x1024xf32, #tpu.memory_space<vmem_shared>> -> memref<512x1024xf32, #tpu.memory_space<vmem_shared>>
    %dma_wait3A_401 = arith.constant 0 : i32
    %dma_wait3A_402 = tpu.memref_slice %arg1[%add3A_395, %dma_wait3A_401] : memref<32768x1024xf32, #tpu.memory_space<hbm>> -> memref<512x1024xf32, #tpu.memory_space<hbm>>
    tpu.wait_dma2 semaphore(%arg6 : memref<!tpu.dma_semaphore, #tpu.memory_space<semaphore_mem>>) src(%dma_wait3A_402 : memref<512x1024xf32, #tpu.memory_space<hbm>>) dst(%dma_wait3A_400 : memref<512x1024xf32, #tpu.memory_space<vmem_shared>>)
    %add3A_403 = arith.constant 5632 : i32
    %add3A_404 = arith.addi %mul3A_0, %add3A_403 : i32
    %dma_start3A_405 = arith.constant 1 : i32
    %dma_start3A_406 = arith.constant 0 : i32
    %dma_start3A_407 = tpu.memref_slice %arg2[%add3A_404, %dma_start3A_406] : memref<32768x1024xf32, #tpu.memory_space<hbm>> -> memref<512x1024xf32, #tpu.memory_space<hbm>>
    %dma_start3A_408 = arith.constant 0 : i32
    %dma_start3A_409 = arith.constant 0 : i32
    %dma_start3A_410 = tpu.memref_slice %arg3[%dma_start3A_405, %dma_start3A_408, %dma_start3A_409] : memref<2x512x1024xf32, #tpu.memory_space<vmem_shared>> -> memref<1x512x1024xf32, #tpu.memory_space<vmem_shared>>
    %dma_start3A_411 = tpu.memref_squeeze %dma_start3A_410 : memref<1x512x1024xf32, #tpu.memory_space<vmem_shared>> -> memref<512x1024xf32, #tpu.memory_space<vmem_shared>>
    tpu.enqueue_dma source(%dma_start3A_411 : memref<512x1024xf32, #tpu.memory_space<vmem_shared>>) target(%dma_start3A_407 : memref<512x1024xf32, #tpu.memory_space<hbm>>) target_semaphore(%arg8 : memref<!tpu.dma_semaphore, #tpu.memory_space<semaphore_mem>>)
    %add3A_412 = arith.constant 5120 : i32
    %add3A_413 = arith.addi %mul3A_0, %add3A_412 : i32
    %dma_wait3A_414 = arith.constant 0 : i32
    %dma_wait3A_415 = arith.constant 0 : i32
    %dma_wait3A_416 = tpu.memref_slice %arg2[%add3A_413, %dma_wait3A_415] : memref<32768x1024xf32, #tpu.memory_space<hbm>> -> memref<512x1024xf32, #tpu.memory_space<hbm>>
    %dma_wait3A_417 = arith.constant 0 : i32
    %dma_wait3A_418 = arith.constant 0 : i32
    %dma_wait3A_419 = tpu.memref_slice %arg3[%dma_wait3A_414, %dma_wait3A_417, %dma_wait3A_418] : memref<2x512x1024xf32, #tpu.memory_space<vmem_shared>> -> memref<1x512x1024xf32, #tpu.memory_space<vmem_shared>>
    %dma_wait3A_420 = tpu.memref_squeeze %dma_wait3A_419 : memref<1x512x1024xf32, #tpu.memory_space<vmem_shared>> -> memref<512x1024xf32, #tpu.memory_space<vmem_shared>>
    tpu.wait_dma2 semaphore(%arg7 : memref<!tpu.dma_semaphore, #tpu.memory_space<semaphore_mem>>) src(%dma_wait3A_420 : memref<512x1024xf32, #tpu.memory_space<vmem_shared>>) dst(%dma_wait3A_416 : memref<512x1024xf32, #tpu.memory_space<hbm>>)
    %add3A_421 = arith.constant 6144 : i32
    %add3A_422 = arith.addi %mul3A_0, %add3A_421 : i32
    %dma_start3A_423 = arith.constant 0 : i32
    %dma_start3A_424 = arith.constant 0 : i32
    %dma_start3A_425 = arith.constant 0 : i32
    %dma_start3A_426 = tpu.memref_slice %arg3[%dma_start3A_423, %dma_start3A_424, %dma_start3A_425] : memref<2x512x1024xf32, #tpu.memory_space<vmem_shared>> -> memref<1x512x1024xf32, #tpu.memory_space<vmem_shared>>
    %dma_start3A_427 = tpu.memref_squeeze %dma_start3A_426 : memref<1x512x1024xf32, #tpu.memory_space<vmem_shared>> -> memref<512x1024xf32, #tpu.memory_space<vmem_shared>>
    %dma_start3A_428 = arith.constant 0 : i32
    %dma_start3A_429 = tpu.memref_slice %arg1[%add3A_422, %dma_start3A_428] : memref<32768x1024xf32, #tpu.memory_space<hbm>> -> memref<512x1024xf32, #tpu.memory_space<hbm>>
    tpu.enqueue_dma source(%dma_start3A_429 : memref<512x1024xf32, #tpu.memory_space<hbm>>) target(%dma_start3A_427 : memref<512x1024xf32, #tpu.memory_space<vmem_shared>>) target_semaphore(%arg5 : memref<!tpu.dma_semaphore, #tpu.memory_space<semaphore_mem>>)
    %add3A_430 = arith.constant 6144 : i32
    %add3A_431 = arith.addi %mul3A_0, %add3A_430 : i32
    %dma_wait3A_432 = arith.constant 0 : i32
    %dma_wait3A_433 = arith.constant 0 : i32
    %dma_wait3A_434 = arith.constant 0 : i32
    %dma_wait3A_435 = tpu.memref_slice %arg3[%dma_wait3A_432, %dma_wait3A_433, %dma_wait3A_434] : memref<2x512x1024xf32, #tpu.memory_space<vmem_shared>> -> memref<1x512x1024xf32, #tpu.memory_space<vmem_shared>>
    %dma_wait3A_436 = tpu.memref_squeeze %dma_wait3A_435 : memref<1x512x1024xf32, #tpu.memory_space<vmem_shared>> -> memref<512x1024xf32, #tpu.memory_space<vmem_shared>>
    %dma_wait3A_437 = arith.constant 0 : i32
    %dma_wait3A_438 = tpu.memref_slice %arg1[%add3A_431, %dma_wait3A_437] : memref<32768x1024xf32, #tpu.memory_space<hbm>> -> memref<512x1024xf32, #tpu.memory_space<hbm>>
    tpu.wait_dma2 semaphore(%arg5 : memref<!tpu.dma_semaphore, #tpu.memory_space<semaphore_mem>>) src(%dma_wait3A_438 : memref<512x1024xf32, #tpu.memory_space<hbm>>) dst(%dma_wait3A_436 : memref<512x1024xf32, #tpu.memory_space<vmem_shared>>)
    %add3A_439 = arith.constant 6144 : i32
    %add3A_440 = arith.addi %mul3A_0, %add3A_439 : i32
    %dma_start3A_441 = arith.constant 0 : i32
    %dma_start3A_442 = arith.constant 0 : i32
    %dma_start3A_443 = tpu.memref_slice %arg2[%add3A_440, %dma_start3A_442] : memref<32768x1024xf32, #tpu.memory_space<hbm>> -> memref<512x1024xf32, #tpu.memory_space<hbm>>
    %dma_start3A_444 = arith.constant 0 : i32
    %dma_start3A_445 = arith.constant 0 : i32
    %dma_start3A_446 = tpu.memref_slice %arg3[%dma_start3A_441, %dma_start3A_444, %dma_start3A_445] : memref<2x512x1024xf32, #tpu.memory_space<vmem_shared>> -> memref<1x512x1024xf32, #tpu.memory_space<vmem_shared>>
    %dma_start3A_447 = tpu.memref_squeeze %dma_start3A_446 : memref<1x512x1024xf32, #tpu.memory_space<vmem_shared>> -> memref<512x1024xf32, #tpu.memory_space<vmem_shared>>
    tpu.enqueue_dma source(%dma_start3A_447 : memref<512x1024xf32, #tpu.memory_space<vmem_shared>>) target(%dma_start3A_443 : memref<512x1024xf32, #tpu.memory_space<hbm>>) target_semaphore(%arg7 : memref<!tpu.dma_semaphore, #tpu.memory_space<semaphore_mem>>)
    %add3A_448 = arith.constant 5632 : i32
    %add3A_449 = arith.addi %mul3A_0, %add3A_448 : i32
    %dma_wait3A_450 = arith.constant 1 : i32
    %dma_wait3A_451 = arith.constant 0 : i32
    %dma_wait3A_452 = tpu.memref_slice %arg2[%add3A_449, %dma_wait3A_451] : memref<32768x1024xf32, #tpu.memory_space<hbm>> -> memref<512x1024xf32, #tpu.memory_space<hbm>>
    %dma_wait3A_453 = arith.constant 0 : i32
    %dma_wait3A_454 = arith.constant 0 : i32
    %dma_wait3A_455 = tpu.memref_slice %arg3[%dma_wait3A_450, %dma_wait3A_453, %dma_wait3A_454] : memref<2x512x1024xf32, #tpu.memory_space<vmem_shared>> -> memref<1x512x1024xf32, #tpu.memory_space<vmem_shared>>
    %dma_wait3A_456 = tpu.memref_squeeze %dma_wait3A_455 : memref<1x512x1024xf32, #tpu.memory_space<vmem_shared>> -> memref<512x1024xf32, #tpu.memory_space<vmem_shared>>
    tpu.wait_dma2 semaphore(%arg8 : memref<!tpu.dma_semaphore, #tpu.memory_space<semaphore_mem>>) src(%dma_wait3A_456 : memref<512x1024xf32, #tpu.memory_space<vmem_shared>>) dst(%dma_wait3A_452 : memref<512x1024xf32, #tpu.memory_space<hbm>>)
    %add3A_457 = arith.constant 6656 : i32
    %add3A_458 = arith.addi %mul3A_0, %add3A_457 : i32
    %dma_start3A_459 = arith.constant 1 : i32
    %dma_start3A_460 = arith.constant 0 : i32
    %dma_start3A_461 = arith.constant 0 : i32
    %dma_start3A_462 = tpu.memref_slice %arg3[%dma_start3A_459, %dma_start3A_460, %dma_start3A_461] : memref<2x512x1024xf32, #tpu.memory_space<vmem_shared>> -> memref<1x512x1024xf32, #tpu.memory_space<vmem_shared>>
    %dma_start3A_463 = tpu.memref_squeeze %dma_start3A_462 : memref<1x512x1024xf32, #tpu.memory_space<vmem_shared>> -> memref<512x1024xf32, #tpu.memory_space<vmem_shared>>
    %dma_start3A_464 = arith.constant 0 : i32
    %dma_start3A_465 = tpu.memref_slice %arg1[%add3A_458, %dma_start3A_464] : memref<32768x1024xf32, #tpu.memory_space<hbm>> -> memref<512x1024xf32, #tpu.memory_space<hbm>>
    tpu.enqueue_dma source(%dma_start3A_465 : memref<512x1024xf32, #tpu.memory_space<hbm>>) target(%dma_start3A_463 : memref<512x1024xf32, #tpu.memory_space<vmem_shared>>) target_semaphore(%arg6 : memref<!tpu.dma_semaphore, #tpu.memory_space<semaphore_mem>>)
    %add3A_466 = arith.constant 6656 : i32
    %add3A_467 = arith.addi %mul3A_0, %add3A_466 : i32
    %dma_wait3A_468 = arith.constant 1 : i32
    %dma_wait3A_469 = arith.constant 0 : i32
    %dma_wait3A_470 = arith.constant 0 : i32
    %dma_wait3A_471 = tpu.memref_slice %arg3[%dma_wait3A_468, %dma_wait3A_469, %dma_wait3A_470] : memref<2x512x1024xf32, #tpu.memory_space<vmem_shared>> -> memref<1x512x1024xf32, #tpu.memory_space<vmem_shared>>
    %dma_wait3A_472 = tpu.memref_squeeze %dma_wait3A_471 : memref<1x512x1024xf32, #tpu.memory_space<vmem_shared>> -> memref<512x1024xf32, #tpu.memory_space<vmem_shared>>
    %dma_wait3A_473 = arith.constant 0 : i32
    %dma_wait3A_474 = tpu.memref_slice %arg1[%add3A_467, %dma_wait3A_473] : memref<32768x1024xf32, #tpu.memory_space<hbm>> -> memref<512x1024xf32, #tpu.memory_space<hbm>>
    tpu.wait_dma2 semaphore(%arg6 : memref<!tpu.dma_semaphore, #tpu.memory_space<semaphore_mem>>) src(%dma_wait3A_474 : memref<512x1024xf32, #tpu.memory_space<hbm>>) dst(%dma_wait3A_472 : memref<512x1024xf32, #tpu.memory_space<vmem_shared>>)
    %add3A_475 = arith.constant 6656 : i32
    %add3A_476 = arith.addi %mul3A_0, %add3A_475 : i32
    %dma_start3A_477 = arith.constant 1 : i32
    %dma_start3A_478 = arith.constant 0 : i32
    %dma_start3A_479 = tpu.memref_slice %arg2[%add3A_476, %dma_start3A_478] : memref<32768x1024xf32, #tpu.memory_space<hbm>> -> memref<512x1024xf32, #tpu.memory_space<hbm>>
    %dma_start3A_480 = arith.constant 0 : i32
    %dma_start3A_481 = arith.constant 0 : i32
    %dma_start3A_482 = tpu.memref_slice %arg3[%dma_start3A_477, %dma_start3A_480, %dma_start3A_481] : memref<2x512x1024xf32, #tpu.memory_space<vmem_shared>> -> memref<1x512x1024xf32, #tpu.memory_space<vmem_shared>>
    %dma_start3A_483 = tpu.memref_squeeze %dma_start3A_482 : memref<1x512x1024xf32, #tpu.memory_space<vmem_shared>> -> memref<512x1024xf32, #tpu.memory_space<vmem_shared>>
    tpu.enqueue_dma source(%dma_start3A_483 : memref<512x1024xf32, #tpu.memory_space<vmem_shared>>) target(%dma_start3A_479 : memref<512x1024xf32, #tpu.memory_space<hbm>>) target_semaphore(%arg8 : memref<!tpu.dma_semaphore, #tpu.memory_space<semaphore_mem>>)
    %add3A_484 = arith.constant 6144 : i32
    %add3A_485 = arith.addi %mul3A_0, %add3A_484 : i32
    %dma_wait3A_486 = arith.constant 0 : i32
    %dma_wait3A_487 = arith.constant 0 : i32
    %dma_wait3A_488 = tpu.memref_slice %arg2[%add3A_485, %dma_wait3A_487] : memref<32768x1024xf32, #tpu.memory_space<hbm>> -> memref<512x1024xf32, #tpu.memory_space<hbm>>
    %dma_wait3A_489 = arith.constant 0 : i32
    %dma_wait3A_490 = arith.constant 0 : i32
    %dma_wait3A_491 = tpu.memref_slice %arg3[%dma_wait3A_486, %dma_wait3A_489, %dma_wait3A_490] : memref<2x512x1024xf32, #tpu.memory_space<vmem_shared>> -> memref<1x512x1024xf32, #tpu.memory_space<vmem_shared>>
    %dma_wait3A_492 = tpu.memref_squeeze %dma_wait3A_491 : memref<1x512x1024xf32, #tpu.memory_space<vmem_shared>> -> memref<512x1024xf32, #tpu.memory_space<vmem_shared>>
    tpu.wait_dma2 semaphore(%arg7 : memref<!tpu.dma_semaphore, #tpu.memory_space<semaphore_mem>>) src(%dma_wait3A_492 : memref<512x1024xf32, #tpu.memory_space<vmem_shared>>) dst(%dma_wait3A_488 : memref<512x1024xf32, #tpu.memory_space<hbm>>)
    %add3A_493 = arith.constant 7168 : i32
    %add3A_494 = arith.addi %mul3A_0, %add3A_493 : i32
    %dma_start3A_495 = arith.constant 0 : i32
    %dma_start3A_496 = arith.constant 0 : i32
    %dma_start3A_497 = arith.constant 0 : i32
    %dma_start3A_498 = tpu.memref_slice %arg3[%dma_start3A_495, %dma_start3A_496, %dma_start3A_497] : memref<2x512x1024xf32, #tpu.memory_space<vmem_shared>> -> memref<1x512x1024xf32, #tpu.memory_space<vmem_shared>>
    %dma_start3A_499 = tpu.memref_squeeze %dma_start3A_498 : memref<1x512x1024xf32, #tpu.memory_space<vmem_shared>> -> memref<512x1024xf32, #tpu.memory_space<vmem_shared>>
    %dma_start3A_500 = arith.constant 0 : i32
    %dma_start3A_501 = tpu.memref_slice %arg1[%add3A_494, %dma_start3A_500] : memref<32768x1024xf32, #tpu.memory_space<hbm>> -> memref<512x1024xf32, #tpu.memory_space<hbm>>
    tpu.enqueue_dma source(%dma_start3A_501 : memref<512x1024xf32, #tpu.memory_space<hbm>>) target(%dma_start3A_499 : memref<512x1024xf32, #tpu.memory_space<vmem_shared>>) target_semaphore(%arg5 : memref<!tpu.dma_semaphore, #tpu.memory_space<semaphore_mem>>)
    %add3A_502 = arith.constant 7168 : i32
    %add3A_503 = arith.addi %mul3A_0, %add3A_502 : i32
    %dma_wait3A_504 = arith.constant 0 : i32
    %dma_wait3A_505 = arith.constant 0 : i32
    %dma_wait3A_506 = arith.constant 0 : i32
    %dma_wait3A_507 = tpu.memref_slice %arg3[%dma_wait3A_504, %dma_wait3A_505, %dma_wait3A_506] : memref<2x512x1024xf32, #tpu.memory_space<vmem_shared>> -> memref<1x512x1024xf32, #tpu.memory_space<vmem_shared>>
    %dma_wait3A_508 = tpu.memref_squeeze %dma_wait3A_507 : memref<1x512x1024xf32, #tpu.memory_space<vmem_shared>> -> memref<512x1024xf32, #tpu.memory_space<vmem_shared>>
    %dma_wait3A_509 = arith.constant 0 : i32
    %dma_wait3A_510 = tpu.memref_slice %arg1[%add3A_503, %dma_wait3A_509] : memref<32768x1024xf32, #tpu.memory_space<hbm>> -> memref<512x1024xf32, #tpu.memory_space<hbm>>
    tpu.wait_dma2 semaphore(%arg5 : memref<!tpu.dma_semaphore, #tpu.memory_space<semaphore_mem>>) src(%dma_wait3A_510 : memref<512x1024xf32, #tpu.memory_space<hbm>>) dst(%dma_wait3A_508 : memref<512x1024xf32, #tpu.memory_space<vmem_shared>>)
    %add3A_511 = arith.constant 7168 : i32
    %add3A_512 = arith.addi %mul3A_0, %add3A_511 : i32
    %dma_start3A_513 = arith.constant 0 : i32
    %dma_start3A_514 = arith.constant 0 : i32
    %dma_start3A_515 = tpu.memref_slice %arg2[%add3A_512, %dma_start3A_514] : memref<32768x1024xf32, #tpu.memory_space<hbm>> -> memref<512x1024xf32, #tpu.memory_space<hbm>>
    %dma_start3A_516 = arith.constant 0 : i32
    %dma_start3A_517 = arith.constant 0 : i32
    %dma_start3A_518 = tpu.memref_slice %arg3[%dma_start3A_513, %dma_start3A_516, %dma_start3A_517] : memref<2x512x1024xf32, #tpu.memory_space<vmem_shared>> -> memref<1x512x1024xf32, #tpu.memory_space<vmem_shared>>
    %dma_start3A_519 = tpu.memref_squeeze %dma_start3A_518 : memref<1x512x1024xf32, #tpu.memory_space<vmem_shared>> -> memref<512x1024xf32, #tpu.memory_space<vmem_shared>>
    tpu.enqueue_dma source(%dma_start3A_519 : memref<512x1024xf32, #tpu.memory_space<vmem_shared>>) target(%dma_start3A_515 : memref<512x1024xf32, #tpu.memory_space<hbm>>) target_semaphore(%arg7 : memref<!tpu.dma_semaphore, #tpu.memory_space<semaphore_mem>>)
    %add3A_520 = arith.constant 6656 : i32
    %add3A_521 = arith.addi %mul3A_0, %add3A_520 : i32
    %dma_wait3A_522 = arith.constant 1 : i32
    %dma_wait3A_523 = arith.constant 0 : i32
    %dma_wait3A_524 = tpu.memref_slice %arg2[%add3A_521, %dma_wait3A_523] : memref<32768x1024xf32, #tpu.memory_space<hbm>> -> memref<512x1024xf32, #tpu.memory_space<hbm>>
    %dma_wait3A_525 = arith.constant 0 : i32
    %dma_wait3A_526 = arith.constant 0 : i32
    %dma_wait3A_527 = tpu.memref_slice %arg3[%dma_wait3A_522, %dma_wait3A_525, %dma_wait3A_526] : memref<2x512x1024xf32, #tpu.memory_space<vmem_shared>> -> memref<1x512x1024xf32, #tpu.memory_space<vmem_shared>>
    %dma_wait3A_528 = tpu.memref_squeeze %dma_wait3A_527 : memref<1x512x1024xf32, #tpu.memory_space<vmem_shared>> -> memref<512x1024xf32, #tpu.memory_space<vmem_shared>>
    tpu.wait_dma2 semaphore(%arg8 : memref<!tpu.dma_semaphore, #tpu.memory_space<semaphore_mem>>) src(%dma_wait3A_528 : memref<512x1024xf32, #tpu.memory_space<vmem_shared>>) dst(%dma_wait3A_524 : memref<512x1024xf32, #tpu.memory_space<hbm>>)
    %add3A_529 = arith.constant 7680 : i32
    %add3A_530 = arith.addi %mul3A_0, %add3A_529 : i32
    %dma_start3A_531 = arith.constant 1 : i32
    %dma_start3A_532 = arith.constant 0 : i32
    %dma_start3A_533 = arith.constant 0 : i32
    %dma_start3A_534 = tpu.memref_slice %arg3[%dma_start3A_531, %dma_start3A_532, %dma_start3A_533] : memref<2x512x1024xf32, #tpu.memory_space<vmem_shared>> -> memref<1x512x1024xf32, #tpu.memory_space<vmem_shared>>
    %dma_start3A_535 = tpu.memref_squeeze %dma_start3A_534 : memref<1x512x1024xf32, #tpu.memory_space<vmem_shared>> -> memref<512x1024xf32, #tpu.memory_space<vmem_shared>>
    %dma_start3A_536 = arith.constant 0 : i32
    %dma_start3A_537 = tpu.memref_slice %arg1[%add3A_530, %dma_start3A_536] : memref<32768x1024xf32, #tpu.memory_space<hbm>> -> memref<512x1024xf32, #tpu.memory_space<hbm>>
    tpu.enqueue_dma source(%dma_start3A_537 : memref<512x1024xf32, #tpu.memory_space<hbm>>) target(%dma_start3A_535 : memref<512x1024xf32, #tpu.memory_space<vmem_shared>>) target_semaphore(%arg6 : memref<!tpu.dma_semaphore, #tpu.memory_space<semaphore_mem>>)
    %add3A_538 = arith.constant 7680 : i32
    %add3A_539 = arith.addi %mul3A_0, %add3A_538 : i32
    %dma_wait3A_540 = arith.constant 1 : i32
    %dma_wait3A_541 = arith.constant 0 : i32
    %dma_wait3A_542 = arith.constant 0 : i32
    %dma_wait3A_543 = tpu.memref_slice %arg3[%dma_wait3A_540, %dma_wait3A_541, %dma_wait3A_542] : memref<2x512x1024xf32, #tpu.memory_space<vmem_shared>> -> memref<1x512x1024xf32, #tpu.memory_space<vmem_shared>>
    %dma_wait3A_544 = tpu.memref_squeeze %dma_wait3A_543 : memref<1x512x1024xf32, #tpu.memory_space<vmem_shared>> -> memref<512x1024xf32, #tpu.memory_space<vmem_shared>>
    %dma_wait3A_545 = arith.constant 0 : i32
    %dma_wait3A_546 = tpu.memref_slice %arg1[%add3A_539, %dma_wait3A_545] : memref<32768x1024xf32, #tpu.memory_space<hbm>> -> memref<512x1024xf32, #tpu.memory_space<hbm>>
    tpu.wait_dma2 semaphore(%arg6 : memref<!tpu.dma_semaphore, #tpu.memory_space<semaphore_mem>>) src(%dma_wait3A_546 : memref<512x1024xf32, #tpu.memory_space<hbm>>) dst(%dma_wait3A_544 : memref<512x1024xf32, #tpu.memory_space<vmem_shared>>)
    %add3A_547 = arith.constant 7680 : i32
    %add3A_548 = arith.addi %mul3A_0, %add3A_547 : i32
    %dma_start3A_549 = arith.constant 1 : i32
    %dma_start3A_550 = arith.constant 0 : i32
    %dma_start3A_551 = tpu.memref_slice %arg2[%add3A_548, %dma_start3A_550] : memref<32768x1024xf32, #tpu.memory_space<hbm>> -> memref<512x1024xf32, #tpu.memory_space<hbm>>
    %dma_start3A_552 = arith.constant 0 : i32
    %dma_start3A_553 = arith.constant 0 : i32
    %dma_start3A_554 = tpu.memref_slice %arg3[%dma_start3A_549, %dma_start3A_552, %dma_start3A_553] : memref<2x512x1024xf32, #tpu.memory_space<vmem_shared>> -> memref<1x512x1024xf32, #tpu.memory_space<vmem_shared>>
    %dma_start3A_555 = tpu.memref_squeeze %dma_start3A_554 : memref<1x512x1024xf32, #tpu.memory_space<vmem_shared>> -> memref<512x1024xf32, #tpu.memory_space<vmem_shared>>
    tpu.enqueue_dma source(%dma_start3A_555 : memref<512x1024xf32, #tpu.memory_space<vmem_shared>>) target(%dma_start3A_551 : memref<512x1024xf32, #tpu.memory_space<hbm>>) target_semaphore(%arg8 : memref<!tpu.dma_semaphore, #tpu.memory_space<semaphore_mem>>)
    %add3A_556 = arith.constant 7168 : i32
    %add3A_557 = arith.addi %mul3A_0, %add3A_556 : i32
    %dma_wait3A_558 = arith.constant 0 : i32
    %dma_wait3A_559 = arith.constant 0 : i32
    %dma_wait3A_560 = tpu.memref_slice %arg2[%add3A_557, %dma_wait3A_559] : memref<32768x1024xf32, #tpu.memory_space<hbm>> -> memref<512x1024xf32, #tpu.memory_space<hbm>>
    %dma_wait3A_561 = arith.constant 0 : i32
    %dma_wait3A_562 = arith.constant 0 : i32
    %dma_wait3A_563 = tpu.memref_slice %arg3[%dma_wait3A_558, %dma_wait3A_561, %dma_wait3A_562] : memref<2x512x1024xf32, #tpu.memory_space<vmem_shared>> -> memref<1x512x1024xf32, #tpu.memory_space<vmem_shared>>
    %dma_wait3A_564 = tpu.memref_squeeze %dma_wait3A_563 : memref<1x512x1024xf32, #tpu.memory_space<vmem_shared>> -> memref<512x1024xf32, #tpu.memory_space<vmem_shared>>
    tpu.wait_dma2 semaphore(%arg7 : memref<!tpu.dma_semaphore, #tpu.memory_space<semaphore_mem>>) src(%dma_wait3A_564 : memref<512x1024xf32, #tpu.memory_space<vmem_shared>>) dst(%dma_wait3A_560 : memref<512x1024xf32, #tpu.memory_space<hbm>>)
    %add3A_565 = arith.constant 8192 : i32
    %add3A_566 = arith.addi %mul3A_0, %add3A_565 : i32
    %dma_start3A_567 = arith.constant 0 : i32
    %dma_start3A_568 = arith.constant 0 : i32
    %dma_start3A_569 = arith.constant 0 : i32
    %dma_start3A_570 = tpu.memref_slice %arg3[%dma_start3A_567, %dma_start3A_568, %dma_start3A_569] : memref<2x512x1024xf32, #tpu.memory_space<vmem_shared>> -> memref<1x512x1024xf32, #tpu.memory_space<vmem_shared>>
    %dma_start3A_571 = tpu.memref_squeeze %dma_start3A_570 : memref<1x512x1024xf32, #tpu.memory_space<vmem_shared>> -> memref<512x1024xf32, #tpu.memory_space<vmem_shared>>
    %dma_start3A_572 = arith.constant 0 : i32
    %dma_start3A_573 = tpu.memref_slice %arg1[%add3A_566, %dma_start3A_572] : memref<32768x1024xf32, #tpu.memory_space<hbm>> -> memref<512x1024xf32, #tpu.memory_space<hbm>>
    tpu.enqueue_dma source(%dma_start3A_573 : memref<512x1024xf32, #tpu.memory_space<hbm>>) target(%dma_start3A_571 : memref<512x1024xf32, #tpu.memory_space<vmem_shared>>) target_semaphore(%arg5 : memref<!tpu.dma_semaphore, #tpu.memory_space<semaphore_mem>>)
    %add3A_574 = arith.constant 8192 : i32
    %add3A_575 = arith.addi %mul3A_0, %add3A_574 : i32
    %dma_wait3A_576 = arith.constant 0 : i32
    %dma_wait3A_577 = arith.constant 0 : i32
    %dma_wait3A_578 = arith.constant 0 : i32
    %dma_wait3A_579 = tpu.memref_slice %arg3[%dma_wait3A_576, %dma_wait3A_577, %dma_wait3A_578] : memref<2x512x1024xf32, #tpu.memory_space<vmem_shared>> -> memref<1x512x1024xf32, #tpu.memory_space<vmem_shared>>
    %dma_wait3A_580 = tpu.memref_squeeze %dma_wait3A_579 : memref<1x512x1024xf32, #tpu.memory_space<vmem_shared>> -> memref<512x1024xf32, #tpu.memory_space<vmem_shared>>
    %dma_wait3A_581 = arith.constant 0 : i32
    %dma_wait3A_582 = tpu.memref_slice %arg1[%add3A_575, %dma_wait3A_581] : memref<32768x1024xf32, #tpu.memory_space<hbm>> -> memref<512x1024xf32, #tpu.memory_space<hbm>>
    tpu.wait_dma2 semaphore(%arg5 : memref<!tpu.dma_semaphore, #tpu.memory_space<semaphore_mem>>) src(%dma_wait3A_582 : memref<512x1024xf32, #tpu.memory_space<hbm>>) dst(%dma_wait3A_580 : memref<512x1024xf32, #tpu.memory_space<vmem_shared>>)
    %add3A_583 = arith.constant 8192 : i32
    %add3A_584 = arith.addi %mul3A_0, %add3A_583 : i32
    %dma_start3A_585 = arith.constant 0 : i32
    %dma_start3A_586 = arith.constant 0 : i32
    %dma_start3A_587 = tpu.memref_slice %arg2[%add3A_584, %dma_start3A_586] : memref<32768x1024xf32, #tpu.memory_space<hbm>> -> memref<512x1024xf32, #tpu.memory_space<hbm>>
    %dma_start3A_588 = arith.constant 0 : i32
    %dma_start3A_589 = arith.constant 0 : i32
    %dma_start3A_590 = tpu.memref_slice %arg3[%dma_start3A_585, %dma_start3A_588, %dma_start3A_589] : memref<2x512x1024xf32, #tpu.memory_space<vmem_shared>> -> memref<1x512x1024xf32, #tpu.memory_space<vmem_shared>>
    %dma_start3A_591 = tpu.memref_squeeze %dma_start3A_590 : memref<1x512x1024xf32, #tpu.memory_space<vmem_shared>> -> memref<512x1024xf32, #tpu.memory_space<vmem_shared>>
    tpu.enqueue_dma source(%dma_start3A_591 : memref<512x1024xf32, #tpu.memory_space<vmem_shared>>) target(%dma_start3A_587 : memref<512x1024xf32, #tpu.memory_space<hbm>>) target_semaphore(%arg7 : memref<!tpu.dma_semaphore, #tpu.memory_space<semaphore_mem>>)
    %add3A_592 = arith.constant 7680 : i32
    %add3A_593 = arith.addi %mul3A_0, %add3A_592 : i32
    %dma_wait3A_594 = arith.constant 1 : i32
    %dma_wait3A_595 = arith.constant 0 : i32
    %dma_wait3A_596 = tpu.memref_slice %arg2[%add3A_593, %dma_wait3A_595] : memref<32768x1024xf32, #tpu.memory_space<hbm>> -> memref<512x1024xf32, #tpu.memory_space<hbm>>
    %dma_wait3A_597 = arith.constant 0 : i32
    %dma_wait3A_598 = arith.constant 0 : i32
    %dma_wait3A_599 = tpu.memref_slice %arg3[%dma_wait3A_594, %dma_wait3A_597, %dma_wait3A_598] : memref<2x512x1024xf32, #tpu.memory_space<vmem_shared>> -> memref<1x512x1024xf32, #tpu.memory_space<vmem_shared>>
    %dma_wait3A_600 = tpu.memref_squeeze %dma_wait3A_599 : memref<1x512x1024xf32, #tpu.memory_space<vmem_shared>> -> memref<512x1024xf32, #tpu.memory_space<vmem_shared>>
    tpu.wait_dma2 semaphore(%arg8 : memref<!tpu.dma_semaphore, #tpu.memory_space<semaphore_mem>>) src(%dma_wait3A_600 : memref<512x1024xf32, #tpu.memory_space<vmem_shared>>) dst(%dma_wait3A_596 : memref<512x1024xf32, #tpu.memory_space<hbm>>)
    %add3A_601 = arith.constant 8192 : i32
    %add3A_602 = arith.addi %mul3A_0, %add3A_601 : i32
    %dma_wait3A_603 = arith.constant 0 : i32
    %dma_wait3A_604 = arith.constant 0 : i32
    %dma_wait3A_605 = tpu.memref_slice %arg2[%add3A_602, %dma_wait3A_604] : memref<32768x1024xf32, #tpu.memory_space<hbm>> -> memref<512x1024xf32, #tpu.memory_space<hbm>>
    %dma_wait3A_606 = arith.constant 0 : i32
    %dma_wait3A_607 = arith.constant 0 : i32
    %dma_wait3A_608 = tpu.memref_slice %arg3[%dma_wait3A_603, %dma_wait3A_606, %dma_wait3A_607] : memref<2x512x1024xf32, #tpu.memory_space<vmem_shared>> -> memref<1x512x1024xf32, #tpu.memory_space<vmem_shared>>
    %dma_wait3A_609 = tpu.memref_squeeze %dma_wait3A_608 : memref<1x512x1024xf32, #tpu.memory_space<vmem_shared>> -> memref<512x1024xf32, #tpu.memory_space<vmem_shared>>
    tpu.wait_dma2 semaphore(%arg7 : memref<!tpu.dma_semaphore, #tpu.memory_space<semaphore_mem>>) src(%dma_wait3A_609 : memref<512x1024xf32, #tpu.memory_space<vmem_shared>>) dst(%dma_wait3A_605 : memref<512x1024xf32, #tpu.memory_space<hbm>>)
    return
  }
  func.func @tec_fn(%arg0: i32, %arg1: i32, %arg2: memref<32768x1024xf32, #tpu.memory_space<hbm>>, %arg3: memref<32768x1024xf32, #tpu.memory_space<hbm>>, %arg4: memref<2x512x1024xf32, #tpu.memory_space<vmem_shared>>, %arg5: memref<3x16x1024xf32, #tpu.memory_space<vmem>>, %arg6: memref<!tpu.dma_semaphore, #tpu.memory_space<semaphore_mem, sc_scalar_subcore>>, %arg7: memref<!tpu.dma_semaphore, #tpu.memory_space<semaphore_mem, sc_scalar_subcore>>, %arg8: memref<!tpu.dma_semaphore, #tpu.memory_space<semaphore_mem, sc_scalar_subcore>>, %arg9: memref<!tpu.dma_semaphore, #tpu.memory_space<semaphore_mem, sc_scalar_subcore>>, %arg10: memref<!tpu.dma_semaphore, #tpu.memory_space<semaphore_mem>>, %arg11: memref<!tpu.dma_semaphore, #tpu.memory_space<semaphore_mem>>, %arg12: memref<!tpu.dma_semaphore, #tpu.memory_space<semaphore_mem>>, %arg13: memref<!tpu.dma_semaphore, #tpu.memory_space<semaphore_mem>>, %arg14: memref<!tpu.dma_semaphore, #tpu.memory_space<semaphore_mem>>, %arg15: memref<!tpu.dma_semaphore, #tpu.memory_space<semaphore_mem>>) attributes {dimension_semantics = [#tpu.dimension_semantics<core_parallel>, #tpu.dimension_semantics<subcore_parallel>], iteration_bounds = array<i64: 2, 16>, scalar_prefetch = 0 : i64, scratch_operands = 12 : i64, tpu.core_type = #tpu.core_type<sc_vector_subcore>, window_params = [{transform_indices = #map1}, {transform_indices = #map1}]} {
    %mul3A = arith.constant 16384 : i32
    %mul3A_0 = arith.muli %arg0, %mul3A : i32
    %add3A = arith.constant 8704 : i32
    %add3A_1 = arith.addi %mul3A_0, %add3A : i32
    %gt3A = arith.constant 0 : i32
    %gt3A_2 = arith.cmpi sgt, %arg1, %gt3A : i32
    %convert_element_type3A = arith.extui %gt3A_2 : i1 to i32
    %cond3A = arith.constant 0 : i32
    %cond3A_3 = arith.cmpi ne, %convert_element_type3A, %cond3A : i32
    scf.if %cond3A_3 {
      %sub3A = arith.constant 1 : i32
      %sub3A_4 = arith.subi %arg1, %sub3A : i32
      %mul3A_5 = arith.constant 512 : i32
      %mul3A_6 = arith.muli %sub3A_4, %mul3A_5 : i32
      %add3A_7 = arith.addi %add3A_1, %mul3A_6 : i32
      %add3A_8 = arith.constant 0 : i32
      %add3A_9 = arith.addi %add3A_7, %add3A_8 : i32
      %dma_start3A = arith.constant 0 : i32
      %dma_start3A_10 = arith.constant 0 : i32
      %dma_start3A_11 = arith.constant 0 : i32
      %dma_start3A_12 = tpu.memref_slice %arg5[%dma_start3A, %dma_start3A_10, %dma_start3A_11] : memref<3x16x1024xf32, #tpu.memory_space<vmem>> -> memref<1x16x1024xf32, #tpu.memory_space<vmem>>
      %dma_start3A_13 = tpu.memref_squeeze %dma_start3A_12 : memref<1x16x1024xf32, #tpu.memory_space<vmem>> -> memref<16x1024xf32, #tpu.memory_space<vmem>>
      %dma_start3A_14 = arith.constant 0 : i32
      %dma_start3A_15 = tpu.memref_slice %arg2[%add3A_9, %dma_start3A_14] : memref<32768x1024xf32, #tpu.memory_space<hbm>> -> memref<16x1024xf32, #tpu.memory_space<hbm>>
      %dma_start3A_16 = arith.constant 0 : i32
      %dma_start3A_17 = arith.constant 0 : i32
      %dma_start3A_18 = tpu.memref_slice %arg5[%dma_start3A, %dma_start3A_16, %dma_start3A_17] : memref<3x16x1024xf32, #tpu.memory_space<vmem>> -> memref<1x16x1024xf32, #tpu.memory_space<vmem>>
      %dma_start3A_19 = tpu.memref_squeeze %dma_start3A_18 : memref<1x16x1024xf32, #tpu.memory_space<vmem>> -> memref<16x1024xf32, #tpu.memory_space<vmem>>
      %dma_start3A_20 = arith.constant 0 : i32
      %dma_start3A_21 = tpu.memref_slice %arg2[%add3A_9, %dma_start3A_20] : memref<32768x1024xf32, #tpu.memory_space<hbm>> -> memref<16x1024xf32, #tpu.memory_space<hbm>>
      tpu.enqueue_dma source(%dma_start3A_21 : memref<16x1024xf32, #tpu.memory_space<hbm>>) target(%dma_start3A_19 : memref<16x1024xf32, #tpu.memory_space<vmem>>) target_semaphore(%arg10 : memref<!tpu.dma_semaphore, #tpu.memory_space<semaphore_mem>>)
      %add3A_22 = arith.constant 0 : i32
      %add3A_23 = arith.addi %add3A_7, %add3A_22 : i32
      %dma_wait3A = arith.constant 0 : i32
      %dma_wait3A_24 = arith.constant 0 : i32
      %dma_wait3A_25 = arith.constant 0 : i32
      %dma_wait3A_26 = tpu.memref_slice %arg5[%dma_wait3A, %dma_wait3A_24, %dma_wait3A_25] : memref<3x16x1024xf32, #tpu.memory_space<vmem>> -> memref<1x16x1024xf32, #tpu.memory_space<vmem>>
      %dma_wait3A_27 = tpu.memref_squeeze %dma_wait3A_26 : memref<1x16x1024xf32, #tpu.memory_space<vmem>> -> memref<16x1024xf32, #tpu.memory_space<vmem>>
      %dma_wait3A_28 = arith.constant 0 : i32
      %dma_wait3A_29 = tpu.memref_slice %arg2[%add3A_23, %dma_wait3A_28] : memref<32768x1024xf32, #tpu.memory_space<hbm>> -> memref<16x1024xf32, #tpu.memory_space<hbm>>
      %dma_wait3A_30 = arith.constant 0 : i32
      %dma_wait3A_31 = arith.constant 0 : i32
      %dma_wait3A_32 = tpu.memref_slice %arg5[%dma_wait3A, %dma_wait3A_30, %dma_wait3A_31] : memref<3x16x1024xf32, #tpu.memory_space<vmem>> -> memref<1x16x1024xf32, #tpu.memory_space<vmem>>
      %dma_wait3A_33 = tpu.memref_squeeze %dma_wait3A_32 : memref<1x16x1024xf32, #tpu.memory_space<vmem>> -> memref<16x1024xf32, #tpu.memory_space<vmem>>
      %dma_wait3A_34 = arith.constant 0 : i32
      %dma_wait3A_35 = tpu.memref_slice %arg2[%add3A_23, %dma_wait3A_34] : memref<32768x1024xf32, #tpu.memory_space<hbm>> -> memref<16x1024xf32, #tpu.memory_space<hbm>>
      tpu.wait_dma2 semaphore(%arg10 : memref<!tpu.dma_semaphore, #tpu.memory_space<semaphore_mem>>) src(%dma_wait3A_35 : memref<16x1024xf32, #tpu.memory_space<hbm>>) dst(%dma_wait3A_33 : memref<16x1024xf32, #tpu.memory_space<vmem>>)
      %add3A_36 = arith.constant 0 : i32
      %add3A_37 = arith.addi %add3A_7, %add3A_36 : i32
      %dma_start3A_38 = arith.constant 0 : i32
      %dma_start3A_39 = arith.constant 0 : i32
      %dma_start3A_40 = arith.constant 0 : i32
      %dma_start3A_41 = tpu.memref_slice %arg5[%dma_start3A_38, %dma_start3A_39, %dma_start3A_40] : memref<3x16x1024xf32, #tpu.memory_space<vmem>> -> memref<1x16x1024xf32, #tpu.memory_space<vmem>>
      %dma_start3A_42 = tpu.memref_squeeze %dma_start3A_41 : memref<1x16x1024xf32, #tpu.memory_space<vmem>> -> memref<16x1024xf32, #tpu.memory_space<vmem>>
      %dma_start3A_43 = arith.constant 0 : i32
      %dma_start3A_44 = tpu.memref_slice %arg3[%add3A_37, %dma_start3A_43] : memref<32768x1024xf32, #tpu.memory_space<hbm>> -> memref<16x1024xf32, #tpu.memory_space<hbm>>
      %dma_start3A_45 = arith.constant 0 : i32
      %dma_start3A_46 = tpu.memref_slice %arg3[%add3A_37, %dma_start3A_45] : memref<32768x1024xf32, #tpu.memory_space<hbm>> -> memref<16x1024xf32, #tpu.memory_space<hbm>>
      %dma_start3A_47 = arith.constant 0 : i32
      %dma_start3A_48 = arith.constant 0 : i32
      %dma_start3A_49 = tpu.memref_slice %arg5[%dma_start3A_38, %dma_start3A_47, %dma_start3A_48] : memref<3x16x1024xf32, #tpu.memory_space<vmem>> -> memref<1x16x1024xf32, #tpu.memory_space<vmem>>
      %dma_start3A_50 = tpu.memref_squeeze %dma_start3A_49 : memref<1x16x1024xf32, #tpu.memory_space<vmem>> -> memref<16x1024xf32, #tpu.memory_space<vmem>>
      tpu.enqueue_dma source(%dma_start3A_50 : memref<16x1024xf32, #tpu.memory_space<vmem>>) target(%dma_start3A_46 : memref<16x1024xf32, #tpu.memory_space<hbm>>) target_semaphore(%arg13 : memref<!tpu.dma_semaphore, #tpu.memory_space<semaphore_mem>>)
      %add3A_51 = arith.constant 16 : i32
      %add3A_52 = arith.addi %add3A_7, %add3A_51 : i32
      %dma_start3A_53 = arith.constant 1 : i32
      %dma_start3A_54 = arith.constant 0 : i32
      %dma_start3A_55 = arith.constant 0 : i32
      %dma_start3A_56 = tpu.memref_slice %arg5[%dma_start3A_53, %dma_start3A_54, %dma_start3A_55] : memref<3x16x1024xf32, #tpu.memory_space<vmem>> -> memref<1x16x1024xf32, #tpu.memory_space<vmem>>
      %dma_start3A_57 = tpu.memref_squeeze %dma_start3A_56 : memref<1x16x1024xf32, #tpu.memory_space<vmem>> -> memref<16x1024xf32, #tpu.memory_space<vmem>>
      %dma_start3A_58 = arith.constant 0 : i32
      %dma_start3A_59 = tpu.memref_slice %arg2[%add3A_52, %dma_start3A_58] : memref<32768x1024xf32, #tpu.memory_space<hbm>> -> memref<16x1024xf32, #tpu.memory_space<hbm>>
      %dma_start3A_60 = arith.constant 0 : i32
      %dma_start3A_61 = arith.constant 0 : i32
      %dma_start3A_62 = tpu.memref_slice %arg5[%dma_start3A_53, %dma_start3A_60, %dma_start3A_61] : memref<3x16x1024xf32, #tpu.memory_space<vmem>> -> memref<1x16x1024xf32, #tpu.memory_space<vmem>>
      %dma_start3A_63 = tpu.memref_squeeze %dma_start3A_62 : memref<1x16x1024xf32, #tpu.memory_space<vmem>> -> memref<16x1024xf32, #tpu.memory_space<vmem>>
      %dma_start3A_64 = arith.constant 0 : i32
      %dma_start3A_65 = tpu.memref_slice %arg2[%add3A_52, %dma_start3A_64] : memref<32768x1024xf32, #tpu.memory_space<hbm>> -> memref<16x1024xf32, #tpu.memory_space<hbm>>
      tpu.enqueue_dma source(%dma_start3A_65 : memref<16x1024xf32, #tpu.memory_space<hbm>>) target(%dma_start3A_63 : memref<16x1024xf32, #tpu.memory_space<vmem>>) target_semaphore(%arg11 : memref<!tpu.dma_semaphore, #tpu.memory_space<semaphore_mem>>)
      %add3A_66 = arith.constant 16 : i32
      %add3A_67 = arith.addi %add3A_7, %add3A_66 : i32
      %dma_wait3A_68 = arith.constant 1 : i32
      %dma_wait3A_69 = arith.constant 0 : i32
      %dma_wait3A_70 = arith.constant 0 : i32
      %dma_wait3A_71 = tpu.memref_slice %arg5[%dma_wait3A_68, %dma_wait3A_69, %dma_wait3A_70] : memref<3x16x1024xf32, #tpu.memory_space<vmem>> -> memref<1x16x1024xf32, #tpu.memory_space<vmem>>
      %dma_wait3A_72 = tpu.memref_squeeze %dma_wait3A_71 : memref<1x16x1024xf32, #tpu.memory_space<vmem>> -> memref<16x1024xf32, #tpu.memory_space<vmem>>
      %dma_wait3A_73 = arith.constant 0 : i32
      %dma_wait3A_74 = tpu.memref_slice %arg2[%add3A_67, %dma_wait3A_73] : memref<32768x1024xf32, #tpu.memory_space<hbm>> -> memref<16x1024xf32, #tpu.memory_space<hbm>>
      %dma_wait3A_75 = arith.constant 0 : i32
      %dma_wait3A_76 = arith.constant 0 : i32
      %dma_wait3A_77 = tpu.memref_slice %arg5[%dma_wait3A_68, %dma_wait3A_75, %dma_wait3A_76] : memref<3x16x1024xf32, #tpu.memory_space<vmem>> -> memref<1x16x1024xf32, #tpu.memory_space<vmem>>
      %dma_wait3A_78 = tpu.memref_squeeze %dma_wait3A_77 : memref<1x16x1024xf32, #tpu.memory_space<vmem>> -> memref<16x1024xf32, #tpu.memory_space<vmem>>
      %dma_wait3A_79 = arith.constant 0 : i32
      %dma_wait3A_80 = tpu.memref_slice %arg2[%add3A_67, %dma_wait3A_79] : memref<32768x1024xf32, #tpu.memory_space<hbm>> -> memref<16x1024xf32, #tpu.memory_space<hbm>>
      tpu.wait_dma2 semaphore(%arg11 : memref<!tpu.dma_semaphore, #tpu.memory_space<semaphore_mem>>) src(%dma_wait3A_80 : memref<16x1024xf32, #tpu.memory_space<hbm>>) dst(%dma_wait3A_78 : memref<16x1024xf32, #tpu.memory_space<vmem>>)
      %add3A_81 = arith.constant 16 : i32
      %add3A_82 = arith.addi %add3A_7, %add3A_81 : i32
      %dma_start3A_83 = arith.constant 1 : i32
      %dma_start3A_84 = arith.constant 0 : i32
      %dma_start3A_85 = arith.constant 0 : i32
      %dma_start3A_86 = tpu.memref_slice %arg5[%dma_start3A_83, %dma_start3A_84, %dma_start3A_85] : memref<3x16x1024xf32, #tpu.memory_space<vmem>> -> memref<1x16x1024xf32, #tpu.memory_space<vmem>>
      %dma_start3A_87 = tpu.memref_squeeze %dma_start3A_86 : memref<1x16x1024xf32, #tpu.memory_space<vmem>> -> memref<16x1024xf32, #tpu.memory_space<vmem>>
      %dma_start3A_88 = arith.constant 0 : i32
      %dma_start3A_89 = tpu.memref_slice %arg3[%add3A_82, %dma_start3A_88] : memref<32768x1024xf32, #tpu.memory_space<hbm>> -> memref<16x1024xf32, #tpu.memory_space<hbm>>
      %dma_start3A_90 = arith.constant 0 : i32
      %dma_start3A_91 = tpu.memref_slice %arg3[%add3A_82, %dma_start3A_90] : memref<32768x1024xf32, #tpu.memory_space<hbm>> -> memref<16x1024xf32, #tpu.memory_space<hbm>>
      %dma_start3A_92 = arith.constant 0 : i32
      %dma_start3A_93 = arith.constant 0 : i32
      %dma_start3A_94 = tpu.memref_slice %arg5[%dma_start3A_83, %dma_start3A_92, %dma_start3A_93] : memref<3x16x1024xf32, #tpu.memory_space<vmem>> -> memref<1x16x1024xf32, #tpu.memory_space<vmem>>
      %dma_start3A_95 = tpu.memref_squeeze %dma_start3A_94 : memref<1x16x1024xf32, #tpu.memory_space<vmem>> -> memref<16x1024xf32, #tpu.memory_space<vmem>>
      tpu.enqueue_dma source(%dma_start3A_95 : memref<16x1024xf32, #tpu.memory_space<vmem>>) target(%dma_start3A_91 : memref<16x1024xf32, #tpu.memory_space<hbm>>) target_semaphore(%arg14 : memref<!tpu.dma_semaphore, #tpu.memory_space<semaphore_mem>>)
      %add3A_96 = arith.constant 32 : i32
      %add3A_97 = arith.addi %add3A_7, %add3A_96 : i32
      %dma_start3A_98 = arith.constant 2 : i32
      %dma_start3A_99 = arith.constant 0 : i32
      %dma_start3A_100 = arith.constant 0 : i32
      %dma_start3A_101 = tpu.memref_slice %arg5[%dma_start3A_98, %dma_start3A_99, %dma_start3A_100] : memref<3x16x1024xf32, #tpu.memory_space<vmem>> -> memref<1x16x1024xf32, #tpu.memory_space<vmem>>
      %dma_start3A_102 = tpu.memref_squeeze %dma_start3A_101 : memref<1x16x1024xf32, #tpu.memory_space<vmem>> -> memref<16x1024xf32, #tpu.memory_space<vmem>>
      %dma_start3A_103 = arith.constant 0 : i32
      %dma_start3A_104 = tpu.memref_slice %arg2[%add3A_97, %dma_start3A_103] : memref<32768x1024xf32, #tpu.memory_space<hbm>> -> memref<16x1024xf32, #tpu.memory_space<hbm>>
      %dma_start3A_105 = arith.constant 0 : i32
      %dma_start3A_106 = arith.constant 0 : i32
      %dma_start3A_107 = tpu.memref_slice %arg5[%dma_start3A_98, %dma_start3A_105, %dma_start3A_106] : memref<3x16x1024xf32, #tpu.memory_space<vmem>> -> memref<1x16x1024xf32, #tpu.memory_space<vmem>>
      %dma_start3A_108 = tpu.memref_squeeze %dma_start3A_107 : memref<1x16x1024xf32, #tpu.memory_space<vmem>> -> memref<16x1024xf32, #tpu.memory_space<vmem>>
      %dma_start3A_109 = arith.constant 0 : i32
      %dma_start3A_110 = tpu.memref_slice %arg2[%add3A_97, %dma_start3A_109] : memref<32768x1024xf32, #tpu.memory_space<hbm>> -> memref<16x1024xf32, #tpu.memory_space<hbm>>
      tpu.enqueue_dma source(%dma_start3A_110 : memref<16x1024xf32, #tpu.memory_space<hbm>>) target(%dma_start3A_108 : memref<16x1024xf32, #tpu.memory_space<vmem>>) target_semaphore(%arg12 : memref<!tpu.dma_semaphore, #tpu.memory_space<semaphore_mem>>)
      %add3A_111 = arith.constant 32 : i32
      %add3A_112 = arith.addi %add3A_7, %add3A_111 : i32
      %dma_wait3A_113 = arith.constant 2 : i32
      %dma_wait3A_114 = arith.constant 0 : i32
      %dma_wait3A_115 = arith.constant 0 : i32
      %dma_wait3A_116 = tpu.memref_slice %arg5[%dma_wait3A_113, %dma_wait3A_114, %dma_wait3A_115] : memref<3x16x1024xf32, #tpu.memory_space<vmem>> -> memref<1x16x1024xf32, #tpu.memory_space<vmem>>
      %dma_wait3A_117 = tpu.memref_squeeze %dma_wait3A_116 : memref<1x16x1024xf32, #tpu.memory_space<vmem>> -> memref<16x1024xf32, #tpu.memory_space<vmem>>
      %dma_wait3A_118 = arith.constant 0 : i32
      %dma_wait3A_119 = tpu.memref_slice %arg2[%add3A_112, %dma_wait3A_118] : memref<32768x1024xf32, #tpu.memory_space<hbm>> -> memref<16x1024xf32, #tpu.memory_space<hbm>>
      %dma_wait3A_120 = arith.constant 0 : i32
      %dma_wait3A_121 = arith.constant 0 : i32
      %dma_wait3A_122 = tpu.memref_slice %arg5[%dma_wait3A_113, %dma_wait3A_120, %dma_wait3A_121] : memref<3x16x1024xf32, #tpu.memory_space<vmem>> -> memref<1x16x1024xf32, #tpu.memory_space<vmem>>
      %dma_wait3A_123 = tpu.memref_squeeze %dma_wait3A_122 : memref<1x16x1024xf32, #tpu.memory_space<vmem>> -> memref<16x1024xf32, #tpu.memory_space<vmem>>
      %dma_wait3A_124 = arith.constant 0 : i32
      %dma_wait3A_125 = tpu.memref_slice %arg2[%add3A_112, %dma_wait3A_124] : memref<32768x1024xf32, #tpu.memory_space<hbm>> -> memref<16x1024xf32, #tpu.memory_space<hbm>>
      tpu.wait_dma2 semaphore(%arg12 : memref<!tpu.dma_semaphore, #tpu.memory_space<semaphore_mem>>) src(%dma_wait3A_125 : memref<16x1024xf32, #tpu.memory_space<hbm>>) dst(%dma_wait3A_123 : memref<16x1024xf32, #tpu.memory_space<vmem>>)
      %add3A_126 = arith.constant 32 : i32
      %add3A_127 = arith.addi %add3A_7, %add3A_126 : i32
      %dma_start3A_128 = arith.constant 2 : i32
      %dma_start3A_129 = arith.constant 0 : i32
      %dma_start3A_130 = arith.constant 0 : i32
      %dma_start3A_131 = tpu.memref_slice %arg5[%dma_start3A_128, %dma_start3A_129, %dma_start3A_130] : memref<3x16x1024xf32, #tpu.memory_space<vmem>> -> memref<1x16x1024xf32, #tpu.memory_space<vmem>>
      %dma_start3A_132 = tpu.memref_squeeze %dma_start3A_131 : memref<1x16x1024xf32, #tpu.memory_space<vmem>> -> memref<16x1024xf32, #tpu.memory_space<vmem>>
      %dma_start3A_133 = arith.constant 0 : i32
      %dma_start3A_134 = tpu.memref_slice %arg3[%add3A_127, %dma_start3A_133] : memref<32768x1024xf32, #tpu.memory_space<hbm>> -> memref<16x1024xf32, #tpu.memory_space<hbm>>
      %dma_start3A_135 = arith.constant 0 : i32
      %dma_start3A_136 = tpu.memref_slice %arg3[%add3A_127, %dma_start3A_135] : memref<32768x1024xf32, #tpu.memory_space<hbm>> -> memref<16x1024xf32, #tpu.memory_space<hbm>>
      %dma_start3A_137 = arith.constant 0 : i32
      %dma_start3A_138 = arith.constant 0 : i32
      %dma_start3A_139 = tpu.memref_slice %arg5[%dma_start3A_128, %dma_start3A_137, %dma_start3A_138] : memref<3x16x1024xf32, #tpu.memory_space<vmem>> -> memref<1x16x1024xf32, #tpu.memory_space<vmem>>
      %dma_start3A_140 = tpu.memref_squeeze %dma_start3A_139 : memref<1x16x1024xf32, #tpu.memory_space<vmem>> -> memref<16x1024xf32, #tpu.memory_space<vmem>>
      tpu.enqueue_dma source(%dma_start3A_140 : memref<16x1024xf32, #tpu.memory_space<vmem>>) target(%dma_start3A_136 : memref<16x1024xf32, #tpu.memory_space<hbm>>) target_semaphore(%arg15 : memref<!tpu.dma_semaphore, #tpu.memory_space<semaphore_mem>>)
      %add3A_141 = arith.constant 0 : i32
      %add3A_142 = arith.addi %add3A_7, %add3A_141 : i32
      %dma_wait3A_143 = arith.constant 0 : i32
      %dma_wait3A_144 = arith.constant 0 : i32
      %dma_wait3A_145 = arith.constant 0 : i32
      %dma_wait3A_146 = tpu.memref_slice %arg5[%dma_wait3A_143, %dma_wait3A_144, %dma_wait3A_145] : memref<3x16x1024xf32, #tpu.memory_space<vmem>> -> memref<1x16x1024xf32, #tpu.memory_space<vmem>>
      %dma_wait3A_147 = tpu.memref_squeeze %dma_wait3A_146 : memref<1x16x1024xf32, #tpu.memory_space<vmem>> -> memref<16x1024xf32, #tpu.memory_space<vmem>>
      %dma_wait3A_148 = arith.constant 0 : i32
      %dma_wait3A_149 = tpu.memref_slice %arg3[%add3A_142, %dma_wait3A_148] : memref<32768x1024xf32, #tpu.memory_space<hbm>> -> memref<16x1024xf32, #tpu.memory_space<hbm>>
      %dma_wait3A_150 = arith.constant 0 : i32
      %dma_wait3A_151 = tpu.memref_slice %arg3[%add3A_142, %dma_wait3A_150] : memref<32768x1024xf32, #tpu.memory_space<hbm>> -> memref<16x1024xf32, #tpu.memory_space<hbm>>
      %dma_wait3A_152 = arith.constant 0 : i32
      %dma_wait3A_153 = arith.constant 0 : i32
      %dma_wait3A_154 = tpu.memref_slice %arg5[%dma_wait3A_143, %dma_wait3A_152, %dma_wait3A_153] : memref<3x16x1024xf32, #tpu.memory_space<vmem>> -> memref<1x16x1024xf32, #tpu.memory_space<vmem>>
      %dma_wait3A_155 = tpu.memref_squeeze %dma_wait3A_154 : memref<1x16x1024xf32, #tpu.memory_space<vmem>> -> memref<16x1024xf32, #tpu.memory_space<vmem>>
      tpu.wait_dma2 semaphore(%arg13 : memref<!tpu.dma_semaphore, #tpu.memory_space<semaphore_mem>>) src(%dma_wait3A_155 : memref<16x1024xf32, #tpu.memory_space<vmem>>) dst(%dma_wait3A_151 : memref<16x1024xf32, #tpu.memory_space<hbm>>)
      %add3A_156 = arith.constant 48 : i32
      %add3A_157 = arith.addi %add3A_7, %add3A_156 : i32
      %dma_start3A_158 = arith.constant 0 : i32
      %dma_start3A_159 = arith.constant 0 : i32
      %dma_start3A_160 = arith.constant 0 : i32
      %dma_start3A_161 = tpu.memref_slice %arg5[%dma_start3A_158, %dma_start3A_159, %dma_start3A_160] : memref<3x16x1024xf32, #tpu.memory_space<vmem>> -> memref<1x16x1024xf32, #tpu.memory_space<vmem>>
      %dma_start3A_162 = tpu.memref_squeeze %dma_start3A_161 : memref<1x16x1024xf32, #tpu.memory_space<vmem>> -> memref<16x1024xf32, #tpu.memory_space<vmem>>
      %dma_start3A_163 = arith.constant 0 : i32
      %dma_start3A_164 = tpu.memref_slice %arg2[%add3A_157, %dma_start3A_163] : memref<32768x1024xf32, #tpu.memory_space<hbm>> -> memref<16x1024xf32, #tpu.memory_space<hbm>>
      %dma_start3A_165 = arith.constant 0 : i32
      %dma_start3A_166 = arith.constant 0 : i32
      %dma_start3A_167 = tpu.memref_slice %arg5[%dma_start3A_158, %dma_start3A_165, %dma_start3A_166] : memref<3x16x1024xf32, #tpu.memory_space<vmem>> -> memref<1x16x1024xf32, #tpu.memory_space<vmem>>
      %dma_start3A_168 = tpu.memref_squeeze %dma_start3A_167 : memref<1x16x1024xf32, #tpu.memory_space<vmem>> -> memref<16x1024xf32, #tpu.memory_space<vmem>>
      %dma_start3A_169 = arith.constant 0 : i32
      %dma_start3A_170 = tpu.memref_slice %arg2[%add3A_157, %dma_start3A_169] : memref<32768x1024xf32, #tpu.memory_space<hbm>> -> memref<16x1024xf32, #tpu.memory_space<hbm>>
      tpu.enqueue_dma source(%dma_start3A_170 : memref<16x1024xf32, #tpu.memory_space<hbm>>) target(%dma_start3A_168 : memref<16x1024xf32, #tpu.memory_space<vmem>>) target_semaphore(%arg10 : memref<!tpu.dma_semaphore, #tpu.memory_space<semaphore_mem>>)
      %add3A_171 = arith.constant 48 : i32
      %add3A_172 = arith.addi %add3A_7, %add3A_171 : i32
      %dma_wait3A_173 = arith.constant 0 : i32
      %dma_wait3A_174 = arith.constant 0 : i32
      %dma_wait3A_175 = arith.constant 0 : i32
      %dma_wait3A_176 = tpu.memref_slice %arg5[%dma_wait3A_173, %dma_wait3A_174, %dma_wait3A_175] : memref<3x16x1024xf32, #tpu.memory_space<vmem>> -> memref<1x16x1024xf32, #tpu.memory_space<vmem>>
      %dma_wait3A_177 = tpu.memref_squeeze %dma_wait3A_176 : memref<1x16x1024xf32, #tpu.memory_space<vmem>> -> memref<16x1024xf32, #tpu.memory_space<vmem>>
      %dma_wait3A_178 = arith.constant 0 : i32
      %dma_wait3A_179 = tpu.memref_slice %arg2[%add3A_172, %dma_wait3A_178] : memref<32768x1024xf32, #tpu.memory_space<hbm>> -> memref<16x1024xf32, #tpu.memory_space<hbm>>
      %dma_wait3A_180 = arith.constant 0 : i32
      %dma_wait3A_181 = arith.constant 0 : i32
      %dma_wait3A_182 = tpu.memref_slice %arg5[%dma_wait3A_173, %dma_wait3A_180, %dma_wait3A_181] : memref<3x16x1024xf32, #tpu.memory_space<vmem>> -> memref<1x16x1024xf32, #tpu.memory_space<vmem>>
      %dma_wait3A_183 = tpu.memref_squeeze %dma_wait3A_182 : memref<1x16x1024xf32, #tpu.memory_space<vmem>> -> memref<16x1024xf32, #tpu.memory_space<vmem>>
      %dma_wait3A_184 = arith.constant 0 : i32
      %dma_wait3A_185 = tpu.memref_slice %arg2[%add3A_172, %dma_wait3A_184] : memref<32768x1024xf32, #tpu.memory_space<hbm>> -> memref<16x1024xf32, #tpu.memory_space<hbm>>
      tpu.wait_dma2 semaphore(%arg10 : memref<!tpu.dma_semaphore, #tpu.memory_space<semaphore_mem>>) src(%dma_wait3A_185 : memref<16x1024xf32, #tpu.memory_space<hbm>>) dst(%dma_wait3A_183 : memref<16x1024xf32, #tpu.memory_space<vmem>>)
      %add3A_186 = arith.constant 48 : i32
      %add3A_187 = arith.addi %add3A_7, %add3A_186 : i32
      %dma_start3A_188 = arith.constant 0 : i32
      %dma_start3A_189 = arith.constant 0 : i32
      %dma_start3A_190 = arith.constant 0 : i32
      %dma_start3A_191 = tpu.memref_slice %arg5[%dma_start3A_188, %dma_start3A_189, %dma_start3A_190] : memref<3x16x1024xf32, #tpu.memory_space<vmem>> -> memref<1x16x1024xf32, #tpu.memory_space<vmem>>
      %dma_start3A_192 = tpu.memref_squeeze %dma_start3A_191 : memref<1x16x1024xf32, #tpu.memory_space<vmem>> -> memref<16x1024xf32, #tpu.memory_space<vmem>>
      %dma_start3A_193 = arith.constant 0 : i32
      %dma_start3A_194 = tpu.memref_slice %arg3[%add3A_187, %dma_start3A_193] : memref<32768x1024xf32, #tpu.memory_space<hbm>> -> memref<16x1024xf32, #tpu.memory_space<hbm>>
      %dma_start3A_195 = arith.constant 0 : i32
      %dma_start3A_196 = tpu.memref_slice %arg3[%add3A_187, %dma_start3A_195] : memref<32768x1024xf32, #tpu.memory_space<hbm>> -> memref<16x1024xf32, #tpu.memory_space<hbm>>
      %dma_start3A_197 = arith.constant 0 : i32
      %dma_start3A_198 = arith.constant 0 : i32
      %dma_start3A_199 = tpu.memref_slice %arg5[%dma_start3A_188, %dma_start3A_197, %dma_start3A_198] : memref<3x16x1024xf32, #tpu.memory_space<vmem>> -> memref<1x16x1024xf32, #tpu.memory_space<vmem>>
      %dma_start3A_200 = tpu.memref_squeeze %dma_start3A_199 : memref<1x16x1024xf32, #tpu.memory_space<vmem>> -> memref<16x1024xf32, #tpu.memory_space<vmem>>
      tpu.enqueue_dma source(%dma_start3A_200 : memref<16x1024xf32, #tpu.memory_space<vmem>>) target(%dma_start3A_196 : memref<16x1024xf32, #tpu.memory_space<hbm>>) target_semaphore(%arg13 : memref<!tpu.dma_semaphore, #tpu.memory_space<semaphore_mem>>)
      %add3A_201 = arith.constant 16 : i32
      %add3A_202 = arith.addi %add3A_7, %add3A_201 : i32
      %dma_wait3A_203 = arith.constant 1 : i32
      %dma_wait3A_204 = arith.constant 0 : i32
      %dma_wait3A_205 = arith.constant 0 : i32
      %dma_wait3A_206 = tpu.memref_slice %arg5[%dma_wait3A_203, %dma_wait3A_204, %dma_wait3A_205] : memref<3x16x1024xf32, #tpu.memory_space<vmem>> -> memref<1x16x1024xf32, #tpu.memory_space<vmem>>
      %dma_wait3A_207 = tpu.memref_squeeze %dma_wait3A_206 : memref<1x16x1024xf32, #tpu.memory_space<vmem>> -> memref<16x1024xf32, #tpu.memory_space<vmem>>
      %dma_wait3A_208 = arith.constant 0 : i32
      %dma_wait3A_209 = tpu.memref_slice %arg3[%add3A_202, %dma_wait3A_208] : memref<32768x1024xf32, #tpu.memory_space<hbm>> -> memref<16x1024xf32, #tpu.memory_space<hbm>>
      %dma_wait3A_210 = arith.constant 0 : i32
      %dma_wait3A_211 = tpu.memref_slice %arg3[%add3A_202, %dma_wait3A_210] : memref<32768x1024xf32, #tpu.memory_space<hbm>> -> memref<16x1024xf32, #tpu.memory_space<hbm>>
      %dma_wait3A_212 = arith.constant 0 : i32
      %dma_wait3A_213 = arith.constant 0 : i32
      %dma_wait3A_214 = tpu.memref_slice %arg5[%dma_wait3A_203, %dma_wait3A_212, %dma_wait3A_213] : memref<3x16x1024xf32, #tpu.memory_space<vmem>> -> memref<1x16x1024xf32, #tpu.memory_space<vmem>>
      %dma_wait3A_215 = tpu.memref_squeeze %dma_wait3A_214 : memref<1x16x1024xf32, #tpu.memory_space<vmem>> -> memref<16x1024xf32, #tpu.memory_space<vmem>>
      tpu.wait_dma2 semaphore(%arg14 : memref<!tpu.dma_semaphore, #tpu.memory_space<semaphore_mem>>) src(%dma_wait3A_215 : memref<16x1024xf32, #tpu.memory_space<vmem>>) dst(%dma_wait3A_211 : memref<16x1024xf32, #tpu.memory_space<hbm>>)
      %add3A_216 = arith.constant 64 : i32
      %add3A_217 = arith.addi %add3A_7, %add3A_216 : i32
      %dma_start3A_218 = arith.constant 1 : i32
      %dma_start3A_219 = arith.constant 0 : i32
      %dma_start3A_220 = arith.constant 0 : i32
      %dma_start3A_221 = tpu.memref_slice %arg5[%dma_start3A_218, %dma_start3A_219, %dma_start3A_220] : memref<3x16x1024xf32, #tpu.memory_space<vmem>> -> memref<1x16x1024xf32, #tpu.memory_space<vmem>>
      %dma_start3A_222 = tpu.memref_squeeze %dma_start3A_221 : memref<1x16x1024xf32, #tpu.memory_space<vmem>> -> memref<16x1024xf32, #tpu.memory_space<vmem>>
      %dma_start3A_223 = arith.constant 0 : i32
      %dma_start3A_224 = tpu.memref_slice %arg2[%add3A_217, %dma_start3A_223] : memref<32768x1024xf32, #tpu.memory_space<hbm>> -> memref<16x1024xf32, #tpu.memory_space<hbm>>
      %dma_start3A_225 = arith.constant 0 : i32
      %dma_start3A_226 = arith.constant 0 : i32
      %dma_start3A_227 = tpu.memref_slice %arg5[%dma_start3A_218, %dma_start3A_225, %dma_start3A_226] : memref<3x16x1024xf32, #tpu.memory_space<vmem>> -> memref<1x16x1024xf32, #tpu.memory_space<vmem>>
      %dma_start3A_228 = tpu.memref_squeeze %dma_start3A_227 : memref<1x16x1024xf32, #tpu.memory_space<vmem>> -> memref<16x1024xf32, #tpu.memory_space<vmem>>
      %dma_start3A_229 = arith.constant 0 : i32
      %dma_start3A_230 = tpu.memref_slice %arg2[%add3A_217, %dma_start3A_229] : memref<32768x1024xf32, #tpu.memory_space<hbm>> -> memref<16x1024xf32, #tpu.memory_space<hbm>>
      tpu.enqueue_dma source(%dma_start3A_230 : memref<16x1024xf32, #tpu.memory_space<hbm>>) target(%dma_start3A_228 : memref<16x1024xf32, #tpu.memory_space<vmem>>) target_semaphore(%arg11 : memref<!tpu.dma_semaphore, #tpu.memory_space<semaphore_mem>>)
      %add3A_231 = arith.constant 64 : i32
      %add3A_232 = arith.addi %add3A_7, %add3A_231 : i32
      %dma_wait3A_233 = arith.constant 1 : i32
      %dma_wait3A_234 = arith.constant 0 : i32
      %dma_wait3A_235 = arith.constant 0 : i32
      %dma_wait3A_236 = tpu.memref_slice %arg5[%dma_wait3A_233, %dma_wait3A_234, %dma_wait3A_235] : memref<3x16x1024xf32, #tpu.memory_space<vmem>> -> memref<1x16x1024xf32, #tpu.memory_space<vmem>>
      %dma_wait3A_237 = tpu.memref_squeeze %dma_wait3A_236 : memref<1x16x1024xf32, #tpu.memory_space<vmem>> -> memref<16x1024xf32, #tpu.memory_space<vmem>>
      %dma_wait3A_238 = arith.constant 0 : i32
      %dma_wait3A_239 = tpu.memref_slice %arg2[%add3A_232, %dma_wait3A_238] : memref<32768x1024xf32, #tpu.memory_space<hbm>> -> memref<16x1024xf32, #tpu.memory_space<hbm>>
      %dma_wait3A_240 = arith.constant 0 : i32
      %dma_wait3A_241 = arith.constant 0 : i32
      %dma_wait3A_242 = tpu.memref_slice %arg5[%dma_wait3A_233, %dma_wait3A_240, %dma_wait3A_241] : memref<3x16x1024xf32, #tpu.memory_space<vmem>> -> memref<1x16x1024xf32, #tpu.memory_space<vmem>>
      %dma_wait3A_243 = tpu.memref_squeeze %dma_wait3A_242 : memref<1x16x1024xf32, #tpu.memory_space<vmem>> -> memref<16x1024xf32, #tpu.memory_space<vmem>>
      %dma_wait3A_244 = arith.constant 0 : i32
      %dma_wait3A_245 = tpu.memref_slice %arg2[%add3A_232, %dma_wait3A_244] : memref<32768x1024xf32, #tpu.memory_space<hbm>> -> memref<16x1024xf32, #tpu.memory_space<hbm>>
      tpu.wait_dma2 semaphore(%arg11 : memref<!tpu.dma_semaphore, #tpu.memory_space<semaphore_mem>>) src(%dma_wait3A_245 : memref<16x1024xf32, #tpu.memory_space<hbm>>) dst(%dma_wait3A_243 : memref<16x1024xf32, #tpu.memory_space<vmem>>)
      %add3A_246 = arith.constant 64 : i32
      %add3A_247 = arith.addi %add3A_7, %add3A_246 : i32
      %dma_start3A_248 = arith.constant 1 : i32
      %dma_start3A_249 = arith.constant 0 : i32
      %dma_start3A_250 = arith.constant 0 : i32
      %dma_start3A_251 = tpu.memref_slice %arg5[%dma_start3A_248, %dma_start3A_249, %dma_start3A_250] : memref<3x16x1024xf32, #tpu.memory_space<vmem>> -> memref<1x16x1024xf32, #tpu.memory_space<vmem>>
      %dma_start3A_252 = tpu.memref_squeeze %dma_start3A_251 : memref<1x16x1024xf32, #tpu.memory_space<vmem>> -> memref<16x1024xf32, #tpu.memory_space<vmem>>
      %dma_start3A_253 = arith.constant 0 : i32
      %dma_start3A_254 = tpu.memref_slice %arg3[%add3A_247, %dma_start3A_253] : memref<32768x1024xf32, #tpu.memory_space<hbm>> -> memref<16x1024xf32, #tpu.memory_space<hbm>>
      %dma_start3A_255 = arith.constant 0 : i32
      %dma_start3A_256 = tpu.memref_slice %arg3[%add3A_247, %dma_start3A_255] : memref<32768x1024xf32, #tpu.memory_space<hbm>> -> memref<16x1024xf32, #tpu.memory_space<hbm>>
      %dma_start3A_257 = arith.constant 0 : i32
      %dma_start3A_258 = arith.constant 0 : i32
      %dma_start3A_259 = tpu.memref_slice %arg5[%dma_start3A_248, %dma_start3A_257, %dma_start3A_258] : memref<3x16x1024xf32, #tpu.memory_space<vmem>> -> memref<1x16x1024xf32, #tpu.memory_space<vmem>>
      %dma_start3A_260 = tpu.memref_squeeze %dma_start3A_259 : memref<1x16x1024xf32, #tpu.memory_space<vmem>> -> memref<16x1024xf32, #tpu.memory_space<vmem>>
      tpu.enqueue_dma source(%dma_start3A_260 : memref<16x1024xf32, #tpu.memory_space<vmem>>) target(%dma_start3A_256 : memref<16x1024xf32, #tpu.memory_space<hbm>>) target_semaphore(%arg14 : memref<!tpu.dma_semaphore, #tpu.memory_space<semaphore_mem>>)
      %add3A_261 = arith.constant 32 : i32
      %add3A_262 = arith.addi %add3A_7, %add3A_261 : i32
      %dma_wait3A_263 = arith.constant 2 : i32
      %dma_wait3A_264 = arith.constant 0 : i32
      %dma_wait3A_265 = arith.constant 0 : i32
      %dma_wait3A_266 = tpu.memref_slice %arg5[%dma_wait3A_263, %dma_wait3A_264, %dma_wait3A_265] : memref<3x16x1024xf32, #tpu.memory_space<vmem>> -> memref<1x16x1024xf32, #tpu.memory_space<vmem>>
      %dma_wait3A_267 = tpu.memref_squeeze %dma_wait3A_266 : memref<1x16x1024xf32, #tpu.memory_space<vmem>> -> memref<16x1024xf32, #tpu.memory_space<vmem>>
      %dma_wait3A_268 = arith.constant 0 : i32
      %dma_wait3A_269 = tpu.memref_slice %arg3[%add3A_262, %dma_wait3A_268] : memref<32768x1024xf32, #tpu.memory_space<hbm>> -> memref<16x1024xf32, #tpu.memory_space<hbm>>
      %dma_wait3A_270 = arith.constant 0 : i32
      %dma_wait3A_271 = tpu.memref_slice %arg3[%add3A_262, %dma_wait3A_270] : memref<32768x1024xf32, #tpu.memory_space<hbm>> -> memref<16x1024xf32, #tpu.memory_space<hbm>>
      %dma_wait3A_272 = arith.constant 0 : i32
      %dma_wait3A_273 = arith.constant 0 : i32
      %dma_wait3A_274 = tpu.memref_slice %arg5[%dma_wait3A_263, %dma_wait3A_272, %dma_wait3A_273] : memref<3x16x1024xf32, #tpu.memory_space<vmem>> -> memref<1x16x1024xf32, #tpu.memory_space<vmem>>
      %dma_wait3A_275 = tpu.memref_squeeze %dma_wait3A_274 : memref<1x16x1024xf32, #tpu.memory_space<vmem>> -> memref<16x1024xf32, #tpu.memory_space<vmem>>
      tpu.wait_dma2 semaphore(%arg15 : memref<!tpu.dma_semaphore, #tpu.memory_space<semaphore_mem>>) src(%dma_wait3A_275 : memref<16x1024xf32, #tpu.memory_space<vmem>>) dst(%dma_wait3A_271 : memref<16x1024xf32, #tpu.memory_space<hbm>>)
      %add3A_276 = arith.constant 80 : i32
      %add3A_277 = arith.addi %add3A_7, %add3A_276 : i32
      %dma_start3A_278 = arith.constant 2 : i32
      %dma_start3A_279 = arith.constant 0 : i32
      %dma_start3A_280 = arith.constant 0 : i32
      %dma_start3A_281 = tpu.memref_slice %arg5[%dma_start3A_278, %dma_start3A_279, %dma_start3A_280] : memref<3x16x1024xf32, #tpu.memory_space<vmem>> -> memref<1x16x1024xf32, #tpu.memory_space<vmem>>
      %dma_start3A_282 = tpu.memref_squeeze %dma_start3A_281 : memref<1x16x1024xf32, #tpu.memory_space<vmem>> -> memref<16x1024xf32, #tpu.memory_space<vmem>>
      %dma_start3A_283 = arith.constant 0 : i32
      %dma_start3A_284 = tpu.memref_slice %arg2[%add3A_277, %dma_start3A_283] : memref<32768x1024xf32, #tpu.memory_space<hbm>> -> memref<16x1024xf32, #tpu.memory_space<hbm>>
      %dma_start3A_285 = arith.constant 0 : i32
      %dma_start3A_286 = arith.constant 0 : i32
      %dma_start3A_287 = tpu.memref_slice %arg5[%dma_start3A_278, %dma_start3A_285, %dma_start3A_286] : memref<3x16x1024xf32, #tpu.memory_space<vmem>> -> memref<1x16x1024xf32, #tpu.memory_space<vmem>>
      %dma_start3A_288 = tpu.memref_squeeze %dma_start3A_287 : memref<1x16x1024xf32, #tpu.memory_space<vmem>> -> memref<16x1024xf32, #tpu.memory_space<vmem>>
      %dma_start3A_289 = arith.constant 0 : i32
      %dma_start3A_290 = tpu.memref_slice %arg2[%add3A_277, %dma_start3A_289] : memref<32768x1024xf32, #tpu.memory_space<hbm>> -> memref<16x1024xf32, #tpu.memory_space<hbm>>
      tpu.enqueue_dma source(%dma_start3A_290 : memref<16x1024xf32, #tpu.memory_space<hbm>>) target(%dma_start3A_288 : memref<16x1024xf32, #tpu.memory_space<vmem>>) target_semaphore(%arg12 : memref<!tpu.dma_semaphore, #tpu.memory_space<semaphore_mem>>)
      %add3A_291 = arith.constant 80 : i32
      %add3A_292 = arith.addi %add3A_7, %add3A_291 : i32
      %dma_wait3A_293 = arith.constant 2 : i32
      %dma_wait3A_294 = arith.constant 0 : i32
      %dma_wait3A_295 = arith.constant 0 : i32
      %dma_wait3A_296 = tpu.memref_slice %arg5[%dma_wait3A_293, %dma_wait3A_294, %dma_wait3A_295] : memref<3x16x1024xf32, #tpu.memory_space<vmem>> -> memref<1x16x1024xf32, #tpu.memory_space<vmem>>
      %dma_wait3A_297 = tpu.memref_squeeze %dma_wait3A_296 : memref<1x16x1024xf32, #tpu.memory_space<vmem>> -> memref<16x1024xf32, #tpu.memory_space<vmem>>
      %dma_wait3A_298 = arith.constant 0 : i32
      %dma_wait3A_299 = tpu.memref_slice %arg2[%add3A_292, %dma_wait3A_298] : memref<32768x1024xf32, #tpu.memory_space<hbm>> -> memref<16x1024xf32, #tpu.memory_space<hbm>>
      %dma_wait3A_300 = arith.constant 0 : i32
      %dma_wait3A_301 = arith.constant 0 : i32
      %dma_wait3A_302 = tpu.memref_slice %arg5[%dma_wait3A_293, %dma_wait3A_300, %dma_wait3A_301] : memref<3x16x1024xf32, #tpu.memory_space<vmem>> -> memref<1x16x1024xf32, #tpu.memory_space<vmem>>
      %dma_wait3A_303 = tpu.memref_squeeze %dma_wait3A_302 : memref<1x16x1024xf32, #tpu.memory_space<vmem>> -> memref<16x1024xf32, #tpu.memory_space<vmem>>
      %dma_wait3A_304 = arith.constant 0 : i32
      %dma_wait3A_305 = tpu.memref_slice %arg2[%add3A_292, %dma_wait3A_304] : memref<32768x1024xf32, #tpu.memory_space<hbm>> -> memref<16x1024xf32, #tpu.memory_space<hbm>>
      tpu.wait_dma2 semaphore(%arg12 : memref<!tpu.dma_semaphore, #tpu.memory_space<semaphore_mem>>) src(%dma_wait3A_305 : memref<16x1024xf32, #tpu.memory_space<hbm>>) dst(%dma_wait3A_303 : memref<16x1024xf32, #tpu.memory_space<vmem>>)
      %add3A_306 = arith.constant 80 : i32
      %add3A_307 = arith.addi %add3A_7, %add3A_306 : i32
      %dma_start3A_308 = arith.constant 2 : i32
      %dma_start3A_309 = arith.constant 0 : i32
      %dma_start3A_310 = arith.constant 0 : i32
      %dma_start3A_311 = tpu.memref_slice %arg5[%dma_start3A_308, %dma_start3A_309, %dma_start3A_310] : memref<3x16x1024xf32, #tpu.memory_space<vmem>> -> memref<1x16x1024xf32, #tpu.memory_space<vmem>>
      %dma_start3A_312 = tpu.memref_squeeze %dma_start3A_311 : memref<1x16x1024xf32, #tpu.memory_space<vmem>> -> memref<16x1024xf32, #tpu.memory_space<vmem>>
      %dma_start3A_313 = arith.constant 0 : i32
      %dma_start3A_314 = tpu.memref_slice %arg3[%add3A_307, %dma_start3A_313] : memref<32768x1024xf32, #tpu.memory_space<hbm>> -> memref<16x1024xf32, #tpu.memory_space<hbm>>
      %dma_start3A_315 = arith.constant 0 : i32
      %dma_start3A_316 = tpu.memref_slice %arg3[%add3A_307, %dma_start3A_315] : memref<32768x1024xf32, #tpu.memory_space<hbm>> -> memref<16x1024xf32, #tpu.memory_space<hbm>>
      %dma_start3A_317 = arith.constant 0 : i32
      %dma_start3A_318 = arith.constant 0 : i32
      %dma_start3A_319 = tpu.memref_slice %arg5[%dma_start3A_308, %dma_start3A_317, %dma_start3A_318] : memref<3x16x1024xf32, #tpu.memory_space<vmem>> -> memref<1x16x1024xf32, #tpu.memory_space<vmem>>
      %dma_start3A_320 = tpu.memref_squeeze %dma_start3A_319 : memref<1x16x1024xf32, #tpu.memory_space<vmem>> -> memref<16x1024xf32, #tpu.memory_space<vmem>>
      tpu.enqueue_dma source(%dma_start3A_320 : memref<16x1024xf32, #tpu.memory_space<vmem>>) target(%dma_start3A_316 : memref<16x1024xf32, #tpu.memory_space<hbm>>) target_semaphore(%arg15 : memref<!tpu.dma_semaphore, #tpu.memory_space<semaphore_mem>>)
      %add3A_321 = arith.constant 48 : i32
      %add3A_322 = arith.addi %add3A_7, %add3A_321 : i32
      %dma_wait3A_323 = arith.constant 0 : i32
      %dma_wait3A_324 = arith.constant 0 : i32
      %dma_wait3A_325 = arith.constant 0 : i32
      %dma_wait3A_326 = tpu.memref_slice %arg5[%dma_wait3A_323, %dma_wait3A_324, %dma_wait3A_325] : memref<3x16x1024xf32, #tpu.memory_space<vmem>> -> memref<1x16x1024xf32, #tpu.memory_space<vmem>>
      %dma_wait3A_327 = tpu.memref_squeeze %dma_wait3A_326 : memref<1x16x1024xf32, #tpu.memory_space<vmem>> -> memref<16x1024xf32, #tpu.memory_space<vmem>>
      %dma_wait3A_328 = arith.constant 0 : i32
      %dma_wait3A_329 = tpu.memref_slice %arg3[%add3A_322, %dma_wait3A_328] : memref<32768x1024xf32, #tpu.memory_space<hbm>> -> memref<16x1024xf32, #tpu.memory_space<hbm>>
      %dma_wait3A_330 = arith.constant 0 : i32
      %dma_wait3A_331 = tpu.memref_slice %arg3[%add3A_322, %dma_wait3A_330] : memref<32768x1024xf32, #tpu.memory_space<hbm>> -> memref<16x1024xf32, #tpu.memory_space<hbm>>
      %dma_wait3A_332 = arith.constant 0 : i32
      %dma_wait3A_333 = arith.constant 0 : i32
      %dma_wait3A_334 = tpu.memref_slice %arg5[%dma_wait3A_323, %dma_wait3A_332, %dma_wait3A_333] : memref<3x16x1024xf32, #tpu.memory_space<vmem>> -> memref<1x16x1024xf32, #tpu.memory_space<vmem>>
      %dma_wait3A_335 = tpu.memref_squeeze %dma_wait3A_334 : memref<1x16x1024xf32, #tpu.memory_space<vmem>> -> memref<16x1024xf32, #tpu.memory_space<vmem>>
      tpu.wait_dma2 semaphore(%arg13 : memref<!tpu.dma_semaphore, #tpu.memory_space<semaphore_mem>>) src(%dma_wait3A_335 : memref<16x1024xf32, #tpu.memory_space<vmem>>) dst(%dma_wait3A_331 : memref<16x1024xf32, #tpu.memory_space<hbm>>)
      %add3A_336 = arith.constant 96 : i32
      %add3A_337 = arith.addi %add3A_7, %add3A_336 : i32
      %dma_start3A_338 = arith.constant 0 : i32
      %dma_start3A_339 = arith.constant 0 : i32
      %dma_start3A_340 = arith.constant 0 : i32
      %dma_start3A_341 = tpu.memref_slice %arg5[%dma_start3A_338, %dma_start3A_339, %dma_start3A_340] : memref<3x16x1024xf32, #tpu.memory_space<vmem>> -> memref<1x16x1024xf32, #tpu.memory_space<vmem>>
      %dma_start3A_342 = tpu.memref_squeeze %dma_start3A_341 : memref<1x16x1024xf32, #tpu.memory_space<vmem>> -> memref<16x1024xf32, #tpu.memory_space<vmem>>
      %dma_start3A_343 = arith.constant 0 : i32
      %dma_start3A_344 = tpu.memref_slice %arg2[%add3A_337, %dma_start3A_343] : memref<32768x1024xf32, #tpu.memory_space<hbm>> -> memref<16x1024xf32, #tpu.memory_space<hbm>>
      %dma_start3A_345 = arith.constant 0 : i32
      %dma_start3A_346 = arith.constant 0 : i32
      %dma_start3A_347 = tpu.memref_slice %arg5[%dma_start3A_338, %dma_start3A_345, %dma_start3A_346] : memref<3x16x1024xf32, #tpu.memory_space<vmem>> -> memref<1x16x1024xf32, #tpu.memory_space<vmem>>
      %dma_start3A_348 = tpu.memref_squeeze %dma_start3A_347 : memref<1x16x1024xf32, #tpu.memory_space<vmem>> -> memref<16x1024xf32, #tpu.memory_space<vmem>>
      %dma_start3A_349 = arith.constant 0 : i32
      %dma_start3A_350 = tpu.memref_slice %arg2[%add3A_337, %dma_start3A_349] : memref<32768x1024xf32, #tpu.memory_space<hbm>> -> memref<16x1024xf32, #tpu.memory_space<hbm>>
      tpu.enqueue_dma source(%dma_start3A_350 : memref<16x1024xf32, #tpu.memory_space<hbm>>) target(%dma_start3A_348 : memref<16x1024xf32, #tpu.memory_space<vmem>>) target_semaphore(%arg10 : memref<!tpu.dma_semaphore, #tpu.memory_space<semaphore_mem>>)
      %add3A_351 = arith.constant 96 : i32
      %add3A_352 = arith.addi %add3A_7, %add3A_351 : i32
      %dma_wait3A_353 = arith.constant 0 : i32
      %dma_wait3A_354 = arith.constant 0 : i32
      %dma_wait3A_355 = arith.constant 0 : i32
      %dma_wait3A_356 = tpu.memref_slice %arg5[%dma_wait3A_353, %dma_wait3A_354, %dma_wait3A_355] : memref<3x16x1024xf32, #tpu.memory_space<vmem>> -> memref<1x16x1024xf32, #tpu.memory_space<vmem>>
      %dma_wait3A_357 = tpu.memref_squeeze %dma_wait3A_356 : memref<1x16x1024xf32, #tpu.memory_space<vmem>> -> memref<16x1024xf32, #tpu.memory_space<vmem>>
      %dma_wait3A_358 = arith.constant 0 : i32
      %dma_wait3A_359 = tpu.memref_slice %arg2[%add3A_352, %dma_wait3A_358] : memref<32768x1024xf32, #tpu.memory_space<hbm>> -> memref<16x1024xf32, #tpu.memory_space<hbm>>
      %dma_wait3A_360 = arith.constant 0 : i32
      %dma_wait3A_361 = arith.constant 0 : i32
      %dma_wait3A_362 = tpu.memref_slice %arg5[%dma_wait3A_353, %dma_wait3A_360, %dma_wait3A_361] : memref<3x16x1024xf32, #tpu.memory_space<vmem>> -> memref<1x16x1024xf32, #tpu.memory_space<vmem>>
      %dma_wait3A_363 = tpu.memref_squeeze %dma_wait3A_362 : memref<1x16x1024xf32, #tpu.memory_space<vmem>> -> memref<16x1024xf32, #tpu.memory_space<vmem>>
      %dma_wait3A_364 = arith.constant 0 : i32
      %dma_wait3A_365 = tpu.memref_slice %arg2[%add3A_352, %dma_wait3A_364] : memref<32768x1024xf32, #tpu.memory_space<hbm>> -> memref<16x1024xf32, #tpu.memory_space<hbm>>
      tpu.wait_dma2 semaphore(%arg10 : memref<!tpu.dma_semaphore, #tpu.memory_space<semaphore_mem>>) src(%dma_wait3A_365 : memref<16x1024xf32, #tpu.memory_space<hbm>>) dst(%dma_wait3A_363 : memref<16x1024xf32, #tpu.memory_space<vmem>>)
      %add3A_366 = arith.constant 96 : i32
      %add3A_367 = arith.addi %add3A_7, %add3A_366 : i32
      %dma_start3A_368 = arith.constant 0 : i32
      %dma_start3A_369 = arith.constant 0 : i32
      %dma_start3A_370 = arith.constant 0 : i32
      %dma_start3A_371 = tpu.memref_slice %arg5[%dma_start3A_368, %dma_start3A_369, %dma_start3A_370] : memref<3x16x1024xf32, #tpu.memory_space<vmem>> -> memref<1x16x1024xf32, #tpu.memory_space<vmem>>
      %dma_start3A_372 = tpu.memref_squeeze %dma_start3A_371 : memref<1x16x1024xf32, #tpu.memory_space<vmem>> -> memref<16x1024xf32, #tpu.memory_space<vmem>>
      %dma_start3A_373 = arith.constant 0 : i32
      %dma_start3A_374 = tpu.memref_slice %arg3[%add3A_367, %dma_start3A_373] : memref<32768x1024xf32, #tpu.memory_space<hbm>> -> memref<16x1024xf32, #tpu.memory_space<hbm>>
      %dma_start3A_375 = arith.constant 0 : i32
      %dma_start3A_376 = tpu.memref_slice %arg3[%add3A_367, %dma_start3A_375] : memref<32768x1024xf32, #tpu.memory_space<hbm>> -> memref<16x1024xf32, #tpu.memory_space<hbm>>
      %dma_start3A_377 = arith.constant 0 : i32
      %dma_start3A_378 = arith.constant 0 : i32
      %dma_start3A_379 = tpu.memref_slice %arg5[%dma_start3A_368, %dma_start3A_377, %dma_start3A_378] : memref<3x16x1024xf32, #tpu.memory_space<vmem>> -> memref<1x16x1024xf32, #tpu.memory_space<vmem>>
      %dma_start3A_380 = tpu.memref_squeeze %dma_start3A_379 : memref<1x16x1024xf32, #tpu.memory_space<vmem>> -> memref<16x1024xf32, #tpu.memory_space<vmem>>
      tpu.enqueue_dma source(%dma_start3A_380 : memref<16x1024xf32, #tpu.memory_space<vmem>>) target(%dma_start3A_376 : memref<16x1024xf32, #tpu.memory_space<hbm>>) target_semaphore(%arg13 : memref<!tpu.dma_semaphore, #tpu.memory_space<semaphore_mem>>)
      %add3A_381 = arith.constant 64 : i32
      %add3A_382 = arith.addi %add3A_7, %add3A_381 : i32
      %dma_wait3A_383 = arith.constant 1 : i32
      %dma_wait3A_384 = arith.constant 0 : i32
      %dma_wait3A_385 = arith.constant 0 : i32
      %dma_wait3A_386 = tpu.memref_slice %arg5[%dma_wait3A_383, %dma_wait3A_384, %dma_wait3A_385] : memref<3x16x1024xf32, #tpu.memory_space<vmem>> -> memref<1x16x1024xf32, #tpu.memory_space<vmem>>
      %dma_wait3A_387 = tpu.memref_squeeze %dma_wait3A_386 : memref<1x16x1024xf32, #tpu.memory_space<vmem>> -> memref<16x1024xf32, #tpu.memory_space<vmem>>
      %dma_wait3A_388 = arith.constant 0 : i32
      %dma_wait3A_389 = tpu.memref_slice %arg3[%add3A_382, %dma_wait3A_388] : memref<32768x1024xf32, #tpu.memory_space<hbm>> -> memref<16x1024xf32, #tpu.memory_space<hbm>>
      %dma_wait3A_390 = arith.constant 0 : i32
      %dma_wait3A_391 = tpu.memref_slice %arg3[%add3A_382, %dma_wait3A_390] : memref<32768x1024xf32, #tpu.memory_space<hbm>> -> memref<16x1024xf32, #tpu.memory_space<hbm>>
      %dma_wait3A_392 = arith.constant 0 : i32
      %dma_wait3A_393 = arith.constant 0 : i32
      %dma_wait3A_394 = tpu.memref_slice %arg5[%dma_wait3A_383, %dma_wait3A_392, %dma_wait3A_393] : memref<3x16x1024xf32, #tpu.memory_space<vmem>> -> memref<1x16x1024xf32, #tpu.memory_space<vmem>>
      %dma_wait3A_395 = tpu.memref_squeeze %dma_wait3A_394 : memref<1x16x1024xf32, #tpu.memory_space<vmem>> -> memref<16x1024xf32, #tpu.memory_space<vmem>>
      tpu.wait_dma2 semaphore(%arg14 : memref<!tpu.dma_semaphore, #tpu.memory_space<semaphore_mem>>) src(%dma_wait3A_395 : memref<16x1024xf32, #tpu.memory_space<vmem>>) dst(%dma_wait3A_391 : memref<16x1024xf32, #tpu.memory_space<hbm>>)
      %add3A_396 = arith.constant 112 : i32
      %add3A_397 = arith.addi %add3A_7, %add3A_396 : i32
      %dma_start3A_398 = arith.constant 1 : i32
      %dma_start3A_399 = arith.constant 0 : i32
      %dma_start3A_400 = arith.constant 0 : i32
      %dma_start3A_401 = tpu.memref_slice %arg5[%dma_start3A_398, %dma_start3A_399, %dma_start3A_400] : memref<3x16x1024xf32, #tpu.memory_space<vmem>> -> memref<1x16x1024xf32, #tpu.memory_space<vmem>>
      %dma_start3A_402 = tpu.memref_squeeze %dma_start3A_401 : memref<1x16x1024xf32, #tpu.memory_space<vmem>> -> memref<16x1024xf32, #tpu.memory_space<vmem>>
      %dma_start3A_403 = arith.constant 0 : i32
      %dma_start3A_404 = tpu.memref_slice %arg2[%add3A_397, %dma_start3A_403] : memref<32768x1024xf32, #tpu.memory_space<hbm>> -> memref<16x1024xf32, #tpu.memory_space<hbm>>
      %dma_start3A_405 = arith.constant 0 : i32
      %dma_start3A_406 = arith.constant 0 : i32
      %dma_start3A_407 = tpu.memref_slice %arg5[%dma_start3A_398, %dma_start3A_405, %dma_start3A_406] : memref<3x16x1024xf32, #tpu.memory_space<vmem>> -> memref<1x16x1024xf32, #tpu.memory_space<vmem>>
      %dma_start3A_408 = tpu.memref_squeeze %dma_start3A_407 : memref<1x16x1024xf32, #tpu.memory_space<vmem>> -> memref<16x1024xf32, #tpu.memory_space<vmem>>
      %dma_start3A_409 = arith.constant 0 : i32
      %dma_start3A_410 = tpu.memref_slice %arg2[%add3A_397, %dma_start3A_409] : memref<32768x1024xf32, #tpu.memory_space<hbm>> -> memref<16x1024xf32, #tpu.memory_space<hbm>>
      tpu.enqueue_dma source(%dma_start3A_410 : memref<16x1024xf32, #tpu.memory_space<hbm>>) target(%dma_start3A_408 : memref<16x1024xf32, #tpu.memory_space<vmem>>) target_semaphore(%arg11 : memref<!tpu.dma_semaphore, #tpu.memory_space<semaphore_mem>>)
      %add3A_411 = arith.constant 112 : i32
      %add3A_412 = arith.addi %add3A_7, %add3A_411 : i32
      %dma_wait3A_413 = arith.constant 1 : i32
      %dma_wait3A_414 = arith.constant 0 : i32
      %dma_wait3A_415 = arith.constant 0 : i32
      %dma_wait3A_416 = tpu.memref_slice %arg5[%dma_wait3A_413, %dma_wait3A_414, %dma_wait3A_415] : memref<3x16x1024xf32, #tpu.memory_space<vmem>> -> memref<1x16x1024xf32, #tpu.memory_space<vmem>>
      %dma_wait3A_417 = tpu.memref_squeeze %dma_wait3A_416 : memref<1x16x1024xf32, #tpu.memory_space<vmem>> -> memref<16x1024xf32, #tpu.memory_space<vmem>>
      %dma_wait3A_418 = arith.constant 0 : i32
      %dma_wait3A_419 = tpu.memref_slice %arg2[%add3A_412, %dma_wait3A_418] : memref<32768x1024xf32, #tpu.memory_space<hbm>> -> memref<16x1024xf32, #tpu.memory_space<hbm>>
      %dma_wait3A_420 = arith.constant 0 : i32
      %dma_wait3A_421 = arith.constant 0 : i32
      %dma_wait3A_422 = tpu.memref_slice %arg5[%dma_wait3A_413, %dma_wait3A_420, %dma_wait3A_421] : memref<3x16x1024xf32, #tpu.memory_space<vmem>> -> memref<1x16x1024xf32, #tpu.memory_space<vmem>>
      %dma_wait3A_423 = tpu.memref_squeeze %dma_wait3A_422 : memref<1x16x1024xf32, #tpu.memory_space<vmem>> -> memref<16x1024xf32, #tpu.memory_space<vmem>>
      %dma_wait3A_424 = arith.constant 0 : i32
      %dma_wait3A_425 = tpu.memref_slice %arg2[%add3A_412, %dma_wait3A_424] : memref<32768x1024xf32, #tpu.memory_space<hbm>> -> memref<16x1024xf32, #tpu.memory_space<hbm>>
      tpu.wait_dma2 semaphore(%arg11 : memref<!tpu.dma_semaphore, #tpu.memory_space<semaphore_mem>>) src(%dma_wait3A_425 : memref<16x1024xf32, #tpu.memory_space<hbm>>) dst(%dma_wait3A_423 : memref<16x1024xf32, #tpu.memory_space<vmem>>)
      %add3A_426 = arith.constant 112 : i32
      %add3A_427 = arith.addi %add3A_7, %add3A_426 : i32
      %dma_start3A_428 = arith.constant 1 : i32
      %dma_start3A_429 = arith.constant 0 : i32
      %dma_start3A_430 = arith.constant 0 : i32
      %dma_start3A_431 = tpu.memref_slice %arg5[%dma_start3A_428, %dma_start3A_429, %dma_start3A_430] : memref<3x16x1024xf32, #tpu.memory_space<vmem>> -> memref<1x16x1024xf32, #tpu.memory_space<vmem>>
      %dma_start3A_432 = tpu.memref_squeeze %dma_start3A_431 : memref<1x16x1024xf32, #tpu.memory_space<vmem>> -> memref<16x1024xf32, #tpu.memory_space<vmem>>
      %dma_start3A_433 = arith.constant 0 : i32
      %dma_start3A_434 = tpu.memref_slice %arg3[%add3A_427, %dma_start3A_433] : memref<32768x1024xf32, #tpu.memory_space<hbm>> -> memref<16x1024xf32, #tpu.memory_space<hbm>>
      %dma_start3A_435 = arith.constant 0 : i32
      %dma_start3A_436 = tpu.memref_slice %arg3[%add3A_427, %dma_start3A_435] : memref<32768x1024xf32, #tpu.memory_space<hbm>> -> memref<16x1024xf32, #tpu.memory_space<hbm>>
      %dma_start3A_437 = arith.constant 0 : i32
      %dma_start3A_438 = arith.constant 0 : i32
      %dma_start3A_439 = tpu.memref_slice %arg5[%dma_start3A_428, %dma_start3A_437, %dma_start3A_438] : memref<3x16x1024xf32, #tpu.memory_space<vmem>> -> memref<1x16x1024xf32, #tpu.memory_space<vmem>>
      %dma_start3A_440 = tpu.memref_squeeze %dma_start3A_439 : memref<1x16x1024xf32, #tpu.memory_space<vmem>> -> memref<16x1024xf32, #tpu.memory_space<vmem>>
      tpu.enqueue_dma source(%dma_start3A_440 : memref<16x1024xf32, #tpu.memory_space<vmem>>) target(%dma_start3A_436 : memref<16x1024xf32, #tpu.memory_space<hbm>>) target_semaphore(%arg14 : memref<!tpu.dma_semaphore, #tpu.memory_space<semaphore_mem>>)
      %add3A_441 = arith.constant 80 : i32
      %add3A_442 = arith.addi %add3A_7, %add3A_441 : i32
      %dma_wait3A_443 = arith.constant 2 : i32
      %dma_wait3A_444 = arith.constant 0 : i32
      %dma_wait3A_445 = arith.constant 0 : i32
      %dma_wait3A_446 = tpu.memref_slice %arg5[%dma_wait3A_443, %dma_wait3A_444, %dma_wait3A_445] : memref<3x16x1024xf32, #tpu.memory_space<vmem>> -> memref<1x16x1024xf32, #tpu.memory_space<vmem>>
      %dma_wait3A_447 = tpu.memref_squeeze %dma_wait3A_446 : memref<1x16x1024xf32, #tpu.memory_space<vmem>> -> memref<16x1024xf32, #tpu.memory_space<vmem>>
      %dma_wait3A_448 = arith.constant 0 : i32
      %dma_wait3A_449 = tpu.memref_slice %arg3[%add3A_442, %dma_wait3A_448] : memref<32768x1024xf32, #tpu.memory_space<hbm>> -> memref<16x1024xf32, #tpu.memory_space<hbm>>
      %dma_wait3A_450 = arith.constant 0 : i32
      %dma_wait3A_451 = tpu.memref_slice %arg3[%add3A_442, %dma_wait3A_450] : memref<32768x1024xf32, #tpu.memory_space<hbm>> -> memref<16x1024xf32, #tpu.memory_space<hbm>>
      %dma_wait3A_452 = arith.constant 0 : i32
      %dma_wait3A_453 = arith.constant 0 : i32
      %dma_wait3A_454 = tpu.memref_slice %arg5[%dma_wait3A_443, %dma_wait3A_452, %dma_wait3A_453] : memref<3x16x1024xf32, #tpu.memory_space<vmem>> -> memref<1x16x1024xf32, #tpu.memory_space<vmem>>
      %dma_wait3A_455 = tpu.memref_squeeze %dma_wait3A_454 : memref<1x16x1024xf32, #tpu.memory_space<vmem>> -> memref<16x1024xf32, #tpu.memory_space<vmem>>
      tpu.wait_dma2 semaphore(%arg15 : memref<!tpu.dma_semaphore, #tpu.memory_space<semaphore_mem>>) src(%dma_wait3A_455 : memref<16x1024xf32, #tpu.memory_space<vmem>>) dst(%dma_wait3A_451 : memref<16x1024xf32, #tpu.memory_space<hbm>>)
      %add3A_456 = arith.constant 128 : i32
      %add3A_457 = arith.addi %add3A_7, %add3A_456 : i32
      %dma_start3A_458 = arith.constant 2 : i32
      %dma_start3A_459 = arith.constant 0 : i32
      %dma_start3A_460 = arith.constant 0 : i32
      %dma_start3A_461 = tpu.memref_slice %arg5[%dma_start3A_458, %dma_start3A_459, %dma_start3A_460] : memref<3x16x1024xf32, #tpu.memory_space<vmem>> -> memref<1x16x1024xf32, #tpu.memory_space<vmem>>
      %dma_start3A_462 = tpu.memref_squeeze %dma_start3A_461 : memref<1x16x1024xf32, #tpu.memory_space<vmem>> -> memref<16x1024xf32, #tpu.memory_space<vmem>>
      %dma_start3A_463 = arith.constant 0 : i32
      %dma_start3A_464 = tpu.memref_slice %arg2[%add3A_457, %dma_start3A_463] : memref<32768x1024xf32, #tpu.memory_space<hbm>> -> memref<16x1024xf32, #tpu.memory_space<hbm>>
      %dma_start3A_465 = arith.constant 0 : i32
      %dma_start3A_466 = arith.constant 0 : i32
      %dma_start3A_467 = tpu.memref_slice %arg5[%dma_start3A_458, %dma_start3A_465, %dma_start3A_466] : memref<3x16x1024xf32, #tpu.memory_space<vmem>> -> memref<1x16x1024xf32, #tpu.memory_space<vmem>>
      %dma_start3A_468 = tpu.memref_squeeze %dma_start3A_467 : memref<1x16x1024xf32, #tpu.memory_space<vmem>> -> memref<16x1024xf32, #tpu.memory_space<vmem>>
      %dma_start3A_469 = arith.constant 0 : i32
      %dma_start3A_470 = tpu.memref_slice %arg2[%add3A_457, %dma_start3A_469] : memref<32768x1024xf32, #tpu.memory_space<hbm>> -> memref<16x1024xf32, #tpu.memory_space<hbm>>
      tpu.enqueue_dma source(%dma_start3A_470 : memref<16x1024xf32, #tpu.memory_space<hbm>>) target(%dma_start3A_468 : memref<16x1024xf32, #tpu.memory_space<vmem>>) target_semaphore(%arg12 : memref<!tpu.dma_semaphore, #tpu.memory_space<semaphore_mem>>)
      %add3A_471 = arith.constant 128 : i32
      %add3A_472 = arith.addi %add3A_7, %add3A_471 : i32
      %dma_wait3A_473 = arith.constant 2 : i32
      %dma_wait3A_474 = arith.constant 0 : i32
      %dma_wait3A_475 = arith.constant 0 : i32
      %dma_wait3A_476 = tpu.memref_slice %arg5[%dma_wait3A_473, %dma_wait3A_474, %dma_wait3A_475] : memref<3x16x1024xf32, #tpu.memory_space<vmem>> -> memref<1x16x1024xf32, #tpu.memory_space<vmem>>
      %dma_wait3A_477 = tpu.memref_squeeze %dma_wait3A_476 : memref<1x16x1024xf32, #tpu.memory_space<vmem>> -> memref<16x1024xf32, #tpu.memory_space<vmem>>
      %dma_wait3A_478 = arith.constant 0 : i32
      %dma_wait3A_479 = tpu.memref_slice %arg2[%add3A_472, %dma_wait3A_478] : memref<32768x1024xf32, #tpu.memory_space<hbm>> -> memref<16x1024xf32, #tpu.memory_space<hbm>>
      %dma_wait3A_480 = arith.constant 0 : i32
      %dma_wait3A_481 = arith.constant 0 : i32
      %dma_wait3A_482 = tpu.memref_slice %arg5[%dma_wait3A_473, %dma_wait3A_480, %dma_wait3A_481] : memref<3x16x1024xf32, #tpu.memory_space<vmem>> -> memref<1x16x1024xf32, #tpu.memory_space<vmem>>
      %dma_wait3A_483 = tpu.memref_squeeze %dma_wait3A_482 : memref<1x16x1024xf32, #tpu.memory_space<vmem>> -> memref<16x1024xf32, #tpu.memory_space<vmem>>
      %dma_wait3A_484 = arith.constant 0 : i32
      %dma_wait3A_485 = tpu.memref_slice %arg2[%add3A_472, %dma_wait3A_484] : memref<32768x1024xf32, #tpu.memory_space<hbm>> -> memref<16x1024xf32, #tpu.memory_space<hbm>>
      tpu.wait_dma2 semaphore(%arg12 : memref<!tpu.dma_semaphore, #tpu.memory_space<semaphore_mem>>) src(%dma_wait3A_485 : memref<16x1024xf32, #tpu.memory_space<hbm>>) dst(%dma_wait3A_483 : memref<16x1024xf32, #tpu.memory_space<vmem>>)
      %add3A_486 = arith.constant 128 : i32
      %add3A_487 = arith.addi %add3A_7, %add3A_486 : i32
      %dma_start3A_488 = arith.constant 2 : i32
      %dma_start3A_489 = arith.constant 0 : i32
      %dma_start3A_490 = arith.constant 0 : i32
      %dma_start3A_491 = tpu.memref_slice %arg5[%dma_start3A_488, %dma_start3A_489, %dma_start3A_490] : memref<3x16x1024xf32, #tpu.memory_space<vmem>> -> memref<1x16x1024xf32, #tpu.memory_space<vmem>>
      %dma_start3A_492 = tpu.memref_squeeze %dma_start3A_491 : memref<1x16x1024xf32, #tpu.memory_space<vmem>> -> memref<16x1024xf32, #tpu.memory_space<vmem>>
      %dma_start3A_493 = arith.constant 0 : i32
      %dma_start3A_494 = tpu.memref_slice %arg3[%add3A_487, %dma_start3A_493] : memref<32768x1024xf32, #tpu.memory_space<hbm>> -> memref<16x1024xf32, #tpu.memory_space<hbm>>
      %dma_start3A_495 = arith.constant 0 : i32
      %dma_start3A_496 = tpu.memref_slice %arg3[%add3A_487, %dma_start3A_495] : memref<32768x1024xf32, #tpu.memory_space<hbm>> -> memref<16x1024xf32, #tpu.memory_space<hbm>>
      %dma_start3A_497 = arith.constant 0 : i32
      %dma_start3A_498 = arith.constant 0 : i32
      %dma_start3A_499 = tpu.memref_slice %arg5[%dma_start3A_488, %dma_start3A_497, %dma_start3A_498] : memref<3x16x1024xf32, #tpu.memory_space<vmem>> -> memref<1x16x1024xf32, #tpu.memory_space<vmem>>
      %dma_start3A_500 = tpu.memref_squeeze %dma_start3A_499 : memref<1x16x1024xf32, #tpu.memory_space<vmem>> -> memref<16x1024xf32, #tpu.memory_space<vmem>>
      tpu.enqueue_dma source(%dma_start3A_500 : memref<16x1024xf32, #tpu.memory_space<vmem>>) target(%dma_start3A_496 : memref<16x1024xf32, #tpu.memory_space<hbm>>) target_semaphore(%arg15 : memref<!tpu.dma_semaphore, #tpu.memory_space<semaphore_mem>>)
      %add3A_501 = arith.constant 96 : i32
      %add3A_502 = arith.addi %add3A_7, %add3A_501 : i32
      %dma_wait3A_503 = arith.constant 0 : i32
      %dma_wait3A_504 = arith.constant 0 : i32
      %dma_wait3A_505 = arith.constant 0 : i32
      %dma_wait3A_506 = tpu.memref_slice %arg5[%dma_wait3A_503, %dma_wait3A_504, %dma_wait3A_505] : memref<3x16x1024xf32, #tpu.memory_space<vmem>> -> memref<1x16x1024xf32, #tpu.memory_space<vmem>>
      %dma_wait3A_507 = tpu.memref_squeeze %dma_wait3A_506 : memref<1x16x1024xf32, #tpu.memory_space<vmem>> -> memref<16x1024xf32, #tpu.memory_space<vmem>>
      %dma_wait3A_508 = arith.constant 0 : i32
      %dma_wait3A_509 = tpu.memref_slice %arg3[%add3A_502, %dma_wait3A_508] : memref<32768x1024xf32, #tpu.memory_space<hbm>> -> memref<16x1024xf32, #tpu.memory_space<hbm>>
      %dma_wait3A_510 = arith.constant 0 : i32
      %dma_wait3A_511 = tpu.memref_slice %arg3[%add3A_502, %dma_wait3A_510] : memref<32768x1024xf32, #tpu.memory_space<hbm>> -> memref<16x1024xf32, #tpu.memory_space<hbm>>
      %dma_wait3A_512 = arith.constant 0 : i32
      %dma_wait3A_513 = arith.constant 0 : i32
      %dma_wait3A_514 = tpu.memref_slice %arg5[%dma_wait3A_503, %dma_wait3A_512, %dma_wait3A_513] : memref<3x16x1024xf32, #tpu.memory_space<vmem>> -> memref<1x16x1024xf32, #tpu.memory_space<vmem>>
      %dma_wait3A_515 = tpu.memref_squeeze %dma_wait3A_514 : memref<1x16x1024xf32, #tpu.memory_space<vmem>> -> memref<16x1024xf32, #tpu.memory_space<vmem>>
      tpu.wait_dma2 semaphore(%arg13 : memref<!tpu.dma_semaphore, #tpu.memory_space<semaphore_mem>>) src(%dma_wait3A_515 : memref<16x1024xf32, #tpu.memory_space<vmem>>) dst(%dma_wait3A_511 : memref<16x1024xf32, #tpu.memory_space<hbm>>)
      %add3A_516 = arith.constant 144 : i32
      %add3A_517 = arith.addi %add3A_7, %add3A_516 : i32
      %dma_start3A_518 = arith.constant 0 : i32
      %dma_start3A_519 = arith.constant 0 : i32
      %dma_start3A_520 = arith.constant 0 : i32
      %dma_start3A_521 = tpu.memref_slice %arg5[%dma_start3A_518, %dma_start3A_519, %dma_start3A_520] : memref<3x16x1024xf32, #tpu.memory_space<vmem>> -> memref<1x16x1024xf32, #tpu.memory_space<vmem>>
      %dma_start3A_522 = tpu.memref_squeeze %dma_start3A_521 : memref<1x16x1024xf32, #tpu.memory_space<vmem>> -> memref<16x1024xf32, #tpu.memory_space<vmem>>
      %dma_start3A_523 = arith.constant 0 : i32
      %dma_start3A_524 = tpu.memref_slice %arg2[%add3A_517, %dma_start3A_523] : memref<32768x1024xf32, #tpu.memory_space<hbm>> -> memref<16x1024xf32, #tpu.memory_space<hbm>>
      %dma_start3A_525 = arith.constant 0 : i32
      %dma_start3A_526 = arith.constant 0 : i32
      %dma_start3A_527 = tpu.memref_slice %arg5[%dma_start3A_518, %dma_start3A_525, %dma_start3A_526] : memref<3x16x1024xf32, #tpu.memory_space<vmem>> -> memref<1x16x1024xf32, #tpu.memory_space<vmem>>
      %dma_start3A_528 = tpu.memref_squeeze %dma_start3A_527 : memref<1x16x1024xf32, #tpu.memory_space<vmem>> -> memref<16x1024xf32, #tpu.memory_space<vmem>>
      %dma_start3A_529 = arith.constant 0 : i32
      %dma_start3A_530 = tpu.memref_slice %arg2[%add3A_517, %dma_start3A_529] : memref<32768x1024xf32, #tpu.memory_space<hbm>> -> memref<16x1024xf32, #tpu.memory_space<hbm>>
      tpu.enqueue_dma source(%dma_start3A_530 : memref<16x1024xf32, #tpu.memory_space<hbm>>) target(%dma_start3A_528 : memref<16x1024xf32, #tpu.memory_space<vmem>>) target_semaphore(%arg10 : memref<!tpu.dma_semaphore, #tpu.memory_space<semaphore_mem>>)
      %add3A_531 = arith.constant 144 : i32
      %add3A_532 = arith.addi %add3A_7, %add3A_531 : i32
      %dma_wait3A_533 = arith.constant 0 : i32
      %dma_wait3A_534 = arith.constant 0 : i32
      %dma_wait3A_535 = arith.constant 0 : i32
      %dma_wait3A_536 = tpu.memref_slice %arg5[%dma_wait3A_533, %dma_wait3A_534, %dma_wait3A_535] : memref<3x16x1024xf32, #tpu.memory_space<vmem>> -> memref<1x16x1024xf32, #tpu.memory_space<vmem>>
      %dma_wait3A_537 = tpu.memref_squeeze %dma_wait3A_536 : memref<1x16x1024xf32, #tpu.memory_space<vmem>> -> memref<16x1024xf32, #tpu.memory_space<vmem>>
      %dma_wait3A_538 = arith.constant 0 : i32
      %dma_wait3A_539 = tpu.memref_slice %arg2[%add3A_532, %dma_wait3A_538] : memref<32768x1024xf32, #tpu.memory_space<hbm>> -> memref<16x1024xf32, #tpu.memory_space<hbm>>
      %dma_wait3A_540 = arith.constant 0 : i32
      %dma_wait3A_541 = arith.constant 0 : i32
      %dma_wait3A_542 = tpu.memref_slice %arg5[%dma_wait3A_533, %dma_wait3A_540, %dma_wait3A_541] : memref<3x16x1024xf32, #tpu.memory_space<vmem>> -> memref<1x16x1024xf32, #tpu.memory_space<vmem>>
      %dma_wait3A_543 = tpu.memref_squeeze %dma_wait3A_542 : memref<1x16x1024xf32, #tpu.memory_space<vmem>> -> memref<16x1024xf32, #tpu.memory_space<vmem>>
      %dma_wait3A_544 = arith.constant 0 : i32
      %dma_wait3A_545 = tpu.memref_slice %arg2[%add3A_532, %dma_wait3A_544] : memref<32768x1024xf32, #tpu.memory_space<hbm>> -> memref<16x1024xf32, #tpu.memory_space<hbm>>
      tpu.wait_dma2 semaphore(%arg10 : memref<!tpu.dma_semaphore, #tpu.memory_space<semaphore_mem>>) src(%dma_wait3A_545 : memref<16x1024xf32, #tpu.memory_space<hbm>>) dst(%dma_wait3A_543 : memref<16x1024xf32, #tpu.memory_space<vmem>>)
      %add3A_546 = arith.constant 144 : i32
      %add3A_547 = arith.addi %add3A_7, %add3A_546 : i32
      %dma_start3A_548 = arith.constant 0 : i32
      %dma_start3A_549 = arith.constant 0 : i32
      %dma_start3A_550 = arith.constant 0 : i32
      %dma_start3A_551 = tpu.memref_slice %arg5[%dma_start3A_548, %dma_start3A_549, %dma_start3A_550] : memref<3x16x1024xf32, #tpu.memory_space<vmem>> -> memref<1x16x1024xf32, #tpu.memory_space<vmem>>
      %dma_start3A_552 = tpu.memref_squeeze %dma_start3A_551 : memref<1x16x1024xf32, #tpu.memory_space<vmem>> -> memref<16x1024xf32, #tpu.memory_space<vmem>>
      %dma_start3A_553 = arith.constant 0 : i32
      %dma_start3A_554 = tpu.memref_slice %arg3[%add3A_547, %dma_start3A_553] : memref<32768x1024xf32, #tpu.memory_space<hbm>> -> memref<16x1024xf32, #tpu.memory_space<hbm>>
      %dma_start3A_555 = arith.constant 0 : i32
      %dma_start3A_556 = tpu.memref_slice %arg3[%add3A_547, %dma_start3A_555] : memref<32768x1024xf32, #tpu.memory_space<hbm>> -> memref<16x1024xf32, #tpu.memory_space<hbm>>
      %dma_start3A_557 = arith.constant 0 : i32
      %dma_start3A_558 = arith.constant 0 : i32
      %dma_start3A_559 = tpu.memref_slice %arg5[%dma_start3A_548, %dma_start3A_557, %dma_start3A_558] : memref<3x16x1024xf32, #tpu.memory_space<vmem>> -> memref<1x16x1024xf32, #tpu.memory_space<vmem>>
      %dma_start3A_560 = tpu.memref_squeeze %dma_start3A_559 : memref<1x16x1024xf32, #tpu.memory_space<vmem>> -> memref<16x1024xf32, #tpu.memory_space<vmem>>
      tpu.enqueue_dma source(%dma_start3A_560 : memref<16x1024xf32, #tpu.memory_space<vmem>>) target(%dma_start3A_556 : memref<16x1024xf32, #tpu.memory_space<hbm>>) target_semaphore(%arg13 : memref<!tpu.dma_semaphore, #tpu.memory_space<semaphore_mem>>)
      %add3A_561 = arith.constant 112 : i32
      %add3A_562 = arith.addi %add3A_7, %add3A_561 : i32
      %dma_wait3A_563 = arith.constant 1 : i32
      %dma_wait3A_564 = arith.constant 0 : i32
      %dma_wait3A_565 = arith.constant 0 : i32
      %dma_wait3A_566 = tpu.memref_slice %arg5[%dma_wait3A_563, %dma_wait3A_564, %dma_wait3A_565] : memref<3x16x1024xf32, #tpu.memory_space<vmem>> -> memref<1x16x1024xf32, #tpu.memory_space<vmem>>
      %dma_wait3A_567 = tpu.memref_squeeze %dma_wait3A_566 : memref<1x16x1024xf32, #tpu.memory_space<vmem>> -> memref<16x1024xf32, #tpu.memory_space<vmem>>
      %dma_wait3A_568 = arith.constant 0 : i32
      %dma_wait3A_569 = tpu.memref_slice %arg3[%add3A_562, %dma_wait3A_568] : memref<32768x1024xf32, #tpu.memory_space<hbm>> -> memref<16x1024xf32, #tpu.memory_space<hbm>>
      %dma_wait3A_570 = arith.constant 0 : i32
      %dma_wait3A_571 = tpu.memref_slice %arg3[%add3A_562, %dma_wait3A_570] : memref<32768x1024xf32, #tpu.memory_space<hbm>> -> memref<16x1024xf32, #tpu.memory_space<hbm>>
      %dma_wait3A_572 = arith.constant 0 : i32
      %dma_wait3A_573 = arith.constant 0 : i32
      %dma_wait3A_574 = tpu.memref_slice %arg5[%dma_wait3A_563, %dma_wait3A_572, %dma_wait3A_573] : memref<3x16x1024xf32, #tpu.memory_space<vmem>> -> memref<1x16x1024xf32, #tpu.memory_space<vmem>>
      %dma_wait3A_575 = tpu.memref_squeeze %dma_wait3A_574 : memref<1x16x1024xf32, #tpu.memory_space<vmem>> -> memref<16x1024xf32, #tpu.memory_space<vmem>>
      tpu.wait_dma2 semaphore(%arg14 : memref<!tpu.dma_semaphore, #tpu.memory_space<semaphore_mem>>) src(%dma_wait3A_575 : memref<16x1024xf32, #tpu.memory_space<vmem>>) dst(%dma_wait3A_571 : memref<16x1024xf32, #tpu.memory_space<hbm>>)
      %add3A_576 = arith.constant 160 : i32
      %add3A_577 = arith.addi %add3A_7, %add3A_576 : i32
      %dma_start3A_578 = arith.constant 1 : i32
      %dma_start3A_579 = arith.constant 0 : i32
      %dma_start3A_580 = arith.constant 0 : i32
      %dma_start3A_581 = tpu.memref_slice %arg5[%dma_start3A_578, %dma_start3A_579, %dma_start3A_580] : memref<3x16x1024xf32, #tpu.memory_space<vmem>> -> memref<1x16x1024xf32, #tpu.memory_space<vmem>>
      %dma_start3A_582 = tpu.memref_squeeze %dma_start3A_581 : memref<1x16x1024xf32, #tpu.memory_space<vmem>> -> memref<16x1024xf32, #tpu.memory_space<vmem>>
      %dma_start3A_583 = arith.constant 0 : i32
      %dma_start3A_584 = tpu.memref_slice %arg2[%add3A_577, %dma_start3A_583] : memref<32768x1024xf32, #tpu.memory_space<hbm>> -> memref<16x1024xf32, #tpu.memory_space<hbm>>
      %dma_start3A_585 = arith.constant 0 : i32
      %dma_start3A_586 = arith.constant 0 : i32
      %dma_start3A_587 = tpu.memref_slice %arg5[%dma_start3A_578, %dma_start3A_585, %dma_start3A_586] : memref<3x16x1024xf32, #tpu.memory_space<vmem>> -> memref<1x16x1024xf32, #tpu.memory_space<vmem>>
      %dma_start3A_588 = tpu.memref_squeeze %dma_start3A_587 : memref<1x16x1024xf32, #tpu.memory_space<vmem>> -> memref<16x1024xf32, #tpu.memory_space<vmem>>
      %dma_start3A_589 = arith.constant 0 : i32
      %dma_start3A_590 = tpu.memref_slice %arg2[%add3A_577, %dma_start3A_589] : memref<32768x1024xf32, #tpu.memory_space<hbm>> -> memref<16x1024xf32, #tpu.memory_space<hbm>>
      tpu.enqueue_dma source(%dma_start3A_590 : memref<16x1024xf32, #tpu.memory_space<hbm>>) target(%dma_start3A_588 : memref<16x1024xf32, #tpu.memory_space<vmem>>) target_semaphore(%arg11 : memref<!tpu.dma_semaphore, #tpu.memory_space<semaphore_mem>>)
      %add3A_591 = arith.constant 160 : i32
      %add3A_592 = arith.addi %add3A_7, %add3A_591 : i32
      %dma_wait3A_593 = arith.constant 1 : i32
      %dma_wait3A_594 = arith.constant 0 : i32
      %dma_wait3A_595 = arith.constant 0 : i32
      %dma_wait3A_596 = tpu.memref_slice %arg5[%dma_wait3A_593, %dma_wait3A_594, %dma_wait3A_595] : memref<3x16x1024xf32, #tpu.memory_space<vmem>> -> memref<1x16x1024xf32, #tpu.memory_space<vmem>>
      %dma_wait3A_597 = tpu.memref_squeeze %dma_wait3A_596 : memref<1x16x1024xf32, #tpu.memory_space<vmem>> -> memref<16x1024xf32, #tpu.memory_space<vmem>>
      %dma_wait3A_598 = arith.constant 0 : i32
      %dma_wait3A_599 = tpu.memref_slice %arg2[%add3A_592, %dma_wait3A_598] : memref<32768x1024xf32, #tpu.memory_space<hbm>> -> memref<16x1024xf32, #tpu.memory_space<hbm>>
      %dma_wait3A_600 = arith.constant 0 : i32
      %dma_wait3A_601 = arith.constant 0 : i32
      %dma_wait3A_602 = tpu.memref_slice %arg5[%dma_wait3A_593, %dma_wait3A_600, %dma_wait3A_601] : memref<3x16x1024xf32, #tpu.memory_space<vmem>> -> memref<1x16x1024xf32, #tpu.memory_space<vmem>>
      %dma_wait3A_603 = tpu.memref_squeeze %dma_wait3A_602 : memref<1x16x1024xf32, #tpu.memory_space<vmem>> -> memref<16x1024xf32, #tpu.memory_space<vmem>>
      %dma_wait3A_604 = arith.constant 0 : i32
      %dma_wait3A_605 = tpu.memref_slice %arg2[%add3A_592, %dma_wait3A_604] : memref<32768x1024xf32, #tpu.memory_space<hbm>> -> memref<16x1024xf32, #tpu.memory_space<hbm>>
      tpu.wait_dma2 semaphore(%arg11 : memref<!tpu.dma_semaphore, #tpu.memory_space<semaphore_mem>>) src(%dma_wait3A_605 : memref<16x1024xf32, #tpu.memory_space<hbm>>) dst(%dma_wait3A_603 : memref<16x1024xf32, #tpu.memory_space<vmem>>)
      %add3A_606 = arith.constant 160 : i32
      %add3A_607 = arith.addi %add3A_7, %add3A_606 : i32
      %dma_start3A_608 = arith.constant 1 : i32
      %dma_start3A_609 = arith.constant 0 : i32
      %dma_start3A_610 = arith.constant 0 : i32
      %dma_start3A_611 = tpu.memref_slice %arg5[%dma_start3A_608, %dma_start3A_609, %dma_start3A_610] : memref<3x16x1024xf32, #tpu.memory_space<vmem>> -> memref<1x16x1024xf32, #tpu.memory_space<vmem>>
      %dma_start3A_612 = tpu.memref_squeeze %dma_start3A_611 : memref<1x16x1024xf32, #tpu.memory_space<vmem>> -> memref<16x1024xf32, #tpu.memory_space<vmem>>
      %dma_start3A_613 = arith.constant 0 : i32
      %dma_start3A_614 = tpu.memref_slice %arg3[%add3A_607, %dma_start3A_613] : memref<32768x1024xf32, #tpu.memory_space<hbm>> -> memref<16x1024xf32, #tpu.memory_space<hbm>>
      %dma_start3A_615 = arith.constant 0 : i32
      %dma_start3A_616 = tpu.memref_slice %arg3[%add3A_607, %dma_start3A_615] : memref<32768x1024xf32, #tpu.memory_space<hbm>> -> memref<16x1024xf32, #tpu.memory_space<hbm>>
      %dma_start3A_617 = arith.constant 0 : i32
      %dma_start3A_618 = arith.constant 0 : i32
      %dma_start3A_619 = tpu.memref_slice %arg5[%dma_start3A_608, %dma_start3A_617, %dma_start3A_618] : memref<3x16x1024xf32, #tpu.memory_space<vmem>> -> memref<1x16x1024xf32, #tpu.memory_space<vmem>>
      %dma_start3A_620 = tpu.memref_squeeze %dma_start3A_619 : memref<1x16x1024xf32, #tpu.memory_space<vmem>> -> memref<16x1024xf32, #tpu.memory_space<vmem>>
      tpu.enqueue_dma source(%dma_start3A_620 : memref<16x1024xf32, #tpu.memory_space<vmem>>) target(%dma_start3A_616 : memref<16x1024xf32, #tpu.memory_space<hbm>>) target_semaphore(%arg14 : memref<!tpu.dma_semaphore, #tpu.memory_space<semaphore_mem>>)
      %add3A_621 = arith.constant 128 : i32
      %add3A_622 = arith.addi %add3A_7, %add3A_621 : i32
      %dma_wait3A_623 = arith.constant 2 : i32
      %dma_wait3A_624 = arith.constant 0 : i32
      %dma_wait3A_625 = arith.constant 0 : i32
      %dma_wait3A_626 = tpu.memref_slice %arg5[%dma_wait3A_623, %dma_wait3A_624, %dma_wait3A_625] : memref<3x16x1024xf32, #tpu.memory_space<vmem>> -> memref<1x16x1024xf32, #tpu.memory_space<vmem>>
      %dma_wait3A_627 = tpu.memref_squeeze %dma_wait3A_626 : memref<1x16x1024xf32, #tpu.memory_space<vmem>> -> memref<16x1024xf32, #tpu.memory_space<vmem>>
      %dma_wait3A_628 = arith.constant 0 : i32
      %dma_wait3A_629 = tpu.memref_slice %arg3[%add3A_622, %dma_wait3A_628] : memref<32768x1024xf32, #tpu.memory_space<hbm>> -> memref<16x1024xf32, #tpu.memory_space<hbm>>
      %dma_wait3A_630 = arith.constant 0 : i32
      %dma_wait3A_631 = tpu.memref_slice %arg3[%add3A_622, %dma_wait3A_630] : memref<32768x1024xf32, #tpu.memory_space<hbm>> -> memref<16x1024xf32, #tpu.memory_space<hbm>>
      %dma_wait3A_632 = arith.constant 0 : i32
      %dma_wait3A_633 = arith.constant 0 : i32
      %dma_wait3A_634 = tpu.memref_slice %arg5[%dma_wait3A_623, %dma_wait3A_632, %dma_wait3A_633] : memref<3x16x1024xf32, #tpu.memory_space<vmem>> -> memref<1x16x1024xf32, #tpu.memory_space<vmem>>
      %dma_wait3A_635 = tpu.memref_squeeze %dma_wait3A_634 : memref<1x16x1024xf32, #tpu.memory_space<vmem>> -> memref<16x1024xf32, #tpu.memory_space<vmem>>
      tpu.wait_dma2 semaphore(%arg15 : memref<!tpu.dma_semaphore, #tpu.memory_space<semaphore_mem>>) src(%dma_wait3A_635 : memref<16x1024xf32, #tpu.memory_space<vmem>>) dst(%dma_wait3A_631 : memref<16x1024xf32, #tpu.memory_space<hbm>>)
      %add3A_636 = arith.constant 176 : i32
      %add3A_637 = arith.addi %add3A_7, %add3A_636 : i32
      %dma_start3A_638 = arith.constant 2 : i32
      %dma_start3A_639 = arith.constant 0 : i32
      %dma_start3A_640 = arith.constant 0 : i32
      %dma_start3A_641 = tpu.memref_slice %arg5[%dma_start3A_638, %dma_start3A_639, %dma_start3A_640] : memref<3x16x1024xf32, #tpu.memory_space<vmem>> -> memref<1x16x1024xf32, #tpu.memory_space<vmem>>
      %dma_start3A_642 = tpu.memref_squeeze %dma_start3A_641 : memref<1x16x1024xf32, #tpu.memory_space<vmem>> -> memref<16x1024xf32, #tpu.memory_space<vmem>>
      %dma_start3A_643 = arith.constant 0 : i32
      %dma_start3A_644 = tpu.memref_slice %arg2[%add3A_637, %dma_start3A_643] : memref<32768x1024xf32, #tpu.memory_space<hbm>> -> memref<16x1024xf32, #tpu.memory_space<hbm>>
      %dma_start3A_645 = arith.constant 0 : i32
      %dma_start3A_646 = arith.constant 0 : i32
      %dma_start3A_647 = tpu.memref_slice %arg5[%dma_start3A_638, %dma_start3A_645, %dma_start3A_646] : memref<3x16x1024xf32, #tpu.memory_space<vmem>> -> memref<1x16x1024xf32, #tpu.memory_space<vmem>>
      %dma_start3A_648 = tpu.memref_squeeze %dma_start3A_647 : memref<1x16x1024xf32, #tpu.memory_space<vmem>> -> memref<16x1024xf32, #tpu.memory_space<vmem>>
      %dma_start3A_649 = arith.constant 0 : i32
      %dma_start3A_650 = tpu.memref_slice %arg2[%add3A_637, %dma_start3A_649] : memref<32768x1024xf32, #tpu.memory_space<hbm>> -> memref<16x1024xf32, #tpu.memory_space<hbm>>
      tpu.enqueue_dma source(%dma_start3A_650 : memref<16x1024xf32, #tpu.memory_space<hbm>>) target(%dma_start3A_648 : memref<16x1024xf32, #tpu.memory_space<vmem>>) target_semaphore(%arg12 : memref<!tpu.dma_semaphore, #tpu.memory_space<semaphore_mem>>)
      %add3A_651 = arith.constant 176 : i32
      %add3A_652 = arith.addi %add3A_7, %add3A_651 : i32
      %dma_wait3A_653 = arith.constant 2 : i32
      %dma_wait3A_654 = arith.constant 0 : i32
      %dma_wait3A_655 = arith.constant 0 : i32
      %dma_wait3A_656 = tpu.memref_slice %arg5[%dma_wait3A_653, %dma_wait3A_654, %dma_wait3A_655] : memref<3x16x1024xf32, #tpu.memory_space<vmem>> -> memref<1x16x1024xf32, #tpu.memory_space<vmem>>
      %dma_wait3A_657 = tpu.memref_squeeze %dma_wait3A_656 : memref<1x16x1024xf32, #tpu.memory_space<vmem>> -> memref<16x1024xf32, #tpu.memory_space<vmem>>
      %dma_wait3A_658 = arith.constant 0 : i32
      %dma_wait3A_659 = tpu.memref_slice %arg2[%add3A_652, %dma_wait3A_658] : memref<32768x1024xf32, #tpu.memory_space<hbm>> -> memref<16x1024xf32, #tpu.memory_space<hbm>>
      %dma_wait3A_660 = arith.constant 0 : i32
      %dma_wait3A_661 = arith.constant 0 : i32
      %dma_wait3A_662 = tpu.memref_slice %arg5[%dma_wait3A_653, %dma_wait3A_660, %dma_wait3A_661] : memref<3x16x1024xf32, #tpu.memory_space<vmem>> -> memref<1x16x1024xf32, #tpu.memory_space<vmem>>
      %dma_wait3A_663 = tpu.memref_squeeze %dma_wait3A_662 : memref<1x16x1024xf32, #tpu.memory_space<vmem>> -> memref<16x1024xf32, #tpu.memory_space<vmem>>
      %dma_wait3A_664 = arith.constant 0 : i32
      %dma_wait3A_665 = tpu.memref_slice %arg2[%add3A_652, %dma_wait3A_664] : memref<32768x1024xf32, #tpu.memory_space<hbm>> -> memref<16x1024xf32, #tpu.memory_space<hbm>>
      tpu.wait_dma2 semaphore(%arg12 : memref<!tpu.dma_semaphore, #tpu.memory_space<semaphore_mem>>) src(%dma_wait3A_665 : memref<16x1024xf32, #tpu.memory_space<hbm>>) dst(%dma_wait3A_663 : memref<16x1024xf32, #tpu.memory_space<vmem>>)
      %add3A_666 = arith.constant 176 : i32
      %add3A_667 = arith.addi %add3A_7, %add3A_666 : i32
      %dma_start3A_668 = arith.constant 2 : i32
      %dma_start3A_669 = arith.constant 0 : i32
      %dma_start3A_670 = arith.constant 0 : i32
      %dma_start3A_671 = tpu.memref_slice %arg5[%dma_start3A_668, %dma_start3A_669, %dma_start3A_670] : memref<3x16x1024xf32, #tpu.memory_space<vmem>> -> memref<1x16x1024xf32, #tpu.memory_space<vmem>>
      %dma_start3A_672 = tpu.memref_squeeze %dma_start3A_671 : memref<1x16x1024xf32, #tpu.memory_space<vmem>> -> memref<16x1024xf32, #tpu.memory_space<vmem>>
      %dma_start3A_673 = arith.constant 0 : i32
      %dma_start3A_674 = tpu.memref_slice %arg3[%add3A_667, %dma_start3A_673] : memref<32768x1024xf32, #tpu.memory_space<hbm>> -> memref<16x1024xf32, #tpu.memory_space<hbm>>
      %dma_start3A_675 = arith.constant 0 : i32
      %dma_start3A_676 = tpu.memref_slice %arg3[%add3A_667, %dma_start3A_675] : memref<32768x1024xf32, #tpu.memory_space<hbm>> -> memref<16x1024xf32, #tpu.memory_space<hbm>>
      %dma_start3A_677 = arith.constant 0 : i32
      %dma_start3A_678 = arith.constant 0 : i32
      %dma_start3A_679 = tpu.memref_slice %arg5[%dma_start3A_668, %dma_start3A_677, %dma_start3A_678] : memref<3x16x1024xf32, #tpu.memory_space<vmem>> -> memref<1x16x1024xf32, #tpu.memory_space<vmem>>
      %dma_start3A_680 = tpu.memref_squeeze %dma_start3A_679 : memref<1x16x1024xf32, #tpu.memory_space<vmem>> -> memref<16x1024xf32, #tpu.memory_space<vmem>>
      tpu.enqueue_dma source(%dma_start3A_680 : memref<16x1024xf32, #tpu.memory_space<vmem>>) target(%dma_start3A_676 : memref<16x1024xf32, #tpu.memory_space<hbm>>) target_semaphore(%arg15 : memref<!tpu.dma_semaphore, #tpu.memory_space<semaphore_mem>>)
      %add3A_681 = arith.constant 144 : i32
      %add3A_682 = arith.addi %add3A_7, %add3A_681 : i32
      %dma_wait3A_683 = arith.constant 0 : i32
      %dma_wait3A_684 = arith.constant 0 : i32
      %dma_wait3A_685 = arith.constant 0 : i32
      %dma_wait3A_686 = tpu.memref_slice %arg5[%dma_wait3A_683, %dma_wait3A_684, %dma_wait3A_685] : memref<3x16x1024xf32, #tpu.memory_space<vmem>> -> memref<1x16x1024xf32, #tpu.memory_space<vmem>>
      %dma_wait3A_687 = tpu.memref_squeeze %dma_wait3A_686 : memref<1x16x1024xf32, #tpu.memory_space<vmem>> -> memref<16x1024xf32, #tpu.memory_space<vmem>>
      %dma_wait3A_688 = arith.constant 0 : i32
      %dma_wait3A_689 = tpu.memref_slice %arg3[%add3A_682, %dma_wait3A_688] : memref<32768x1024xf32, #tpu.memory_space<hbm>> -> memref<16x1024xf32, #tpu.memory_space<hbm>>
      %dma_wait3A_690 = arith.constant 0 : i32
      %dma_wait3A_691 = tpu.memref_slice %arg3[%add3A_682, %dma_wait3A_690] : memref<32768x1024xf32, #tpu.memory_space<hbm>> -> memref<16x1024xf32, #tpu.memory_space<hbm>>
      %dma_wait3A_692 = arith.constant 0 : i32
      %dma_wait3A_693 = arith.constant 0 : i32
      %dma_wait3A_694 = tpu.memref_slice %arg5[%dma_wait3A_683, %dma_wait3A_692, %dma_wait3A_693] : memref<3x16x1024xf32, #tpu.memory_space<vmem>> -> memref<1x16x1024xf32, #tpu.memory_space<vmem>>
      %dma_wait3A_695 = tpu.memref_squeeze %dma_wait3A_694 : memref<1x16x1024xf32, #tpu.memory_space<vmem>> -> memref<16x1024xf32, #tpu.memory_space<vmem>>
      tpu.wait_dma2 semaphore(%arg13 : memref<!tpu.dma_semaphore, #tpu.memory_space<semaphore_mem>>) src(%dma_wait3A_695 : memref<16x1024xf32, #tpu.memory_space<vmem>>) dst(%dma_wait3A_691 : memref<16x1024xf32, #tpu.memory_space<hbm>>)
      %add3A_696 = arith.constant 192 : i32
      %add3A_697 = arith.addi %add3A_7, %add3A_696 : i32
      %dma_start3A_698 = arith.constant 0 : i32
      %dma_start3A_699 = arith.constant 0 : i32
      %dma_start3A_700 = arith.constant 0 : i32
      %dma_start3A_701 = tpu.memref_slice %arg5[%dma_start3A_698, %dma_start3A_699, %dma_start3A_700] : memref<3x16x1024xf32, #tpu.memory_space<vmem>> -> memref<1x16x1024xf32, #tpu.memory_space<vmem>>
      %dma_start3A_702 = tpu.memref_squeeze %dma_start3A_701 : memref<1x16x1024xf32, #tpu.memory_space<vmem>> -> memref<16x1024xf32, #tpu.memory_space<vmem>>
      %dma_start3A_703 = arith.constant 0 : i32
      %dma_start3A_704 = tpu.memref_slice %arg2[%add3A_697, %dma_start3A_703] : memref<32768x1024xf32, #tpu.memory_space<hbm>> -> memref<16x1024xf32, #tpu.memory_space<hbm>>
      %dma_start3A_705 = arith.constant 0 : i32
      %dma_start3A_706 = arith.constant 0 : i32
      %dma_start3A_707 = tpu.memref_slice %arg5[%dma_start3A_698, %dma_start3A_705, %dma_start3A_706] : memref<3x16x1024xf32, #tpu.memory_space<vmem>> -> memref<1x16x1024xf32, #tpu.memory_space<vmem>>
      %dma_start3A_708 = tpu.memref_squeeze %dma_start3A_707 : memref<1x16x1024xf32, #tpu.memory_space<vmem>> -> memref<16x1024xf32, #tpu.memory_space<vmem>>
      %dma_start3A_709 = arith.constant 0 : i32
      %dma_start3A_710 = tpu.memref_slice %arg2[%add3A_697, %dma_start3A_709] : memref<32768x1024xf32, #tpu.memory_space<hbm>> -> memref<16x1024xf32, #tpu.memory_space<hbm>>
      tpu.enqueue_dma source(%dma_start3A_710 : memref<16x1024xf32, #tpu.memory_space<hbm>>) target(%dma_start3A_708 : memref<16x1024xf32, #tpu.memory_space<vmem>>) target_semaphore(%arg10 : memref<!tpu.dma_semaphore, #tpu.memory_space<semaphore_mem>>)
      %add3A_711 = arith.constant 192 : i32
      %add3A_712 = arith.addi %add3A_7, %add3A_711 : i32
      %dma_wait3A_713 = arith.constant 0 : i32
      %dma_wait3A_714 = arith.constant 0 : i32
      %dma_wait3A_715 = arith.constant 0 : i32
      %dma_wait3A_716 = tpu.memref_slice %arg5[%dma_wait3A_713, %dma_wait3A_714, %dma_wait3A_715] : memref<3x16x1024xf32, #tpu.memory_space<vmem>> -> memref<1x16x1024xf32, #tpu.memory_space<vmem>>
      %dma_wait3A_717 = tpu.memref_squeeze %dma_wait3A_716 : memref<1x16x1024xf32, #tpu.memory_space<vmem>> -> memref<16x1024xf32, #tpu.memory_space<vmem>>
      %dma_wait3A_718 = arith.constant 0 : i32
      %dma_wait3A_719 = tpu.memref_slice %arg2[%add3A_712, %dma_wait3A_718] : memref<32768x1024xf32, #tpu.memory_space<hbm>> -> memref<16x1024xf32, #tpu.memory_space<hbm>>
      %dma_wait3A_720 = arith.constant 0 : i32
      %dma_wait3A_721 = arith.constant 0 : i32
      %dma_wait3A_722 = tpu.memref_slice %arg5[%dma_wait3A_713, %dma_wait3A_720, %dma_wait3A_721] : memref<3x16x1024xf32, #tpu.memory_space<vmem>> -> memref<1x16x1024xf32, #tpu.memory_space<vmem>>
      %dma_wait3A_723 = tpu.memref_squeeze %dma_wait3A_722 : memref<1x16x1024xf32, #tpu.memory_space<vmem>> -> memref<16x1024xf32, #tpu.memory_space<vmem>>
      %dma_wait3A_724 = arith.constant 0 : i32
      %dma_wait3A_725 = tpu.memref_slice %arg2[%add3A_712, %dma_wait3A_724] : memref<32768x1024xf32, #tpu.memory_space<hbm>> -> memref<16x1024xf32, #tpu.memory_space<hbm>>
      tpu.wait_dma2 semaphore(%arg10 : memref<!tpu.dma_semaphore, #tpu.memory_space<semaphore_mem>>) src(%dma_wait3A_725 : memref<16x1024xf32, #tpu.memory_space<hbm>>) dst(%dma_wait3A_723 : memref<16x1024xf32, #tpu.memory_space<vmem>>)
      %add3A_726 = arith.constant 192 : i32
      %add3A_727 = arith.addi %add3A_7, %add3A_726 : i32
      %dma_start3A_728 = arith.constant 0 : i32
      %dma_start3A_729 = arith.constant 0 : i32
      %dma_start3A_730 = arith.constant 0 : i32
      %dma_start3A_731 = tpu.memref_slice %arg5[%dma_start3A_728, %dma_start3A_729, %dma_start3A_730] : memref<3x16x1024xf32, #tpu.memory_space<vmem>> -> memref<1x16x1024xf32, #tpu.memory_space<vmem>>
      %dma_start3A_732 = tpu.memref_squeeze %dma_start3A_731 : memref<1x16x1024xf32, #tpu.memory_space<vmem>> -> memref<16x1024xf32, #tpu.memory_space<vmem>>
      %dma_start3A_733 = arith.constant 0 : i32
      %dma_start3A_734 = tpu.memref_slice %arg3[%add3A_727, %dma_start3A_733] : memref<32768x1024xf32, #tpu.memory_space<hbm>> -> memref<16x1024xf32, #tpu.memory_space<hbm>>
      %dma_start3A_735 = arith.constant 0 : i32
      %dma_start3A_736 = tpu.memref_slice %arg3[%add3A_727, %dma_start3A_735] : memref<32768x1024xf32, #tpu.memory_space<hbm>> -> memref<16x1024xf32, #tpu.memory_space<hbm>>
      %dma_start3A_737 = arith.constant 0 : i32
      %dma_start3A_738 = arith.constant 0 : i32
      %dma_start3A_739 = tpu.memref_slice %arg5[%dma_start3A_728, %dma_start3A_737, %dma_start3A_738] : memref<3x16x1024xf32, #tpu.memory_space<vmem>> -> memref<1x16x1024xf32, #tpu.memory_space<vmem>>
      %dma_start3A_740 = tpu.memref_squeeze %dma_start3A_739 : memref<1x16x1024xf32, #tpu.memory_space<vmem>> -> memref<16x1024xf32, #tpu.memory_space<vmem>>
      tpu.enqueue_dma source(%dma_start3A_740 : memref<16x1024xf32, #tpu.memory_space<vmem>>) target(%dma_start3A_736 : memref<16x1024xf32, #tpu.memory_space<hbm>>) target_semaphore(%arg13 : memref<!tpu.dma_semaphore, #tpu.memory_space<semaphore_mem>>)
      %add3A_741 = arith.constant 160 : i32
      %add3A_742 = arith.addi %add3A_7, %add3A_741 : i32
      %dma_wait3A_743 = arith.constant 1 : i32
      %dma_wait3A_744 = arith.constant 0 : i32
      %dma_wait3A_745 = arith.constant 0 : i32
      %dma_wait3A_746 = tpu.memref_slice %arg5[%dma_wait3A_743, %dma_wait3A_744, %dma_wait3A_745] : memref<3x16x1024xf32, #tpu.memory_space<vmem>> -> memref<1x16x1024xf32, #tpu.memory_space<vmem>>
      %dma_wait3A_747 = tpu.memref_squeeze %dma_wait3A_746 : memref<1x16x1024xf32, #tpu.memory_space<vmem>> -> memref<16x1024xf32, #tpu.memory_space<vmem>>
      %dma_wait3A_748 = arith.constant 0 : i32
      %dma_wait3A_749 = tpu.memref_slice %arg3[%add3A_742, %dma_wait3A_748] : memref<32768x1024xf32, #tpu.memory_space<hbm>> -> memref<16x1024xf32, #tpu.memory_space<hbm>>
      %dma_wait3A_750 = arith.constant 0 : i32
      %dma_wait3A_751 = tpu.memref_slice %arg3[%add3A_742, %dma_wait3A_750] : memref<32768x1024xf32, #tpu.memory_space<hbm>> -> memref<16x1024xf32, #tpu.memory_space<hbm>>
      %dma_wait3A_752 = arith.constant 0 : i32
      %dma_wait3A_753 = arith.constant 0 : i32
      %dma_wait3A_754 = tpu.memref_slice %arg5[%dma_wait3A_743, %dma_wait3A_752, %dma_wait3A_753] : memref<3x16x1024xf32, #tpu.memory_space<vmem>> -> memref<1x16x1024xf32, #tpu.memory_space<vmem>>
      %dma_wait3A_755 = tpu.memref_squeeze %dma_wait3A_754 : memref<1x16x1024xf32, #tpu.memory_space<vmem>> -> memref<16x1024xf32, #tpu.memory_space<vmem>>
      tpu.wait_dma2 semaphore(%arg14 : memref<!tpu.dma_semaphore, #tpu.memory_space<semaphore_mem>>) src(%dma_wait3A_755 : memref<16x1024xf32, #tpu.memory_space<vmem>>) dst(%dma_wait3A_751 : memref<16x1024xf32, #tpu.memory_space<hbm>>)
      %add3A_756 = arith.constant 208 : i32
      %add3A_757 = arith.addi %add3A_7, %add3A_756 : i32
      %dma_start3A_758 = arith.constant 1 : i32
      %dma_start3A_759 = arith.constant 0 : i32
      %dma_start3A_760 = arith.constant 0 : i32
      %dma_start3A_761 = tpu.memref_slice %arg5[%dma_start3A_758, %dma_start3A_759, %dma_start3A_760] : memref<3x16x1024xf32, #tpu.memory_space<vmem>> -> memref<1x16x1024xf32, #tpu.memory_space<vmem>>
      %dma_start3A_762 = tpu.memref_squeeze %dma_start3A_761 : memref<1x16x1024xf32, #tpu.memory_space<vmem>> -> memref<16x1024xf32, #tpu.memory_space<vmem>>
      %dma_start3A_763 = arith.constant 0 : i32
      %dma_start3A_764 = tpu.memref_slice %arg2[%add3A_757, %dma_start3A_763] : memref<32768x1024xf32, #tpu.memory_space<hbm>> -> memref<16x1024xf32, #tpu.memory_space<hbm>>
      %dma_start3A_765 = arith.constant 0 : i32
      %dma_start3A_766 = arith.constant 0 : i32
      %dma_start3A_767 = tpu.memref_slice %arg5[%dma_start3A_758, %dma_start3A_765, %dma_start3A_766] : memref<3x16x1024xf32, #tpu.memory_space<vmem>> -> memref<1x16x1024xf32, #tpu.memory_space<vmem>>
      %dma_start3A_768 = tpu.memref_squeeze %dma_start3A_767 : memref<1x16x1024xf32, #tpu.memory_space<vmem>> -> memref<16x1024xf32, #tpu.memory_space<vmem>>
      %dma_start3A_769 = arith.constant 0 : i32
      %dma_start3A_770 = tpu.memref_slice %arg2[%add3A_757, %dma_start3A_769] : memref<32768x1024xf32, #tpu.memory_space<hbm>> -> memref<16x1024xf32, #tpu.memory_space<hbm>>
      tpu.enqueue_dma source(%dma_start3A_770 : memref<16x1024xf32, #tpu.memory_space<hbm>>) target(%dma_start3A_768 : memref<16x1024xf32, #tpu.memory_space<vmem>>) target_semaphore(%arg11 : memref<!tpu.dma_semaphore, #tpu.memory_space<semaphore_mem>>)
      %add3A_771 = arith.constant 208 : i32
      %add3A_772 = arith.addi %add3A_7, %add3A_771 : i32
      %dma_wait3A_773 = arith.constant 1 : i32
      %dma_wait3A_774 = arith.constant 0 : i32
      %dma_wait3A_775 = arith.constant 0 : i32
      %dma_wait3A_776 = tpu.memref_slice %arg5[%dma_wait3A_773, %dma_wait3A_774, %dma_wait3A_775] : memref<3x16x1024xf32, #tpu.memory_space<vmem>> -> memref<1x16x1024xf32, #tpu.memory_space<vmem>>
      %dma_wait3A_777 = tpu.memref_squeeze %dma_wait3A_776 : memref<1x16x1024xf32, #tpu.memory_space<vmem>> -> memref<16x1024xf32, #tpu.memory_space<vmem>>
      %dma_wait3A_778 = arith.constant 0 : i32
      %dma_wait3A_779 = tpu.memref_slice %arg2[%add3A_772, %dma_wait3A_778] : memref<32768x1024xf32, #tpu.memory_space<hbm>> -> memref<16x1024xf32, #tpu.memory_space<hbm>>
      %dma_wait3A_780 = arith.constant 0 : i32
      %dma_wait3A_781 = arith.constant 0 : i32
      %dma_wait3A_782 = tpu.memref_slice %arg5[%dma_wait3A_773, %dma_wait3A_780, %dma_wait3A_781] : memref<3x16x1024xf32, #tpu.memory_space<vmem>> -> memref<1x16x1024xf32, #tpu.memory_space<vmem>>
      %dma_wait3A_783 = tpu.memref_squeeze %dma_wait3A_782 : memref<1x16x1024xf32, #tpu.memory_space<vmem>> -> memref<16x1024xf32, #tpu.memory_space<vmem>>
      %dma_wait3A_784 = arith.constant 0 : i32
      %dma_wait3A_785 = tpu.memref_slice %arg2[%add3A_772, %dma_wait3A_784] : memref<32768x1024xf32, #tpu.memory_space<hbm>> -> memref<16x1024xf32, #tpu.memory_space<hbm>>
      tpu.wait_dma2 semaphore(%arg11 : memref<!tpu.dma_semaphore, #tpu.memory_space<semaphore_mem>>) src(%dma_wait3A_785 : memref<16x1024xf32, #tpu.memory_space<hbm>>) dst(%dma_wait3A_783 : memref<16x1024xf32, #tpu.memory_space<vmem>>)
      %add3A_786 = arith.constant 208 : i32
      %add3A_787 = arith.addi %add3A_7, %add3A_786 : i32
      %dma_start3A_788 = arith.constant 1 : i32
      %dma_start3A_789 = arith.constant 0 : i32
      %dma_start3A_790 = arith.constant 0 : i32
      %dma_start3A_791 = tpu.memref_slice %arg5[%dma_start3A_788, %dma_start3A_789, %dma_start3A_790] : memref<3x16x1024xf32, #tpu.memory_space<vmem>> -> memref<1x16x1024xf32, #tpu.memory_space<vmem>>
      %dma_start3A_792 = tpu.memref_squeeze %dma_start3A_791 : memref<1x16x1024xf32, #tpu.memory_space<vmem>> -> memref<16x1024xf32, #tpu.memory_space<vmem>>
      %dma_start3A_793 = arith.constant 0 : i32
      %dma_start3A_794 = tpu.memref_slice %arg3[%add3A_787, %dma_start3A_793] : memref<32768x1024xf32, #tpu.memory_space<hbm>> -> memref<16x1024xf32, #tpu.memory_space<hbm>>
      %dma_start3A_795 = arith.constant 0 : i32
      %dma_start3A_796 = tpu.memref_slice %arg3[%add3A_787, %dma_start3A_795] : memref<32768x1024xf32, #tpu.memory_space<hbm>> -> memref<16x1024xf32, #tpu.memory_space<hbm>>
      %dma_start3A_797 = arith.constant 0 : i32
      %dma_start3A_798 = arith.constant 0 : i32
      %dma_start3A_799 = tpu.memref_slice %arg5[%dma_start3A_788, %dma_start3A_797, %dma_start3A_798] : memref<3x16x1024xf32, #tpu.memory_space<vmem>> -> memref<1x16x1024xf32, #tpu.memory_space<vmem>>
      %dma_start3A_800 = tpu.memref_squeeze %dma_start3A_799 : memref<1x16x1024xf32, #tpu.memory_space<vmem>> -> memref<16x1024xf32, #tpu.memory_space<vmem>>
      tpu.enqueue_dma source(%dma_start3A_800 : memref<16x1024xf32, #tpu.memory_space<vmem>>) target(%dma_start3A_796 : memref<16x1024xf32, #tpu.memory_space<hbm>>) target_semaphore(%arg14 : memref<!tpu.dma_semaphore, #tpu.memory_space<semaphore_mem>>)
      %add3A_801 = arith.constant 176 : i32
      %add3A_802 = arith.addi %add3A_7, %add3A_801 : i32
      %dma_wait3A_803 = arith.constant 2 : i32
      %dma_wait3A_804 = arith.constant 0 : i32
      %dma_wait3A_805 = arith.constant 0 : i32
      %dma_wait3A_806 = tpu.memref_slice %arg5[%dma_wait3A_803, %dma_wait3A_804, %dma_wait3A_805] : memref<3x16x1024xf32, #tpu.memory_space<vmem>> -> memref<1x16x1024xf32, #tpu.memory_space<vmem>>
      %dma_wait3A_807 = tpu.memref_squeeze %dma_wait3A_806 : memref<1x16x1024xf32, #tpu.memory_space<vmem>> -> memref<16x1024xf32, #tpu.memory_space<vmem>>
      %dma_wait3A_808 = arith.constant 0 : i32
      %dma_wait3A_809 = tpu.memref_slice %arg3[%add3A_802, %dma_wait3A_808] : memref<32768x1024xf32, #tpu.memory_space<hbm>> -> memref<16x1024xf32, #tpu.memory_space<hbm>>
      %dma_wait3A_810 = arith.constant 0 : i32
      %dma_wait3A_811 = tpu.memref_slice %arg3[%add3A_802, %dma_wait3A_810] : memref<32768x1024xf32, #tpu.memory_space<hbm>> -> memref<16x1024xf32, #tpu.memory_space<hbm>>
      %dma_wait3A_812 = arith.constant 0 : i32
      %dma_wait3A_813 = arith.constant 0 : i32
      %dma_wait3A_814 = tpu.memref_slice %arg5[%dma_wait3A_803, %dma_wait3A_812, %dma_wait3A_813] : memref<3x16x1024xf32, #tpu.memory_space<vmem>> -> memref<1x16x1024xf32, #tpu.memory_space<vmem>>
      %dma_wait3A_815 = tpu.memref_squeeze %dma_wait3A_814 : memref<1x16x1024xf32, #tpu.memory_space<vmem>> -> memref<16x1024xf32, #tpu.memory_space<vmem>>
      tpu.wait_dma2 semaphore(%arg15 : memref<!tpu.dma_semaphore, #tpu.memory_space<semaphore_mem>>) src(%dma_wait3A_815 : memref<16x1024xf32, #tpu.memory_space<vmem>>) dst(%dma_wait3A_811 : memref<16x1024xf32, #tpu.memory_space<hbm>>)
      %add3A_816 = arith.constant 224 : i32
      %add3A_817 = arith.addi %add3A_7, %add3A_816 : i32
      %dma_start3A_818 = arith.constant 2 : i32
      %dma_start3A_819 = arith.constant 0 : i32
      %dma_start3A_820 = arith.constant 0 : i32
      %dma_start3A_821 = tpu.memref_slice %arg5[%dma_start3A_818, %dma_start3A_819, %dma_start3A_820] : memref<3x16x1024xf32, #tpu.memory_space<vmem>> -> memref<1x16x1024xf32, #tpu.memory_space<vmem>>
      %dma_start3A_822 = tpu.memref_squeeze %dma_start3A_821 : memref<1x16x1024xf32, #tpu.memory_space<vmem>> -> memref<16x1024xf32, #tpu.memory_space<vmem>>
      %dma_start3A_823 = arith.constant 0 : i32
      %dma_start3A_824 = tpu.memref_slice %arg2[%add3A_817, %dma_start3A_823] : memref<32768x1024xf32, #tpu.memory_space<hbm>> -> memref<16x1024xf32, #tpu.memory_space<hbm>>
      %dma_start3A_825 = arith.constant 0 : i32
      %dma_start3A_826 = arith.constant 0 : i32
      %dma_start3A_827 = tpu.memref_slice %arg5[%dma_start3A_818, %dma_start3A_825, %dma_start3A_826] : memref<3x16x1024xf32, #tpu.memory_space<vmem>> -> memref<1x16x1024xf32, #tpu.memory_space<vmem>>
      %dma_start3A_828 = tpu.memref_squeeze %dma_start3A_827 : memref<1x16x1024xf32, #tpu.memory_space<vmem>> -> memref<16x1024xf32, #tpu.memory_space<vmem>>
      %dma_start3A_829 = arith.constant 0 : i32
      %dma_start3A_830 = tpu.memref_slice %arg2[%add3A_817, %dma_start3A_829] : memref<32768x1024xf32, #tpu.memory_space<hbm>> -> memref<16x1024xf32, #tpu.memory_space<hbm>>
      tpu.enqueue_dma source(%dma_start3A_830 : memref<16x1024xf32, #tpu.memory_space<hbm>>) target(%dma_start3A_828 : memref<16x1024xf32, #tpu.memory_space<vmem>>) target_semaphore(%arg12 : memref<!tpu.dma_semaphore, #tpu.memory_space<semaphore_mem>>)
      %add3A_831 = arith.constant 224 : i32
      %add3A_832 = arith.addi %add3A_7, %add3A_831 : i32
      %dma_wait3A_833 = arith.constant 2 : i32
      %dma_wait3A_834 = arith.constant 0 : i32
      %dma_wait3A_835 = arith.constant 0 : i32
      %dma_wait3A_836 = tpu.memref_slice %arg5[%dma_wait3A_833, %dma_wait3A_834, %dma_wait3A_835] : memref<3x16x1024xf32, #tpu.memory_space<vmem>> -> memref<1x16x1024xf32, #tpu.memory_space<vmem>>
      %dma_wait3A_837 = tpu.memref_squeeze %dma_wait3A_836 : memref<1x16x1024xf32, #tpu.memory_space<vmem>> -> memref<16x1024xf32, #tpu.memory_space<vmem>>
      %dma_wait3A_838 = arith.constant 0 : i32
      %dma_wait3A_839 = tpu.memref_slice %arg2[%add3A_832, %dma_wait3A_838] : memref<32768x1024xf32, #tpu.memory_space<hbm>> -> memref<16x1024xf32, #tpu.memory_space<hbm>>
      %dma_wait3A_840 = arith.constant 0 : i32
      %dma_wait3A_841 = arith.constant 0 : i32
      %dma_wait3A_842 = tpu.memref_slice %arg5[%dma_wait3A_833, %dma_wait3A_840, %dma_wait3A_841] : memref<3x16x1024xf32, #tpu.memory_space<vmem>> -> memref<1x16x1024xf32, #tpu.memory_space<vmem>>
      %dma_wait3A_843 = tpu.memref_squeeze %dma_wait3A_842 : memref<1x16x1024xf32, #tpu.memory_space<vmem>> -> memref<16x1024xf32, #tpu.memory_space<vmem>>
      %dma_wait3A_844 = arith.constant 0 : i32
      %dma_wait3A_845 = tpu.memref_slice %arg2[%add3A_832, %dma_wait3A_844] : memref<32768x1024xf32, #tpu.memory_space<hbm>> -> memref<16x1024xf32, #tpu.memory_space<hbm>>
      tpu.wait_dma2 semaphore(%arg12 : memref<!tpu.dma_semaphore, #tpu.memory_space<semaphore_mem>>) src(%dma_wait3A_845 : memref<16x1024xf32, #tpu.memory_space<hbm>>) dst(%dma_wait3A_843 : memref<16x1024xf32, #tpu.memory_space<vmem>>)
      %add3A_846 = arith.constant 224 : i32
      %add3A_847 = arith.addi %add3A_7, %add3A_846 : i32
      %dma_start3A_848 = arith.constant 2 : i32
      %dma_start3A_849 = arith.constant 0 : i32
      %dma_start3A_850 = arith.constant 0 : i32
      %dma_start3A_851 = tpu.memref_slice %arg5[%dma_start3A_848, %dma_start3A_849, %dma_start3A_850] : memref<3x16x1024xf32, #tpu.memory_space<vmem>> -> memref<1x16x1024xf32, #tpu.memory_space<vmem>>
      %dma_start3A_852 = tpu.memref_squeeze %dma_start3A_851 : memref<1x16x1024xf32, #tpu.memory_space<vmem>> -> memref<16x1024xf32, #tpu.memory_space<vmem>>
      %dma_start3A_853 = arith.constant 0 : i32
      %dma_start3A_854 = tpu.memref_slice %arg3[%add3A_847, %dma_start3A_853] : memref<32768x1024xf32, #tpu.memory_space<hbm>> -> memref<16x1024xf32, #tpu.memory_space<hbm>>
      %dma_start3A_855 = arith.constant 0 : i32
      %dma_start3A_856 = tpu.memref_slice %arg3[%add3A_847, %dma_start3A_855] : memref<32768x1024xf32, #tpu.memory_space<hbm>> -> memref<16x1024xf32, #tpu.memory_space<hbm>>
      %dma_start3A_857 = arith.constant 0 : i32
      %dma_start3A_858 = arith.constant 0 : i32
      %dma_start3A_859 = tpu.memref_slice %arg5[%dma_start3A_848, %dma_start3A_857, %dma_start3A_858] : memref<3x16x1024xf32, #tpu.memory_space<vmem>> -> memref<1x16x1024xf32, #tpu.memory_space<vmem>>
      %dma_start3A_860 = tpu.memref_squeeze %dma_start3A_859 : memref<1x16x1024xf32, #tpu.memory_space<vmem>> -> memref<16x1024xf32, #tpu.memory_space<vmem>>
      tpu.enqueue_dma source(%dma_start3A_860 : memref<16x1024xf32, #tpu.memory_space<vmem>>) target(%dma_start3A_856 : memref<16x1024xf32, #tpu.memory_space<hbm>>) target_semaphore(%arg15 : memref<!tpu.dma_semaphore, #tpu.memory_space<semaphore_mem>>)
      %add3A_861 = arith.constant 192 : i32
      %add3A_862 = arith.addi %add3A_7, %add3A_861 : i32
      %dma_wait3A_863 = arith.constant 0 : i32
      %dma_wait3A_864 = arith.constant 0 : i32
      %dma_wait3A_865 = arith.constant 0 : i32
      %dma_wait3A_866 = tpu.memref_slice %arg5[%dma_wait3A_863, %dma_wait3A_864, %dma_wait3A_865] : memref<3x16x1024xf32, #tpu.memory_space<vmem>> -> memref<1x16x1024xf32, #tpu.memory_space<vmem>>
      %dma_wait3A_867 = tpu.memref_squeeze %dma_wait3A_866 : memref<1x16x1024xf32, #tpu.memory_space<vmem>> -> memref<16x1024xf32, #tpu.memory_space<vmem>>
      %dma_wait3A_868 = arith.constant 0 : i32
      %dma_wait3A_869 = tpu.memref_slice %arg3[%add3A_862, %dma_wait3A_868] : memref<32768x1024xf32, #tpu.memory_space<hbm>> -> memref<16x1024xf32, #tpu.memory_space<hbm>>
      %dma_wait3A_870 = arith.constant 0 : i32
      %dma_wait3A_871 = tpu.memref_slice %arg3[%add3A_862, %dma_wait3A_870] : memref<32768x1024xf32, #tpu.memory_space<hbm>> -> memref<16x1024xf32, #tpu.memory_space<hbm>>
      %dma_wait3A_872 = arith.constant 0 : i32
      %dma_wait3A_873 = arith.constant 0 : i32
      %dma_wait3A_874 = tpu.memref_slice %arg5[%dma_wait3A_863, %dma_wait3A_872, %dma_wait3A_873] : memref<3x16x1024xf32, #tpu.memory_space<vmem>> -> memref<1x16x1024xf32, #tpu.memory_space<vmem>>
      %dma_wait3A_875 = tpu.memref_squeeze %dma_wait3A_874 : memref<1x16x1024xf32, #tpu.memory_space<vmem>> -> memref<16x1024xf32, #tpu.memory_space<vmem>>
      tpu.wait_dma2 semaphore(%arg13 : memref<!tpu.dma_semaphore, #tpu.memory_space<semaphore_mem>>) src(%dma_wait3A_875 : memref<16x1024xf32, #tpu.memory_space<vmem>>) dst(%dma_wait3A_871 : memref<16x1024xf32, #tpu.memory_space<hbm>>)
      %add3A_876 = arith.constant 240 : i32
      %add3A_877 = arith.addi %add3A_7, %add3A_876 : i32
      %dma_start3A_878 = arith.constant 0 : i32
      %dma_start3A_879 = arith.constant 0 : i32
      %dma_start3A_880 = arith.constant 0 : i32
      %dma_start3A_881 = tpu.memref_slice %arg5[%dma_start3A_878, %dma_start3A_879, %dma_start3A_880] : memref<3x16x1024xf32, #tpu.memory_space<vmem>> -> memref<1x16x1024xf32, #tpu.memory_space<vmem>>
      %dma_start3A_882 = tpu.memref_squeeze %dma_start3A_881 : memref<1x16x1024xf32, #tpu.memory_space<vmem>> -> memref<16x1024xf32, #tpu.memory_space<vmem>>
      %dma_start3A_883 = arith.constant 0 : i32
      %dma_start3A_884 = tpu.memref_slice %arg2[%add3A_877, %dma_start3A_883] : memref<32768x1024xf32, #tpu.memory_space<hbm>> -> memref<16x1024xf32, #tpu.memory_space<hbm>>
      %dma_start3A_885 = arith.constant 0 : i32
      %dma_start3A_886 = arith.constant 0 : i32
      %dma_start3A_887 = tpu.memref_slice %arg5[%dma_start3A_878, %dma_start3A_885, %dma_start3A_886] : memref<3x16x1024xf32, #tpu.memory_space<vmem>> -> memref<1x16x1024xf32, #tpu.memory_space<vmem>>
      %dma_start3A_888 = tpu.memref_squeeze %dma_start3A_887 : memref<1x16x1024xf32, #tpu.memory_space<vmem>> -> memref<16x1024xf32, #tpu.memory_space<vmem>>
      %dma_start3A_889 = arith.constant 0 : i32
      %dma_start3A_890 = tpu.memref_slice %arg2[%add3A_877, %dma_start3A_889] : memref<32768x1024xf32, #tpu.memory_space<hbm>> -> memref<16x1024xf32, #tpu.memory_space<hbm>>
      tpu.enqueue_dma source(%dma_start3A_890 : memref<16x1024xf32, #tpu.memory_space<hbm>>) target(%dma_start3A_888 : memref<16x1024xf32, #tpu.memory_space<vmem>>) target_semaphore(%arg10 : memref<!tpu.dma_semaphore, #tpu.memory_space<semaphore_mem>>)
      %add3A_891 = arith.constant 240 : i32
      %add3A_892 = arith.addi %add3A_7, %add3A_891 : i32
      %dma_wait3A_893 = arith.constant 0 : i32
      %dma_wait3A_894 = arith.constant 0 : i32
      %dma_wait3A_895 = arith.constant 0 : i32
      %dma_wait3A_896 = tpu.memref_slice %arg5[%dma_wait3A_893, %dma_wait3A_894, %dma_wait3A_895] : memref<3x16x1024xf32, #tpu.memory_space<vmem>> -> memref<1x16x1024xf32, #tpu.memory_space<vmem>>
      %dma_wait3A_897 = tpu.memref_squeeze %dma_wait3A_896 : memref<1x16x1024xf32, #tpu.memory_space<vmem>> -> memref<16x1024xf32, #tpu.memory_space<vmem>>
      %dma_wait3A_898 = arith.constant 0 : i32
      %dma_wait3A_899 = tpu.memref_slice %arg2[%add3A_892, %dma_wait3A_898] : memref<32768x1024xf32, #tpu.memory_space<hbm>> -> memref<16x1024xf32, #tpu.memory_space<hbm>>
      %dma_wait3A_900 = arith.constant 0 : i32
      %dma_wait3A_901 = arith.constant 0 : i32
      %dma_wait3A_902 = tpu.memref_slice %arg5[%dma_wait3A_893, %dma_wait3A_900, %dma_wait3A_901] : memref<3x16x1024xf32, #tpu.memory_space<vmem>> -> memref<1x16x1024xf32, #tpu.memory_space<vmem>>
      %dma_wait3A_903 = tpu.memref_squeeze %dma_wait3A_902 : memref<1x16x1024xf32, #tpu.memory_space<vmem>> -> memref<16x1024xf32, #tpu.memory_space<vmem>>
      %dma_wait3A_904 = arith.constant 0 : i32
      %dma_wait3A_905 = tpu.memref_slice %arg2[%add3A_892, %dma_wait3A_904] : memref<32768x1024xf32, #tpu.memory_space<hbm>> -> memref<16x1024xf32, #tpu.memory_space<hbm>>
      tpu.wait_dma2 semaphore(%arg10 : memref<!tpu.dma_semaphore, #tpu.memory_space<semaphore_mem>>) src(%dma_wait3A_905 : memref<16x1024xf32, #tpu.memory_space<hbm>>) dst(%dma_wait3A_903 : memref<16x1024xf32, #tpu.memory_space<vmem>>)
      %add3A_906 = arith.constant 240 : i32
      %add3A_907 = arith.addi %add3A_7, %add3A_906 : i32
      %dma_start3A_908 = arith.constant 0 : i32
      %dma_start3A_909 = arith.constant 0 : i32
      %dma_start3A_910 = arith.constant 0 : i32
      %dma_start3A_911 = tpu.memref_slice %arg5[%dma_start3A_908, %dma_start3A_909, %dma_start3A_910] : memref<3x16x1024xf32, #tpu.memory_space<vmem>> -> memref<1x16x1024xf32, #tpu.memory_space<vmem>>
      %dma_start3A_912 = tpu.memref_squeeze %dma_start3A_911 : memref<1x16x1024xf32, #tpu.memory_space<vmem>> -> memref<16x1024xf32, #tpu.memory_space<vmem>>
      %dma_start3A_913 = arith.constant 0 : i32
      %dma_start3A_914 = tpu.memref_slice %arg3[%add3A_907, %dma_start3A_913] : memref<32768x1024xf32, #tpu.memory_space<hbm>> -> memref<16x1024xf32, #tpu.memory_space<hbm>>
      %dma_start3A_915 = arith.constant 0 : i32
      %dma_start3A_916 = tpu.memref_slice %arg3[%add3A_907, %dma_start3A_915] : memref<32768x1024xf32, #tpu.memory_space<hbm>> -> memref<16x1024xf32, #tpu.memory_space<hbm>>
      %dma_start3A_917 = arith.constant 0 : i32
      %dma_start3A_918 = arith.constant 0 : i32
      %dma_start3A_919 = tpu.memref_slice %arg5[%dma_start3A_908, %dma_start3A_917, %dma_start3A_918] : memref<3x16x1024xf32, #tpu.memory_space<vmem>> -> memref<1x16x1024xf32, #tpu.memory_space<vmem>>
      %dma_start3A_920 = tpu.memref_squeeze %dma_start3A_919 : memref<1x16x1024xf32, #tpu.memory_space<vmem>> -> memref<16x1024xf32, #tpu.memory_space<vmem>>
      tpu.enqueue_dma source(%dma_start3A_920 : memref<16x1024xf32, #tpu.memory_space<vmem>>) target(%dma_start3A_916 : memref<16x1024xf32, #tpu.memory_space<hbm>>) target_semaphore(%arg13 : memref<!tpu.dma_semaphore, #tpu.memory_space<semaphore_mem>>)
      %add3A_921 = arith.constant 208 : i32
      %add3A_922 = arith.addi %add3A_7, %add3A_921 : i32
      %dma_wait3A_923 = arith.constant 1 : i32
      %dma_wait3A_924 = arith.constant 0 : i32
      %dma_wait3A_925 = arith.constant 0 : i32
      %dma_wait3A_926 = tpu.memref_slice %arg5[%dma_wait3A_923, %dma_wait3A_924, %dma_wait3A_925] : memref<3x16x1024xf32, #tpu.memory_space<vmem>> -> memref<1x16x1024xf32, #tpu.memory_space<vmem>>
      %dma_wait3A_927 = tpu.memref_squeeze %dma_wait3A_926 : memref<1x16x1024xf32, #tpu.memory_space<vmem>> -> memref<16x1024xf32, #tpu.memory_space<vmem>>
      %dma_wait3A_928 = arith.constant 0 : i32
      %dma_wait3A_929 = tpu.memref_slice %arg3[%add3A_922, %dma_wait3A_928] : memref<32768x1024xf32, #tpu.memory_space<hbm>> -> memref<16x1024xf32, #tpu.memory_space<hbm>>
      %dma_wait3A_930 = arith.constant 0 : i32
      %dma_wait3A_931 = tpu.memref_slice %arg3[%add3A_922, %dma_wait3A_930] : memref<32768x1024xf32, #tpu.memory_space<hbm>> -> memref<16x1024xf32, #tpu.memory_space<hbm>>
      %dma_wait3A_932 = arith.constant 0 : i32
      %dma_wait3A_933 = arith.constant 0 : i32
      %dma_wait3A_934 = tpu.memref_slice %arg5[%dma_wait3A_923, %dma_wait3A_932, %dma_wait3A_933] : memref<3x16x1024xf32, #tpu.memory_space<vmem>> -> memref<1x16x1024xf32, #tpu.memory_space<vmem>>
      %dma_wait3A_935 = tpu.memref_squeeze %dma_wait3A_934 : memref<1x16x1024xf32, #tpu.memory_space<vmem>> -> memref<16x1024xf32, #tpu.memory_space<vmem>>
      tpu.wait_dma2 semaphore(%arg14 : memref<!tpu.dma_semaphore, #tpu.memory_space<semaphore_mem>>) src(%dma_wait3A_935 : memref<16x1024xf32, #tpu.memory_space<vmem>>) dst(%dma_wait3A_931 : memref<16x1024xf32, #tpu.memory_space<hbm>>)
      %add3A_936 = arith.constant 256 : i32
      %add3A_937 = arith.addi %add3A_7, %add3A_936 : i32
      %dma_start3A_938 = arith.constant 1 : i32
      %dma_start3A_939 = arith.constant 0 : i32
      %dma_start3A_940 = arith.constant 0 : i32
      %dma_start3A_941 = tpu.memref_slice %arg5[%dma_start3A_938, %dma_start3A_939, %dma_start3A_940] : memref<3x16x1024xf32, #tpu.memory_space<vmem>> -> memref<1x16x1024xf32, #tpu.memory_space<vmem>>
      %dma_start3A_942 = tpu.memref_squeeze %dma_start3A_941 : memref<1x16x1024xf32, #tpu.memory_space<vmem>> -> memref<16x1024xf32, #tpu.memory_space<vmem>>
      %dma_start3A_943 = arith.constant 0 : i32
      %dma_start3A_944 = tpu.memref_slice %arg2[%add3A_937, %dma_start3A_943] : memref<32768x1024xf32, #tpu.memory_space<hbm>> -> memref<16x1024xf32, #tpu.memory_space<hbm>>
      %dma_start3A_945 = arith.constant 0 : i32
      %dma_start3A_946 = arith.constant 0 : i32
      %dma_start3A_947 = tpu.memref_slice %arg5[%dma_start3A_938, %dma_start3A_945, %dma_start3A_946] : memref<3x16x1024xf32, #tpu.memory_space<vmem>> -> memref<1x16x1024xf32, #tpu.memory_space<vmem>>
      %dma_start3A_948 = tpu.memref_squeeze %dma_start3A_947 : memref<1x16x1024xf32, #tpu.memory_space<vmem>> -> memref<16x1024xf32, #tpu.memory_space<vmem>>
      %dma_start3A_949 = arith.constant 0 : i32
      %dma_start3A_950 = tpu.memref_slice %arg2[%add3A_937, %dma_start3A_949] : memref<32768x1024xf32, #tpu.memory_space<hbm>> -> memref<16x1024xf32, #tpu.memory_space<hbm>>
      tpu.enqueue_dma source(%dma_start3A_950 : memref<16x1024xf32, #tpu.memory_space<hbm>>) target(%dma_start3A_948 : memref<16x1024xf32, #tpu.memory_space<vmem>>) target_semaphore(%arg11 : memref<!tpu.dma_semaphore, #tpu.memory_space<semaphore_mem>>)
      %add3A_951 = arith.constant 256 : i32
      %add3A_952 = arith.addi %add3A_7, %add3A_951 : i32
      %dma_wait3A_953 = arith.constant 1 : i32
      %dma_wait3A_954 = arith.constant 0 : i32
      %dma_wait3A_955 = arith.constant 0 : i32
      %dma_wait3A_956 = tpu.memref_slice %arg5[%dma_wait3A_953, %dma_wait3A_954, %dma_wait3A_955] : memref<3x16x1024xf32, #tpu.memory_space<vmem>> -> memref<1x16x1024xf32, #tpu.memory_space<vmem>>
      %dma_wait3A_957 = tpu.memref_squeeze %dma_wait3A_956 : memref<1x16x1024xf32, #tpu.memory_space<vmem>> -> memref<16x1024xf32, #tpu.memory_space<vmem>>
      %dma_wait3A_958 = arith.constant 0 : i32
      %dma_wait3A_959 = tpu.memref_slice %arg2[%add3A_952, %dma_wait3A_958] : memref<32768x1024xf32, #tpu.memory_space<hbm>> -> memref<16x1024xf32, #tpu.memory_space<hbm>>
      %dma_wait3A_960 = arith.constant 0 : i32
      %dma_wait3A_961 = arith.constant 0 : i32
      %dma_wait3A_962 = tpu.memref_slice %arg5[%dma_wait3A_953, %dma_wait3A_960, %dma_wait3A_961] : memref<3x16x1024xf32, #tpu.memory_space<vmem>> -> memref<1x16x1024xf32, #tpu.memory_space<vmem>>
      %dma_wait3A_963 = tpu.memref_squeeze %dma_wait3A_962 : memref<1x16x1024xf32, #tpu.memory_space<vmem>> -> memref<16x1024xf32, #tpu.memory_space<vmem>>
      %dma_wait3A_964 = arith.constant 0 : i32
      %dma_wait3A_965 = tpu.memref_slice %arg2[%add3A_952, %dma_wait3A_964] : memref<32768x1024xf32, #tpu.memory_space<hbm>> -> memref<16x1024xf32, #tpu.memory_space<hbm>>
      tpu.wait_dma2 semaphore(%arg11 : memref<!tpu.dma_semaphore, #tpu.memory_space<semaphore_mem>>) src(%dma_wait3A_965 : memref<16x1024xf32, #tpu.memory_space<hbm>>) dst(%dma_wait3A_963 : memref<16x1024xf32, #tpu.memory_space<vmem>>)
      %add3A_966 = arith.constant 256 : i32
      %add3A_967 = arith.addi %add3A_7, %add3A_966 : i32
      %dma_start3A_968 = arith.constant 1 : i32
      %dma_start3A_969 = arith.constant 0 : i32
      %dma_start3A_970 = arith.constant 0 : i32
      %dma_start3A_971 = tpu.memref_slice %arg5[%dma_start3A_968, %dma_start3A_969, %dma_start3A_970] : memref<3x16x1024xf32, #tpu.memory_space<vmem>> -> memref<1x16x1024xf32, #tpu.memory_space<vmem>>
      %dma_start3A_972 = tpu.memref_squeeze %dma_start3A_971 : memref<1x16x1024xf32, #tpu.memory_space<vmem>> -> memref<16x1024xf32, #tpu.memory_space<vmem>>
      %dma_start3A_973 = arith.constant 0 : i32
      %dma_start3A_974 = tpu.memref_slice %arg3[%add3A_967, %dma_start3A_973] : memref<32768x1024xf32, #tpu.memory_space<hbm>> -> memref<16x1024xf32, #tpu.memory_space<hbm>>
      %dma_start3A_975 = arith.constant 0 : i32
      %dma_start3A_976 = tpu.memref_slice %arg3[%add3A_967, %dma_start3A_975] : memref<32768x1024xf32, #tpu.memory_space<hbm>> -> memref<16x1024xf32, #tpu.memory_space<hbm>>
      %dma_start3A_977 = arith.constant 0 : i32
      %dma_start3A_978 = arith.constant 0 : i32
      %dma_start3A_979 = tpu.memref_slice %arg5[%dma_start3A_968, %dma_start3A_977, %dma_start3A_978] : memref<3x16x1024xf32, #tpu.memory_space<vmem>> -> memref<1x16x1024xf32, #tpu.memory_space<vmem>>
      %dma_start3A_980 = tpu.memref_squeeze %dma_start3A_979 : memref<1x16x1024xf32, #tpu.memory_space<vmem>> -> memref<16x1024xf32, #tpu.memory_space<vmem>>
      tpu.enqueue_dma source(%dma_start3A_980 : memref<16x1024xf32, #tpu.memory_space<vmem>>) target(%dma_start3A_976 : memref<16x1024xf32, #tpu.memory_space<hbm>>) target_semaphore(%arg14 : memref<!tpu.dma_semaphore, #tpu.memory_space<semaphore_mem>>)
      %add3A_981 = arith.constant 224 : i32
      %add3A_982 = arith.addi %add3A_7, %add3A_981 : i32
      %dma_wait3A_983 = arith.constant 2 : i32
      %dma_wait3A_984 = arith.constant 0 : i32
      %dma_wait3A_985 = arith.constant 0 : i32
      %dma_wait3A_986 = tpu.memref_slice %arg5[%dma_wait3A_983, %dma_wait3A_984, %dma_wait3A_985] : memref<3x16x1024xf32, #tpu.memory_space<vmem>> -> memref<1x16x1024xf32, #tpu.memory_space<vmem>>
      %dma_wait3A_987 = tpu.memref_squeeze %dma_wait3A_986 : memref<1x16x1024xf32, #tpu.memory_space<vmem>> -> memref<16x1024xf32, #tpu.memory_space<vmem>>
      %dma_wait3A_988 = arith.constant 0 : i32
      %dma_wait3A_989 = tpu.memref_slice %arg3[%add3A_982, %dma_wait3A_988] : memref<32768x1024xf32, #tpu.memory_space<hbm>> -> memref<16x1024xf32, #tpu.memory_space<hbm>>
      %dma_wait3A_990 = arith.constant 0 : i32
      %dma_wait3A_991 = tpu.memref_slice %arg3[%add3A_982, %dma_wait3A_990] : memref<32768x1024xf32, #tpu.memory_space<hbm>> -> memref<16x1024xf32, #tpu.memory_space<hbm>>
      %dma_wait3A_992 = arith.constant 0 : i32
      %dma_wait3A_993 = arith.constant 0 : i32
      %dma_wait3A_994 = tpu.memref_slice %arg5[%dma_wait3A_983, %dma_wait3A_992, %dma_wait3A_993] : memref<3x16x1024xf32, #tpu.memory_space<vmem>> -> memref<1x16x1024xf32, #tpu.memory_space<vmem>>
      %dma_wait3A_995 = tpu.memref_squeeze %dma_wait3A_994 : memref<1x16x1024xf32, #tpu.memory_space<vmem>> -> memref<16x1024xf32, #tpu.memory_space<vmem>>
      tpu.wait_dma2 semaphore(%arg15 : memref<!tpu.dma_semaphore, #tpu.memory_space<semaphore_mem>>) src(%dma_wait3A_995 : memref<16x1024xf32, #tpu.memory_space<vmem>>) dst(%dma_wait3A_991 : memref<16x1024xf32, #tpu.memory_space<hbm>>)
      %add3A_996 = arith.constant 272 : i32
      %add3A_997 = arith.addi %add3A_7, %add3A_996 : i32
      %dma_start3A_998 = arith.constant 2 : i32
      %dma_start3A_999 = arith.constant 0 : i32
      %dma_start3A_1000 = arith.constant 0 : i32
      %dma_start3A_1001 = tpu.memref_slice %arg5[%dma_start3A_998, %dma_start3A_999, %dma_start3A_1000] : memref<3x16x1024xf32, #tpu.memory_space<vmem>> -> memref<1x16x1024xf32, #tpu.memory_space<vmem>>
      %dma_start3A_1002 = tpu.memref_squeeze %dma_start3A_1001 : memref<1x16x1024xf32, #tpu.memory_space<vmem>> -> memref<16x1024xf32, #tpu.memory_space<vmem>>
      %dma_start3A_1003 = arith.constant 0 : i32
      %dma_start3A_1004 = tpu.memref_slice %arg2[%add3A_997, %dma_start3A_1003] : memref<32768x1024xf32, #tpu.memory_space<hbm>> -> memref<16x1024xf32, #tpu.memory_space<hbm>>
      %dma_start3A_1005 = arith.constant 0 : i32
      %dma_start3A_1006 = arith.constant 0 : i32
      %dma_start3A_1007 = tpu.memref_slice %arg5[%dma_start3A_998, %dma_start3A_1005, %dma_start3A_1006] : memref<3x16x1024xf32, #tpu.memory_space<vmem>> -> memref<1x16x1024xf32, #tpu.memory_space<vmem>>
      %dma_start3A_1008 = tpu.memref_squeeze %dma_start3A_1007 : memref<1x16x1024xf32, #tpu.memory_space<vmem>> -> memref<16x1024xf32, #tpu.memory_space<vmem>>
      %dma_start3A_1009 = arith.constant 0 : i32
      %dma_start3A_1010 = tpu.memref_slice %arg2[%add3A_997, %dma_start3A_1009] : memref<32768x1024xf32, #tpu.memory_space<hbm>> -> memref<16x1024xf32, #tpu.memory_space<hbm>>
      tpu.enqueue_dma source(%dma_start3A_1010 : memref<16x1024xf32, #tpu.memory_space<hbm>>) target(%dma_start3A_1008 : memref<16x1024xf32, #tpu.memory_space<vmem>>) target_semaphore(%arg12 : memref<!tpu.dma_semaphore, #tpu.memory_space<semaphore_mem>>)
      %add3A_1011 = arith.constant 272 : i32
      %add3A_1012 = arith.addi %add3A_7, %add3A_1011 : i32
      %dma_wait3A_1013 = arith.constant 2 : i32
      %dma_wait3A_1014 = arith.constant 0 : i32
      %dma_wait3A_1015 = arith.constant 0 : i32
      %dma_wait3A_1016 = tpu.memref_slice %arg5[%dma_wait3A_1013, %dma_wait3A_1014, %dma_wait3A_1015] : memref<3x16x1024xf32, #tpu.memory_space<vmem>> -> memref<1x16x1024xf32, #tpu.memory_space<vmem>>
      %dma_wait3A_1017 = tpu.memref_squeeze %dma_wait3A_1016 : memref<1x16x1024xf32, #tpu.memory_space<vmem>> -> memref<16x1024xf32, #tpu.memory_space<vmem>>
      %dma_wait3A_1018 = arith.constant 0 : i32
      %dma_wait3A_1019 = tpu.memref_slice %arg2[%add3A_1012, %dma_wait3A_1018] : memref<32768x1024xf32, #tpu.memory_space<hbm>> -> memref<16x1024xf32, #tpu.memory_space<hbm>>
      %dma_wait3A_1020 = arith.constant 0 : i32
      %dma_wait3A_1021 = arith.constant 0 : i32
      %dma_wait3A_1022 = tpu.memref_slice %arg5[%dma_wait3A_1013, %dma_wait3A_1020, %dma_wait3A_1021] : memref<3x16x1024xf32, #tpu.memory_space<vmem>> -> memref<1x16x1024xf32, #tpu.memory_space<vmem>>
      %dma_wait3A_1023 = tpu.memref_squeeze %dma_wait3A_1022 : memref<1x16x1024xf32, #tpu.memory_space<vmem>> -> memref<16x1024xf32, #tpu.memory_space<vmem>>
      %dma_wait3A_1024 = arith.constant 0 : i32
      %dma_wait3A_1025 = tpu.memref_slice %arg2[%add3A_1012, %dma_wait3A_1024] : memref<32768x1024xf32, #tpu.memory_space<hbm>> -> memref<16x1024xf32, #tpu.memory_space<hbm>>
      tpu.wait_dma2 semaphore(%arg12 : memref<!tpu.dma_semaphore, #tpu.memory_space<semaphore_mem>>) src(%dma_wait3A_1025 : memref<16x1024xf32, #tpu.memory_space<hbm>>) dst(%dma_wait3A_1023 : memref<16x1024xf32, #tpu.memory_space<vmem>>)
      %add3A_1026 = arith.constant 272 : i32
      %add3A_1027 = arith.addi %add3A_7, %add3A_1026 : i32
      %dma_start3A_1028 = arith.constant 2 : i32
      %dma_start3A_1029 = arith.constant 0 : i32
      %dma_start3A_1030 = arith.constant 0 : i32
      %dma_start3A_1031 = tpu.memref_slice %arg5[%dma_start3A_1028, %dma_start3A_1029, %dma_start3A_1030] : memref<3x16x1024xf32, #tpu.memory_space<vmem>> -> memref<1x16x1024xf32, #tpu.memory_space<vmem>>
      %dma_start3A_1032 = tpu.memref_squeeze %dma_start3A_1031 : memref<1x16x1024xf32, #tpu.memory_space<vmem>> -> memref<16x1024xf32, #tpu.memory_space<vmem>>
      %dma_start3A_1033 = arith.constant 0 : i32
      %dma_start3A_1034 = tpu.memref_slice %arg3[%add3A_1027, %dma_start3A_1033] : memref<32768x1024xf32, #tpu.memory_space<hbm>> -> memref<16x1024xf32, #tpu.memory_space<hbm>>
      %dma_start3A_1035 = arith.constant 0 : i32
      %dma_start3A_1036 = tpu.memref_slice %arg3[%add3A_1027, %dma_start3A_1035] : memref<32768x1024xf32, #tpu.memory_space<hbm>> -> memref<16x1024xf32, #tpu.memory_space<hbm>>
      %dma_start3A_1037 = arith.constant 0 : i32
      %dma_start3A_1038 = arith.constant 0 : i32
      %dma_start3A_1039 = tpu.memref_slice %arg5[%dma_start3A_1028, %dma_start3A_1037, %dma_start3A_1038] : memref<3x16x1024xf32, #tpu.memory_space<vmem>> -> memref<1x16x1024xf32, #tpu.memory_space<vmem>>
      %dma_start3A_1040 = tpu.memref_squeeze %dma_start3A_1039 : memref<1x16x1024xf32, #tpu.memory_space<vmem>> -> memref<16x1024xf32, #tpu.memory_space<vmem>>
      tpu.enqueue_dma source(%dma_start3A_1040 : memref<16x1024xf32, #tpu.memory_space<vmem>>) target(%dma_start3A_1036 : memref<16x1024xf32, #tpu.memory_space<hbm>>) target_semaphore(%arg15 : memref<!tpu.dma_semaphore, #tpu.memory_space<semaphore_mem>>)
      %add3A_1041 = arith.constant 240 : i32
      %add3A_1042 = arith.addi %add3A_7, %add3A_1041 : i32
      %dma_wait3A_1043 = arith.constant 0 : i32
      %dma_wait3A_1044 = arith.constant 0 : i32
      %dma_wait3A_1045 = arith.constant 0 : i32
      %dma_wait3A_1046 = tpu.memref_slice %arg5[%dma_wait3A_1043, %dma_wait3A_1044, %dma_wait3A_1045] : memref<3x16x1024xf32, #tpu.memory_space<vmem>> -> memref<1x16x1024xf32, #tpu.memory_space<vmem>>
      %dma_wait3A_1047 = tpu.memref_squeeze %dma_wait3A_1046 : memref<1x16x1024xf32, #tpu.memory_space<vmem>> -> memref<16x1024xf32, #tpu.memory_space<vmem>>
      %dma_wait3A_1048 = arith.constant 0 : i32
      %dma_wait3A_1049 = tpu.memref_slice %arg3[%add3A_1042, %dma_wait3A_1048] : memref<32768x1024xf32, #tpu.memory_space<hbm>> -> memref<16x1024xf32, #tpu.memory_space<hbm>>
      %dma_wait3A_1050 = arith.constant 0 : i32
      %dma_wait3A_1051 = tpu.memref_slice %arg3[%add3A_1042, %dma_wait3A_1050] : memref<32768x1024xf32, #tpu.memory_space<hbm>> -> memref<16x1024xf32, #tpu.memory_space<hbm>>
      %dma_wait3A_1052 = arith.constant 0 : i32
      %dma_wait3A_1053 = arith.constant 0 : i32
      %dma_wait3A_1054 = tpu.memref_slice %arg5[%dma_wait3A_1043, %dma_wait3A_1052, %dma_wait3A_1053] : memref<3x16x1024xf32, #tpu.memory_space<vmem>> -> memref<1x16x1024xf32, #tpu.memory_space<vmem>>
      %dma_wait3A_1055 = tpu.memref_squeeze %dma_wait3A_1054 : memref<1x16x1024xf32, #tpu.memory_space<vmem>> -> memref<16x1024xf32, #tpu.memory_space<vmem>>
      tpu.wait_dma2 semaphore(%arg13 : memref<!tpu.dma_semaphore, #tpu.memory_space<semaphore_mem>>) src(%dma_wait3A_1055 : memref<16x1024xf32, #tpu.memory_space<vmem>>) dst(%dma_wait3A_1051 : memref<16x1024xf32, #tpu.memory_space<hbm>>)
      %add3A_1056 = arith.constant 288 : i32
      %add3A_1057 = arith.addi %add3A_7, %add3A_1056 : i32
      %dma_start3A_1058 = arith.constant 0 : i32
      %dma_start3A_1059 = arith.constant 0 : i32
      %dma_start3A_1060 = arith.constant 0 : i32
      %dma_start3A_1061 = tpu.memref_slice %arg5[%dma_start3A_1058, %dma_start3A_1059, %dma_start3A_1060] : memref<3x16x1024xf32, #tpu.memory_space<vmem>> -> memref<1x16x1024xf32, #tpu.memory_space<vmem>>
      %dma_start3A_1062 = tpu.memref_squeeze %dma_start3A_1061 : memref<1x16x1024xf32, #tpu.memory_space<vmem>> -> memref<16x1024xf32, #tpu.memory_space<vmem>>
      %dma_start3A_1063 = arith.constant 0 : i32
      %dma_start3A_1064 = tpu.memref_slice %arg2[%add3A_1057, %dma_start3A_1063] : memref<32768x1024xf32, #tpu.memory_space<hbm>> -> memref<16x1024xf32, #tpu.memory_space<hbm>>
      %dma_start3A_1065 = arith.constant 0 : i32
      %dma_start3A_1066 = arith.constant 0 : i32
      %dma_start3A_1067 = tpu.memref_slice %arg5[%dma_start3A_1058, %dma_start3A_1065, %dma_start3A_1066] : memref<3x16x1024xf32, #tpu.memory_space<vmem>> -> memref<1x16x1024xf32, #tpu.memory_space<vmem>>
      %dma_start3A_1068 = tpu.memref_squeeze %dma_start3A_1067 : memref<1x16x1024xf32, #tpu.memory_space<vmem>> -> memref<16x1024xf32, #tpu.memory_space<vmem>>
      %dma_start3A_1069 = arith.constant 0 : i32
      %dma_start3A_1070 = tpu.memref_slice %arg2[%add3A_1057, %dma_start3A_1069] : memref<32768x1024xf32, #tpu.memory_space<hbm>> -> memref<16x1024xf32, #tpu.memory_space<hbm>>
      tpu.enqueue_dma source(%dma_start3A_1070 : memref<16x1024xf32, #tpu.memory_space<hbm>>) target(%dma_start3A_1068 : memref<16x1024xf32, #tpu.memory_space<vmem>>) target_semaphore(%arg10 : memref<!tpu.dma_semaphore, #tpu.memory_space<semaphore_mem>>)
      %add3A_1071 = arith.constant 288 : i32
      %add3A_1072 = arith.addi %add3A_7, %add3A_1071 : i32
      %dma_wait3A_1073 = arith.constant 0 : i32
      %dma_wait3A_1074 = arith.constant 0 : i32
      %dma_wait3A_1075 = arith.constant 0 : i32
      %dma_wait3A_1076 = tpu.memref_slice %arg5[%dma_wait3A_1073, %dma_wait3A_1074, %dma_wait3A_1075] : memref<3x16x1024xf32, #tpu.memory_space<vmem>> -> memref<1x16x1024xf32, #tpu.memory_space<vmem>>
      %dma_wait3A_1077 = tpu.memref_squeeze %dma_wait3A_1076 : memref<1x16x1024xf32, #tpu.memory_space<vmem>> -> memref<16x1024xf32, #tpu.memory_space<vmem>>
      %dma_wait3A_1078 = arith.constant 0 : i32
      %dma_wait3A_1079 = tpu.memref_slice %arg2[%add3A_1072, %dma_wait3A_1078] : memref<32768x1024xf32, #tpu.memory_space<hbm>> -> memref<16x1024xf32, #tpu.memory_space<hbm>>
      %dma_wait3A_1080 = arith.constant 0 : i32
      %dma_wait3A_1081 = arith.constant 0 : i32
      %dma_wait3A_1082 = tpu.memref_slice %arg5[%dma_wait3A_1073, %dma_wait3A_1080, %dma_wait3A_1081] : memref<3x16x1024xf32, #tpu.memory_space<vmem>> -> memref<1x16x1024xf32, #tpu.memory_space<vmem>>
      %dma_wait3A_1083 = tpu.memref_squeeze %dma_wait3A_1082 : memref<1x16x1024xf32, #tpu.memory_space<vmem>> -> memref<16x1024xf32, #tpu.memory_space<vmem>>
      %dma_wait3A_1084 = arith.constant 0 : i32
      %dma_wait3A_1085 = tpu.memref_slice %arg2[%add3A_1072, %dma_wait3A_1084] : memref<32768x1024xf32, #tpu.memory_space<hbm>> -> memref<16x1024xf32, #tpu.memory_space<hbm>>
      tpu.wait_dma2 semaphore(%arg10 : memref<!tpu.dma_semaphore, #tpu.memory_space<semaphore_mem>>) src(%dma_wait3A_1085 : memref<16x1024xf32, #tpu.memory_space<hbm>>) dst(%dma_wait3A_1083 : memref<16x1024xf32, #tpu.memory_space<vmem>>)
      %add3A_1086 = arith.constant 288 : i32
      %add3A_1087 = arith.addi %add3A_7, %add3A_1086 : i32
      %dma_start3A_1088 = arith.constant 0 : i32
      %dma_start3A_1089 = arith.constant 0 : i32
      %dma_start3A_1090 = arith.constant 0 : i32
      %dma_start3A_1091 = tpu.memref_slice %arg5[%dma_start3A_1088, %dma_start3A_1089, %dma_start3A_1090] : memref<3x16x1024xf32, #tpu.memory_space<vmem>> -> memref<1x16x1024xf32, #tpu.memory_space<vmem>>
      %dma_start3A_1092 = tpu.memref_squeeze %dma_start3A_1091 : memref<1x16x1024xf32, #tpu.memory_space<vmem>> -> memref<16x1024xf32, #tpu.memory_space<vmem>>
      %dma_start3A_1093 = arith.constant 0 : i32
      %dma_start3A_1094 = tpu.memref_slice %arg3[%add3A_1087, %dma_start3A_1093] : memref<32768x1024xf32, #tpu.memory_space<hbm>> -> memref<16x1024xf32, #tpu.memory_space<hbm>>
      %dma_start3A_1095 = arith.constant 0 : i32
      %dma_start3A_1096 = tpu.memref_slice %arg3[%add3A_1087, %dma_start3A_1095] : memref<32768x1024xf32, #tpu.memory_space<hbm>> -> memref<16x1024xf32, #tpu.memory_space<hbm>>
      %dma_start3A_1097 = arith.constant 0 : i32
      %dma_start3A_1098 = arith.constant 0 : i32
      %dma_start3A_1099 = tpu.memref_slice %arg5[%dma_start3A_1088, %dma_start3A_1097, %dma_start3A_1098] : memref<3x16x1024xf32, #tpu.memory_space<vmem>> -> memref<1x16x1024xf32, #tpu.memory_space<vmem>>
      %dma_start3A_1100 = tpu.memref_squeeze %dma_start3A_1099 : memref<1x16x1024xf32, #tpu.memory_space<vmem>> -> memref<16x1024xf32, #tpu.memory_space<vmem>>
      tpu.enqueue_dma source(%dma_start3A_1100 : memref<16x1024xf32, #tpu.memory_space<vmem>>) target(%dma_start3A_1096 : memref<16x1024xf32, #tpu.memory_space<hbm>>) target_semaphore(%arg13 : memref<!tpu.dma_semaphore, #tpu.memory_space<semaphore_mem>>)
      %add3A_1101 = arith.constant 256 : i32
      %add3A_1102 = arith.addi %add3A_7, %add3A_1101 : i32
      %dma_wait3A_1103 = arith.constant 1 : i32
      %dma_wait3A_1104 = arith.constant 0 : i32
      %dma_wait3A_1105 = arith.constant 0 : i32
      %dma_wait3A_1106 = tpu.memref_slice %arg5[%dma_wait3A_1103, %dma_wait3A_1104, %dma_wait3A_1105] : memref<3x16x1024xf32, #tpu.memory_space<vmem>> -> memref<1x16x1024xf32, #tpu.memory_space<vmem>>
      %dma_wait3A_1107 = tpu.memref_squeeze %dma_wait3A_1106 : memref<1x16x1024xf32, #tpu.memory_space<vmem>> -> memref<16x1024xf32, #tpu.memory_space<vmem>>
      %dma_wait3A_1108 = arith.constant 0 : i32
      %dma_wait3A_1109 = tpu.memref_slice %arg3[%add3A_1102, %dma_wait3A_1108] : memref<32768x1024xf32, #tpu.memory_space<hbm>> -> memref<16x1024xf32, #tpu.memory_space<hbm>>
      %dma_wait3A_1110 = arith.constant 0 : i32
      %dma_wait3A_1111 = tpu.memref_slice %arg3[%add3A_1102, %dma_wait3A_1110] : memref<32768x1024xf32, #tpu.memory_space<hbm>> -> memref<16x1024xf32, #tpu.memory_space<hbm>>
      %dma_wait3A_1112 = arith.constant 0 : i32
      %dma_wait3A_1113 = arith.constant 0 : i32
      %dma_wait3A_1114 = tpu.memref_slice %arg5[%dma_wait3A_1103, %dma_wait3A_1112, %dma_wait3A_1113] : memref<3x16x1024xf32, #tpu.memory_space<vmem>> -> memref<1x16x1024xf32, #tpu.memory_space<vmem>>
      %dma_wait3A_1115 = tpu.memref_squeeze %dma_wait3A_1114 : memref<1x16x1024xf32, #tpu.memory_space<vmem>> -> memref<16x1024xf32, #tpu.memory_space<vmem>>
      tpu.wait_dma2 semaphore(%arg14 : memref<!tpu.dma_semaphore, #tpu.memory_space<semaphore_mem>>) src(%dma_wait3A_1115 : memref<16x1024xf32, #tpu.memory_space<vmem>>) dst(%dma_wait3A_1111 : memref<16x1024xf32, #tpu.memory_space<hbm>>)
      %add3A_1116 = arith.constant 304 : i32
      %add3A_1117 = arith.addi %add3A_7, %add3A_1116 : i32
      %dma_start3A_1118 = arith.constant 1 : i32
      %dma_start3A_1119 = arith.constant 0 : i32
      %dma_start3A_1120 = arith.constant 0 : i32
      %dma_start3A_1121 = tpu.memref_slice %arg5[%dma_start3A_1118, %dma_start3A_1119, %dma_start3A_1120] : memref<3x16x1024xf32, #tpu.memory_space<vmem>> -> memref<1x16x1024xf32, #tpu.memory_space<vmem>>
      %dma_start3A_1122 = tpu.memref_squeeze %dma_start3A_1121 : memref<1x16x1024xf32, #tpu.memory_space<vmem>> -> memref<16x1024xf32, #tpu.memory_space<vmem>>
      %dma_start3A_1123 = arith.constant 0 : i32
      %dma_start3A_1124 = tpu.memref_slice %arg2[%add3A_1117, %dma_start3A_1123] : memref<32768x1024xf32, #tpu.memory_space<hbm>> -> memref<16x1024xf32, #tpu.memory_space<hbm>>
      %dma_start3A_1125 = arith.constant 0 : i32
      %dma_start3A_1126 = arith.constant 0 : i32
      %dma_start3A_1127 = tpu.memref_slice %arg5[%dma_start3A_1118, %dma_start3A_1125, %dma_start3A_1126] : memref<3x16x1024xf32, #tpu.memory_space<vmem>> -> memref<1x16x1024xf32, #tpu.memory_space<vmem>>
      %dma_start3A_1128 = tpu.memref_squeeze %dma_start3A_1127 : memref<1x16x1024xf32, #tpu.memory_space<vmem>> -> memref<16x1024xf32, #tpu.memory_space<vmem>>
      %dma_start3A_1129 = arith.constant 0 : i32
      %dma_start3A_1130 = tpu.memref_slice %arg2[%add3A_1117, %dma_start3A_1129] : memref<32768x1024xf32, #tpu.memory_space<hbm>> -> memref<16x1024xf32, #tpu.memory_space<hbm>>
      tpu.enqueue_dma source(%dma_start3A_1130 : memref<16x1024xf32, #tpu.memory_space<hbm>>) target(%dma_start3A_1128 : memref<16x1024xf32, #tpu.memory_space<vmem>>) target_semaphore(%arg11 : memref<!tpu.dma_semaphore, #tpu.memory_space<semaphore_mem>>)
      %add3A_1131 = arith.constant 304 : i32
      %add3A_1132 = arith.addi %add3A_7, %add3A_1131 : i32
      %dma_wait3A_1133 = arith.constant 1 : i32
      %dma_wait3A_1134 = arith.constant 0 : i32
      %dma_wait3A_1135 = arith.constant 0 : i32
      %dma_wait3A_1136 = tpu.memref_slice %arg5[%dma_wait3A_1133, %dma_wait3A_1134, %dma_wait3A_1135] : memref<3x16x1024xf32, #tpu.memory_space<vmem>> -> memref<1x16x1024xf32, #tpu.memory_space<vmem>>
      %dma_wait3A_1137 = tpu.memref_squeeze %dma_wait3A_1136 : memref<1x16x1024xf32, #tpu.memory_space<vmem>> -> memref<16x1024xf32, #tpu.memory_space<vmem>>
      %dma_wait3A_1138 = arith.constant 0 : i32
      %dma_wait3A_1139 = tpu.memref_slice %arg2[%add3A_1132, %dma_wait3A_1138] : memref<32768x1024xf32, #tpu.memory_space<hbm>> -> memref<16x1024xf32, #tpu.memory_space<hbm>>
      %dma_wait3A_1140 = arith.constant 0 : i32
      %dma_wait3A_1141 = arith.constant 0 : i32
      %dma_wait3A_1142 = tpu.memref_slice %arg5[%dma_wait3A_1133, %dma_wait3A_1140, %dma_wait3A_1141] : memref<3x16x1024xf32, #tpu.memory_space<vmem>> -> memref<1x16x1024xf32, #tpu.memory_space<vmem>>
      %dma_wait3A_1143 = tpu.memref_squeeze %dma_wait3A_1142 : memref<1x16x1024xf32, #tpu.memory_space<vmem>> -> memref<16x1024xf32, #tpu.memory_space<vmem>>
      %dma_wait3A_1144 = arith.constant 0 : i32
      %dma_wait3A_1145 = tpu.memref_slice %arg2[%add3A_1132, %dma_wait3A_1144] : memref<32768x1024xf32, #tpu.memory_space<hbm>> -> memref<16x1024xf32, #tpu.memory_space<hbm>>
      tpu.wait_dma2 semaphore(%arg11 : memref<!tpu.dma_semaphore, #tpu.memory_space<semaphore_mem>>) src(%dma_wait3A_1145 : memref<16x1024xf32, #tpu.memory_space<hbm>>) dst(%dma_wait3A_1143 : memref<16x1024xf32, #tpu.memory_space<vmem>>)
      %add3A_1146 = arith.constant 304 : i32
      %add3A_1147 = arith.addi %add3A_7, %add3A_1146 : i32
      %dma_start3A_1148 = arith.constant 1 : i32
      %dma_start3A_1149 = arith.constant 0 : i32
      %dma_start3A_1150 = arith.constant 0 : i32
      %dma_start3A_1151 = tpu.memref_slice %arg5[%dma_start3A_1148, %dma_start3A_1149, %dma_start3A_1150] : memref<3x16x1024xf32, #tpu.memory_space<vmem>> -> memref<1x16x1024xf32, #tpu.memory_space<vmem>>
      %dma_start3A_1152 = tpu.memref_squeeze %dma_start3A_1151 : memref<1x16x1024xf32, #tpu.memory_space<vmem>> -> memref<16x1024xf32, #tpu.memory_space<vmem>>
      %dma_start3A_1153 = arith.constant 0 : i32
      %dma_start3A_1154 = tpu.memref_slice %arg3[%add3A_1147, %dma_start3A_1153] : memref<32768x1024xf32, #tpu.memory_space<hbm>> -> memref<16x1024xf32, #tpu.memory_space<hbm>>
      %dma_start3A_1155 = arith.constant 0 : i32
      %dma_start3A_1156 = tpu.memref_slice %arg3[%add3A_1147, %dma_start3A_1155] : memref<32768x1024xf32, #tpu.memory_space<hbm>> -> memref<16x1024xf32, #tpu.memory_space<hbm>>
      %dma_start3A_1157 = arith.constant 0 : i32
      %dma_start3A_1158 = arith.constant 0 : i32
      %dma_start3A_1159 = tpu.memref_slice %arg5[%dma_start3A_1148, %dma_start3A_1157, %dma_start3A_1158] : memref<3x16x1024xf32, #tpu.memory_space<vmem>> -> memref<1x16x1024xf32, #tpu.memory_space<vmem>>
      %dma_start3A_1160 = tpu.memref_squeeze %dma_start3A_1159 : memref<1x16x1024xf32, #tpu.memory_space<vmem>> -> memref<16x1024xf32, #tpu.memory_space<vmem>>
      tpu.enqueue_dma source(%dma_start3A_1160 : memref<16x1024xf32, #tpu.memory_space<vmem>>) target(%dma_start3A_1156 : memref<16x1024xf32, #tpu.memory_space<hbm>>) target_semaphore(%arg14 : memref<!tpu.dma_semaphore, #tpu.memory_space<semaphore_mem>>)
      %add3A_1161 = arith.constant 272 : i32
      %add3A_1162 = arith.addi %add3A_7, %add3A_1161 : i32
      %dma_wait3A_1163 = arith.constant 2 : i32
      %dma_wait3A_1164 = arith.constant 0 : i32
      %dma_wait3A_1165 = arith.constant 0 : i32
      %dma_wait3A_1166 = tpu.memref_slice %arg5[%dma_wait3A_1163, %dma_wait3A_1164, %dma_wait3A_1165] : memref<3x16x1024xf32, #tpu.memory_space<vmem>> -> memref<1x16x1024xf32, #tpu.memory_space<vmem>>
      %dma_wait3A_1167 = tpu.memref_squeeze %dma_wait3A_1166 : memref<1x16x1024xf32, #tpu.memory_space<vmem>> -> memref<16x1024xf32, #tpu.memory_space<vmem>>
      %dma_wait3A_1168 = arith.constant 0 : i32
      %dma_wait3A_1169 = tpu.memref_slice %arg3[%add3A_1162, %dma_wait3A_1168] : memref<32768x1024xf32, #tpu.memory_space<hbm>> -> memref<16x1024xf32, #tpu.memory_space<hbm>>
      %dma_wait3A_1170 = arith.constant 0 : i32
      %dma_wait3A_1171 = tpu.memref_slice %arg3[%add3A_1162, %dma_wait3A_1170] : memref<32768x1024xf32, #tpu.memory_space<hbm>> -> memref<16x1024xf32, #tpu.memory_space<hbm>>
      %dma_wait3A_1172 = arith.constant 0 : i32
      %dma_wait3A_1173 = arith.constant 0 : i32
      %dma_wait3A_1174 = tpu.memref_slice %arg5[%dma_wait3A_1163, %dma_wait3A_1172, %dma_wait3A_1173] : memref<3x16x1024xf32, #tpu.memory_space<vmem>> -> memref<1x16x1024xf32, #tpu.memory_space<vmem>>
      %dma_wait3A_1175 = tpu.memref_squeeze %dma_wait3A_1174 : memref<1x16x1024xf32, #tpu.memory_space<vmem>> -> memref<16x1024xf32, #tpu.memory_space<vmem>>
      tpu.wait_dma2 semaphore(%arg15 : memref<!tpu.dma_semaphore, #tpu.memory_space<semaphore_mem>>) src(%dma_wait3A_1175 : memref<16x1024xf32, #tpu.memory_space<vmem>>) dst(%dma_wait3A_1171 : memref<16x1024xf32, #tpu.memory_space<hbm>>)
      %add3A_1176 = arith.constant 320 : i32
      %add3A_1177 = arith.addi %add3A_7, %add3A_1176 : i32
      %dma_start3A_1178 = arith.constant 2 : i32
      %dma_start3A_1179 = arith.constant 0 : i32
      %dma_start3A_1180 = arith.constant 0 : i32
      %dma_start3A_1181 = tpu.memref_slice %arg5[%dma_start3A_1178, %dma_start3A_1179, %dma_start3A_1180] : memref<3x16x1024xf32, #tpu.memory_space<vmem>> -> memref<1x16x1024xf32, #tpu.memory_space<vmem>>
      %dma_start3A_1182 = tpu.memref_squeeze %dma_start3A_1181 : memref<1x16x1024xf32, #tpu.memory_space<vmem>> -> memref<16x1024xf32, #tpu.memory_space<vmem>>
      %dma_start3A_1183 = arith.constant 0 : i32
      %dma_start3A_1184 = tpu.memref_slice %arg2[%add3A_1177, %dma_start3A_1183] : memref<32768x1024xf32, #tpu.memory_space<hbm>> -> memref<16x1024xf32, #tpu.memory_space<hbm>>
      %dma_start3A_1185 = arith.constant 0 : i32
      %dma_start3A_1186 = arith.constant 0 : i32
      %dma_start3A_1187 = tpu.memref_slice %arg5[%dma_start3A_1178, %dma_start3A_1185, %dma_start3A_1186] : memref<3x16x1024xf32, #tpu.memory_space<vmem>> -> memref<1x16x1024xf32, #tpu.memory_space<vmem>>
      %dma_start3A_1188 = tpu.memref_squeeze %dma_start3A_1187 : memref<1x16x1024xf32, #tpu.memory_space<vmem>> -> memref<16x1024xf32, #tpu.memory_space<vmem>>
      %dma_start3A_1189 = arith.constant 0 : i32
      %dma_start3A_1190 = tpu.memref_slice %arg2[%add3A_1177, %dma_start3A_1189] : memref<32768x1024xf32, #tpu.memory_space<hbm>> -> memref<16x1024xf32, #tpu.memory_space<hbm>>
      tpu.enqueue_dma source(%dma_start3A_1190 : memref<16x1024xf32, #tpu.memory_space<hbm>>) target(%dma_start3A_1188 : memref<16x1024xf32, #tpu.memory_space<vmem>>) target_semaphore(%arg12 : memref<!tpu.dma_semaphore, #tpu.memory_space<semaphore_mem>>)
      %add3A_1191 = arith.constant 320 : i32
      %add3A_1192 = arith.addi %add3A_7, %add3A_1191 : i32
      %dma_wait3A_1193 = arith.constant 2 : i32
      %dma_wait3A_1194 = arith.constant 0 : i32
      %dma_wait3A_1195 = arith.constant 0 : i32
      %dma_wait3A_1196 = tpu.memref_slice %arg5[%dma_wait3A_1193, %dma_wait3A_1194, %dma_wait3A_1195] : memref<3x16x1024xf32, #tpu.memory_space<vmem>> -> memref<1x16x1024xf32, #tpu.memory_space<vmem>>
      %dma_wait3A_1197 = tpu.memref_squeeze %dma_wait3A_1196 : memref<1x16x1024xf32, #tpu.memory_space<vmem>> -> memref<16x1024xf32, #tpu.memory_space<vmem>>
      %dma_wait3A_1198 = arith.constant 0 : i32
      %dma_wait3A_1199 = tpu.memref_slice %arg2[%add3A_1192, %dma_wait3A_1198] : memref<32768x1024xf32, #tpu.memory_space<hbm>> -> memref<16x1024xf32, #tpu.memory_space<hbm>>
      %dma_wait3A_1200 = arith.constant 0 : i32
      %dma_wait3A_1201 = arith.constant 0 : i32
      %dma_wait3A_1202 = tpu.memref_slice %arg5[%dma_wait3A_1193, %dma_wait3A_1200, %dma_wait3A_1201] : memref<3x16x1024xf32, #tpu.memory_space<vmem>> -> memref<1x16x1024xf32, #tpu.memory_space<vmem>>
      %dma_wait3A_1203 = tpu.memref_squeeze %dma_wait3A_1202 : memref<1x16x1024xf32, #tpu.memory_space<vmem>> -> memref<16x1024xf32, #tpu.memory_space<vmem>>
      %dma_wait3A_1204 = arith.constant 0 : i32
      %dma_wait3A_1205 = tpu.memref_slice %arg2[%add3A_1192, %dma_wait3A_1204] : memref<32768x1024xf32, #tpu.memory_space<hbm>> -> memref<16x1024xf32, #tpu.memory_space<hbm>>
      tpu.wait_dma2 semaphore(%arg12 : memref<!tpu.dma_semaphore, #tpu.memory_space<semaphore_mem>>) src(%dma_wait3A_1205 : memref<16x1024xf32, #tpu.memory_space<hbm>>) dst(%dma_wait3A_1203 : memref<16x1024xf32, #tpu.memory_space<vmem>>)
      %add3A_1206 = arith.constant 320 : i32
      %add3A_1207 = arith.addi %add3A_7, %add3A_1206 : i32
      %dma_start3A_1208 = arith.constant 2 : i32
      %dma_start3A_1209 = arith.constant 0 : i32
      %dma_start3A_1210 = arith.constant 0 : i32
      %dma_start3A_1211 = tpu.memref_slice %arg5[%dma_start3A_1208, %dma_start3A_1209, %dma_start3A_1210] : memref<3x16x1024xf32, #tpu.memory_space<vmem>> -> memref<1x16x1024xf32, #tpu.memory_space<vmem>>
      %dma_start3A_1212 = tpu.memref_squeeze %dma_start3A_1211 : memref<1x16x1024xf32, #tpu.memory_space<vmem>> -> memref<16x1024xf32, #tpu.memory_space<vmem>>
      %dma_start3A_1213 = arith.constant 0 : i32
      %dma_start3A_1214 = tpu.memref_slice %arg3[%add3A_1207, %dma_start3A_1213] : memref<32768x1024xf32, #tpu.memory_space<hbm>> -> memref<16x1024xf32, #tpu.memory_space<hbm>>
      %dma_start3A_1215 = arith.constant 0 : i32
      %dma_start3A_1216 = tpu.memref_slice %arg3[%add3A_1207, %dma_start3A_1215] : memref<32768x1024xf32, #tpu.memory_space<hbm>> -> memref<16x1024xf32, #tpu.memory_space<hbm>>
      %dma_start3A_1217 = arith.constant 0 : i32
      %dma_start3A_1218 = arith.constant 0 : i32
      %dma_start3A_1219 = tpu.memref_slice %arg5[%dma_start3A_1208, %dma_start3A_1217, %dma_start3A_1218] : memref<3x16x1024xf32, #tpu.memory_space<vmem>> -> memref<1x16x1024xf32, #tpu.memory_space<vmem>>
      %dma_start3A_1220 = tpu.memref_squeeze %dma_start3A_1219 : memref<1x16x1024xf32, #tpu.memory_space<vmem>> -> memref<16x1024xf32, #tpu.memory_space<vmem>>
      tpu.enqueue_dma source(%dma_start3A_1220 : memref<16x1024xf32, #tpu.memory_space<vmem>>) target(%dma_start3A_1216 : memref<16x1024xf32, #tpu.memory_space<hbm>>) target_semaphore(%arg15 : memref<!tpu.dma_semaphore, #tpu.memory_space<semaphore_mem>>)
      %add3A_1221 = arith.constant 288 : i32
      %add3A_1222 = arith.addi %add3A_7, %add3A_1221 : i32
      %dma_wait3A_1223 = arith.constant 0 : i32
      %dma_wait3A_1224 = arith.constant 0 : i32
      %dma_wait3A_1225 = arith.constant 0 : i32
      %dma_wait3A_1226 = tpu.memref_slice %arg5[%dma_wait3A_1223, %dma_wait3A_1224, %dma_wait3A_1225] : memref<3x16x1024xf32, #tpu.memory_space<vmem>> -> memref<1x16x1024xf32, #tpu.memory_space<vmem>>
      %dma_wait3A_1227 = tpu.memref_squeeze %dma_wait3A_1226 : memref<1x16x1024xf32, #tpu.memory_space<vmem>> -> memref<16x1024xf32, #tpu.memory_space<vmem>>
      %dma_wait3A_1228 = arith.constant 0 : i32
      %dma_wait3A_1229 = tpu.memref_slice %arg3[%add3A_1222, %dma_wait3A_1228] : memref<32768x1024xf32, #tpu.memory_space<hbm>> -> memref<16x1024xf32, #tpu.memory_space<hbm>>
      %dma_wait3A_1230 = arith.constant 0 : i32
      %dma_wait3A_1231 = tpu.memref_slice %arg3[%add3A_1222, %dma_wait3A_1230] : memref<32768x1024xf32, #tpu.memory_space<hbm>> -> memref<16x1024xf32, #tpu.memory_space<hbm>>
      %dma_wait3A_1232 = arith.constant 0 : i32
      %dma_wait3A_1233 = arith.constant 0 : i32
      %dma_wait3A_1234 = tpu.memref_slice %arg5[%dma_wait3A_1223, %dma_wait3A_1232, %dma_wait3A_1233] : memref<3x16x1024xf32, #tpu.memory_space<vmem>> -> memref<1x16x1024xf32, #tpu.memory_space<vmem>>
      %dma_wait3A_1235 = tpu.memref_squeeze %dma_wait3A_1234 : memref<1x16x1024xf32, #tpu.memory_space<vmem>> -> memref<16x1024xf32, #tpu.memory_space<vmem>>
      tpu.wait_dma2 semaphore(%arg13 : memref<!tpu.dma_semaphore, #tpu.memory_space<semaphore_mem>>) src(%dma_wait3A_1235 : memref<16x1024xf32, #tpu.memory_space<vmem>>) dst(%dma_wait3A_1231 : memref<16x1024xf32, #tpu.memory_space<hbm>>)
      %add3A_1236 = arith.constant 336 : i32
      %add3A_1237 = arith.addi %add3A_7, %add3A_1236 : i32
      %dma_start3A_1238 = arith.constant 0 : i32
      %dma_start3A_1239 = arith.constant 0 : i32
      %dma_start3A_1240 = arith.constant 0 : i32
      %dma_start3A_1241 = tpu.memref_slice %arg5[%dma_start3A_1238, %dma_start3A_1239, %dma_start3A_1240] : memref<3x16x1024xf32, #tpu.memory_space<vmem>> -> memref<1x16x1024xf32, #tpu.memory_space<vmem>>
      %dma_start3A_1242 = tpu.memref_squeeze %dma_start3A_1241 : memref<1x16x1024xf32, #tpu.memory_space<vmem>> -> memref<16x1024xf32, #tpu.memory_space<vmem>>
      %dma_start3A_1243 = arith.constant 0 : i32
      %dma_start3A_1244 = tpu.memref_slice %arg2[%add3A_1237, %dma_start3A_1243] : memref<32768x1024xf32, #tpu.memory_space<hbm>> -> memref<16x1024xf32, #tpu.memory_space<hbm>>
      %dma_start3A_1245 = arith.constant 0 : i32
      %dma_start3A_1246 = arith.constant 0 : i32
      %dma_start3A_1247 = tpu.memref_slice %arg5[%dma_start3A_1238, %dma_start3A_1245, %dma_start3A_1246] : memref<3x16x1024xf32, #tpu.memory_space<vmem>> -> memref<1x16x1024xf32, #tpu.memory_space<vmem>>
      %dma_start3A_1248 = tpu.memref_squeeze %dma_start3A_1247 : memref<1x16x1024xf32, #tpu.memory_space<vmem>> -> memref<16x1024xf32, #tpu.memory_space<vmem>>
      %dma_start3A_1249 = arith.constant 0 : i32
      %dma_start3A_1250 = tpu.memref_slice %arg2[%add3A_1237, %dma_start3A_1249] : memref<32768x1024xf32, #tpu.memory_space<hbm>> -> memref<16x1024xf32, #tpu.memory_space<hbm>>
      tpu.enqueue_dma source(%dma_start3A_1250 : memref<16x1024xf32, #tpu.memory_space<hbm>>) target(%dma_start3A_1248 : memref<16x1024xf32, #tpu.memory_space<vmem>>) target_semaphore(%arg10 : memref<!tpu.dma_semaphore, #tpu.memory_space<semaphore_mem>>)
      %add3A_1251 = arith.constant 336 : i32
      %add3A_1252 = arith.addi %add3A_7, %add3A_1251 : i32
      %dma_wait3A_1253 = arith.constant 0 : i32
      %dma_wait3A_1254 = arith.constant 0 : i32
      %dma_wait3A_1255 = arith.constant 0 : i32
      %dma_wait3A_1256 = tpu.memref_slice %arg5[%dma_wait3A_1253, %dma_wait3A_1254, %dma_wait3A_1255] : memref<3x16x1024xf32, #tpu.memory_space<vmem>> -> memref<1x16x1024xf32, #tpu.memory_space<vmem>>
      %dma_wait3A_1257 = tpu.memref_squeeze %dma_wait3A_1256 : memref<1x16x1024xf32, #tpu.memory_space<vmem>> -> memref<16x1024xf32, #tpu.memory_space<vmem>>
      %dma_wait3A_1258 = arith.constant 0 : i32
      %dma_wait3A_1259 = tpu.memref_slice %arg2[%add3A_1252, %dma_wait3A_1258] : memref<32768x1024xf32, #tpu.memory_space<hbm>> -> memref<16x1024xf32, #tpu.memory_space<hbm>>
      %dma_wait3A_1260 = arith.constant 0 : i32
      %dma_wait3A_1261 = arith.constant 0 : i32
      %dma_wait3A_1262 = tpu.memref_slice %arg5[%dma_wait3A_1253, %dma_wait3A_1260, %dma_wait3A_1261] : memref<3x16x1024xf32, #tpu.memory_space<vmem>> -> memref<1x16x1024xf32, #tpu.memory_space<vmem>>
      %dma_wait3A_1263 = tpu.memref_squeeze %dma_wait3A_1262 : memref<1x16x1024xf32, #tpu.memory_space<vmem>> -> memref<16x1024xf32, #tpu.memory_space<vmem>>
      %dma_wait3A_1264 = arith.constant 0 : i32
      %dma_wait3A_1265 = tpu.memref_slice %arg2[%add3A_1252, %dma_wait3A_1264] : memref<32768x1024xf32, #tpu.memory_space<hbm>> -> memref<16x1024xf32, #tpu.memory_space<hbm>>
      tpu.wait_dma2 semaphore(%arg10 : memref<!tpu.dma_semaphore, #tpu.memory_space<semaphore_mem>>) src(%dma_wait3A_1265 : memref<16x1024xf32, #tpu.memory_space<hbm>>) dst(%dma_wait3A_1263 : memref<16x1024xf32, #tpu.memory_space<vmem>>)
      %add3A_1266 = arith.constant 336 : i32
      %add3A_1267 = arith.addi %add3A_7, %add3A_1266 : i32
      %dma_start3A_1268 = arith.constant 0 : i32
      %dma_start3A_1269 = arith.constant 0 : i32
      %dma_start3A_1270 = arith.constant 0 : i32
      %dma_start3A_1271 = tpu.memref_slice %arg5[%dma_start3A_1268, %dma_start3A_1269, %dma_start3A_1270] : memref<3x16x1024xf32, #tpu.memory_space<vmem>> -> memref<1x16x1024xf32, #tpu.memory_space<vmem>>
      %dma_start3A_1272 = tpu.memref_squeeze %dma_start3A_1271 : memref<1x16x1024xf32, #tpu.memory_space<vmem>> -> memref<16x1024xf32, #tpu.memory_space<vmem>>
      %dma_start3A_1273 = arith.constant 0 : i32
      %dma_start3A_1274 = tpu.memref_slice %arg3[%add3A_1267, %dma_start3A_1273] : memref<32768x1024xf32, #tpu.memory_space<hbm>> -> memref<16x1024xf32, #tpu.memory_space<hbm>>
      %dma_start3A_1275 = arith.constant 0 : i32
      %dma_start3A_1276 = tpu.memref_slice %arg3[%add3A_1267, %dma_start3A_1275] : memref<32768x1024xf32, #tpu.memory_space<hbm>> -> memref<16x1024xf32, #tpu.memory_space<hbm>>
      %dma_start3A_1277 = arith.constant 0 : i32
      %dma_start3A_1278 = arith.constant 0 : i32
      %dma_start3A_1279 = tpu.memref_slice %arg5[%dma_start3A_1268, %dma_start3A_1277, %dma_start3A_1278] : memref<3x16x1024xf32, #tpu.memory_space<vmem>> -> memref<1x16x1024xf32, #tpu.memory_space<vmem>>
      %dma_start3A_1280 = tpu.memref_squeeze %dma_start3A_1279 : memref<1x16x1024xf32, #tpu.memory_space<vmem>> -> memref<16x1024xf32, #tpu.memory_space<vmem>>
      tpu.enqueue_dma source(%dma_start3A_1280 : memref<16x1024xf32, #tpu.memory_space<vmem>>) target(%dma_start3A_1276 : memref<16x1024xf32, #tpu.memory_space<hbm>>) target_semaphore(%arg13 : memref<!tpu.dma_semaphore, #tpu.memory_space<semaphore_mem>>)
      %add3A_1281 = arith.constant 304 : i32
      %add3A_1282 = arith.addi %add3A_7, %add3A_1281 : i32
      %dma_wait3A_1283 = arith.constant 1 : i32
      %dma_wait3A_1284 = arith.constant 0 : i32
      %dma_wait3A_1285 = arith.constant 0 : i32
      %dma_wait3A_1286 = tpu.memref_slice %arg5[%dma_wait3A_1283, %dma_wait3A_1284, %dma_wait3A_1285] : memref<3x16x1024xf32, #tpu.memory_space<vmem>> -> memref<1x16x1024xf32, #tpu.memory_space<vmem>>
      %dma_wait3A_1287 = tpu.memref_squeeze %dma_wait3A_1286 : memref<1x16x1024xf32, #tpu.memory_space<vmem>> -> memref<16x1024xf32, #tpu.memory_space<vmem>>
      %dma_wait3A_1288 = arith.constant 0 : i32
      %dma_wait3A_1289 = tpu.memref_slice %arg3[%add3A_1282, %dma_wait3A_1288] : memref<32768x1024xf32, #tpu.memory_space<hbm>> -> memref<16x1024xf32, #tpu.memory_space<hbm>>
      %dma_wait3A_1290 = arith.constant 0 : i32
      %dma_wait3A_1291 = tpu.memref_slice %arg3[%add3A_1282, %dma_wait3A_1290] : memref<32768x1024xf32, #tpu.memory_space<hbm>> -> memref<16x1024xf32, #tpu.memory_space<hbm>>
      %dma_wait3A_1292 = arith.constant 0 : i32
      %dma_wait3A_1293 = arith.constant 0 : i32
      %dma_wait3A_1294 = tpu.memref_slice %arg5[%dma_wait3A_1283, %dma_wait3A_1292, %dma_wait3A_1293] : memref<3x16x1024xf32, #tpu.memory_space<vmem>> -> memref<1x16x1024xf32, #tpu.memory_space<vmem>>
      %dma_wait3A_1295 = tpu.memref_squeeze %dma_wait3A_1294 : memref<1x16x1024xf32, #tpu.memory_space<vmem>> -> memref<16x1024xf32, #tpu.memory_space<vmem>>
      tpu.wait_dma2 semaphore(%arg14 : memref<!tpu.dma_semaphore, #tpu.memory_space<semaphore_mem>>) src(%dma_wait3A_1295 : memref<16x1024xf32, #tpu.memory_space<vmem>>) dst(%dma_wait3A_1291 : memref<16x1024xf32, #tpu.memory_space<hbm>>)
      %add3A_1296 = arith.constant 352 : i32
      %add3A_1297 = arith.addi %add3A_7, %add3A_1296 : i32
      %dma_start3A_1298 = arith.constant 1 : i32
      %dma_start3A_1299 = arith.constant 0 : i32
      %dma_start3A_1300 = arith.constant 0 : i32
      %dma_start3A_1301 = tpu.memref_slice %arg5[%dma_start3A_1298, %dma_start3A_1299, %dma_start3A_1300] : memref<3x16x1024xf32, #tpu.memory_space<vmem>> -> memref<1x16x1024xf32, #tpu.memory_space<vmem>>
      %dma_start3A_1302 = tpu.memref_squeeze %dma_start3A_1301 : memref<1x16x1024xf32, #tpu.memory_space<vmem>> -> memref<16x1024xf32, #tpu.memory_space<vmem>>
      %dma_start3A_1303 = arith.constant 0 : i32
      %dma_start3A_1304 = tpu.memref_slice %arg2[%add3A_1297, %dma_start3A_1303] : memref<32768x1024xf32, #tpu.memory_space<hbm>> -> memref<16x1024xf32, #tpu.memory_space<hbm>>
      %dma_start3A_1305 = arith.constant 0 : i32
      %dma_start3A_1306 = arith.constant 0 : i32
      %dma_start3A_1307 = tpu.memref_slice %arg5[%dma_start3A_1298, %dma_start3A_1305, %dma_start3A_1306] : memref<3x16x1024xf32, #tpu.memory_space<vmem>> -> memref<1x16x1024xf32, #tpu.memory_space<vmem>>
      %dma_start3A_1308 = tpu.memref_squeeze %dma_start3A_1307 : memref<1x16x1024xf32, #tpu.memory_space<vmem>> -> memref<16x1024xf32, #tpu.memory_space<vmem>>
      %dma_start3A_1309 = arith.constant 0 : i32
      %dma_start3A_1310 = tpu.memref_slice %arg2[%add3A_1297, %dma_start3A_1309] : memref<32768x1024xf32, #tpu.memory_space<hbm>> -> memref<16x1024xf32, #tpu.memory_space<hbm>>
      tpu.enqueue_dma source(%dma_start3A_1310 : memref<16x1024xf32, #tpu.memory_space<hbm>>) target(%dma_start3A_1308 : memref<16x1024xf32, #tpu.memory_space<vmem>>) target_semaphore(%arg11 : memref<!tpu.dma_semaphore, #tpu.memory_space<semaphore_mem>>)
      %add3A_1311 = arith.constant 352 : i32
      %add3A_1312 = arith.addi %add3A_7, %add3A_1311 : i32
      %dma_wait3A_1313 = arith.constant 1 : i32
      %dma_wait3A_1314 = arith.constant 0 : i32
      %dma_wait3A_1315 = arith.constant 0 : i32
      %dma_wait3A_1316 = tpu.memref_slice %arg5[%dma_wait3A_1313, %dma_wait3A_1314, %dma_wait3A_1315] : memref<3x16x1024xf32, #tpu.memory_space<vmem>> -> memref<1x16x1024xf32, #tpu.memory_space<vmem>>
      %dma_wait3A_1317 = tpu.memref_squeeze %dma_wait3A_1316 : memref<1x16x1024xf32, #tpu.memory_space<vmem>> -> memref<16x1024xf32, #tpu.memory_space<vmem>>
      %dma_wait3A_1318 = arith.constant 0 : i32
      %dma_wait3A_1319 = tpu.memref_slice %arg2[%add3A_1312, %dma_wait3A_1318] : memref<32768x1024xf32, #tpu.memory_space<hbm>> -> memref<16x1024xf32, #tpu.memory_space<hbm>>
      %dma_wait3A_1320 = arith.constant 0 : i32
      %dma_wait3A_1321 = arith.constant 0 : i32
      %dma_wait3A_1322 = tpu.memref_slice %arg5[%dma_wait3A_1313, %dma_wait3A_1320, %dma_wait3A_1321] : memref<3x16x1024xf32, #tpu.memory_space<vmem>> -> memref<1x16x1024xf32, #tpu.memory_space<vmem>>
      %dma_wait3A_1323 = tpu.memref_squeeze %dma_wait3A_1322 : memref<1x16x1024xf32, #tpu.memory_space<vmem>> -> memref<16x1024xf32, #tpu.memory_space<vmem>>
      %dma_wait3A_1324 = arith.constant 0 : i32
      %dma_wait3A_1325 = tpu.memref_slice %arg2[%add3A_1312, %dma_wait3A_1324] : memref<32768x1024xf32, #tpu.memory_space<hbm>> -> memref<16x1024xf32, #tpu.memory_space<hbm>>
      tpu.wait_dma2 semaphore(%arg11 : memref<!tpu.dma_semaphore, #tpu.memory_space<semaphore_mem>>) src(%dma_wait3A_1325 : memref<16x1024xf32, #tpu.memory_space<hbm>>) dst(%dma_wait3A_1323 : memref<16x1024xf32, #tpu.memory_space<vmem>>)
      %add3A_1326 = arith.constant 352 : i32
      %add3A_1327 = arith.addi %add3A_7, %add3A_1326 : i32
      %dma_start3A_1328 = arith.constant 1 : i32
      %dma_start3A_1329 = arith.constant 0 : i32
      %dma_start3A_1330 = arith.constant 0 : i32
      %dma_start3A_1331 = tpu.memref_slice %arg5[%dma_start3A_1328, %dma_start3A_1329, %dma_start3A_1330] : memref<3x16x1024xf32, #tpu.memory_space<vmem>> -> memref<1x16x1024xf32, #tpu.memory_space<vmem>>
      %dma_start3A_1332 = tpu.memref_squeeze %dma_start3A_1331 : memref<1x16x1024xf32, #tpu.memory_space<vmem>> -> memref<16x1024xf32, #tpu.memory_space<vmem>>
      %dma_start3A_1333 = arith.constant 0 : i32
      %dma_start3A_1334 = tpu.memref_slice %arg3[%add3A_1327, %dma_start3A_1333] : memref<32768x1024xf32, #tpu.memory_space<hbm>> -> memref<16x1024xf32, #tpu.memory_space<hbm>>
      %dma_start3A_1335 = arith.constant 0 : i32
      %dma_start3A_1336 = tpu.memref_slice %arg3[%add3A_1327, %dma_start3A_1335] : memref<32768x1024xf32, #tpu.memory_space<hbm>> -> memref<16x1024xf32, #tpu.memory_space<hbm>>
      %dma_start3A_1337 = arith.constant 0 : i32
      %dma_start3A_1338 = arith.constant 0 : i32
      %dma_start3A_1339 = tpu.memref_slice %arg5[%dma_start3A_1328, %dma_start3A_1337, %dma_start3A_1338] : memref<3x16x1024xf32, #tpu.memory_space<vmem>> -> memref<1x16x1024xf32, #tpu.memory_space<vmem>>
      %dma_start3A_1340 = tpu.memref_squeeze %dma_start3A_1339 : memref<1x16x1024xf32, #tpu.memory_space<vmem>> -> memref<16x1024xf32, #tpu.memory_space<vmem>>
      tpu.enqueue_dma source(%dma_start3A_1340 : memref<16x1024xf32, #tpu.memory_space<vmem>>) target(%dma_start3A_1336 : memref<16x1024xf32, #tpu.memory_space<hbm>>) target_semaphore(%arg14 : memref<!tpu.dma_semaphore, #tpu.memory_space<semaphore_mem>>)
      %add3A_1341 = arith.constant 320 : i32
      %add3A_1342 = arith.addi %add3A_7, %add3A_1341 : i32
      %dma_wait3A_1343 = arith.constant 2 : i32
      %dma_wait3A_1344 = arith.constant 0 : i32
      %dma_wait3A_1345 = arith.constant 0 : i32
      %dma_wait3A_1346 = tpu.memref_slice %arg5[%dma_wait3A_1343, %dma_wait3A_1344, %dma_wait3A_1345] : memref<3x16x1024xf32, #tpu.memory_space<vmem>> -> memref<1x16x1024xf32, #tpu.memory_space<vmem>>
      %dma_wait3A_1347 = tpu.memref_squeeze %dma_wait3A_1346 : memref<1x16x1024xf32, #tpu.memory_space<vmem>> -> memref<16x1024xf32, #tpu.memory_space<vmem>>
      %dma_wait3A_1348 = arith.constant 0 : i32
      %dma_wait3A_1349 = tpu.memref_slice %arg3[%add3A_1342, %dma_wait3A_1348] : memref<32768x1024xf32, #tpu.memory_space<hbm>> -> memref<16x1024xf32, #tpu.memory_space<hbm>>
      %dma_wait3A_1350 = arith.constant 0 : i32
      %dma_wait3A_1351 = tpu.memref_slice %arg3[%add3A_1342, %dma_wait3A_1350] : memref<32768x1024xf32, #tpu.memory_space<hbm>> -> memref<16x1024xf32, #tpu.memory_space<hbm>>
      %dma_wait3A_1352 = arith.constant 0 : i32
      %dma_wait3A_1353 = arith.constant 0 : i32
      %dma_wait3A_1354 = tpu.memref_slice %arg5[%dma_wait3A_1343, %dma_wait3A_1352, %dma_wait3A_1353] : memref<3x16x1024xf32, #tpu.memory_space<vmem>> -> memref<1x16x1024xf32, #tpu.memory_space<vmem>>
      %dma_wait3A_1355 = tpu.memref_squeeze %dma_wait3A_1354 : memref<1x16x1024xf32, #tpu.memory_space<vmem>> -> memref<16x1024xf32, #tpu.memory_space<vmem>>
      tpu.wait_dma2 semaphore(%arg15 : memref<!tpu.dma_semaphore, #tpu.memory_space<semaphore_mem>>) src(%dma_wait3A_1355 : memref<16x1024xf32, #tpu.memory_space<vmem>>) dst(%dma_wait3A_1351 : memref<16x1024xf32, #tpu.memory_space<hbm>>)
      %add3A_1356 = arith.constant 368 : i32
      %add3A_1357 = arith.addi %add3A_7, %add3A_1356 : i32
      %dma_start3A_1358 = arith.constant 2 : i32
      %dma_start3A_1359 = arith.constant 0 : i32
      %dma_start3A_1360 = arith.constant 0 : i32
      %dma_start3A_1361 = tpu.memref_slice %arg5[%dma_start3A_1358, %dma_start3A_1359, %dma_start3A_1360] : memref<3x16x1024xf32, #tpu.memory_space<vmem>> -> memref<1x16x1024xf32, #tpu.memory_space<vmem>>
      %dma_start3A_1362 = tpu.memref_squeeze %dma_start3A_1361 : memref<1x16x1024xf32, #tpu.memory_space<vmem>> -> memref<16x1024xf32, #tpu.memory_space<vmem>>
      %dma_start3A_1363 = arith.constant 0 : i32
      %dma_start3A_1364 = tpu.memref_slice %arg2[%add3A_1357, %dma_start3A_1363] : memref<32768x1024xf32, #tpu.memory_space<hbm>> -> memref<16x1024xf32, #tpu.memory_space<hbm>>
      %dma_start3A_1365 = arith.constant 0 : i32
      %dma_start3A_1366 = arith.constant 0 : i32
      %dma_start3A_1367 = tpu.memref_slice %arg5[%dma_start3A_1358, %dma_start3A_1365, %dma_start3A_1366] : memref<3x16x1024xf32, #tpu.memory_space<vmem>> -> memref<1x16x1024xf32, #tpu.memory_space<vmem>>
      %dma_start3A_1368 = tpu.memref_squeeze %dma_start3A_1367 : memref<1x16x1024xf32, #tpu.memory_space<vmem>> -> memref<16x1024xf32, #tpu.memory_space<vmem>>
      %dma_start3A_1369 = arith.constant 0 : i32
      %dma_start3A_1370 = tpu.memref_slice %arg2[%add3A_1357, %dma_start3A_1369] : memref<32768x1024xf32, #tpu.memory_space<hbm>> -> memref<16x1024xf32, #tpu.memory_space<hbm>>
      tpu.enqueue_dma source(%dma_start3A_1370 : memref<16x1024xf32, #tpu.memory_space<hbm>>) target(%dma_start3A_1368 : memref<16x1024xf32, #tpu.memory_space<vmem>>) target_semaphore(%arg12 : memref<!tpu.dma_semaphore, #tpu.memory_space<semaphore_mem>>)
      %add3A_1371 = arith.constant 368 : i32
      %add3A_1372 = arith.addi %add3A_7, %add3A_1371 : i32
      %dma_wait3A_1373 = arith.constant 2 : i32
      %dma_wait3A_1374 = arith.constant 0 : i32
      %dma_wait3A_1375 = arith.constant 0 : i32
      %dma_wait3A_1376 = tpu.memref_slice %arg5[%dma_wait3A_1373, %dma_wait3A_1374, %dma_wait3A_1375] : memref<3x16x1024xf32, #tpu.memory_space<vmem>> -> memref<1x16x1024xf32, #tpu.memory_space<vmem>>
      %dma_wait3A_1377 = tpu.memref_squeeze %dma_wait3A_1376 : memref<1x16x1024xf32, #tpu.memory_space<vmem>> -> memref<16x1024xf32, #tpu.memory_space<vmem>>
      %dma_wait3A_1378 = arith.constant 0 : i32
      %dma_wait3A_1379 = tpu.memref_slice %arg2[%add3A_1372, %dma_wait3A_1378] : memref<32768x1024xf32, #tpu.memory_space<hbm>> -> memref<16x1024xf32, #tpu.memory_space<hbm>>
      %dma_wait3A_1380 = arith.constant 0 : i32
      %dma_wait3A_1381 = arith.constant 0 : i32
      %dma_wait3A_1382 = tpu.memref_slice %arg5[%dma_wait3A_1373, %dma_wait3A_1380, %dma_wait3A_1381] : memref<3x16x1024xf32, #tpu.memory_space<vmem>> -> memref<1x16x1024xf32, #tpu.memory_space<vmem>>
      %dma_wait3A_1383 = tpu.memref_squeeze %dma_wait3A_1382 : memref<1x16x1024xf32, #tpu.memory_space<vmem>> -> memref<16x1024xf32, #tpu.memory_space<vmem>>
      %dma_wait3A_1384 = arith.constant 0 : i32
      %dma_wait3A_1385 = tpu.memref_slice %arg2[%add3A_1372, %dma_wait3A_1384] : memref<32768x1024xf32, #tpu.memory_space<hbm>> -> memref<16x1024xf32, #tpu.memory_space<hbm>>
      tpu.wait_dma2 semaphore(%arg12 : memref<!tpu.dma_semaphore, #tpu.memory_space<semaphore_mem>>) src(%dma_wait3A_1385 : memref<16x1024xf32, #tpu.memory_space<hbm>>) dst(%dma_wait3A_1383 : memref<16x1024xf32, #tpu.memory_space<vmem>>)
      %add3A_1386 = arith.constant 368 : i32
      %add3A_1387 = arith.addi %add3A_7, %add3A_1386 : i32
      %dma_start3A_1388 = arith.constant 2 : i32
      %dma_start3A_1389 = arith.constant 0 : i32
      %dma_start3A_1390 = arith.constant 0 : i32
      %dma_start3A_1391 = tpu.memref_slice %arg5[%dma_start3A_1388, %dma_start3A_1389, %dma_start3A_1390] : memref<3x16x1024xf32, #tpu.memory_space<vmem>> -> memref<1x16x1024xf32, #tpu.memory_space<vmem>>
      %dma_start3A_1392 = tpu.memref_squeeze %dma_start3A_1391 : memref<1x16x1024xf32, #tpu.memory_space<vmem>> -> memref<16x1024xf32, #tpu.memory_space<vmem>>
      %dma_start3A_1393 = arith.constant 0 : i32
      %dma_start3A_1394 = tpu.memref_slice %arg3[%add3A_1387, %dma_start3A_1393] : memref<32768x1024xf32, #tpu.memory_space<hbm>> -> memref<16x1024xf32, #tpu.memory_space<hbm>>
      %dma_start3A_1395 = arith.constant 0 : i32
      %dma_start3A_1396 = tpu.memref_slice %arg3[%add3A_1387, %dma_start3A_1395] : memref<32768x1024xf32, #tpu.memory_space<hbm>> -> memref<16x1024xf32, #tpu.memory_space<hbm>>
      %dma_start3A_1397 = arith.constant 0 : i32
      %dma_start3A_1398 = arith.constant 0 : i32
      %dma_start3A_1399 = tpu.memref_slice %arg5[%dma_start3A_1388, %dma_start3A_1397, %dma_start3A_1398] : memref<3x16x1024xf32, #tpu.memory_space<vmem>> -> memref<1x16x1024xf32, #tpu.memory_space<vmem>>
      %dma_start3A_1400 = tpu.memref_squeeze %dma_start3A_1399 : memref<1x16x1024xf32, #tpu.memory_space<vmem>> -> memref<16x1024xf32, #tpu.memory_space<vmem>>
      tpu.enqueue_dma source(%dma_start3A_1400 : memref<16x1024xf32, #tpu.memory_space<vmem>>) target(%dma_start3A_1396 : memref<16x1024xf32, #tpu.memory_space<hbm>>) target_semaphore(%arg15 : memref<!tpu.dma_semaphore, #tpu.memory_space<semaphore_mem>>)
      %add3A_1401 = arith.constant 336 : i32
      %add3A_1402 = arith.addi %add3A_7, %add3A_1401 : i32
      %dma_wait3A_1403 = arith.constant 0 : i32
      %dma_wait3A_1404 = arith.constant 0 : i32
      %dma_wait3A_1405 = arith.constant 0 : i32
      %dma_wait3A_1406 = tpu.memref_slice %arg5[%dma_wait3A_1403, %dma_wait3A_1404, %dma_wait3A_1405] : memref<3x16x1024xf32, #tpu.memory_space<vmem>> -> memref<1x16x1024xf32, #tpu.memory_space<vmem>>
      %dma_wait3A_1407 = tpu.memref_squeeze %dma_wait3A_1406 : memref<1x16x1024xf32, #tpu.memory_space<vmem>> -> memref<16x1024xf32, #tpu.memory_space<vmem>>
      %dma_wait3A_1408 = arith.constant 0 : i32
      %dma_wait3A_1409 = tpu.memref_slice %arg3[%add3A_1402, %dma_wait3A_1408] : memref<32768x1024xf32, #tpu.memory_space<hbm>> -> memref<16x1024xf32, #tpu.memory_space<hbm>>
      %dma_wait3A_1410 = arith.constant 0 : i32
      %dma_wait3A_1411 = tpu.memref_slice %arg3[%add3A_1402, %dma_wait3A_1410] : memref<32768x1024xf32, #tpu.memory_space<hbm>> -> memref<16x1024xf32, #tpu.memory_space<hbm>>
      %dma_wait3A_1412 = arith.constant 0 : i32
      %dma_wait3A_1413 = arith.constant 0 : i32
      %dma_wait3A_1414 = tpu.memref_slice %arg5[%dma_wait3A_1403, %dma_wait3A_1412, %dma_wait3A_1413] : memref<3x16x1024xf32, #tpu.memory_space<vmem>> -> memref<1x16x1024xf32, #tpu.memory_space<vmem>>
      %dma_wait3A_1415 = tpu.memref_squeeze %dma_wait3A_1414 : memref<1x16x1024xf32, #tpu.memory_space<vmem>> -> memref<16x1024xf32, #tpu.memory_space<vmem>>
      tpu.wait_dma2 semaphore(%arg13 : memref<!tpu.dma_semaphore, #tpu.memory_space<semaphore_mem>>) src(%dma_wait3A_1415 : memref<16x1024xf32, #tpu.memory_space<vmem>>) dst(%dma_wait3A_1411 : memref<16x1024xf32, #tpu.memory_space<hbm>>)
      %add3A_1416 = arith.constant 384 : i32
      %add3A_1417 = arith.addi %add3A_7, %add3A_1416 : i32
      %dma_start3A_1418 = arith.constant 0 : i32
      %dma_start3A_1419 = arith.constant 0 : i32
      %dma_start3A_1420 = arith.constant 0 : i32
      %dma_start3A_1421 = tpu.memref_slice %arg5[%dma_start3A_1418, %dma_start3A_1419, %dma_start3A_1420] : memref<3x16x1024xf32, #tpu.memory_space<vmem>> -> memref<1x16x1024xf32, #tpu.memory_space<vmem>>
      %dma_start3A_1422 = tpu.memref_squeeze %dma_start3A_1421 : memref<1x16x1024xf32, #tpu.memory_space<vmem>> -> memref<16x1024xf32, #tpu.memory_space<vmem>>
      %dma_start3A_1423 = arith.constant 0 : i32
      %dma_start3A_1424 = tpu.memref_slice %arg2[%add3A_1417, %dma_start3A_1423] : memref<32768x1024xf32, #tpu.memory_space<hbm>> -> memref<16x1024xf32, #tpu.memory_space<hbm>>
      %dma_start3A_1425 = arith.constant 0 : i32
      %dma_start3A_1426 = arith.constant 0 : i32
      %dma_start3A_1427 = tpu.memref_slice %arg5[%dma_start3A_1418, %dma_start3A_1425, %dma_start3A_1426] : memref<3x16x1024xf32, #tpu.memory_space<vmem>> -> memref<1x16x1024xf32, #tpu.memory_space<vmem>>
      %dma_start3A_1428 = tpu.memref_squeeze %dma_start3A_1427 : memref<1x16x1024xf32, #tpu.memory_space<vmem>> -> memref<16x1024xf32, #tpu.memory_space<vmem>>
      %dma_start3A_1429 = arith.constant 0 : i32
      %dma_start3A_1430 = tpu.memref_slice %arg2[%add3A_1417, %dma_start3A_1429] : memref<32768x1024xf32, #tpu.memory_space<hbm>> -> memref<16x1024xf32, #tpu.memory_space<hbm>>
      tpu.enqueue_dma source(%dma_start3A_1430 : memref<16x1024xf32, #tpu.memory_space<hbm>>) target(%dma_start3A_1428 : memref<16x1024xf32, #tpu.memory_space<vmem>>) target_semaphore(%arg10 : memref<!tpu.dma_semaphore, #tpu.memory_space<semaphore_mem>>)
      %add3A_1431 = arith.constant 384 : i32
      %add3A_1432 = arith.addi %add3A_7, %add3A_1431 : i32
      %dma_wait3A_1433 = arith.constant 0 : i32
      %dma_wait3A_1434 = arith.constant 0 : i32
      %dma_wait3A_1435 = arith.constant 0 : i32
      %dma_wait3A_1436 = tpu.memref_slice %arg5[%dma_wait3A_1433, %dma_wait3A_1434, %dma_wait3A_1435] : memref<3x16x1024xf32, #tpu.memory_space<vmem>> -> memref<1x16x1024xf32, #tpu.memory_space<vmem>>
      %dma_wait3A_1437 = tpu.memref_squeeze %dma_wait3A_1436 : memref<1x16x1024xf32, #tpu.memory_space<vmem>> -> memref<16x1024xf32, #tpu.memory_space<vmem>>
      %dma_wait3A_1438 = arith.constant 0 : i32
      %dma_wait3A_1439 = tpu.memref_slice %arg2[%add3A_1432, %dma_wait3A_1438] : memref<32768x1024xf32, #tpu.memory_space<hbm>> -> memref<16x1024xf32, #tpu.memory_space<hbm>>
      %dma_wait3A_1440 = arith.constant 0 : i32
      %dma_wait3A_1441 = arith.constant 0 : i32
      %dma_wait3A_1442 = tpu.memref_slice %arg5[%dma_wait3A_1433, %dma_wait3A_1440, %dma_wait3A_1441] : memref<3x16x1024xf32, #tpu.memory_space<vmem>> -> memref<1x16x1024xf32, #tpu.memory_space<vmem>>
      %dma_wait3A_1443 = tpu.memref_squeeze %dma_wait3A_1442 : memref<1x16x1024xf32, #tpu.memory_space<vmem>> -> memref<16x1024xf32, #tpu.memory_space<vmem>>
      %dma_wait3A_1444 = arith.constant 0 : i32
      %dma_wait3A_1445 = tpu.memref_slice %arg2[%add3A_1432, %dma_wait3A_1444] : memref<32768x1024xf32, #tpu.memory_space<hbm>> -> memref<16x1024xf32, #tpu.memory_space<hbm>>
      tpu.wait_dma2 semaphore(%arg10 : memref<!tpu.dma_semaphore, #tpu.memory_space<semaphore_mem>>) src(%dma_wait3A_1445 : memref<16x1024xf32, #tpu.memory_space<hbm>>) dst(%dma_wait3A_1443 : memref<16x1024xf32, #tpu.memory_space<vmem>>)
      %add3A_1446 = arith.constant 384 : i32
      %add3A_1447 = arith.addi %add3A_7, %add3A_1446 : i32
      %dma_start3A_1448 = arith.constant 0 : i32
      %dma_start3A_1449 = arith.constant 0 : i32
      %dma_start3A_1450 = arith.constant 0 : i32
      %dma_start3A_1451 = tpu.memref_slice %arg5[%dma_start3A_1448, %dma_start3A_1449, %dma_start3A_1450] : memref<3x16x1024xf32, #tpu.memory_space<vmem>> -> memref<1x16x1024xf32, #tpu.memory_space<vmem>>
      %dma_start3A_1452 = tpu.memref_squeeze %dma_start3A_1451 : memref<1x16x1024xf32, #tpu.memory_space<vmem>> -> memref<16x1024xf32, #tpu.memory_space<vmem>>
      %dma_start3A_1453 = arith.constant 0 : i32
      %dma_start3A_1454 = tpu.memref_slice %arg3[%add3A_1447, %dma_start3A_1453] : memref<32768x1024xf32, #tpu.memory_space<hbm>> -> memref<16x1024xf32, #tpu.memory_space<hbm>>
      %dma_start3A_1455 = arith.constant 0 : i32
      %dma_start3A_1456 = tpu.memref_slice %arg3[%add3A_1447, %dma_start3A_1455] : memref<32768x1024xf32, #tpu.memory_space<hbm>> -> memref<16x1024xf32, #tpu.memory_space<hbm>>
      %dma_start3A_1457 = arith.constant 0 : i32
      %dma_start3A_1458 = arith.constant 0 : i32
      %dma_start3A_1459 = tpu.memref_slice %arg5[%dma_start3A_1448, %dma_start3A_1457, %dma_start3A_1458] : memref<3x16x1024xf32, #tpu.memory_space<vmem>> -> memref<1x16x1024xf32, #tpu.memory_space<vmem>>
      %dma_start3A_1460 = tpu.memref_squeeze %dma_start3A_1459 : memref<1x16x1024xf32, #tpu.memory_space<vmem>> -> memref<16x1024xf32, #tpu.memory_space<vmem>>
      tpu.enqueue_dma source(%dma_start3A_1460 : memref<16x1024xf32, #tpu.memory_space<vmem>>) target(%dma_start3A_1456 : memref<16x1024xf32, #tpu.memory_space<hbm>>) target_semaphore(%arg13 : memref<!tpu.dma_semaphore, #tpu.memory_space<semaphore_mem>>)
      %add3A_1461 = arith.constant 352 : i32
      %add3A_1462 = arith.addi %add3A_7, %add3A_1461 : i32
      %dma_wait3A_1463 = arith.constant 1 : i32
      %dma_wait3A_1464 = arith.constant 0 : i32
      %dma_wait3A_1465 = arith.constant 0 : i32
      %dma_wait3A_1466 = tpu.memref_slice %arg5[%dma_wait3A_1463, %dma_wait3A_1464, %dma_wait3A_1465] : memref<3x16x1024xf32, #tpu.memory_space<vmem>> -> memref<1x16x1024xf32, #tpu.memory_space<vmem>>
      %dma_wait3A_1467 = tpu.memref_squeeze %dma_wait3A_1466 : memref<1x16x1024xf32, #tpu.memory_space<vmem>> -> memref<16x1024xf32, #tpu.memory_space<vmem>>
      %dma_wait3A_1468 = arith.constant 0 : i32
      %dma_wait3A_1469 = tpu.memref_slice %arg3[%add3A_1462, %dma_wait3A_1468] : memref<32768x1024xf32, #tpu.memory_space<hbm>> -> memref<16x1024xf32, #tpu.memory_space<hbm>>
      %dma_wait3A_1470 = arith.constant 0 : i32
      %dma_wait3A_1471 = tpu.memref_slice %arg3[%add3A_1462, %dma_wait3A_1470] : memref<32768x1024xf32, #tpu.memory_space<hbm>> -> memref<16x1024xf32, #tpu.memory_space<hbm>>
      %dma_wait3A_1472 = arith.constant 0 : i32
      %dma_wait3A_1473 = arith.constant 0 : i32
      %dma_wait3A_1474 = tpu.memref_slice %arg5[%dma_wait3A_1463, %dma_wait3A_1472, %dma_wait3A_1473] : memref<3x16x1024xf32, #tpu.memory_space<vmem>> -> memref<1x16x1024xf32, #tpu.memory_space<vmem>>
      %dma_wait3A_1475 = tpu.memref_squeeze %dma_wait3A_1474 : memref<1x16x1024xf32, #tpu.memory_space<vmem>> -> memref<16x1024xf32, #tpu.memory_space<vmem>>
      tpu.wait_dma2 semaphore(%arg14 : memref<!tpu.dma_semaphore, #tpu.memory_space<semaphore_mem>>) src(%dma_wait3A_1475 : memref<16x1024xf32, #tpu.memory_space<vmem>>) dst(%dma_wait3A_1471 : memref<16x1024xf32, #tpu.memory_space<hbm>>)
      %add3A_1476 = arith.constant 400 : i32
      %add3A_1477 = arith.addi %add3A_7, %add3A_1476 : i32
      %dma_start3A_1478 = arith.constant 1 : i32
      %dma_start3A_1479 = arith.constant 0 : i32
      %dma_start3A_1480 = arith.constant 0 : i32
      %dma_start3A_1481 = tpu.memref_slice %arg5[%dma_start3A_1478, %dma_start3A_1479, %dma_start3A_1480] : memref<3x16x1024xf32, #tpu.memory_space<vmem>> -> memref<1x16x1024xf32, #tpu.memory_space<vmem>>
      %dma_start3A_1482 = tpu.memref_squeeze %dma_start3A_1481 : memref<1x16x1024xf32, #tpu.memory_space<vmem>> -> memref<16x1024xf32, #tpu.memory_space<vmem>>
      %dma_start3A_1483 = arith.constant 0 : i32
      %dma_start3A_1484 = tpu.memref_slice %arg2[%add3A_1477, %dma_start3A_1483] : memref<32768x1024xf32, #tpu.memory_space<hbm>> -> memref<16x1024xf32, #tpu.memory_space<hbm>>
      %dma_start3A_1485 = arith.constant 0 : i32
      %dma_start3A_1486 = arith.constant 0 : i32
      %dma_start3A_1487 = tpu.memref_slice %arg5[%dma_start3A_1478, %dma_start3A_1485, %dma_start3A_1486] : memref<3x16x1024xf32, #tpu.memory_space<vmem>> -> memref<1x16x1024xf32, #tpu.memory_space<vmem>>
      %dma_start3A_1488 = tpu.memref_squeeze %dma_start3A_1487 : memref<1x16x1024xf32, #tpu.memory_space<vmem>> -> memref<16x1024xf32, #tpu.memory_space<vmem>>
      %dma_start3A_1489 = arith.constant 0 : i32
      %dma_start3A_1490 = tpu.memref_slice %arg2[%add3A_1477, %dma_start3A_1489] : memref<32768x1024xf32, #tpu.memory_space<hbm>> -> memref<16x1024xf32, #tpu.memory_space<hbm>>
      tpu.enqueue_dma source(%dma_start3A_1490 : memref<16x1024xf32, #tpu.memory_space<hbm>>) target(%dma_start3A_1488 : memref<16x1024xf32, #tpu.memory_space<vmem>>) target_semaphore(%arg11 : memref<!tpu.dma_semaphore, #tpu.memory_space<semaphore_mem>>)
      %add3A_1491 = arith.constant 400 : i32
      %add3A_1492 = arith.addi %add3A_7, %add3A_1491 : i32
      %dma_wait3A_1493 = arith.constant 1 : i32
      %dma_wait3A_1494 = arith.constant 0 : i32
      %dma_wait3A_1495 = arith.constant 0 : i32
      %dma_wait3A_1496 = tpu.memref_slice %arg5[%dma_wait3A_1493, %dma_wait3A_1494, %dma_wait3A_1495] : memref<3x16x1024xf32, #tpu.memory_space<vmem>> -> memref<1x16x1024xf32, #tpu.memory_space<vmem>>
      %dma_wait3A_1497 = tpu.memref_squeeze %dma_wait3A_1496 : memref<1x16x1024xf32, #tpu.memory_space<vmem>> -> memref<16x1024xf32, #tpu.memory_space<vmem>>
      %dma_wait3A_1498 = arith.constant 0 : i32
      %dma_wait3A_1499 = tpu.memref_slice %arg2[%add3A_1492, %dma_wait3A_1498] : memref<32768x1024xf32, #tpu.memory_space<hbm>> -> memref<16x1024xf32, #tpu.memory_space<hbm>>
      %dma_wait3A_1500 = arith.constant 0 : i32
      %dma_wait3A_1501 = arith.constant 0 : i32
      %dma_wait3A_1502 = tpu.memref_slice %arg5[%dma_wait3A_1493, %dma_wait3A_1500, %dma_wait3A_1501] : memref<3x16x1024xf32, #tpu.memory_space<vmem>> -> memref<1x16x1024xf32, #tpu.memory_space<vmem>>
      %dma_wait3A_1503 = tpu.memref_squeeze %dma_wait3A_1502 : memref<1x16x1024xf32, #tpu.memory_space<vmem>> -> memref<16x1024xf32, #tpu.memory_space<vmem>>
      %dma_wait3A_1504 = arith.constant 0 : i32
      %dma_wait3A_1505 = tpu.memref_slice %arg2[%add3A_1492, %dma_wait3A_1504] : memref<32768x1024xf32, #tpu.memory_space<hbm>> -> memref<16x1024xf32, #tpu.memory_space<hbm>>
      tpu.wait_dma2 semaphore(%arg11 : memref<!tpu.dma_semaphore, #tpu.memory_space<semaphore_mem>>) src(%dma_wait3A_1505 : memref<16x1024xf32, #tpu.memory_space<hbm>>) dst(%dma_wait3A_1503 : memref<16x1024xf32, #tpu.memory_space<vmem>>)
      %add3A_1506 = arith.constant 400 : i32
      %add3A_1507 = arith.addi %add3A_7, %add3A_1506 : i32
      %dma_start3A_1508 = arith.constant 1 : i32
      %dma_start3A_1509 = arith.constant 0 : i32
      %dma_start3A_1510 = arith.constant 0 : i32
      %dma_start3A_1511 = tpu.memref_slice %arg5[%dma_start3A_1508, %dma_start3A_1509, %dma_start3A_1510] : memref<3x16x1024xf32, #tpu.memory_space<vmem>> -> memref<1x16x1024xf32, #tpu.memory_space<vmem>>
      %dma_start3A_1512 = tpu.memref_squeeze %dma_start3A_1511 : memref<1x16x1024xf32, #tpu.memory_space<vmem>> -> memref<16x1024xf32, #tpu.memory_space<vmem>>
      %dma_start3A_1513 = arith.constant 0 : i32
      %dma_start3A_1514 = tpu.memref_slice %arg3[%add3A_1507, %dma_start3A_1513] : memref<32768x1024xf32, #tpu.memory_space<hbm>> -> memref<16x1024xf32, #tpu.memory_space<hbm>>
      %dma_start3A_1515 = arith.constant 0 : i32
      %dma_start3A_1516 = tpu.memref_slice %arg3[%add3A_1507, %dma_start3A_1515] : memref<32768x1024xf32, #tpu.memory_space<hbm>> -> memref<16x1024xf32, #tpu.memory_space<hbm>>
      %dma_start3A_1517 = arith.constant 0 : i32
      %dma_start3A_1518 = arith.constant 0 : i32
      %dma_start3A_1519 = tpu.memref_slice %arg5[%dma_start3A_1508, %dma_start3A_1517, %dma_start3A_1518] : memref<3x16x1024xf32, #tpu.memory_space<vmem>> -> memref<1x16x1024xf32, #tpu.memory_space<vmem>>
      %dma_start3A_1520 = tpu.memref_squeeze %dma_start3A_1519 : memref<1x16x1024xf32, #tpu.memory_space<vmem>> -> memref<16x1024xf32, #tpu.memory_space<vmem>>
      tpu.enqueue_dma source(%dma_start3A_1520 : memref<16x1024xf32, #tpu.memory_space<vmem>>) target(%dma_start3A_1516 : memref<16x1024xf32, #tpu.memory_space<hbm>>) target_semaphore(%arg14 : memref<!tpu.dma_semaphore, #tpu.memory_space<semaphore_mem>>)
      %add3A_1521 = arith.constant 368 : i32
      %add3A_1522 = arith.addi %add3A_7, %add3A_1521 : i32
      %dma_wait3A_1523 = arith.constant 2 : i32
      %dma_wait3A_1524 = arith.constant 0 : i32
      %dma_wait3A_1525 = arith.constant 0 : i32
      %dma_wait3A_1526 = tpu.memref_slice %arg5[%dma_wait3A_1523, %dma_wait3A_1524, %dma_wait3A_1525] : memref<3x16x1024xf32, #tpu.memory_space<vmem>> -> memref<1x16x1024xf32, #tpu.memory_space<vmem>>
      %dma_wait3A_1527 = tpu.memref_squeeze %dma_wait3A_1526 : memref<1x16x1024xf32, #tpu.memory_space<vmem>> -> memref<16x1024xf32, #tpu.memory_space<vmem>>
      %dma_wait3A_1528 = arith.constant 0 : i32
      %dma_wait3A_1529 = tpu.memref_slice %arg3[%add3A_1522, %dma_wait3A_1528] : memref<32768x1024xf32, #tpu.memory_space<hbm>> -> memref<16x1024xf32, #tpu.memory_space<hbm>>
      %dma_wait3A_1530 = arith.constant 0 : i32
      %dma_wait3A_1531 = tpu.memref_slice %arg3[%add3A_1522, %dma_wait3A_1530] : memref<32768x1024xf32, #tpu.memory_space<hbm>> -> memref<16x1024xf32, #tpu.memory_space<hbm>>
      %dma_wait3A_1532 = arith.constant 0 : i32
      %dma_wait3A_1533 = arith.constant 0 : i32
      %dma_wait3A_1534 = tpu.memref_slice %arg5[%dma_wait3A_1523, %dma_wait3A_1532, %dma_wait3A_1533] : memref<3x16x1024xf32, #tpu.memory_space<vmem>> -> memref<1x16x1024xf32, #tpu.memory_space<vmem>>
      %dma_wait3A_1535 = tpu.memref_squeeze %dma_wait3A_1534 : memref<1x16x1024xf32, #tpu.memory_space<vmem>> -> memref<16x1024xf32, #tpu.memory_space<vmem>>
      tpu.wait_dma2 semaphore(%arg15 : memref<!tpu.dma_semaphore, #tpu.memory_space<semaphore_mem>>) src(%dma_wait3A_1535 : memref<16x1024xf32, #tpu.memory_space<vmem>>) dst(%dma_wait3A_1531 : memref<16x1024xf32, #tpu.memory_space<hbm>>)
      %add3A_1536 = arith.constant 416 : i32
      %add3A_1537 = arith.addi %add3A_7, %add3A_1536 : i32
      %dma_start3A_1538 = arith.constant 2 : i32
      %dma_start3A_1539 = arith.constant 0 : i32
      %dma_start3A_1540 = arith.constant 0 : i32
      %dma_start3A_1541 = tpu.memref_slice %arg5[%dma_start3A_1538, %dma_start3A_1539, %dma_start3A_1540] : memref<3x16x1024xf32, #tpu.memory_space<vmem>> -> memref<1x16x1024xf32, #tpu.memory_space<vmem>>
      %dma_start3A_1542 = tpu.memref_squeeze %dma_start3A_1541 : memref<1x16x1024xf32, #tpu.memory_space<vmem>> -> memref<16x1024xf32, #tpu.memory_space<vmem>>
      %dma_start3A_1543 = arith.constant 0 : i32
      %dma_start3A_1544 = tpu.memref_slice %arg2[%add3A_1537, %dma_start3A_1543] : memref<32768x1024xf32, #tpu.memory_space<hbm>> -> memref<16x1024xf32, #tpu.memory_space<hbm>>
      %dma_start3A_1545 = arith.constant 0 : i32
      %dma_start3A_1546 = arith.constant 0 : i32
      %dma_start3A_1547 = tpu.memref_slice %arg5[%dma_start3A_1538, %dma_start3A_1545, %dma_start3A_1546] : memref<3x16x1024xf32, #tpu.memory_space<vmem>> -> memref<1x16x1024xf32, #tpu.memory_space<vmem>>
      %dma_start3A_1548 = tpu.memref_squeeze %dma_start3A_1547 : memref<1x16x1024xf32, #tpu.memory_space<vmem>> -> memref<16x1024xf32, #tpu.memory_space<vmem>>
      %dma_start3A_1549 = arith.constant 0 : i32
      %dma_start3A_1550 = tpu.memref_slice %arg2[%add3A_1537, %dma_start3A_1549] : memref<32768x1024xf32, #tpu.memory_space<hbm>> -> memref<16x1024xf32, #tpu.memory_space<hbm>>
      tpu.enqueue_dma source(%dma_start3A_1550 : memref<16x1024xf32, #tpu.memory_space<hbm>>) target(%dma_start3A_1548 : memref<16x1024xf32, #tpu.memory_space<vmem>>) target_semaphore(%arg12 : memref<!tpu.dma_semaphore, #tpu.memory_space<semaphore_mem>>)
      %add3A_1551 = arith.constant 416 : i32
      %add3A_1552 = arith.addi %add3A_7, %add3A_1551 : i32
      %dma_wait3A_1553 = arith.constant 2 : i32
      %dma_wait3A_1554 = arith.constant 0 : i32
      %dma_wait3A_1555 = arith.constant 0 : i32
      %dma_wait3A_1556 = tpu.memref_slice %arg5[%dma_wait3A_1553, %dma_wait3A_1554, %dma_wait3A_1555] : memref<3x16x1024xf32, #tpu.memory_space<vmem>> -> memref<1x16x1024xf32, #tpu.memory_space<vmem>>
      %dma_wait3A_1557 = tpu.memref_squeeze %dma_wait3A_1556 : memref<1x16x1024xf32, #tpu.memory_space<vmem>> -> memref<16x1024xf32, #tpu.memory_space<vmem>>
      %dma_wait3A_1558 = arith.constant 0 : i32
      %dma_wait3A_1559 = tpu.memref_slice %arg2[%add3A_1552, %dma_wait3A_1558] : memref<32768x1024xf32, #tpu.memory_space<hbm>> -> memref<16x1024xf32, #tpu.memory_space<hbm>>
      %dma_wait3A_1560 = arith.constant 0 : i32
      %dma_wait3A_1561 = arith.constant 0 : i32
      %dma_wait3A_1562 = tpu.memref_slice %arg5[%dma_wait3A_1553, %dma_wait3A_1560, %dma_wait3A_1561] : memref<3x16x1024xf32, #tpu.memory_space<vmem>> -> memref<1x16x1024xf32, #tpu.memory_space<vmem>>
      %dma_wait3A_1563 = tpu.memref_squeeze %dma_wait3A_1562 : memref<1x16x1024xf32, #tpu.memory_space<vmem>> -> memref<16x1024xf32, #tpu.memory_space<vmem>>
      %dma_wait3A_1564 = arith.constant 0 : i32
      %dma_wait3A_1565 = tpu.memref_slice %arg2[%add3A_1552, %dma_wait3A_1564] : memref<32768x1024xf32, #tpu.memory_space<hbm>> -> memref<16x1024xf32, #tpu.memory_space<hbm>>
      tpu.wait_dma2 semaphore(%arg12 : memref<!tpu.dma_semaphore, #tpu.memory_space<semaphore_mem>>) src(%dma_wait3A_1565 : memref<16x1024xf32, #tpu.memory_space<hbm>>) dst(%dma_wait3A_1563 : memref<16x1024xf32, #tpu.memory_space<vmem>>)
      %add3A_1566 = arith.constant 416 : i32
      %add3A_1567 = arith.addi %add3A_7, %add3A_1566 : i32
      %dma_start3A_1568 = arith.constant 2 : i32
      %dma_start3A_1569 = arith.constant 0 : i32
      %dma_start3A_1570 = arith.constant 0 : i32
      %dma_start3A_1571 = tpu.memref_slice %arg5[%dma_start3A_1568, %dma_start3A_1569, %dma_start3A_1570] : memref<3x16x1024xf32, #tpu.memory_space<vmem>> -> memref<1x16x1024xf32, #tpu.memory_space<vmem>>
      %dma_start3A_1572 = tpu.memref_squeeze %dma_start3A_1571 : memref<1x16x1024xf32, #tpu.memory_space<vmem>> -> memref<16x1024xf32, #tpu.memory_space<vmem>>
      %dma_start3A_1573 = arith.constant 0 : i32
      %dma_start3A_1574 = tpu.memref_slice %arg3[%add3A_1567, %dma_start3A_1573] : memref<32768x1024xf32, #tpu.memory_space<hbm>> -> memref<16x1024xf32, #tpu.memory_space<hbm>>
      %dma_start3A_1575 = arith.constant 0 : i32
      %dma_start3A_1576 = tpu.memref_slice %arg3[%add3A_1567, %dma_start3A_1575] : memref<32768x1024xf32, #tpu.memory_space<hbm>> -> memref<16x1024xf32, #tpu.memory_space<hbm>>
      %dma_start3A_1577 = arith.constant 0 : i32
      %dma_start3A_1578 = arith.constant 0 : i32
      %dma_start3A_1579 = tpu.memref_slice %arg5[%dma_start3A_1568, %dma_start3A_1577, %dma_start3A_1578] : memref<3x16x1024xf32, #tpu.memory_space<vmem>> -> memref<1x16x1024xf32, #tpu.memory_space<vmem>>
      %dma_start3A_1580 = tpu.memref_squeeze %dma_start3A_1579 : memref<1x16x1024xf32, #tpu.memory_space<vmem>> -> memref<16x1024xf32, #tpu.memory_space<vmem>>
      tpu.enqueue_dma source(%dma_start3A_1580 : memref<16x1024xf32, #tpu.memory_space<vmem>>) target(%dma_start3A_1576 : memref<16x1024xf32, #tpu.memory_space<hbm>>) target_semaphore(%arg15 : memref<!tpu.dma_semaphore, #tpu.memory_space<semaphore_mem>>)
      %add3A_1581 = arith.constant 384 : i32
      %add3A_1582 = arith.addi %add3A_7, %add3A_1581 : i32
      %dma_wait3A_1583 = arith.constant 0 : i32
      %dma_wait3A_1584 = arith.constant 0 : i32
      %dma_wait3A_1585 = arith.constant 0 : i32
      %dma_wait3A_1586 = tpu.memref_slice %arg5[%dma_wait3A_1583, %dma_wait3A_1584, %dma_wait3A_1585] : memref<3x16x1024xf32, #tpu.memory_space<vmem>> -> memref<1x16x1024xf32, #tpu.memory_space<vmem>>
      %dma_wait3A_1587 = tpu.memref_squeeze %dma_wait3A_1586 : memref<1x16x1024xf32, #tpu.memory_space<vmem>> -> memref<16x1024xf32, #tpu.memory_space<vmem>>
      %dma_wait3A_1588 = arith.constant 0 : i32
      %dma_wait3A_1589 = tpu.memref_slice %arg3[%add3A_1582, %dma_wait3A_1588] : memref<32768x1024xf32, #tpu.memory_space<hbm>> -> memref<16x1024xf32, #tpu.memory_space<hbm>>
      %dma_wait3A_1590 = arith.constant 0 : i32
      %dma_wait3A_1591 = tpu.memref_slice %arg3[%add3A_1582, %dma_wait3A_1590] : memref<32768x1024xf32, #tpu.memory_space<hbm>> -> memref<16x1024xf32, #tpu.memory_space<hbm>>
      %dma_wait3A_1592 = arith.constant 0 : i32
      %dma_wait3A_1593 = arith.constant 0 : i32
      %dma_wait3A_1594 = tpu.memref_slice %arg5[%dma_wait3A_1583, %dma_wait3A_1592, %dma_wait3A_1593] : memref<3x16x1024xf32, #tpu.memory_space<vmem>> -> memref<1x16x1024xf32, #tpu.memory_space<vmem>>
      %dma_wait3A_1595 = tpu.memref_squeeze %dma_wait3A_1594 : memref<1x16x1024xf32, #tpu.memory_space<vmem>> -> memref<16x1024xf32, #tpu.memory_space<vmem>>
      tpu.wait_dma2 semaphore(%arg13 : memref<!tpu.dma_semaphore, #tpu.memory_space<semaphore_mem>>) src(%dma_wait3A_1595 : memref<16x1024xf32, #tpu.memory_space<vmem>>) dst(%dma_wait3A_1591 : memref<16x1024xf32, #tpu.memory_space<hbm>>)
      %add3A_1596 = arith.constant 432 : i32
      %add3A_1597 = arith.addi %add3A_7, %add3A_1596 : i32
      %dma_start3A_1598 = arith.constant 0 : i32
      %dma_start3A_1599 = arith.constant 0 : i32
      %dma_start3A_1600 = arith.constant 0 : i32
      %dma_start3A_1601 = tpu.memref_slice %arg5[%dma_start3A_1598, %dma_start3A_1599, %dma_start3A_1600] : memref<3x16x1024xf32, #tpu.memory_space<vmem>> -> memref<1x16x1024xf32, #tpu.memory_space<vmem>>
      %dma_start3A_1602 = tpu.memref_squeeze %dma_start3A_1601 : memref<1x16x1024xf32, #tpu.memory_space<vmem>> -> memref<16x1024xf32, #tpu.memory_space<vmem>>
      %dma_start3A_1603 = arith.constant 0 : i32
      %dma_start3A_1604 = tpu.memref_slice %arg2[%add3A_1597, %dma_start3A_1603] : memref<32768x1024xf32, #tpu.memory_space<hbm>> -> memref<16x1024xf32, #tpu.memory_space<hbm>>
      %dma_start3A_1605 = arith.constant 0 : i32
      %dma_start3A_1606 = arith.constant 0 : i32
      %dma_start3A_1607 = tpu.memref_slice %arg5[%dma_start3A_1598, %dma_start3A_1605, %dma_start3A_1606] : memref<3x16x1024xf32, #tpu.memory_space<vmem>> -> memref<1x16x1024xf32, #tpu.memory_space<vmem>>
      %dma_start3A_1608 = tpu.memref_squeeze %dma_start3A_1607 : memref<1x16x1024xf32, #tpu.memory_space<vmem>> -> memref<16x1024xf32, #tpu.memory_space<vmem>>
      %dma_start3A_1609 = arith.constant 0 : i32
      %dma_start3A_1610 = tpu.memref_slice %arg2[%add3A_1597, %dma_start3A_1609] : memref<32768x1024xf32, #tpu.memory_space<hbm>> -> memref<16x1024xf32, #tpu.memory_space<hbm>>
      tpu.enqueue_dma source(%dma_start3A_1610 : memref<16x1024xf32, #tpu.memory_space<hbm>>) target(%dma_start3A_1608 : memref<16x1024xf32, #tpu.memory_space<vmem>>) target_semaphore(%arg10 : memref<!tpu.dma_semaphore, #tpu.memory_space<semaphore_mem>>)
      %add3A_1611 = arith.constant 432 : i32
      %add3A_1612 = arith.addi %add3A_7, %add3A_1611 : i32
      %dma_wait3A_1613 = arith.constant 0 : i32
      %dma_wait3A_1614 = arith.constant 0 : i32
      %dma_wait3A_1615 = arith.constant 0 : i32
      %dma_wait3A_1616 = tpu.memref_slice %arg5[%dma_wait3A_1613, %dma_wait3A_1614, %dma_wait3A_1615] : memref<3x16x1024xf32, #tpu.memory_space<vmem>> -> memref<1x16x1024xf32, #tpu.memory_space<vmem>>
      %dma_wait3A_1617 = tpu.memref_squeeze %dma_wait3A_1616 : memref<1x16x1024xf32, #tpu.memory_space<vmem>> -> memref<16x1024xf32, #tpu.memory_space<vmem>>
      %dma_wait3A_1618 = arith.constant 0 : i32
      %dma_wait3A_1619 = tpu.memref_slice %arg2[%add3A_1612, %dma_wait3A_1618] : memref<32768x1024xf32, #tpu.memory_space<hbm>> -> memref<16x1024xf32, #tpu.memory_space<hbm>>
      %dma_wait3A_1620 = arith.constant 0 : i32
      %dma_wait3A_1621 = arith.constant 0 : i32
      %dma_wait3A_1622 = tpu.memref_slice %arg5[%dma_wait3A_1613, %dma_wait3A_1620, %dma_wait3A_1621] : memref<3x16x1024xf32, #tpu.memory_space<vmem>> -> memref<1x16x1024xf32, #tpu.memory_space<vmem>>
      %dma_wait3A_1623 = tpu.memref_squeeze %dma_wait3A_1622 : memref<1x16x1024xf32, #tpu.memory_space<vmem>> -> memref<16x1024xf32, #tpu.memory_space<vmem>>
      %dma_wait3A_1624 = arith.constant 0 : i32
      %dma_wait3A_1625 = tpu.memref_slice %arg2[%add3A_1612, %dma_wait3A_1624] : memref<32768x1024xf32, #tpu.memory_space<hbm>> -> memref<16x1024xf32, #tpu.memory_space<hbm>>
      tpu.wait_dma2 semaphore(%arg10 : memref<!tpu.dma_semaphore, #tpu.memory_space<semaphore_mem>>) src(%dma_wait3A_1625 : memref<16x1024xf32, #tpu.memory_space<hbm>>) dst(%dma_wait3A_1623 : memref<16x1024xf32, #tpu.memory_space<vmem>>)
      %add3A_1626 = arith.constant 432 : i32
      %add3A_1627 = arith.addi %add3A_7, %add3A_1626 : i32
      %dma_start3A_1628 = arith.constant 0 : i32
      %dma_start3A_1629 = arith.constant 0 : i32
      %dma_start3A_1630 = arith.constant 0 : i32
      %dma_start3A_1631 = tpu.memref_slice %arg5[%dma_start3A_1628, %dma_start3A_1629, %dma_start3A_1630] : memref<3x16x1024xf32, #tpu.memory_space<vmem>> -> memref<1x16x1024xf32, #tpu.memory_space<vmem>>
      %dma_start3A_1632 = tpu.memref_squeeze %dma_start3A_1631 : memref<1x16x1024xf32, #tpu.memory_space<vmem>> -> memref<16x1024xf32, #tpu.memory_space<vmem>>
      %dma_start3A_1633 = arith.constant 0 : i32
      %dma_start3A_1634 = tpu.memref_slice %arg3[%add3A_1627, %dma_start3A_1633] : memref<32768x1024xf32, #tpu.memory_space<hbm>> -> memref<16x1024xf32, #tpu.memory_space<hbm>>
      %dma_start3A_1635 = arith.constant 0 : i32
      %dma_start3A_1636 = tpu.memref_slice %arg3[%add3A_1627, %dma_start3A_1635] : memref<32768x1024xf32, #tpu.memory_space<hbm>> -> memref<16x1024xf32, #tpu.memory_space<hbm>>
      %dma_start3A_1637 = arith.constant 0 : i32
      %dma_start3A_1638 = arith.constant 0 : i32
      %dma_start3A_1639 = tpu.memref_slice %arg5[%dma_start3A_1628, %dma_start3A_1637, %dma_start3A_1638] : memref<3x16x1024xf32, #tpu.memory_space<vmem>> -> memref<1x16x1024xf32, #tpu.memory_space<vmem>>
      %dma_start3A_1640 = tpu.memref_squeeze %dma_start3A_1639 : memref<1x16x1024xf32, #tpu.memory_space<vmem>> -> memref<16x1024xf32, #tpu.memory_space<vmem>>
      tpu.enqueue_dma source(%dma_start3A_1640 : memref<16x1024xf32, #tpu.memory_space<vmem>>) target(%dma_start3A_1636 : memref<16x1024xf32, #tpu.memory_space<hbm>>) target_semaphore(%arg13 : memref<!tpu.dma_semaphore, #tpu.memory_space<semaphore_mem>>)
      %add3A_1641 = arith.constant 400 : i32
      %add3A_1642 = arith.addi %add3A_7, %add3A_1641 : i32
      %dma_wait3A_1643 = arith.constant 1 : i32
      %dma_wait3A_1644 = arith.constant 0 : i32
      %dma_wait3A_1645 = arith.constant 0 : i32
      %dma_wait3A_1646 = tpu.memref_slice %arg5[%dma_wait3A_1643, %dma_wait3A_1644, %dma_wait3A_1645] : memref<3x16x1024xf32, #tpu.memory_space<vmem>> -> memref<1x16x1024xf32, #tpu.memory_space<vmem>>
      %dma_wait3A_1647 = tpu.memref_squeeze %dma_wait3A_1646 : memref<1x16x1024xf32, #tpu.memory_space<vmem>> -> memref<16x1024xf32, #tpu.memory_space<vmem>>
      %dma_wait3A_1648 = arith.constant 0 : i32
      %dma_wait3A_1649 = tpu.memref_slice %arg3[%add3A_1642, %dma_wait3A_1648] : memref<32768x1024xf32, #tpu.memory_space<hbm>> -> memref<16x1024xf32, #tpu.memory_space<hbm>>
      %dma_wait3A_1650 = arith.constant 0 : i32
      %dma_wait3A_1651 = tpu.memref_slice %arg3[%add3A_1642, %dma_wait3A_1650] : memref<32768x1024xf32, #tpu.memory_space<hbm>> -> memref<16x1024xf32, #tpu.memory_space<hbm>>
      %dma_wait3A_1652 = arith.constant 0 : i32
      %dma_wait3A_1653 = arith.constant 0 : i32
      %dma_wait3A_1654 = tpu.memref_slice %arg5[%dma_wait3A_1643, %dma_wait3A_1652, %dma_wait3A_1653] : memref<3x16x1024xf32, #tpu.memory_space<vmem>> -> memref<1x16x1024xf32, #tpu.memory_space<vmem>>
      %dma_wait3A_1655 = tpu.memref_squeeze %dma_wait3A_1654 : memref<1x16x1024xf32, #tpu.memory_space<vmem>> -> memref<16x1024xf32, #tpu.memory_space<vmem>>
      tpu.wait_dma2 semaphore(%arg14 : memref<!tpu.dma_semaphore, #tpu.memory_space<semaphore_mem>>) src(%dma_wait3A_1655 : memref<16x1024xf32, #tpu.memory_space<vmem>>) dst(%dma_wait3A_1651 : memref<16x1024xf32, #tpu.memory_space<hbm>>)
      %add3A_1656 = arith.constant 448 : i32
      %add3A_1657 = arith.addi %add3A_7, %add3A_1656 : i32
      %dma_start3A_1658 = arith.constant 1 : i32
      %dma_start3A_1659 = arith.constant 0 : i32
      %dma_start3A_1660 = arith.constant 0 : i32
      %dma_start3A_1661 = tpu.memref_slice %arg5[%dma_start3A_1658, %dma_start3A_1659, %dma_start3A_1660] : memref<3x16x1024xf32, #tpu.memory_space<vmem>> -> memref<1x16x1024xf32, #tpu.memory_space<vmem>>
      %dma_start3A_1662 = tpu.memref_squeeze %dma_start3A_1661 : memref<1x16x1024xf32, #tpu.memory_space<vmem>> -> memref<16x1024xf32, #tpu.memory_space<vmem>>
      %dma_start3A_1663 = arith.constant 0 : i32
      %dma_start3A_1664 = tpu.memref_slice %arg2[%add3A_1657, %dma_start3A_1663] : memref<32768x1024xf32, #tpu.memory_space<hbm>> -> memref<16x1024xf32, #tpu.memory_space<hbm>>
      %dma_start3A_1665 = arith.constant 0 : i32
      %dma_start3A_1666 = arith.constant 0 : i32
      %dma_start3A_1667 = tpu.memref_slice %arg5[%dma_start3A_1658, %dma_start3A_1665, %dma_start3A_1666] : memref<3x16x1024xf32, #tpu.memory_space<vmem>> -> memref<1x16x1024xf32, #tpu.memory_space<vmem>>
      %dma_start3A_1668 = tpu.memref_squeeze %dma_start3A_1667 : memref<1x16x1024xf32, #tpu.memory_space<vmem>> -> memref<16x1024xf32, #tpu.memory_space<vmem>>
      %dma_start3A_1669 = arith.constant 0 : i32
      %dma_start3A_1670 = tpu.memref_slice %arg2[%add3A_1657, %dma_start3A_1669] : memref<32768x1024xf32, #tpu.memory_space<hbm>> -> memref<16x1024xf32, #tpu.memory_space<hbm>>
      tpu.enqueue_dma source(%dma_start3A_1670 : memref<16x1024xf32, #tpu.memory_space<hbm>>) target(%dma_start3A_1668 : memref<16x1024xf32, #tpu.memory_space<vmem>>) target_semaphore(%arg11 : memref<!tpu.dma_semaphore, #tpu.memory_space<semaphore_mem>>)
      %add3A_1671 = arith.constant 448 : i32
      %add3A_1672 = arith.addi %add3A_7, %add3A_1671 : i32
      %dma_wait3A_1673 = arith.constant 1 : i32
      %dma_wait3A_1674 = arith.constant 0 : i32
      %dma_wait3A_1675 = arith.constant 0 : i32
      %dma_wait3A_1676 = tpu.memref_slice %arg5[%dma_wait3A_1673, %dma_wait3A_1674, %dma_wait3A_1675] : memref<3x16x1024xf32, #tpu.memory_space<vmem>> -> memref<1x16x1024xf32, #tpu.memory_space<vmem>>
      %dma_wait3A_1677 = tpu.memref_squeeze %dma_wait3A_1676 : memref<1x16x1024xf32, #tpu.memory_space<vmem>> -> memref<16x1024xf32, #tpu.memory_space<vmem>>
      %dma_wait3A_1678 = arith.constant 0 : i32
      %dma_wait3A_1679 = tpu.memref_slice %arg2[%add3A_1672, %dma_wait3A_1678] : memref<32768x1024xf32, #tpu.memory_space<hbm>> -> memref<16x1024xf32, #tpu.memory_space<hbm>>
      %dma_wait3A_1680 = arith.constant 0 : i32
      %dma_wait3A_1681 = arith.constant 0 : i32
      %dma_wait3A_1682 = tpu.memref_slice %arg5[%dma_wait3A_1673, %dma_wait3A_1680, %dma_wait3A_1681] : memref<3x16x1024xf32, #tpu.memory_space<vmem>> -> memref<1x16x1024xf32, #tpu.memory_space<vmem>>
      %dma_wait3A_1683 = tpu.memref_squeeze %dma_wait3A_1682 : memref<1x16x1024xf32, #tpu.memory_space<vmem>> -> memref<16x1024xf32, #tpu.memory_space<vmem>>
      %dma_wait3A_1684 = arith.constant 0 : i32
      %dma_wait3A_1685 = tpu.memref_slice %arg2[%add3A_1672, %dma_wait3A_1684] : memref<32768x1024xf32, #tpu.memory_space<hbm>> -> memref<16x1024xf32, #tpu.memory_space<hbm>>
      tpu.wait_dma2 semaphore(%arg11 : memref<!tpu.dma_semaphore, #tpu.memory_space<semaphore_mem>>) src(%dma_wait3A_1685 : memref<16x1024xf32, #tpu.memory_space<hbm>>) dst(%dma_wait3A_1683 : memref<16x1024xf32, #tpu.memory_space<vmem>>)
      %add3A_1686 = arith.constant 448 : i32
      %add3A_1687 = arith.addi %add3A_7, %add3A_1686 : i32
      %dma_start3A_1688 = arith.constant 1 : i32
      %dma_start3A_1689 = arith.constant 0 : i32
      %dma_start3A_1690 = arith.constant 0 : i32
      %dma_start3A_1691 = tpu.memref_slice %arg5[%dma_start3A_1688, %dma_start3A_1689, %dma_start3A_1690] : memref<3x16x1024xf32, #tpu.memory_space<vmem>> -> memref<1x16x1024xf32, #tpu.memory_space<vmem>>
      %dma_start3A_1692 = tpu.memref_squeeze %dma_start3A_1691 : memref<1x16x1024xf32, #tpu.memory_space<vmem>> -> memref<16x1024xf32, #tpu.memory_space<vmem>>
      %dma_start3A_1693 = arith.constant 0 : i32
      %dma_start3A_1694 = tpu.memref_slice %arg3[%add3A_1687, %dma_start3A_1693] : memref<32768x1024xf32, #tpu.memory_space<hbm>> -> memref<16x1024xf32, #tpu.memory_space<hbm>>
      %dma_start3A_1695 = arith.constant 0 : i32
      %dma_start3A_1696 = tpu.memref_slice %arg3[%add3A_1687, %dma_start3A_1695] : memref<32768x1024xf32, #tpu.memory_space<hbm>> -> memref<16x1024xf32, #tpu.memory_space<hbm>>
      %dma_start3A_1697 = arith.constant 0 : i32
      %dma_start3A_1698 = arith.constant 0 : i32
      %dma_start3A_1699 = tpu.memref_slice %arg5[%dma_start3A_1688, %dma_start3A_1697, %dma_start3A_1698] : memref<3x16x1024xf32, #tpu.memory_space<vmem>> -> memref<1x16x1024xf32, #tpu.memory_space<vmem>>
      %dma_start3A_1700 = tpu.memref_squeeze %dma_start3A_1699 : memref<1x16x1024xf32, #tpu.memory_space<vmem>> -> memref<16x1024xf32, #tpu.memory_space<vmem>>
      tpu.enqueue_dma source(%dma_start3A_1700 : memref<16x1024xf32, #tpu.memory_space<vmem>>) target(%dma_start3A_1696 : memref<16x1024xf32, #tpu.memory_space<hbm>>) target_semaphore(%arg14 : memref<!tpu.dma_semaphore, #tpu.memory_space<semaphore_mem>>)
      %add3A_1701 = arith.constant 416 : i32
      %add3A_1702 = arith.addi %add3A_7, %add3A_1701 : i32
      %dma_wait3A_1703 = arith.constant 2 : i32
      %dma_wait3A_1704 = arith.constant 0 : i32
      %dma_wait3A_1705 = arith.constant 0 : i32
      %dma_wait3A_1706 = tpu.memref_slice %arg5[%dma_wait3A_1703, %dma_wait3A_1704, %dma_wait3A_1705] : memref<3x16x1024xf32, #tpu.memory_space<vmem>> -> memref<1x16x1024xf32, #tpu.memory_space<vmem>>
      %dma_wait3A_1707 = tpu.memref_squeeze %dma_wait3A_1706 : memref<1x16x1024xf32, #tpu.memory_space<vmem>> -> memref<16x1024xf32, #tpu.memory_space<vmem>>
      %dma_wait3A_1708 = arith.constant 0 : i32
      %dma_wait3A_1709 = tpu.memref_slice %arg3[%add3A_1702, %dma_wait3A_1708] : memref<32768x1024xf32, #tpu.memory_space<hbm>> -> memref<16x1024xf32, #tpu.memory_space<hbm>>
      %dma_wait3A_1710 = arith.constant 0 : i32
      %dma_wait3A_1711 = tpu.memref_slice %arg3[%add3A_1702, %dma_wait3A_1710] : memref<32768x1024xf32, #tpu.memory_space<hbm>> -> memref<16x1024xf32, #tpu.memory_space<hbm>>
      %dma_wait3A_1712 = arith.constant 0 : i32
      %dma_wait3A_1713 = arith.constant 0 : i32
      %dma_wait3A_1714 = tpu.memref_slice %arg5[%dma_wait3A_1703, %dma_wait3A_1712, %dma_wait3A_1713] : memref<3x16x1024xf32, #tpu.memory_space<vmem>> -> memref<1x16x1024xf32, #tpu.memory_space<vmem>>
      %dma_wait3A_1715 = tpu.memref_squeeze %dma_wait3A_1714 : memref<1x16x1024xf32, #tpu.memory_space<vmem>> -> memref<16x1024xf32, #tpu.memory_space<vmem>>
      tpu.wait_dma2 semaphore(%arg15 : memref<!tpu.dma_semaphore, #tpu.memory_space<semaphore_mem>>) src(%dma_wait3A_1715 : memref<16x1024xf32, #tpu.memory_space<vmem>>) dst(%dma_wait3A_1711 : memref<16x1024xf32, #tpu.memory_space<hbm>>)
      %add3A_1716 = arith.constant 464 : i32
      %add3A_1717 = arith.addi %add3A_7, %add3A_1716 : i32
      %dma_start3A_1718 = arith.constant 2 : i32
      %dma_start3A_1719 = arith.constant 0 : i32
      %dma_start3A_1720 = arith.constant 0 : i32
      %dma_start3A_1721 = tpu.memref_slice %arg5[%dma_start3A_1718, %dma_start3A_1719, %dma_start3A_1720] : memref<3x16x1024xf32, #tpu.memory_space<vmem>> -> memref<1x16x1024xf32, #tpu.memory_space<vmem>>
      %dma_start3A_1722 = tpu.memref_squeeze %dma_start3A_1721 : memref<1x16x1024xf32, #tpu.memory_space<vmem>> -> memref<16x1024xf32, #tpu.memory_space<vmem>>
      %dma_start3A_1723 = arith.constant 0 : i32
      %dma_start3A_1724 = tpu.memref_slice %arg2[%add3A_1717, %dma_start3A_1723] : memref<32768x1024xf32, #tpu.memory_space<hbm>> -> memref<16x1024xf32, #tpu.memory_space<hbm>>
      %dma_start3A_1725 = arith.constant 0 : i32
      %dma_start3A_1726 = arith.constant 0 : i32
      %dma_start3A_1727 = tpu.memref_slice %arg5[%dma_start3A_1718, %dma_start3A_1725, %dma_start3A_1726] : memref<3x16x1024xf32, #tpu.memory_space<vmem>> -> memref<1x16x1024xf32, #tpu.memory_space<vmem>>
      %dma_start3A_1728 = tpu.memref_squeeze %dma_start3A_1727 : memref<1x16x1024xf32, #tpu.memory_space<vmem>> -> memref<16x1024xf32, #tpu.memory_space<vmem>>
      %dma_start3A_1729 = arith.constant 0 : i32
      %dma_start3A_1730 = tpu.memref_slice %arg2[%add3A_1717, %dma_start3A_1729] : memref<32768x1024xf32, #tpu.memory_space<hbm>> -> memref<16x1024xf32, #tpu.memory_space<hbm>>
      tpu.enqueue_dma source(%dma_start3A_1730 : memref<16x1024xf32, #tpu.memory_space<hbm>>) target(%dma_start3A_1728 : memref<16x1024xf32, #tpu.memory_space<vmem>>) target_semaphore(%arg12 : memref<!tpu.dma_semaphore, #tpu.memory_space<semaphore_mem>>)
      %add3A_1731 = arith.constant 464 : i32
      %add3A_1732 = arith.addi %add3A_7, %add3A_1731 : i32
      %dma_wait3A_1733 = arith.constant 2 : i32
      %dma_wait3A_1734 = arith.constant 0 : i32
      %dma_wait3A_1735 = arith.constant 0 : i32
      %dma_wait3A_1736 = tpu.memref_slice %arg5[%dma_wait3A_1733, %dma_wait3A_1734, %dma_wait3A_1735] : memref<3x16x1024xf32, #tpu.memory_space<vmem>> -> memref<1x16x1024xf32, #tpu.memory_space<vmem>>
      %dma_wait3A_1737 = tpu.memref_squeeze %dma_wait3A_1736 : memref<1x16x1024xf32, #tpu.memory_space<vmem>> -> memref<16x1024xf32, #tpu.memory_space<vmem>>
      %dma_wait3A_1738 = arith.constant 0 : i32
      %dma_wait3A_1739 = tpu.memref_slice %arg2[%add3A_1732, %dma_wait3A_1738] : memref<32768x1024xf32, #tpu.memory_space<hbm>> -> memref<16x1024xf32, #tpu.memory_space<hbm>>
      %dma_wait3A_1740 = arith.constant 0 : i32
      %dma_wait3A_1741 = arith.constant 0 : i32
      %dma_wait3A_1742 = tpu.memref_slice %arg5[%dma_wait3A_1733, %dma_wait3A_1740, %dma_wait3A_1741] : memref<3x16x1024xf32, #tpu.memory_space<vmem>> -> memref<1x16x1024xf32, #tpu.memory_space<vmem>>
      %dma_wait3A_1743 = tpu.memref_squeeze %dma_wait3A_1742 : memref<1x16x1024xf32, #tpu.memory_space<vmem>> -> memref<16x1024xf32, #tpu.memory_space<vmem>>
      %dma_wait3A_1744 = arith.constant 0 : i32
      %dma_wait3A_1745 = tpu.memref_slice %arg2[%add3A_1732, %dma_wait3A_1744] : memref<32768x1024xf32, #tpu.memory_space<hbm>> -> memref<16x1024xf32, #tpu.memory_space<hbm>>
      tpu.wait_dma2 semaphore(%arg12 : memref<!tpu.dma_semaphore, #tpu.memory_space<semaphore_mem>>) src(%dma_wait3A_1745 : memref<16x1024xf32, #tpu.memory_space<hbm>>) dst(%dma_wait3A_1743 : memref<16x1024xf32, #tpu.memory_space<vmem>>)
      %add3A_1746 = arith.constant 464 : i32
      %add3A_1747 = arith.addi %add3A_7, %add3A_1746 : i32
      %dma_start3A_1748 = arith.constant 2 : i32
      %dma_start3A_1749 = arith.constant 0 : i32
      %dma_start3A_1750 = arith.constant 0 : i32
      %dma_start3A_1751 = tpu.memref_slice %arg5[%dma_start3A_1748, %dma_start3A_1749, %dma_start3A_1750] : memref<3x16x1024xf32, #tpu.memory_space<vmem>> -> memref<1x16x1024xf32, #tpu.memory_space<vmem>>
      %dma_start3A_1752 = tpu.memref_squeeze %dma_start3A_1751 : memref<1x16x1024xf32, #tpu.memory_space<vmem>> -> memref<16x1024xf32, #tpu.memory_space<vmem>>
      %dma_start3A_1753 = arith.constant 0 : i32
      %dma_start3A_1754 = tpu.memref_slice %arg3[%add3A_1747, %dma_start3A_1753] : memref<32768x1024xf32, #tpu.memory_space<hbm>> -> memref<16x1024xf32, #tpu.memory_space<hbm>>
      %dma_start3A_1755 = arith.constant 0 : i32
      %dma_start3A_1756 = tpu.memref_slice %arg3[%add3A_1747, %dma_start3A_1755] : memref<32768x1024xf32, #tpu.memory_space<hbm>> -> memref<16x1024xf32, #tpu.memory_space<hbm>>
      %dma_start3A_1757 = arith.constant 0 : i32
      %dma_start3A_1758 = arith.constant 0 : i32
      %dma_start3A_1759 = tpu.memref_slice %arg5[%dma_start3A_1748, %dma_start3A_1757, %dma_start3A_1758] : memref<3x16x1024xf32, #tpu.memory_space<vmem>> -> memref<1x16x1024xf32, #tpu.memory_space<vmem>>
      %dma_start3A_1760 = tpu.memref_squeeze %dma_start3A_1759 : memref<1x16x1024xf32, #tpu.memory_space<vmem>> -> memref<16x1024xf32, #tpu.memory_space<vmem>>
      tpu.enqueue_dma source(%dma_start3A_1760 : memref<16x1024xf32, #tpu.memory_space<vmem>>) target(%dma_start3A_1756 : memref<16x1024xf32, #tpu.memory_space<hbm>>) target_semaphore(%arg15 : memref<!tpu.dma_semaphore, #tpu.memory_space<semaphore_mem>>)
      %add3A_1761 = arith.constant 432 : i32
      %add3A_1762 = arith.addi %add3A_7, %add3A_1761 : i32
      %dma_wait3A_1763 = arith.constant 0 : i32
      %dma_wait3A_1764 = arith.constant 0 : i32
      %dma_wait3A_1765 = arith.constant 0 : i32
      %dma_wait3A_1766 = tpu.memref_slice %arg5[%dma_wait3A_1763, %dma_wait3A_1764, %dma_wait3A_1765] : memref<3x16x1024xf32, #tpu.memory_space<vmem>> -> memref<1x16x1024xf32, #tpu.memory_space<vmem>>
      %dma_wait3A_1767 = tpu.memref_squeeze %dma_wait3A_1766 : memref<1x16x1024xf32, #tpu.memory_space<vmem>> -> memref<16x1024xf32, #tpu.memory_space<vmem>>
      %dma_wait3A_1768 = arith.constant 0 : i32
      %dma_wait3A_1769 = tpu.memref_slice %arg3[%add3A_1762, %dma_wait3A_1768] : memref<32768x1024xf32, #tpu.memory_space<hbm>> -> memref<16x1024xf32, #tpu.memory_space<hbm>>
      %dma_wait3A_1770 = arith.constant 0 : i32
      %dma_wait3A_1771 = tpu.memref_slice %arg3[%add3A_1762, %dma_wait3A_1770] : memref<32768x1024xf32, #tpu.memory_space<hbm>> -> memref<16x1024xf32, #tpu.memory_space<hbm>>
      %dma_wait3A_1772 = arith.constant 0 : i32
      %dma_wait3A_1773 = arith.constant 0 : i32
      %dma_wait3A_1774 = tpu.memref_slice %arg5[%dma_wait3A_1763, %dma_wait3A_1772, %dma_wait3A_1773] : memref<3x16x1024xf32, #tpu.memory_space<vmem>> -> memref<1x16x1024xf32, #tpu.memory_space<vmem>>
      %dma_wait3A_1775 = tpu.memref_squeeze %dma_wait3A_1774 : memref<1x16x1024xf32, #tpu.memory_space<vmem>> -> memref<16x1024xf32, #tpu.memory_space<vmem>>
      tpu.wait_dma2 semaphore(%arg13 : memref<!tpu.dma_semaphore, #tpu.memory_space<semaphore_mem>>) src(%dma_wait3A_1775 : memref<16x1024xf32, #tpu.memory_space<vmem>>) dst(%dma_wait3A_1771 : memref<16x1024xf32, #tpu.memory_space<hbm>>)
      %add3A_1776 = arith.constant 480 : i32
      %add3A_1777 = arith.addi %add3A_7, %add3A_1776 : i32
      %dma_start3A_1778 = arith.constant 0 : i32
      %dma_start3A_1779 = arith.constant 0 : i32
      %dma_start3A_1780 = arith.constant 0 : i32
      %dma_start3A_1781 = tpu.memref_slice %arg5[%dma_start3A_1778, %dma_start3A_1779, %dma_start3A_1780] : memref<3x16x1024xf32, #tpu.memory_space<vmem>> -> memref<1x16x1024xf32, #tpu.memory_space<vmem>>
      %dma_start3A_1782 = tpu.memref_squeeze %dma_start3A_1781 : memref<1x16x1024xf32, #tpu.memory_space<vmem>> -> memref<16x1024xf32, #tpu.memory_space<vmem>>
      %dma_start3A_1783 = arith.constant 0 : i32
      %dma_start3A_1784 = tpu.memref_slice %arg2[%add3A_1777, %dma_start3A_1783] : memref<32768x1024xf32, #tpu.memory_space<hbm>> -> memref<16x1024xf32, #tpu.memory_space<hbm>>
      %dma_start3A_1785 = arith.constant 0 : i32
      %dma_start3A_1786 = arith.constant 0 : i32
      %dma_start3A_1787 = tpu.memref_slice %arg5[%dma_start3A_1778, %dma_start3A_1785, %dma_start3A_1786] : memref<3x16x1024xf32, #tpu.memory_space<vmem>> -> memref<1x16x1024xf32, #tpu.memory_space<vmem>>
      %dma_start3A_1788 = tpu.memref_squeeze %dma_start3A_1787 : memref<1x16x1024xf32, #tpu.memory_space<vmem>> -> memref<16x1024xf32, #tpu.memory_space<vmem>>
      %dma_start3A_1789 = arith.constant 0 : i32
      %dma_start3A_1790 = tpu.memref_slice %arg2[%add3A_1777, %dma_start3A_1789] : memref<32768x1024xf32, #tpu.memory_space<hbm>> -> memref<16x1024xf32, #tpu.memory_space<hbm>>
      tpu.enqueue_dma source(%dma_start3A_1790 : memref<16x1024xf32, #tpu.memory_space<hbm>>) target(%dma_start3A_1788 : memref<16x1024xf32, #tpu.memory_space<vmem>>) target_semaphore(%arg10 : memref<!tpu.dma_semaphore, #tpu.memory_space<semaphore_mem>>)
      %add3A_1791 = arith.constant 480 : i32
      %add3A_1792 = arith.addi %add3A_7, %add3A_1791 : i32
      %dma_wait3A_1793 = arith.constant 0 : i32
      %dma_wait3A_1794 = arith.constant 0 : i32
      %dma_wait3A_1795 = arith.constant 0 : i32
      %dma_wait3A_1796 = tpu.memref_slice %arg5[%dma_wait3A_1793, %dma_wait3A_1794, %dma_wait3A_1795] : memref<3x16x1024xf32, #tpu.memory_space<vmem>> -> memref<1x16x1024xf32, #tpu.memory_space<vmem>>
      %dma_wait3A_1797 = tpu.memref_squeeze %dma_wait3A_1796 : memref<1x16x1024xf32, #tpu.memory_space<vmem>> -> memref<16x1024xf32, #tpu.memory_space<vmem>>
      %dma_wait3A_1798 = arith.constant 0 : i32
      %dma_wait3A_1799 = tpu.memref_slice %arg2[%add3A_1792, %dma_wait3A_1798] : memref<32768x1024xf32, #tpu.memory_space<hbm>> -> memref<16x1024xf32, #tpu.memory_space<hbm>>
      %dma_wait3A_1800 = arith.constant 0 : i32
      %dma_wait3A_1801 = arith.constant 0 : i32
      %dma_wait3A_1802 = tpu.memref_slice %arg5[%dma_wait3A_1793, %dma_wait3A_1800, %dma_wait3A_1801] : memref<3x16x1024xf32, #tpu.memory_space<vmem>> -> memref<1x16x1024xf32, #tpu.memory_space<vmem>>
      %dma_wait3A_1803 = tpu.memref_squeeze %dma_wait3A_1802 : memref<1x16x1024xf32, #tpu.memory_space<vmem>> -> memref<16x1024xf32, #tpu.memory_space<vmem>>
      %dma_wait3A_1804 = arith.constant 0 : i32
      %dma_wait3A_1805 = tpu.memref_slice %arg2[%add3A_1792, %dma_wait3A_1804] : memref<32768x1024xf32, #tpu.memory_space<hbm>> -> memref<16x1024xf32, #tpu.memory_space<hbm>>
      tpu.wait_dma2 semaphore(%arg10 : memref<!tpu.dma_semaphore, #tpu.memory_space<semaphore_mem>>) src(%dma_wait3A_1805 : memref<16x1024xf32, #tpu.memory_space<hbm>>) dst(%dma_wait3A_1803 : memref<16x1024xf32, #tpu.memory_space<vmem>>)
      %add3A_1806 = arith.constant 480 : i32
      %add3A_1807 = arith.addi %add3A_7, %add3A_1806 : i32
      %dma_start3A_1808 = arith.constant 0 : i32
      %dma_start3A_1809 = arith.constant 0 : i32
      %dma_start3A_1810 = arith.constant 0 : i32
      %dma_start3A_1811 = tpu.memref_slice %arg5[%dma_start3A_1808, %dma_start3A_1809, %dma_start3A_1810] : memref<3x16x1024xf32, #tpu.memory_space<vmem>> -> memref<1x16x1024xf32, #tpu.memory_space<vmem>>
      %dma_start3A_1812 = tpu.memref_squeeze %dma_start3A_1811 : memref<1x16x1024xf32, #tpu.memory_space<vmem>> -> memref<16x1024xf32, #tpu.memory_space<vmem>>
      %dma_start3A_1813 = arith.constant 0 : i32
      %dma_start3A_1814 = tpu.memref_slice %arg3[%add3A_1807, %dma_start3A_1813] : memref<32768x1024xf32, #tpu.memory_space<hbm>> -> memref<16x1024xf32, #tpu.memory_space<hbm>>
      %dma_start3A_1815 = arith.constant 0 : i32
      %dma_start3A_1816 = tpu.memref_slice %arg3[%add3A_1807, %dma_start3A_1815] : memref<32768x1024xf32, #tpu.memory_space<hbm>> -> memref<16x1024xf32, #tpu.memory_space<hbm>>
      %dma_start3A_1817 = arith.constant 0 : i32
      %dma_start3A_1818 = arith.constant 0 : i32
      %dma_start3A_1819 = tpu.memref_slice %arg5[%dma_start3A_1808, %dma_start3A_1817, %dma_start3A_1818] : memref<3x16x1024xf32, #tpu.memory_space<vmem>> -> memref<1x16x1024xf32, #tpu.memory_space<vmem>>
      %dma_start3A_1820 = tpu.memref_squeeze %dma_start3A_1819 : memref<1x16x1024xf32, #tpu.memory_space<vmem>> -> memref<16x1024xf32, #tpu.memory_space<vmem>>
      tpu.enqueue_dma source(%dma_start3A_1820 : memref<16x1024xf32, #tpu.memory_space<vmem>>) target(%dma_start3A_1816 : memref<16x1024xf32, #tpu.memory_space<hbm>>) target_semaphore(%arg13 : memref<!tpu.dma_semaphore, #tpu.memory_space<semaphore_mem>>)
      %add3A_1821 = arith.constant 448 : i32
      %add3A_1822 = arith.addi %add3A_7, %add3A_1821 : i32
      %dma_wait3A_1823 = arith.constant 1 : i32
      %dma_wait3A_1824 = arith.constant 0 : i32
      %dma_wait3A_1825 = arith.constant 0 : i32
      %dma_wait3A_1826 = tpu.memref_slice %arg5[%dma_wait3A_1823, %dma_wait3A_1824, %dma_wait3A_1825] : memref<3x16x1024xf32, #tpu.memory_space<vmem>> -> memref<1x16x1024xf32, #tpu.memory_space<vmem>>
      %dma_wait3A_1827 = tpu.memref_squeeze %dma_wait3A_1826 : memref<1x16x1024xf32, #tpu.memory_space<vmem>> -> memref<16x1024xf32, #tpu.memory_space<vmem>>
      %dma_wait3A_1828 = arith.constant 0 : i32
      %dma_wait3A_1829 = tpu.memref_slice %arg3[%add3A_1822, %dma_wait3A_1828] : memref<32768x1024xf32, #tpu.memory_space<hbm>> -> memref<16x1024xf32, #tpu.memory_space<hbm>>
      %dma_wait3A_1830 = arith.constant 0 : i32
      %dma_wait3A_1831 = tpu.memref_slice %arg3[%add3A_1822, %dma_wait3A_1830] : memref<32768x1024xf32, #tpu.memory_space<hbm>> -> memref<16x1024xf32, #tpu.memory_space<hbm>>
      %dma_wait3A_1832 = arith.constant 0 : i32
      %dma_wait3A_1833 = arith.constant 0 : i32
      %dma_wait3A_1834 = tpu.memref_slice %arg5[%dma_wait3A_1823, %dma_wait3A_1832, %dma_wait3A_1833] : memref<3x16x1024xf32, #tpu.memory_space<vmem>> -> memref<1x16x1024xf32, #tpu.memory_space<vmem>>
      %dma_wait3A_1835 = tpu.memref_squeeze %dma_wait3A_1834 : memref<1x16x1024xf32, #tpu.memory_space<vmem>> -> memref<16x1024xf32, #tpu.memory_space<vmem>>
      tpu.wait_dma2 semaphore(%arg14 : memref<!tpu.dma_semaphore, #tpu.memory_space<semaphore_mem>>) src(%dma_wait3A_1835 : memref<16x1024xf32, #tpu.memory_space<vmem>>) dst(%dma_wait3A_1831 : memref<16x1024xf32, #tpu.memory_space<hbm>>)
      %add3A_1836 = arith.constant 496 : i32
      %add3A_1837 = arith.addi %add3A_7, %add3A_1836 : i32
      %dma_start3A_1838 = arith.constant 1 : i32
      %dma_start3A_1839 = arith.constant 0 : i32
      %dma_start3A_1840 = arith.constant 0 : i32
      %dma_start3A_1841 = tpu.memref_slice %arg5[%dma_start3A_1838, %dma_start3A_1839, %dma_start3A_1840] : memref<3x16x1024xf32, #tpu.memory_space<vmem>> -> memref<1x16x1024xf32, #tpu.memory_space<vmem>>
      %dma_start3A_1842 = tpu.memref_squeeze %dma_start3A_1841 : memref<1x16x1024xf32, #tpu.memory_space<vmem>> -> memref<16x1024xf32, #tpu.memory_space<vmem>>
      %dma_start3A_1843 = arith.constant 0 : i32
      %dma_start3A_1844 = tpu.memref_slice %arg2[%add3A_1837, %dma_start3A_1843] : memref<32768x1024xf32, #tpu.memory_space<hbm>> -> memref<16x1024xf32, #tpu.memory_space<hbm>>
      %dma_start3A_1845 = arith.constant 0 : i32
      %dma_start3A_1846 = arith.constant 0 : i32
      %dma_start3A_1847 = tpu.memref_slice %arg5[%dma_start3A_1838, %dma_start3A_1845, %dma_start3A_1846] : memref<3x16x1024xf32, #tpu.memory_space<vmem>> -> memref<1x16x1024xf32, #tpu.memory_space<vmem>>
      %dma_start3A_1848 = tpu.memref_squeeze %dma_start3A_1847 : memref<1x16x1024xf32, #tpu.memory_space<vmem>> -> memref<16x1024xf32, #tpu.memory_space<vmem>>
      %dma_start3A_1849 = arith.constant 0 : i32
      %dma_start3A_1850 = tpu.memref_slice %arg2[%add3A_1837, %dma_start3A_1849] : memref<32768x1024xf32, #tpu.memory_space<hbm>> -> memref<16x1024xf32, #tpu.memory_space<hbm>>
      tpu.enqueue_dma source(%dma_start3A_1850 : memref<16x1024xf32, #tpu.memory_space<hbm>>) target(%dma_start3A_1848 : memref<16x1024xf32, #tpu.memory_space<vmem>>) target_semaphore(%arg11 : memref<!tpu.dma_semaphore, #tpu.memory_space<semaphore_mem>>)
      %add3A_1851 = arith.constant 496 : i32
      %add3A_1852 = arith.addi %add3A_7, %add3A_1851 : i32
      %dma_wait3A_1853 = arith.constant 1 : i32
      %dma_wait3A_1854 = arith.constant 0 : i32
      %dma_wait3A_1855 = arith.constant 0 : i32
      %dma_wait3A_1856 = tpu.memref_slice %arg5[%dma_wait3A_1853, %dma_wait3A_1854, %dma_wait3A_1855] : memref<3x16x1024xf32, #tpu.memory_space<vmem>> -> memref<1x16x1024xf32, #tpu.memory_space<vmem>>
      %dma_wait3A_1857 = tpu.memref_squeeze %dma_wait3A_1856 : memref<1x16x1024xf32, #tpu.memory_space<vmem>> -> memref<16x1024xf32, #tpu.memory_space<vmem>>
      %dma_wait3A_1858 = arith.constant 0 : i32
      %dma_wait3A_1859 = tpu.memref_slice %arg2[%add3A_1852, %dma_wait3A_1858] : memref<32768x1024xf32, #tpu.memory_space<hbm>> -> memref<16x1024xf32, #tpu.memory_space<hbm>>
      %dma_wait3A_1860 = arith.constant 0 : i32
      %dma_wait3A_1861 = arith.constant 0 : i32
      %dma_wait3A_1862 = tpu.memref_slice %arg5[%dma_wait3A_1853, %dma_wait3A_1860, %dma_wait3A_1861] : memref<3x16x1024xf32, #tpu.memory_space<vmem>> -> memref<1x16x1024xf32, #tpu.memory_space<vmem>>
      %dma_wait3A_1863 = tpu.memref_squeeze %dma_wait3A_1862 : memref<1x16x1024xf32, #tpu.memory_space<vmem>> -> memref<16x1024xf32, #tpu.memory_space<vmem>>
      %dma_wait3A_1864 = arith.constant 0 : i32
      %dma_wait3A_1865 = tpu.memref_slice %arg2[%add3A_1852, %dma_wait3A_1864] : memref<32768x1024xf32, #tpu.memory_space<hbm>> -> memref<16x1024xf32, #tpu.memory_space<hbm>>
      tpu.wait_dma2 semaphore(%arg11 : memref<!tpu.dma_semaphore, #tpu.memory_space<semaphore_mem>>) src(%dma_wait3A_1865 : memref<16x1024xf32, #tpu.memory_space<hbm>>) dst(%dma_wait3A_1863 : memref<16x1024xf32, #tpu.memory_space<vmem>>)
      %add3A_1866 = arith.constant 496 : i32
      %add3A_1867 = arith.addi %add3A_7, %add3A_1866 : i32
      %dma_start3A_1868 = arith.constant 1 : i32
      %dma_start3A_1869 = arith.constant 0 : i32
      %dma_start3A_1870 = arith.constant 0 : i32
      %dma_start3A_1871 = tpu.memref_slice %arg5[%dma_start3A_1868, %dma_start3A_1869, %dma_start3A_1870] : memref<3x16x1024xf32, #tpu.memory_space<vmem>> -> memref<1x16x1024xf32, #tpu.memory_space<vmem>>
      %dma_start3A_1872 = tpu.memref_squeeze %dma_start3A_1871 : memref<1x16x1024xf32, #tpu.memory_space<vmem>> -> memref<16x1024xf32, #tpu.memory_space<vmem>>
      %dma_start3A_1873 = arith.constant 0 : i32
      %dma_start3A_1874 = tpu.memref_slice %arg3[%add3A_1867, %dma_start3A_1873] : memref<32768x1024xf32, #tpu.memory_space<hbm>> -> memref<16x1024xf32, #tpu.memory_space<hbm>>
      %dma_start3A_1875 = arith.constant 0 : i32
      %dma_start3A_1876 = tpu.memref_slice %arg3[%add3A_1867, %dma_start3A_1875] : memref<32768x1024xf32, #tpu.memory_space<hbm>> -> memref<16x1024xf32, #tpu.memory_space<hbm>>
      %dma_start3A_1877 = arith.constant 0 : i32
      %dma_start3A_1878 = arith.constant 0 : i32
      %dma_start3A_1879 = tpu.memref_slice %arg5[%dma_start3A_1868, %dma_start3A_1877, %dma_start3A_1878] : memref<3x16x1024xf32, #tpu.memory_space<vmem>> -> memref<1x16x1024xf32, #tpu.memory_space<vmem>>
      %dma_start3A_1880 = tpu.memref_squeeze %dma_start3A_1879 : memref<1x16x1024xf32, #tpu.memory_space<vmem>> -> memref<16x1024xf32, #tpu.memory_space<vmem>>
      tpu.enqueue_dma source(%dma_start3A_1880 : memref<16x1024xf32, #tpu.memory_space<vmem>>) target(%dma_start3A_1876 : memref<16x1024xf32, #tpu.memory_space<hbm>>) target_semaphore(%arg14 : memref<!tpu.dma_semaphore, #tpu.memory_space<semaphore_mem>>)
      %add3A_1881 = arith.constant 464 : i32
      %add3A_1882 = arith.addi %add3A_7, %add3A_1881 : i32
      %dma_wait3A_1883 = arith.constant 2 : i32
      %dma_wait3A_1884 = arith.constant 0 : i32
      %dma_wait3A_1885 = arith.constant 0 : i32
      %dma_wait3A_1886 = tpu.memref_slice %arg5[%dma_wait3A_1883, %dma_wait3A_1884, %dma_wait3A_1885] : memref<3x16x1024xf32, #tpu.memory_space<vmem>> -> memref<1x16x1024xf32, #tpu.memory_space<vmem>>
      %dma_wait3A_1887 = tpu.memref_squeeze %dma_wait3A_1886 : memref<1x16x1024xf32, #tpu.memory_space<vmem>> -> memref<16x1024xf32, #tpu.memory_space<vmem>>
      %dma_wait3A_1888 = arith.constant 0 : i32
      %dma_wait3A_1889 = tpu.memref_slice %arg3[%add3A_1882, %dma_wait3A_1888] : memref<32768x1024xf32, #tpu.memory_space<hbm>> -> memref<16x1024xf32, #tpu.memory_space<hbm>>
      %dma_wait3A_1890 = arith.constant 0 : i32
      %dma_wait3A_1891 = tpu.memref_slice %arg3[%add3A_1882, %dma_wait3A_1890] : memref<32768x1024xf32, #tpu.memory_space<hbm>> -> memref<16x1024xf32, #tpu.memory_space<hbm>>
      %dma_wait3A_1892 = arith.constant 0 : i32
      %dma_wait3A_1893 = arith.constant 0 : i32
      %dma_wait3A_1894 = tpu.memref_slice %arg5[%dma_wait3A_1883, %dma_wait3A_1892, %dma_wait3A_1893] : memref<3x16x1024xf32, #tpu.memory_space<vmem>> -> memref<1x16x1024xf32, #tpu.memory_space<vmem>>
      %dma_wait3A_1895 = tpu.memref_squeeze %dma_wait3A_1894 : memref<1x16x1024xf32, #tpu.memory_space<vmem>> -> memref<16x1024xf32, #tpu.memory_space<vmem>>
      tpu.wait_dma2 semaphore(%arg15 : memref<!tpu.dma_semaphore, #tpu.memory_space<semaphore_mem>>) src(%dma_wait3A_1895 : memref<16x1024xf32, #tpu.memory_space<vmem>>) dst(%dma_wait3A_1891 : memref<16x1024xf32, #tpu.memory_space<hbm>>)
      %add3A_1896 = arith.constant 480 : i32
      %add3A_1897 = arith.addi %add3A_7, %add3A_1896 : i32
      %dma_wait3A_1898 = arith.constant 0 : i32
      %dma_wait3A_1899 = arith.constant 0 : i32
      %dma_wait3A_1900 = arith.constant 0 : i32
      %dma_wait3A_1901 = tpu.memref_slice %arg5[%dma_wait3A_1898, %dma_wait3A_1899, %dma_wait3A_1900] : memref<3x16x1024xf32, #tpu.memory_space<vmem>> -> memref<1x16x1024xf32, #tpu.memory_space<vmem>>
      %dma_wait3A_1902 = tpu.memref_squeeze %dma_wait3A_1901 : memref<1x16x1024xf32, #tpu.memory_space<vmem>> -> memref<16x1024xf32, #tpu.memory_space<vmem>>
      %dma_wait3A_1903 = arith.constant 0 : i32
      %dma_wait3A_1904 = tpu.memref_slice %arg3[%add3A_1897, %dma_wait3A_1903] : memref<32768x1024xf32, #tpu.memory_space<hbm>> -> memref<16x1024xf32, #tpu.memory_space<hbm>>
      %dma_wait3A_1905 = arith.constant 0 : i32
      %dma_wait3A_1906 = tpu.memref_slice %arg3[%add3A_1897, %dma_wait3A_1905] : memref<32768x1024xf32, #tpu.memory_space<hbm>> -> memref<16x1024xf32, #tpu.memory_space<hbm>>
      %dma_wait3A_1907 = arith.constant 0 : i32
      %dma_wait3A_1908 = arith.constant 0 : i32
      %dma_wait3A_1909 = tpu.memref_slice %arg5[%dma_wait3A_1898, %dma_wait3A_1907, %dma_wait3A_1908] : memref<3x16x1024xf32, #tpu.memory_space<vmem>> -> memref<1x16x1024xf32, #tpu.memory_space<vmem>>
      %dma_wait3A_1910 = tpu.memref_squeeze %dma_wait3A_1909 : memref<1x16x1024xf32, #tpu.memory_space<vmem>> -> memref<16x1024xf32, #tpu.memory_space<vmem>>
      tpu.wait_dma2 semaphore(%arg13 : memref<!tpu.dma_semaphore, #tpu.memory_space<semaphore_mem>>) src(%dma_wait3A_1910 : memref<16x1024xf32, #tpu.memory_space<vmem>>) dst(%dma_wait3A_1906 : memref<16x1024xf32, #tpu.memory_space<hbm>>)
      %add3A_1911 = arith.constant 496 : i32
      %add3A_1912 = arith.addi %add3A_7, %add3A_1911 : i32
      %dma_wait3A_1913 = arith.constant 1 : i32
      %dma_wait3A_1914 = arith.constant 0 : i32
      %dma_wait3A_1915 = arith.constant 0 : i32
      %dma_wait3A_1916 = tpu.memref_slice %arg5[%dma_wait3A_1913, %dma_wait3A_1914, %dma_wait3A_1915] : memref<3x16x1024xf32, #tpu.memory_space<vmem>> -> memref<1x16x1024xf32, #tpu.memory_space<vmem>>
      %dma_wait3A_1917 = tpu.memref_squeeze %dma_wait3A_1916 : memref<1x16x1024xf32, #tpu.memory_space<vmem>> -> memref<16x1024xf32, #tpu.memory_space<vmem>>
      %dma_wait3A_1918 = arith.constant 0 : i32
      %dma_wait3A_1919 = tpu.memref_slice %arg3[%add3A_1912, %dma_wait3A_1918] : memref<32768x1024xf32, #tpu.memory_space<hbm>> -> memref<16x1024xf32, #tpu.memory_space<hbm>>
      %dma_wait3A_1920 = arith.constant 0 : i32
      %dma_wait3A_1921 = tpu.memref_slice %arg3[%add3A_1912, %dma_wait3A_1920] : memref<32768x1024xf32, #tpu.memory_space<hbm>> -> memref<16x1024xf32, #tpu.memory_space<hbm>>
      %dma_wait3A_1922 = arith.constant 0 : i32
      %dma_wait3A_1923 = arith.constant 0 : i32
      %dma_wait3A_1924 = tpu.memref_slice %arg5[%dma_wait3A_1913, %dma_wait3A_1922, %dma_wait3A_1923] : memref<3x16x1024xf32, #tpu.memory_space<vmem>> -> memref<1x16x1024xf32, #tpu.memory_space<vmem>>
      %dma_wait3A_1925 = tpu.memref_squeeze %dma_wait3A_1924 : memref<1x16x1024xf32, #tpu.memory_space<vmem>> -> memref<16x1024xf32, #tpu.memory_space<vmem>>
      tpu.wait_dma2 semaphore(%arg14 : memref<!tpu.dma_semaphore, #tpu.memory_space<semaphore_mem>>) src(%dma_wait3A_1925 : memref<16x1024xf32, #tpu.memory_space<vmem>>) dst(%dma_wait3A_1921 : memref<16x1024xf32, #tpu.memory_space<hbm>>)
    } else {
    }
    return
  }
}

</mosaic_0001>

<sc_bundles>
// kernel: kernel.3.cloned.1.call-start
scs
__scs_entry_jumppad:
0x0: {  	(pc) =	sbr.rel $0x88, $3  }
0x1: {  	(tag) =	ssettag $0x0;
	lr =	simm.s32 $0x1  }
0x2: {  	[smem:$0x3FA0] =	sst lr;
	_ =	strace $0xD0000000  }
0x3: {  	_ = 	snop  }
0x4: {  	_ = 	snop  }
0x5: {  	_ = 	snop  }
0x6: {  	_ = 	snop  }
0x7: {  	_ = 	snop  }
__scs_overlays_trampoline_lowered:
0x8: {  	[smem:$0x3FAF] =	sst s0  }
0x9: {  	[smem:$0x3FB0] =	sst s1  }
0xa: {  	[smem:$0x3FB1] =	sst s2  }
0xb: {  	[smem:$0x3FB2] =	sst s3  }
0xc: {  	[smem:$0x3FB3] =	sst s4  }
0xd: {  	[smem:$0x3FB4] =	sst s5  }
0xe: {  	[smem:$0x3FB5] =	sst s6  }
0xf: {  	[smem:$0x3FB6] =	sst s7  }
0x10: {  	[smem:$0x3FB7] =	sst s8  }
0x11: {  	[smem:$0x3FB8] =	sst s9;
	s0 =	simm.s32 @!p0 $0x0  }
0x12: {  	s1 =	sld [smem:$0x3F9E];
	s0 =	simm.s32 @p0 $0x1  }
0x13: {  	[smem:$0x3FB9] =	sst s0;
	s0 =	simm.s32 @!p1 $0x0  }
0x14: {  	s2 =	sld [smem:$0x3F9D];
	s0 =	simm.s32 @p1 $0x1  }
0x15: {  	[smem:$0x3FBA] =	sst s0;
	s0 =	simm.s32 @!p2 $0x0  }
0x16: {  	s3 =	sld [smem:$0x3FDB];
	s0 =	simm.s32 @p2 $0x1  }
0x17: {  	s4 =	simm.s32 $0x1BF5;
	[smem:$0x3FBC] =	sst s0  }
0x18: {  	s0 =	sld [smem:$0x3F9F];
	_ =	swait.ge [sflag:s4], $0x0  }
0x19: {  	s7 =	sld [smem:$0x3FA0]  }
0x1a: {  	s8 =	sadd.s32 $0xFFFFE003, lr  }
0x1b: {  	s9 =	sadd.s32 $0xFFFFFEF7, lr;
	s5 =	simm.s32 $0xFFFFFFFF;
	p2 =	slt.u32 s8, $0xFFFFF086  }
0x1c: {  	p1 =	slt.u32 s9, $0xF7A;
	s5 =	simm.s32 @!p2 $0x0  }
0x1d: {  	s5 =	simm.s32 @p1 $0x1;
	p0 =	seq.s32 s7, s2  }
0x1e: {  	s7 =	smul.u32 @!p0 $0xF7A, s2;
	p2 =	seq.s32 @!p0 s5, $0x0  }
0x1f: {  	s9 =	smul.u32 $0xF7A, s1;
	s8 =	simm.s32 @!p0 $0x1BF5;
	p2 =	por !p2, p0  }
0x20: {  	[sflag:s8] =	ssyncset.s32 @!p0 $0xFFFFF086;
	s6 =	sadd.s32 @!p0 s3, s7;
	s7 =	simm.s32 @!p0 $0x108  }
0x21: {  	s3 =	sadd.s32 s3, s9;
	s6 =	sadd.s32 @!p0 $0x88, s6;
	s7 =	simm.s32 @p2 $0x1082  }
0x22: {  	[simem:s7], [sflag:s8] =	dma.local @!p0 [hbm:s6], $0xF7A  }
0x23: {  	s9 =	sor.u32 $0xD0000000, s2;
	s6 =	simm.s32 $0x108;
	_ =	swait.ge @!p0 [sflag:s8], $0x0  }
0x24: {  	s3 =	sadd.s32 $0x88, s3;
	s6 =	simm.s32 @!p1 $0x1082;
	[sflag:s4] =	ssyncset.s32 $0xFFFFF086  }
0x25: {  	[simem:s6], [sflag:s4] =	dma.local [hbm:s3], $0xF7A  }
0x26: {  	[smem:$0x3FA0] =	sst s1;
	(tag) =	ssettag s2;
	_ =	strace s9  }
0x27: {  	s1 =	sld [smem:$0x3FB0]  }
0x28: {  	s2 =	sld [smem:$0x3FB1]  }
0x29: {  	s4 =	sld [smem:$0x3FB3]  }
0x2a: {  	p0 =	seq.s32 s5, $0x0;
	s5 =	sld [smem:$0x3FB4]  }
0x2b: {  	s6 =	sld [smem:$0x3FB5]  }
0x2c: {  	s7 =	sld [smem:$0x3FB6]  }
0x2d: {  	s3 =	simm.s32 $0x108;
	s8 =	sld [smem:$0x3FB7]  }
0x2e: {  	s3 =	simm.s32 @!p0 $0x1082;
	s9 =	sld [smem:$0x3FB8]  }
0x2f: {  	lr =	sadd.s32 s0, s3;
	s0 =	sld [smem:$0x3FAF]  }
0x30: {  	s3 =	sld [smem:$0x3FB2]  }
0x31: {  	[smem:$0x3FBB] =	sst s10  }
0x32: {  	s10 =	sld [smem:$0x3FB9];
	_ =	sdelay $0x3  }
0x33: {  	p0 =	seq.s32 s10, $0x1;
	s10 =	sld [smem:$0x3FBB];
	_ =	sdelay $0x3  }
0x34: {  	[smem:$0x3FBB] =	sst s10  }
0x35: {  	s10 =	sld [smem:$0x3FBA];
	_ =	sdelay $0x3  }
0x36: {  	p1 =	seq.s32 s10, $0x1;
	s10 =	sld [smem:$0x3FBB];
	_ =	sdelay $0x3  }
0x37: {  	[smem:$0x3FBB] =	sst s10  }
0x38: {  	s10 =	sld [smem:$0x3FBC]  }
0x39: {  	_ = 	snop;
	(pc) =	sbr.ind lr, $3  }
0x3a: {  	_ = 	snop  }
0x3b: {  	_ = 	snop  }
0x3c: {  	p2 =	seq.s32 s10, $0x1;
	s10 =	sld [smem:$0x3FBB]  }
0x3d: {  	_ =	shalt  }
0x3e: {  	_ =	shalt  }
0x3f: {  	_ =	shalt  }
0x40: {  	_ =	shalt  }
0x41: {  	_ =	shalt  }
0x42: {  	_ =	shalt  }
0x43: {  	_ =	shalt  }
0x44: {  	_ =	shalt  }
0x45: {  	_ =	shalt  }
0x46: {  	_ =	shalt  }
0x47: {  	_ =	shalt  }
0x48: {  	_ =	shalt  }
0x49: {  	_ =	shalt  }
0x4a: {  	_ =	shalt  }
0x4b: {  	_ =	shalt  }
0x4c: {  	_ =	shalt  }
0x4d: {  	_ =	shalt  }
0x4e: {  	_ =	shalt  }
0x4f: {  	_ =	shalt  }
0x50: {  	_ =	shalt  }
0x51: {  	_ =	shalt  }
0x52: {  	_ =	shalt  }
0x53: {  	_ =	shalt  }
0x54: {  	_ =	shalt  }
0x55: {  	_ =	shalt  }
0x56: {  	_ =	shalt  }
0x57: {  	_ =	shalt  }
0x58: {  	_ =	shalt  }
0x59: {  	_ =	shalt  }
0x5a: {  	_ =	shalt  }
0x5b: {  	_ =	shalt  }
0x5c: {  	_ =	shalt  }
0x5d: {  	_ =	shalt  }
0x5e: {  	_ =	shalt  }
0x5f: {  	_ =	shalt  }
0x60: {  	_ =	shalt  }
0x61: {  	_ =	shalt  }
0x62: {  	_ =	shalt  }
0x63: {  	_ =	shalt  }
0x64: {  	_ =	shalt  }
0x65: {  	_ =	shalt  }
0x66: {  	_ =	shalt  }
0x67: {  	_ =	shalt  }
0x68: {  	_ =	shalt  }
0x69: {  	_ =	shalt  }
0x6a: {  	_ =	shalt  }
0x6b: {  	_ =	shalt  }
0x6c: {  	_ =	shalt  }
0x6d: {  	_ =	shalt  }
0x6e: {  	_ =	shalt  }
0x6f: {  	_ =	shalt  }
0x70: {  	_ =	shalt  }
0x71: {  	_ =	shalt  }
0x72: {  	_ =	shalt  }
0x73: {  	_ =	shalt  }
0x74: {  	_ =	shalt  }
0x75: {  	_ =	shalt  }
0x76: {  	_ =	shalt  }
0x77: {  	_ =	shalt  }
0x78: {  	_ =	shalt  }
0x79: {  	_ =	shalt  }
0x7a: {  	_ =	shalt  }
0x7b: {  	_ =	shalt  }
0x7c: {  	_ =	shalt  }
0x7d: {  	_ =	shalt  }
0x7e: {  	_ =	shalt  }
0x7f: {  	_ =	shalt  }
0x80: {  	_ =	shalt  }
0x81: {  	_ =	shalt  }
0x82: {  	_ =	shalt  }
0x83: {  	_ =	shalt  }
0x84: {  	_ =	shalt  }
0x85: {  	_ =	shalt  }
0x86: {  	_ =	shalt  }
0x87: {  	_ =	shalt  }
.Lfunc_end0:
.L_simem_size_0:
called_computation_lowered:
.L_overlay_start_0:
0x88: {  	s2 =	sld [smem:$0x3FD9]  }
0x89: {  	s3 =	sld [smem:$0x3FFE];
	_ =	sdelay $0x1  }
0x8a: {  	s1 =	srdreg.scid  }
0x8b: {  	s0 =	sand.u32 $0x1, s1  }
0x8c: {  	s29 =	sshll.u32 s0, $0xA;
	s2 =	sadd.s32 s3, s2  }
0x8d: {  	s2 =	sadd.s32 s2, s29  }
0x8e: {  	[smem:$0x3FC7] =	sst s2  }
0x8f: {  	_ = 	snop  }
0x90: {  	s2 =	sld [smem:$0x3FD0];
	_ =	sdelay $0x2  }
0x91: {  	s4 =	simm.s32 $0xE;
	s5 =	simm.s32 $0x10;
	s3 =	sld [smem:$0x3FC9]  }
0x92: {  	[smem:s5], [sflag:s4] =	dma.local [hbm:s2], $0x1  }
0x93: {  	_ =	swait.eq [sflag:s4], $0x1  }
0x94: {  	[sflag:s4] =	ssyncset.done $0x0  }
0x95: {  	s2 =	simm.s32 $0x0;
	[sflag:s4] =	ssyncadd.s32 $0xFFFFFFFF;
	s4 =	sld [smem:$0x10]  }
0x96: {  	[smem:$0xF] =	sst s2  }
0x97: {  	(tm) =	ssettm $0x1  }
0x98: {  	s30 =	sld [smem:$0x3FFB];
	_ =	sdelay $0x3  }
0x99: {  	_ =	strace s30  }
0x9a: {  	s5 =	sld [smem:$0x3FFC];
	_ =	sdelay $0x3  }
0x9b: {  	_ =	strace s5  }
0x9c: {  	s5 =	sld [smem:$0x3FFD];
	_ =	sdelay $0x3  }
0x9d: {  	_ =	strace s5  }
0x9e: {  	_ =	strace $0x8FFFFFFF  }
0x9f: {  	s31 =	sld [smem:$0x3FDB];
	_ =	sdelay $0x2  }
0xa0: {  	s6 =	simm.s32 $_scs_section_size;
	s7 =	simm.s32 $_tile_overlayer_lowered  }
0xa1: {  	s8 =	simm.s32 $_size__tile_overlayer_lowered;
	s7 =	sshll.u32 s7, $0x1;
	s5 =	sadd.s32 s6, s31  }
0xa2: {  	s6 =	sshll.u32 s8, $0x1;
	s8 =	simm.s32 $0x1BFF;
	s7 =	sadd.s32 s7, s5  }
0xa3: {  	[timem:s2], [sflag:s8] =	dma.local [hbm:s7], s6  }
0xa4: {  	_ =	swait.ge [sflag:s8], s6  }
0xa5: {  	s6 =	ssub.s32 $0x0, s6;
	[sflag:s8] =	ssyncset.done $0x0  }
0xa6: {  	[sflag:s8] =	ssyncadd.s32 s6;
	_ =	sdelay $0x1  }
0xa7: {  	s9 =	simm.s32 $0x1B8B  }
0xa8: {  	_ =	swait.ge [sflag:s9], $0x1  }
0xa9: {  	[sflag:s9] =	ssyncset.done $0x0  }
0xaa: {  	s10 =	simm.s32 $0x1B8E;
	[sflag:s9] =	ssyncadd.s32 $0xFFFFFFFF  }
0xab: {  	s11 =	simm.s32 $execute0_lowered;
	[smem:$0x3FD2] =	sst s10  }
0xac: {  	s6 =	sshll.u32 s11, $0x1;
	_ =	strace $0x80000046;
	[dreg:$0x1] =	wrdreg $0xFFFFFFFF  }
0xad: {  	s12 =	simm.s32 $_size_execute0_lowered;
	s5 =	sadd.s32 s5, s6;
	[dreg:$0x0] =	wrdreg $0x0  }
0xae: {  	s6 =	sshll.u32 s12, $0x1;
	[dreg:$0x2] =	wrdreg s5  }
0xaf: {  	[dreg:$0x3] =	wrdreg s6  }
0xb0: {  	[dreg:$0x4] =	wrdreg $0xC0  }
0xb1: {  	_ =	task [dreg:s2], $0x5FFFF  }
0xb2: {  	[dreg:$0x1] =	wrdreg $0xFFFFFFFF  }
0xb3: {  	[dreg:$0x0] =	wrdreg $0x60  }
0xb4: {  	[dreg:$0x2] =	wrdreg s3  }
0xb5: {  	[dreg:$0x3] =	wrdreg s4  }
0xb6: {  	s7 =	sshll.u32 s0, $0x15;
	[dreg:$0x4] =	wrdreg $0x9  }
0xb7: {  	s13 =	sadd.s32 s7, s3;
	s6 =	simm.s32 $0xA;
	_ =	task.clear_ibuf [dreg:s2], $0x5FFFF  }
0xb8: {  	[spmem:s2], [sflag:s6] =	dma.local [hbm:s13], $0x10000  }
0xb9: {  	s14 =	sadd.s32 s7, s4;
	s15 =	sor.u32 $0x10000, s7;
	_ =	swait.ge [sflag:s6], $0x10000  }
0xba: {  	s11 =	sadd.s32 s15, s3;
	s9 =	simm.s32 $0x10000;
	[sflag:s6] =	ssyncset.done $0x0  }
0xbb: {  	s10 =	simm.s32 $0xB;
	s5 =	simm.s32 $0xC;
	[sflag:s6] =	ssyncadd.s32 $0xFFFF0000  }
0xbc: {  	[hbm:s14], [sflag:s5] =	dma.local [spmem:s2], $0x10000  }
0xbd: {  	[spmem:s9], [sflag:s10] =	dma.local [hbm:s11], $0x10000  }
0xbe: {  	_ =	swait.ge [sflag:s10], $0x10000  }
0xbf: {  	[sflag:s10] =	ssyncset.done $0x0  }
0xc0: {  	[sflag:s10] =	ssyncadd.s32 $0xFFFF0000  }
0xc1: {  	s16 =	sadd.s32 s15, s4;
	s8 =	simm.s32 $0xD  }
0xc2: {  	[hbm:s16], [sflag:s8] =	dma.local [spmem:s9], $0x10000  }
0xc3: {  	_ =	swait.ge [sflag:s5], $0x10000  }
0xc4: {  	[sflag:s5] =	ssyncset.done $0x0  }
0xc5: {  	s17 =	sor.u32 $0x20000, s7;
	[sflag:s5] =	ssyncadd.s32 $0xFFFF0000  }
0xc6: {  	s12 =	sadd.s32 s17, s3  }
0xc7: {  	[spmem:s2], [sflag:s6] =	dma.local [hbm:s12], $0x10000  }
0xc8: {  	_ =	swait.ge [sflag:s6], $0x10000  }
0xc9: {  	[sflag:s6] =	ssyncset.done $0x0  }
0xca: {  	[sflag:s6] =	ssyncadd.s32 $0xFFFF0000  }
0xcb: {  	s11 =	sadd.s32 s17, s4  }
0xcc: {  	[hbm:s11], [sflag:s5] =	dma.local [spmem:s2], $0x10000  }
0xcd: {  	_ =	swait.ge [sflag:s8], $0x10000  }
0xce: {  	[sflag:s8] =	ssyncset.done $0x0  }
0xcf: {  	s18 =	sor.u32 $0x30000, s7;
	[sflag:s8] =	ssyncadd.s32 $0xFFFF0000  }
0xd0: {  	s19 =	sadd.s32 s18, s3  }
0xd1: {  	[spmem:s9], [sflag:s10] =	dma.local [hbm:s19], $0x10000  }
0xd2: {  	_ =	swait.ge [sflag:s10], $0x10000  }
0xd3: {  	[sflag:s10] =	ssyncset.done $0x0  }
0xd4: {  	[sflag:s10] =	ssyncadd.s32 $0xFFFF0000  }
0xd5: {  	s11 =	sadd.s32 s18, s4  }
0xd6: {  	[hbm:s11], [sflag:s8] =	dma.local [spmem:s9], $0x10000  }
0xd7: {  	_ =	swait.ge [sflag:s5], $0x10000  }
0xd8: {  	[sflag:s5] =	ssyncset.done $0x0  }
0xd9: {  	s20 =	sor.u32 $0x40000, s7;
	[sflag:s5] =	ssyncadd.s32 $0xFFFF0000  }
0xda: {  	s21 =	sadd.s32 s20, s3  }
0xdb: {  	[spmem:s2], [sflag:s6] =	dma.local [hbm:s21], $0x10000  }
0xdc: {  	_ =	swait.ge [sflag:s6], $0x10000  }
0xdd: {  	[sflag:s6] =	ssyncset.done $0x0  }
0xde: {  	[sflag:s6] =	ssyncadd.s32 $0xFFFF0000  }
0xdf: {  	s11 =	sadd.s32 s20, s4  }
0xe0: {  	[hbm:s11], [sflag:s5] =	dma.local [spmem:s2], $0x10000  }
0xe1: {  	_ =	swait.ge [sflag:s8], $0x10000  }
0xe2: {  	[sflag:s8] =	ssyncset.done $0x0  }
0xe3: {  	s22 =	sor.u32 $0x50000, s7;
	[sflag:s8] =	ssyncadd.s32 $0xFFFF0000  }
0xe4: {  	s23 =	sadd.s32 s22, s3  }
0xe5: {  	[spmem:s9], [sflag:s10] =	dma.local [hbm:s23], $0x10000  }
0xe6: {  	_ =	swait.ge [sflag:s10], $0x10000  }
0xe7: {  	[sflag:s10] =	ssyncset.done $0x0  }
0xe8: {  	[sflag:s10] =	ssyncadd.s32 $0xFFFF0000  }
0xe9: {  	s11 =	sadd.s32 s22, s4  }
0xea: {  	[hbm:s11], [sflag:s8] =	dma.local [spmem:s9], $0x10000  }
0xeb: {  	_ =	swait.ge [sflag:s5], $0x10000  }
0xec: {  	[sflag:s5] =	ssyncset.done $0x0  }
0xed: {  	s24 =	sor.u32 $0x60000, s7;
	[sflag:s5] =	ssyncadd.s32 $0xFFFF0000  }
0xee: {  	s25 =	sadd.s32 s24, s3  }
0xef: {  	[spmem:s2], [sflag:s6] =	dma.local [hbm:s25], $0x10000  }
0xf0: {  	_ =	swait.ge [sflag:s6], $0x10000  }
0xf1: {  	[sflag:s6] =	ssyncset.done $0x0  }
0xf2: {  	[sflag:s6] =	ssyncadd.s32 $0xFFFF0000  }
0xf3: {  	s11 =	sadd.s32 s24, s4  }
0xf4: {  	[hbm:s11], [sflag:s5] =	dma.local [spmem:s2], $0x10000  }
0xf5: {  	_ =	swait.ge [sflag:s8], $0x10000  }
0xf6: {  	[sflag:s8] =	ssyncset.done $0x0  }
0xf7: {  	s26 =	sor.u32 $0x70000, s7;
	[sflag:s8] =	ssyncadd.s32 $0xFFFF0000  }
0xf8: {  	s28 =	sadd.s32 s26, s3  }
0xf9: {  	[spmem:s9], [sflag:s10] =	dma.local [hbm:s28], $0x10000  }
0xfa: {  	_ =	swait.ge [sflag:s10], $0x10000  }
0xfb: {  	[sflag:s10] =	ssyncset.done $0x0  }
0xfc: {  	[sflag:s10] =	ssyncadd.s32 $0xFFFF0000  }
0xfd: {  	s11 =	sadd.s32 s26, s4  }
0xfe: {  	[hbm:s11], [sflag:s8] =	dma.local [spmem:s9], $0x10000  }
0xff: {  	_ =	swait.ge [sflag:s5], $0x10000  }
0x100: {  	[sflag:s5] =	ssyncset.done $0x0  }
0x101: {  	s29 =	sor.u32 $0x80000, s7;
	[sflag:s5] =	ssyncadd.s32 $0xFFFF0000  }
0x102: {  	s30 =	sadd.s32 s29, s3  }
0x103: {  	[spmem:s2], [sflag:s6] =	dma.local [hbm:s30], $0x10000  }
0x104: {  	_ =	swait.ge [sflag:s6], $0x10000  }
0x105: {  	[sflag:s6] =	ssyncset.done $0x0  }
0x106: {  	[sflag:s6] =	ssyncadd.s32 $0xFFFF0000  }
0x107: {  	s11 =	sadd.s32 s29, s4  }
0x108: {  	[hbm:s11], [sflag:s5] =	dma.local [spmem:s2], $0x10000  }
0x109: {  	_ =	swait.ge [sflag:s8], $0x10000  }
0x10a: {  	[sflag:s8] =	ssyncset.done $0x0  }
0x10b: {  	s31 =	sor.u32 $0x90000, s7;
	[sflag:s8] =	ssyncadd.s32 $0xFFFF0000  }
0x10c: {  	s13 =	sadd.s32 s31, s3  }
0x10d: {  	[spmem:s9], [sflag:s10] =	dma.local [hbm:s13], $0x10000  }
0x10e: {  	_ =	swait.ge [sflag:s10], $0x10000  }
0x10f: {  	[sflag:s10] =	ssyncset.done $0x0  }
0x110: {  	[sflag:s10] =	ssyncadd.s32 $0xFFFF0000  }
0x111: {  	s11 =	sadd.s32 s31, s4  }
0x112: {  	[hbm:s11], [sflag:s8] =	dma.local [spmem:s9], $0x10000  }
0x113: {  	_ =	swait.ge [sflag:s5], $0x10000  }
0x114: {  	[sflag:s5] =	ssyncset.done $0x0  }
0x115: {  	s14 =	sor.u32 $0xA0000, s7;
	[sflag:s5] =	ssyncadd.s32 $0xFFFF0000  }
0x116: {  	s15 =	sadd.s32 s14, s3  }
0x117: {  	[spmem:s2], [sflag:s6] =	dma.local [hbm:s15], $0x10000  }
0x118: {  	_ =	swait.ge [sflag:s6], $0x10000  }
0x119: {  	[sflag:s6] =	ssyncset.done $0x0  }
0x11a: {  	[sflag:s6] =	ssyncadd.s32 $0xFFFF0000  }
0x11b: {  	s11 =	sadd.s32 s14, s4  }
0x11c: {  	[hbm:s11], [sflag:s5] =	dma.local [spmem:s2], $0x10000  }
0x11d: {  	_ =	swait.ge [sflag:s8], $0x10000  }
0x11e: {  	[sflag:s8] =	ssyncset.done $0x0  }
0x11f: {  	s16 =	sor.u32 $0xB0000, s7;
	[sflag:s8] =	ssyncadd.s32 $0xFFFF0000  }
0x120: {  	s17 =	sadd.s32 s16, s3  }
0x121: {  	[spmem:s9], [sflag:s10] =	dma.local [hbm:s17], $0x10000  }
0x122: {  	_ =	swait.ge [sflag:s10], $0x10000  }
0x123: {  	[sflag:s10] =	ssyncset.done $0x0  }
0x124: {  	[sflag:s10] =	ssyncadd.s32 $0xFFFF0000  }
0x125: {  	s11 =	sadd.s32 s16, s4  }
0x126: {  	[hbm:s11], [sflag:s8] =	dma.local [spmem:s9], $0x10000  }
0x127: {  	_ =	swait.ge [sflag:s5], $0x10000  }
0x128: {  	[sflag:s5] =	ssyncset.done $0x0  }
0x129: {  	s18 =	sor.u32 $0xC0000, s7;
	[sflag:s5] =	ssyncadd.s32 $0xFFFF0000  }
0x12a: {  	s19 =	sadd.s32 s18, s3  }
0x12b: {  	[spmem:s2], [sflag:s6] =	dma.local [hbm:s19], $0x10000  }
0x12c: {  	_ =	swait.ge [sflag:s6], $0x10000  }
0x12d: {  	[sflag:s6] =	ssyncset.done $0x0  }
0x12e: {  	[sflag:s6] =	ssyncadd.s32 $0xFFFF0000  }
0x12f: {  	s11 =	sadd.s32 s18, s4  }
0x130: {  	[hbm:s11], [sflag:s5] =	dma.local [spmem:s2], $0x10000  }
0x131: {  	_ =	swait.ge [sflag:s8], $0x10000  }
0x132: {  	[sflag:s8] =	ssyncset.done $0x0  }
0x133: {  	s20 =	sor.u32 $0xD0000, s7;
	[sflag:s8] =	ssyncadd.s32 $0xFFFF0000  }
0x134: {  	s21 =	sadd.s32 s20, s3  }
0x135: {  	[spmem:s9], [sflag:s10] =	dma.local [hbm:s21], $0x10000  }
0x136: {  	_ =	swait.ge [sflag:s10], $0x10000  }
0x137: {  	[sflag:s10] =	ssyncset.done $0x0  }
0x138: {  	[sflag:s10] =	ssyncadd.s32 $0xFFFF0000  }
0x139: {  	s11 =	sadd.s32 s20, s4  }
0x13a: {  	[hbm:s11], [sflag:s8] =	dma.local [spmem:s9], $0x10000  }
0x13b: {  	_ =	swait.ge [sflag:s5], $0x10000  }
0x13c: {  	[sflag:s5] =	ssyncset.done $0x0  }
0x13d: {  	s22 =	sor.u32 $0xE0000, s7;
	[sflag:s5] =	ssyncadd.s32 $0xFFFF0000  }
0x13e: {  	s23 =	sadd.s32 s22, s3  }
0x13f: {  	[spmem:s2], [sflag:s6] =	dma.local [hbm:s23], $0x10000  }
0x140: {  	_ =	swait.ge [sflag:s6], $0x10000  }
0x141: {  	[sflag:s6] =	ssyncset.done $0x0  }
0x142: {  	[sflag:s6] =	ssyncadd.s32 $0xFFFF0000  }
0x143: {  	s11 =	sadd.s32 s22, s4  }
0x144: {  	[hbm:s11], [sflag:s5] =	dma.local [spmem:s2], $0x10000  }
0x145: {  	_ =	swait.ge [sflag:s8], $0x10000  }
0x146: {  	[sflag:s8] =	ssyncset.done $0x0  }
0x147: {  	s24 =	sor.u32 $0xF0000, s7;
	[sflag:s8] =	ssyncadd.s32 $0xFFFF0000  }
0x148: {  	s25 =	sadd.s32 s24, s3  }
0x149: {  	[spmem:s9], [sflag:s10] =	dma.local [hbm:s25], $0x10000  }
0x14a: {  	_ =	swait.ge [sflag:s10], $0x10000  }
0x14b: {  	[sflag:s10] =	ssyncset.done $0x0  }
0x14c: {  	[sflag:s10] =	ssyncadd.s32 $0xFFFF0000  }
0x14d: {  	s26 =	sadd.s32 s24, s4  }
0x14e: {  	[hbm:s26], [sflag:s8] =	dma.local [spmem:s9], $0x10000  }
0x14f: {  	_ =	swait.ge [sflag:s5], $0x10000  }
0x150: {  	[sflag:s5] =	ssyncset.done $0x0  }
0x151: {  	s7 =	sor.u32 $0x100000, s7;
	[sflag:s5] =	ssyncadd.s32 $0xFFFF0000  }
0x152: {  	s3 =	sadd.s32 s7, s3  }
0x153: {  	[spmem:s2], [sflag:s6] =	dma.local [hbm:s3], $0x10000  }
0x154: {  	_ =	swait.ge [sflag:s6], $0x10000  }
0x155: {  	[sflag:s6] =	ssyncset.done $0x0  }
0x156: {  	[sflag:s6] =	ssyncadd.s32 $0xFFFF0000  }
0x157: {  	s28 =	sadd.s32 s7, s4  }
0x158: {  	[hbm:s28], [sflag:s5] =	dma.local [spmem:s2], $0x10000  }
0x159: {  	_ =	swait.ge [sflag:s8], $0x10000  }
0x15a: {  	[sflag:s8] =	ssyncset.done $0x0  }
0x15b: {  	[sflag:s8] =	ssyncadd.s32 $0xFFFF0000;
	_ =	sdelay $0x2  }
0x15c: {  	_ =	swait.ge [sflag:s5], $0x10000  }
0x15d: {  	[sflag:s5] =	ssyncset.done $0x0  }
0x15e: {  	[sflag:s5] =	ssyncadd.s32 $0xFFFF0000  }
0x15f: {  	_ =	strace $0x90000046  }
0x160: {  	s29 =	simm.s32 $0x9;
	_ =	strace $0x80000048  }
0x161: {  	_ =	swait.ge [sflag:s29], $0x1  }
0x162: {  	[sflag:s29] =	ssyncadd.s32 $0xFFFFFFFF  }
0x163: {  	_ =	strace $0x90000048  }
0x164: {  	_ =	sfence  }
0x165: {  	s30 =	sld [smem:$0x0];
	_ =	sdelay $0x2  }
0x166: {  	s31 =	sshll.u32 s1, $0xD;
	s1 =	sshrl.u32 s1, $0x2  }
0x167: {  	s4 =	sand.u32 $0x4000, s31;
	s1 =	sadd.s32 s1, s30  }
0x168: {  	s0 =	sor.u32 s4, s0;
	s1 =	sshll.u32 s1, $0x11  }
0x169: {  	s0 =	sor.u32 s1, s0  }
0x16a: {  	s0 =	sadd.s32 $0x8F2B, s0  }
0x16b: {  	[sflag:s0] =	ssyncadd.remote.s32 $0x1  }
0x16c: {  	_ =	sfence.sel $0xFFFF  }
0x16d: {  	[dreg:$0x0] =	wrdreg $0xFFFFFFFF;
	(pc) =	sbr.abs _section_cstart, $3  }
0x16e: {  	[dreg:$0x1] =	wrdreg $0xFFFFFFFF  }
0x16f: {  	_ =	task.clear_ibuf [dreg:s2], $0x2FFFF;
	_ =	strace $0x9FFFFFFF  }
0x170: {  	(tm) =	ssettm $0x7FFFFFFF  }
0x171: {  	_ =	shalt  }
tec
execute0_lowered:
.L_overlay_start_1:
0x0: {  	(tag) =	ssettag $0x1  }
0x1: {  	s3 =	stileid.u32  }
0x2: {  	p0 =	seq.s32 s3, $0x0  }
.Ltmp0:
0x3: {  	_ = 	snop;
	(pc) =	sbr.rel @p0 .LBB2_4-.Ltmp0, $4  }
0x4: {  	s30 =	rddreg [dreg:$0x0]  }
0x5: {  	s0 =	rddreg [dreg:$0x1];
	s2 =	simm.s32 $0x0  }
0x6: {  	[smem:$0x7FF] =	sst s2  }
0x7: {  	s1 =	rddreg [dreg:$0x2];
	_ =	strace $0x80000047  }
0x8: {  	s1 =	srdreg.scid  }
0x9: {  	s4 =	stileid.u32;
	s1 =	sand.u32 $0x1, s1  }
0xa: {  	s4 =	sshll.u32 s4, $0x10;
	s3 =	sshll.u32 s1, $0x15  }
0xb: {  	s31 =	sor.u32 s4, s3  }
0xc: {  	s3 =	sor.u32 $0x100000, s31  }
0xd: {  	s5 =	sor.u32 $0x100800, s31;
	s13 =	sadd.s32 s0, s3  }
0xe: {  	s14 =	sadd.s32 s30, s5;
	[dreg:$0x3] =	wrdreg s13  }
0xf: {  	s16 =	sor.u32 $0x101000, s31;
	s15 =	sadd.s32 s0, s5;
	[dreg:$0x4] =	wrdreg s14  }
0x10: {  	s17 =	sadd.s32 s30, s16;
	[dreg:$0x5] =	wrdreg s15  }
0x11: {  	s19 =	sor.u32 $0x101800, s31;
	s18 =	sadd.s32 s0, s16;
	[dreg:$0x6] =	wrdreg s17  }
0x12: {  	s20 =	sadd.s32 s30, s19;
	[dreg:$0x7] =	wrdreg s18  }
0x13: {  	s22 =	sor.u32 $0x102000, s31;
	s21 =	sadd.s32 s0, s19;
	[dreg:$0x8] =	wrdreg s20  }
0x14: {  	s23 =	sadd.s32 s30, s22;
	[dreg:$0x9] =	wrdreg s21  }
0x15: {  	s25 =	sor.u32 $0x102800, s31;
	s24 =	sadd.s32 s0, s22;
	[dreg:$0xa] =	wrdreg s23  }
0x16: {  	s26 =	sadd.s32 s30, s25;
	[dreg:$0xb] =	wrdreg s24  }
0x17: {  	s7 =	sor.u32 $0x103000, s31;
	s6 =	sadd.s32 s0, s25;
	[dreg:$0xc] =	wrdreg s26  }
0x18: {  	s8 =	sadd.s32 s30, s7;
	[dreg:$0xd] =	wrdreg s6  }
0x19: {  	s10 =	sor.u32 $0x103800, s31;
	s9 =	sadd.s32 s0, s7;
	[dreg:$0xe] =	wrdreg s8  }
0x1a: {  	s11 =	sadd.s32 s30, s10;
	[dreg:$0xf] =	wrdreg s9  }
0x1b: {  	s12 =	sadd.s32 s0, s10;
	[dreg:$0x10] =	wrdreg s11  }
0x1c: {  	s16 =	sor.u32 $0x104800, s31;
	s3 =	sadd.s32 s30, s3;
	[dreg:$0x11] =	wrdreg s12  }
0x1d: {  	s4 =	simm.s32 $0x10000;
	s17 =	sadd.s32 s30, s16;
	[smem:$0x7ED] =	sst s3  }
0x1e: {  	[tilespmem:s4], [sflag:$0x1] =	stream.linear.gather [hbm4b:s3+s2], $0x4000, $0x38;
	[tilespmem:$0x1C000] =	vst v63  }
0x1f: {  	s19 =	sor.u32 $0x105000, s31;
	s18 =	sadd.s32 s0, s16;
	[dreg:$0x14] =	wrdreg s17  }
0x20: {  	s20 =	sadd.s32 s30, s19;
	[dreg:$0x15] =	wrdreg s18  }
0x21: {  	s22 =	sor.u32 $0x105800, s31;
	s21 =	sadd.s32 s0, s19;
	[dreg:$0x16] =	wrdreg s20  }
0x22: {  	s23 =	sadd.s32 s30, s22;
	[dreg:$0x17] =	wrdreg s21  }
0x23: {  	s25 =	sor.u32 $0x106000, s31;
	s24 =	sadd.s32 s0, s22;
	[dreg:$0x18] =	wrdreg s23  }
0x24: {  	s26 =	sadd.s32 s30, s25;
	[dreg:$0x19] =	wrdreg s24  }
0x25: {  	s7 =	sor.u32 $0x106800, s31;
	s6 =	sadd.s32 s0, s25;
	[dreg:$0x1a] =	wrdreg s26  }
0x26: {  	s8 =	sadd.s32 s30, s7;
	[dreg:$0x1b] =	wrdreg s6  }
0x27: {  	s10 =	sor.u32 $0x107000, s31;
	s9 =	sadd.s32 s0, s7;
	[dreg:$0x1c] =	wrdreg s8  }
0x28: {  	s11 =	sadd.s32 s30, s10;
	[dreg:$0x1d] =	wrdreg s9  }
0x29: {  	s13 =	sor.u32 $0x104000, s31;
	s12 =	sadd.s32 s0, s10;
	[dreg:$0x1e] =	wrdreg s11  }
0x2a: {  	s14 =	sadd.s32 s30, s13;
	[dreg:$0x1f] =	wrdreg s12  }
0x2b: {  	s16 =	sor.u32 $0x108000, s31;
	s15 =	sadd.s32 s0, s13;
	[dreg:$0x12] =	wrdreg s14  }
0x2c: {  	s17 =	sadd.s32 s30, s16;
	[dreg:$0x13] =	wrdreg s15  }
0x2d: {  	s19 =	sor.u32 $0x108800, s31;
	s18 =	sadd.s32 s0, s16;
	[smem:$0x7F0] =	sst s17  }
0x2e: {  	s20 =	sadd.s32 s30, s19;
	[smem:$0x7F1] =	sst s18  }
0x2f: {  	s22 =	sor.u32 $0x109000, s31;
	s21 =	sadd.s32 s0, s19;
	[smem:$0x7F2] =	sst s20  }
0x30: {  	s23 =	sadd.s32 s30, s22;
	[smem:$0x7F3] =	sst s21  }
0x31: {  	s25 =	sor.u32 $0x109800, s31;
	s24 =	sadd.s32 s0, s22;
	[smem:$0x7F4] =	sst s23  }
0x32: {  	s26 =	sadd.s32 s30, s25;
	[smem:$0x7F5] =	sst s24  }
0x33: {  	s7 =	sor.u32 $0x10A000, s31;
	s6 =	sadd.s32 s0, s25;
	[smem:$0x7F6] =	sst s26  }
0x34: {  	s8 =	sadd.s32 s30, s7;
	[smem:$0x7F7] =	sst s6  }
0x35: {  	s10 =	sor.u32 $0x10A800, s31;
	s9 =	sadd.s32 s0, s7;
	[smem:$0x7F8] =	sst s8  }
0x36: {  	s11 =	sadd.s32 s30, s10;
	[smem:$0x7F9] =	sst s9  }
0x37: {  	s13 =	sor.u32 $0x107800, s31;
	s12 =	sadd.s32 s0, s10;
	[smem:$0x7FA] =	sst s11  }
0x38: {  	s14 =	sadd.s32 s30, s13;
	[smem:$0x7FB] =	sst s12  }
0x39: {  	s15 =	sadd.s32 s0, s13;
	s13 =	sor.u32 $0x10B000, s31;
	[smem:$0x7EE] =	sst s14  }
0x3a: {  	[smem:$0x7EF] =	sst s15;
	s14 =	sadd.s32 s30, s13  }
0x3b: {  	s15 =	sadd.s32 s0, s13;
	[smem:$0x7FC] =	sst s14  }
0x3c: {  	s5 =	simm.s32 $0x1;
	[smem:$0x7FD] =	sst s15  }
0x3d: {  	_ =	swait.ge [sflag:s5], $0x4000  }
0x3e: {  	[sflag:s5] =	ssyncset.done $0x0  }
0x3f: {  	s6 =	rddreg [dreg:$0x3];
	[sflag:s5] =	ssyncadd.s32 $0xFFFFC000  }
0x40: {  	[hbm4b:s6+s2] =	stream.linear.scatter [tilespmem:s4], [sflag:$0x4], $0x4000, $0x38;
	[tilespmem:$0x1C000] =	vst v63  }
0x41: {  	s7 =	simm.s32 $0x2;
	s8 =	rddreg [dreg:$0x4];
	s6 =	simm.s32 $0x14000  }
0x42: {  	[tilespmem:s6], [sflag:$0x2] =	stream.linear.gather [hbm4b:s8+s2], $0x4000, $0x38;
	[tilespmem:$0x1C000] =	vst v63  }
0x43: {  	_ =	swait.ge [sflag:s7], $0x4000  }
0x44: {  	[sflag:s7] =	ssyncset.done $0x0  }
0x45: {  	s16 =	rddreg [dreg:$0x5];
	[sflag:s7] =	ssyncadd.s32 $0xFFFFC000  }
0x46: {  	[hbm4b:s16+s2] =	stream.linear.scatter [tilespmem:s6], [sflag:$0x5], $0x4000, $0x38;
	[tilespmem:$0x1C000] =	vst v63  }
0x47: {  	s9 =	simm.s32 $0x3;
	s8 =	simm.s32 $0x18000;
	s10 =	rddreg [dreg:$0x6]  }
0x48: {  	[tilespmem:s8], [sflag:$0x3] =	stream.linear.gather [hbm4b:s10+s2], $0x4000, $0x38;
	[tilespmem:$0x1C000] =	vst v63  }
0x49: {  	_ =	swait.ge [sflag:s9], $0x4000  }
0x4a: {  	[sflag:s9] =	ssyncset.done $0x0  }
0x4b: {  	s10 =	simm.s32 $0x4;
	s11 =	rddreg [dreg:$0x7];
	[sflag:s9] =	ssyncadd.s32 $0xFFFFC000  }
0x4c: {  	[hbm4b:s11+s2] =	stream.linear.scatter [tilespmem:s8], [sflag:$0x6], $0x4000, $0x38;
	[tilespmem:$0x1C000] =	vst v63  }
0x4d: {  	_ =	swait.ge [sflag:s10], $0x4000  }
0x4e: {  	[sflag:s10] =	ssyncset.done $0x0  }
0x4f: {  	s17 =	rddreg [dreg:$0x8];
	[sflag:s10] =	ssyncadd.s32 $0xFFFFC000  }
0x50: {  	[tilespmem:s4], [sflag:$0x1] =	stream.linear.gather [hbm4b:s17+s2], $0x4000, $0x38;
	[tilespmem:$0x1C000] =	vst v63  }
0x51: {  	_ =	swait.ge [sflag:s5], $0x4000  }
0x52: {  	[sflag:s5] =	ssyncset.done $0x0  }
0x53: {  	s11 =	simm.s32 $0x5;
	s12 =	rddreg [dreg:$0x9];
	[sflag:s5] =	ssyncadd.s32 $0xFFFFC000  }
0x54: {  	[hbm4b:s12+s2] =	stream.linear.scatter [tilespmem:s4], [sflag:$0x4], $0x4000, $0x38;
	[tilespmem:$0x1C000] =	vst v63  }
0x55: {  	_ =	swait.ge [sflag:s11], $0x4000  }
0x56: {  	[sflag:s11] =	ssyncset.done $0x0  }
0x57: {  	s18 =	rddreg [dreg:$0xa];
	[sflag:s11] =	ssyncadd.s32 $0xFFFFC000  }
0x58: {  	[tilespmem:s6], [sflag:$0x2] =	stream.linear.gather [hbm4b:s18+s2], $0x4000, $0x38;
	[tilespmem:$0x1C000] =	vst v63  }
0x59: {  	_ =	swait.ge [sflag:s7], $0x4000  }
0x5a: {  	[sflag:s7] =	ssyncset.done $0x0  }
0x5b: {  	s12 =	simm.s32 $0x6;
	s13 =	rddreg [dreg:$0xb];
	[sflag:s7] =	ssyncadd.s32 $0xFFFFC000  }
0x5c: {  	[hbm4b:s13+s2] =	stream.linear.scatter [tilespmem:s6], [sflag:$0x5], $0x4000, $0x38;
	[tilespmem:$0x1C000] =	vst v63  }
0x5d: {  	_ =	swait.ge [sflag:s12], $0x4000  }
0x5e: {  	[sflag:s12] =	ssyncset.done $0x0  }
0x5f: {  	s19 =	rddreg [dreg:$0xc];
	[sflag:s12] =	ssyncadd.s32 $0xFFFFC000  }
0x60: {  	[tilespmem:s8], [sflag:$0x3] =	stream.linear.gather [hbm4b:s19+s2], $0x4000, $0x38;
	[tilespmem:$0x1C000] =	vst v63  }
0x61: {  	_ =	swait.ge [sflag:s9], $0x4000  }
0x62: {  	[sflag:s9] =	ssyncset.done $0x0  }
0x63: {  	s20 =	rddreg [dreg:$0xd];
	[sflag:s9] =	ssyncadd.s32 $0xFFFFC000  }
0x64: {  	[hbm4b:s20+s2] =	stream.linear.scatter [tilespmem:s8], [sflag:$0x6], $0x4000, $0x38;
	[tilespmem:$0x1C000] =	vst v63  }
0x65: {  	_ =	swait.ge [sflag:s10], $0x4000  }
0x66: {  	[sflag:s10] =	ssyncset.done $0x0  }
0x67: {  	s21 =	rddreg [dreg:$0xe];
	[sflag:s10] =	ssyncadd.s32 $0xFFFFC000  }
0x68: {  	[tilespmem:s4], [sflag:$0x1] =	stream.linear.gather [hbm4b:s21+s2], $0x4000, $0x38;
	[tilespmem:$0x1C000] =	vst v63  }
0x69: {  	_ =	swait.ge [sflag:s5], $0x4000  }
0x6a: {  	[sflag:s5] =	ssyncset.done $0x0  }
0x6b: {  	s22 =	rddreg [dreg:$0xf];
	[sflag:s5] =	ssyncadd.s32 $0xFFFFC000  }
0x6c: {  	[hbm4b:s22+s2] =	stream.linear.scatter [tilespmem:s4], [sflag:$0x4], $0x4000, $0x38;
	[tilespmem:$0x1C000] =	vst v63  }
0x6d: {  	_ =	swait.ge [sflag:s11], $0x4000  }
0x6e: {  	[sflag:s11] =	ssyncset.done $0x0  }
0x6f: {  	s23 =	rddreg [dreg:$0x10];
	[sflag:s11] =	ssyncadd.s32 $0xFFFFC000  }
0x70: {  	[tilespmem:s6], [sflag:$0x2] =	stream.linear.gather [hbm4b:s23+s2], $0x4000, $0x38;
	[tilespmem:$0x1C000] =	vst v63  }
0x71: {  	_ =	swait.ge [sflag:s7], $0x4000  }
0x72: {  	[sflag:s7] =	ssyncset.done $0x0  }
0x73: {  	s24 =	rddreg [dreg:$0x11];
	[sflag:s7] =	ssyncadd.s32 $0xFFFFC000  }
0x74: {  	[hbm4b:s24+s2] =	stream.linear.scatter [tilespmem:s6], [sflag:$0x5], $0x4000, $0x38;
	[tilespmem:$0x1C000] =	vst v63  }
0x75: {  	_ =	swait.ge [sflag:s12], $0x4000  }
0x76: {  	[sflag:s12] =	ssyncset.done $0x0  }
0x77: {  	s25 =	rddreg [dreg:$0x12];
	[sflag:s12] =	ssyncadd.s32 $0xFFFFC000  }
0x78: {  	[tilespmem:s8], [sflag:$0x3] =	stream.linear.gather [hbm4b:s25+s2], $0x4000, $0x38;
	[tilespmem:$0x1C000] =	vst v63  }
0x79: {  	_ =	swait.ge [sflag:s9], $0x4000  }
0x7a: {  	[sflag:s9] =	ssyncset.done $0x0  }
0x7b: {  	s26 =	rddreg [dreg:$0x13];
	[sflag:s9] =	ssyncadd.s32 $0xFFFFC000  }
0x7c: {  	[hbm4b:s26+s2] =	stream.linear.scatter [tilespmem:s8], [sflag:$0x6], $0x4000, $0x38;
	[tilespmem:$0x1C000] =	vst v63  }
0x7d: {  	_ =	swait.ge [sflag:s10], $0x4000  }
0x7e: {  	[sflag:s10] =	ssyncset.done $0x0  }
0x7f: {  	s3 =	rddreg [dreg:$0x14];
	[sflag:s10] =	ssyncadd.s32 $0xFFFFC000  }
0x80: {  	[tilespmem:s4], [sflag:$0x1] =	stream.linear.gather [hbm4b:s3+s2], $0x4000, $0x38;
	[tilespmem:$0x1C000] =	vst v63  }
0x81: {  	_ =	swait.ge [sflag:s5], $0x4000  }
0x82: {  	[sflag:s5] =	ssyncset.done $0x0  }
0x83: {  	s14 =	rddreg [dreg:$0x15];
	[sflag:s5] =	ssyncadd.s32 $0xFFFFC000  }
0x84: {  	[hbm4b:s14+s2] =	stream.linear.scatter [tilespmem:s4], [sflag:$0x4], $0x4000, $0x38;
	[tilespmem:$0x1C000] =	vst v63  }
0x85: {  	_ =	swait.ge [sflag:s11], $0x4000  }
0x86: {  	[sflag:s11] =	ssyncset.done $0x0  }
0x87: {  	s15 =	rddreg [dreg:$0x16];
	[sflag:s11] =	ssyncadd.s32 $0xFFFFC000  }
0x88: {  	[tilespmem:s6], [sflag:$0x2] =	stream.linear.gather [hbm4b:s15+s2], $0x4000, $0x38;
	[tilespmem:$0x1C000] =	vst v63  }
0x89: {  	_ =	swait.ge [sflag:s7], $0x4000  }
0x8a: {  	[sflag:s7] =	ssyncset.done $0x0  }
0x8b: {  	s16 =	rddreg [dreg:$0x17];
	[sflag:s7] =	ssyncadd.s32 $0xFFFFC000  }
0x8c: {  	[hbm4b:s16+s2] =	stream.linear.scatter [tilespmem:s6], [sflag:$0x5], $0x4000, $0x38;
	[tilespmem:$0x1C000] =	vst v63  }
0x8d: {  	_ =	swait.ge [sflag:s12], $0x4000  }
0x8e: {  	[sflag:s12] =	ssyncset.done $0x0  }
0x8f: {  	s17 =	rddreg [dreg:$0x18];
	[sflag:s12] =	ssyncadd.s32 $0xFFFFC000  }
0x90: {  	[tilespmem:s8], [sflag:$0x3] =	stream.linear.gather [hbm4b:s17+s2], $0x4000, $0x38;
	[tilespmem:$0x1C000] =	vst v63  }
0x91: {  	_ =	swait.ge [sflag:s9], $0x4000  }
0x92: {  	[sflag:s9] =	ssyncset.done $0x0  }
0x93: {  	s18 =	rddreg [dreg:$0x19];
	[sflag:s9] =	ssyncadd.s32 $0xFFFFC000  }
0x94: {  	[hbm4b:s18+s2] =	stream.linear.scatter [tilespmem:s8], [sflag:$0x6], $0x4000, $0x38;
	[tilespmem:$0x1C000] =	vst v63  }
0x95: {  	_ =	swait.ge [sflag:s10], $0x4000  }
0x96: {  	[sflag:s10] =	ssyncset.done $0x0  }
0x97: {  	s19 =	rddreg [dreg:$0x1a];
	[sflag:s10] =	ssyncadd.s32 $0xFFFFC000  }
0x98: {  	[tilespmem:s4], [sflag:$0x1] =	stream.linear.gather [hbm4b:s19+s2], $0x4000, $0x38;
	[tilespmem:$0x1C000] =	vst v63  }
0x99: {  	_ =	swait.ge [sflag:s5], $0x4000  }
0x9a: {  	[sflag:s5] =	ssyncset.done $0x0  }
0x9b: {  	s20 =	rddreg [dreg:$0x1b];
	[sflag:s5] =	ssyncadd.s32 $0xFFFFC000  }
0x9c: {  	[hbm4b:s20+s2] =	stream.linear.scatter [tilespmem:s4], [sflag:$0x4], $0x4000, $0x38;
	[tilespmem:$0x1C000] =	vst v63  }
0x9d: {  	_ =	swait.ge [sflag:s11], $0x4000  }
0x9e: {  	[sflag:s11] =	ssyncset.done $0x0  }
0x9f: {  	s21 =	rddreg [dreg:$0x1c];
	[sflag:s11] =	ssyncadd.s32 $0xFFFFC000  }
0xa0: {  	[tilespmem:s6], [sflag:$0x2] =	stream.linear.gather [hbm4b:s21+s2], $0x4000, $0x38;
	[tilespmem:$0x1C000] =	vst v63  }
0xa1: {  	_ =	swait.ge [sflag:s7], $0x4000  }
0xa2: {  	[sflag:s7] =	ssyncset.done $0x0  }
0xa3: {  	s22 =	rddreg [dreg:$0x1d];
	[sflag:s7] =	ssyncadd.s32 $0xFFFFC000  }
0xa4: {  	[hbm4b:s22+s2] =	stream.linear.scatter [tilespmem:s6], [sflag:$0x5], $0x4000, $0x38;
	[tilespmem:$0x1C000] =	vst v63  }
0xa5: {  	_ =	swait.ge [sflag:s12], $0x4000  }
0xa6: {  	[sflag:s12] =	ssyncset.done $0x0  }
0xa7: {  	s23 =	rddreg [dreg:$0x1e];
	[sflag:s12] =	ssyncadd.s32 $0xFFFFC000  }
0xa8: {  	[tilespmem:s8], [sflag:$0x3] =	stream.linear.gather [hbm4b:s23+s2], $0x4000, $0x38;
	[tilespmem:$0x1C000] =	vst v63  }
0xa9: {  	_ =	swait.ge [sflag:s9], $0x4000  }
0xaa: {  	[sflag:s9] =	ssyncset.done $0x0  }
0xab: {  	s24 =	rddreg [dreg:$0x1f];
	[sflag:s9] =	ssyncadd.s32 $0xFFFFC000  }
0xac: {  	[hbm4b:s24+s2] =	stream.linear.scatter [tilespmem:s8], [sflag:$0x6], $0x4000, $0x38;
	[tilespmem:$0x1C000] =	vst v63  }
0xad: {  	_ =	swait.ge [sflag:s10], $0x4000  }
0xae: {  	s25 =	sld [smem:$0x7EE]  }
0xaf: {  	[sflag:s10] =	ssyncset.done $0x0  }
0xb0: {  	[sflag:s10] =	ssyncadd.s32 $0xFFFFC000  }
0xb1: {  	[tilespmem:s4], [sflag:$0x1] =	stream.linear.gather [hbm4b:s25+s2], $0x4000, $0x38;
	[tilespmem:$0x1C000] =	vst v63  }
0xb2: {  	_ =	swait.ge [sflag:s5], $0x4000  }
0xb3: {  	s26 =	sld [smem:$0x7EF]  }
0xb4: {  	[sflag:s5] =	ssyncset.done $0x0  }
0xb5: {  	[sflag:s5] =	ssyncadd.s32 $0xFFFFC000  }
0xb6: {  	[hbm4b:s26+s2] =	stream.linear.scatter [tilespmem:s4], [sflag:$0x4], $0x4000, $0x38;
	[tilespmem:$0x1C000] =	vst v63  }
0xb7: {  	_ =	swait.ge [sflag:s11], $0x4000  }
0xb8: {  	s3 =	sld [smem:$0x7F0]  }
0xb9: {  	[sflag:s11] =	ssyncset.done $0x0  }
0xba: {  	[sflag:s11] =	ssyncadd.s32 $0xFFFFC000  }
0xbb: {  	[tilespmem:s6], [sflag:$0x2] =	stream.linear.gather [hbm4b:s3+s2], $0x4000, $0x38;
	[tilespmem:$0x1C000] =	vst v63  }
0xbc: {  	_ =	swait.ge [sflag:s7], $0x4000  }
0xbd: {  	s14 =	sld [smem:$0x7F1]  }
0xbe: {  	[sflag:s7] =	ssyncset.done $0x0  }
0xbf: {  	[sflag:s7] =	ssyncadd.s32 $0xFFFFC000  }
0xc0: {  	[hbm4b:s14+s2] =	stream.linear.scatter [tilespmem:s6], [sflag:$0x5], $0x4000, $0x38;
	[tilespmem:$0x1C000] =	vst v63  }
0xc1: {  	_ =	swait.ge [sflag:s12], $0x4000  }
0xc2: {  	s15 =	sld [smem:$0x7F2]  }
0xc3: {  	[sflag:s12] =	ssyncset.done $0x0  }
0xc4: {  	[sflag:s12] =	ssyncadd.s32 $0xFFFFC000  }
0xc5: {  	[tilespmem:s8], [sflag:$0x3] =	stream.linear.gather [hbm4b:s15+s2], $0x4000, $0x38;
	[tilespmem:$0x1C000] =	vst v63  }
0xc6: {  	_ =	swait.ge [sflag:s9], $0x4000  }
0xc7: {  	s16 =	sld [smem:$0x7F3]  }
0xc8: {  	[sflag:s9] =	ssyncset.done $0x0  }
0xc9: {  	[sflag:s9] =	ssyncadd.s32 $0xFFFFC000  }
0xca: {  	[hbm4b:s16+s2] =	stream.linear.scatter [tilespmem:s8], [sflag:$0x6], $0x4000, $0x38;
	[tilespmem:$0x1C000] =	vst v63  }
0xcb: {  	_ =	swait.ge [sflag:s10], $0x4000  }
0xcc: {  	s17 =	sld [smem:$0x7F4]  }
0xcd: {  	[sflag:s10] =	ssyncset.done $0x0  }
0xce: {  	[sflag:s10] =	ssyncadd.s32 $0xFFFFC000  }
0xcf: {  	[tilespmem:s4], [sflag:$0x1] =	stream.linear.gather [hbm4b:s17+s2], $0x4000, $0x38;
	[tilespmem:$0x1C000] =	vst v63  }
0xd0: {  	_ =	swait.ge [sflag:s5], $0x4000  }
0xd1: {  	s18 =	sld [smem:$0x7F5]  }
0xd2: {  	[sflag:s5] =	ssyncset.done $0x0  }
0xd3: {  	[sflag:s5] =	ssyncadd.s32 $0xFFFFC000  }
0xd4: {  	[hbm4b:s18+s2] =	stream.linear.scatter [tilespmem:s4], [sflag:$0x4], $0x4000, $0x38;
	[tilespmem:$0x1C000] =	vst v63  }
0xd5: {  	_ =	swait.ge [sflag:s11], $0x4000  }
0xd6: {  	s19 =	sld [smem:$0x7F6]  }
0xd7: {  	[sflag:s11] =	ssyncset.done $0x0  }
0xd8: {  	[sflag:s11] =	ssyncadd.s32 $0xFFFFC000  }
0xd9: {  	[tilespmem:s6], [sflag:$0x2] =	stream.linear.gather [hbm4b:s19+s2], $0x4000, $0x38;
	[tilespmem:$0x1C000] =	vst v63  }
0xda: {  	_ =	swait.ge [sflag:s7], $0x4000  }
0xdb: {  	s20 =	sld [smem:$0x7F7]  }
0xdc: {  	[sflag:s7] =	ssyncset.done $0x0  }
0xdd: {  	[sflag:s7] =	ssyncadd.s32 $0xFFFFC000  }
0xde: {  	[hbm4b:s20+s2] =	stream.linear.scatter [tilespmem:s6], [sflag:$0x5], $0x4000, $0x38;
	[tilespmem:$0x1C000] =	vst v63  }
0xdf: {  	_ =	swait.ge [sflag:s12], $0x4000  }
0xe0: {  	s21 =	sld [smem:$0x7F8]  }
0xe1: {  	[sflag:s12] =	ssyncset.done $0x0  }
0xe2: {  	[sflag:s12] =	ssyncadd.s32 $0xFFFFC000  }
0xe3: {  	[tilespmem:s8], [sflag:$0x3] =	stream.linear.gather [hbm4b:s21+s2], $0x4000, $0x38;
	[tilespmem:$0x1C000] =	vst v63  }
0xe4: {  	_ =	swait.ge [sflag:s9], $0x4000  }
0xe5: {  	s22 =	sld [smem:$0x7F9]  }
0xe6: {  	[sflag:s9] =	ssyncset.done $0x0  }
0xe7: {  	[sflag:s9] =	ssyncadd.s32 $0xFFFFC000  }
0xe8: {  	[hbm4b:s22+s2] =	stream.linear.scatter [tilespmem:s8], [sflag:$0x6], $0x4000, $0x38;
	[tilespmem:$0x1C000] =	vst v63  }
0xe9: {  	_ =	swait.ge [sflag:s10], $0x4000  }
0xea: {  	s23 =	sld [smem:$0x7FA]  }
0xeb: {  	[sflag:s10] =	ssyncset.done $0x0  }
0xec: {  	[sflag:s10] =	ssyncadd.s32 $0xFFFFC000  }
0xed: {  	[tilespmem:s4], [sflag:$0x1] =	stream.linear.gather [hbm4b:s23+s2], $0x4000, $0x38;
	[tilespmem:$0x1C000] =	vst v63  }
0xee: {  	_ =	swait.ge [sflag:s5], $0x4000  }
0xef: {  	s24 =	sld [smem:$0x7FB]  }
0xf0: {  	[sflag:s5] =	ssyncset.done $0x0  }
0xf1: {  	[sflag:s5] =	ssyncadd.s32 $0xFFFFC000  }
0xf2: {  	[hbm4b:s24+s2] =	stream.linear.scatter [tilespmem:s4], [sflag:$0x4], $0x4000, $0x38;
	[tilespmem:$0x1C000] =	vst v63  }
0xf3: {  	_ =	swait.ge [sflag:s11], $0x4000  }
0xf4: {  	s25 =	sld [smem:$0x7FC]  }
0xf5: {  	[sflag:s11] =	ssyncset.done $0x0  }
0xf6: {  	[sflag:s11] =	ssyncadd.s32 $0xFFFFC000  }
0xf7: {  	[tilespmem:s6], [sflag:$0x2] =	stream.linear.gather [hbm4b:s25+s2], $0x4000, $0x38;
	[tilespmem:$0x1C000] =	vst v63  }
0xf8: {  	_ =	swait.ge [sflag:s7], $0x4000  }
0xf9: {  	s26 =	sld [smem:$0x7FD]  }
0xfa: {  	[sflag:s7] =	ssyncset.done $0x0  }
0xfb: {  	[sflag:s7] =	ssyncadd.s32 $0xFFFFC000  }
0xfc: {  	[hbm4b:s26+s2] =	stream.linear.scatter [tilespmem:s6], [sflag:$0x5], $0x4000, $0x38;
	[tilespmem:$0x1C000] =	vst v63  }
0xfd: {  	_ =	swait.ge [sflag:s12], $0x4000  }
0xfe: {  	s14 =	sor.u32 $0x10B800, s31;
	[sflag:s12] =	ssyncset.done $0x0  }
0xff: {  	s13 =	sadd.s32 s30, s14;
	[sflag:s12] =	ssyncadd.s32 $0xFFFFC000  }
0x100: {  	[tilespmem:s8], [sflag:$0x3] =	stream.linear.gather [hbm4b:s13+s2], $0x4000, $0x38;
	[tilespmem:$0x1C000] =	vst v63  }
0x101: {  	_ =	swait.ge [sflag:s9], $0x4000  }
0x102: {  	[sflag:s9] =	ssyncset.done $0x0  }
0x103: {  	s14 =	sadd.s32 s0, s14;
	[sflag:s9] =	ssyncadd.s32 $0xFFFFC000  }
0x104: {  	[hbm4b:s14+s2] =	stream.linear.scatter [tilespmem:s8], [sflag:$0x6], $0x4000, $0x38;
	[tilespmem:$0x1C000] =	vst v63  }
0x105: {  	_ =	swait.ge [sflag:s10], $0x4000  }
0x106: {  	s16 =	sor.u32 $0x10C000, s31;
	[sflag:s10] =	ssyncset.done $0x0  }
0x107: {  	s15 =	sadd.s32 s30, s16;
	[sflag:s10] =	ssyncadd.s32 $0xFFFFC000  }
0x108: {  	[tilespmem:s4], [sflag:$0x1] =	stream.linear.gather [hbm4b:s15+s2], $0x4000, $0x38;
	[tilespmem:$0x1C000] =	vst v63  }
0x109: {  	_ =	swait.ge [sflag:s5], $0x4000  }
0x10a: {  	[sflag:s5] =	ssyncset.done $0x0  }
0x10b: {  	s16 =	sadd.s32 s0, s16;
	[sflag:s5] =	ssyncadd.s32 $0xFFFFC000  }
0x10c: {  	[hbm4b:s16+s2] =	stream.linear.scatter [tilespmem:s4], [sflag:$0x4], $0x4000, $0x38;
	[tilespmem:$0x1C000] =	vst v63  }
0x10d: {  	_ =	swait.ge [sflag:s11], $0x4000  }
0x10e: {  	s18 =	sor.u32 $0x10C800, s31;
	[sflag:s11] =	ssyncset.done $0x0  }
0x10f: {  	s17 =	sadd.s32 s30, s18;
	[sflag:s11] =	ssyncadd.s32 $0xFFFFC000  }
0x110: {  	[tilespmem:s6], [sflag:$0x2] =	stream.linear.gather [hbm4b:s17+s2], $0x4000, $0x38;
	[tilespmem:$0x1C000] =	vst v63  }
0x111: {  	_ =	swait.ge [sflag:s7], $0x4000  }
0x112: {  	[sflag:s7] =	ssyncset.done $0x0  }
0x113: {  	s18 =	sadd.s32 s0, s18;
	[sflag:s7] =	ssyncadd.s32 $0xFFFFC000  }
0x114: {  	[hbm4b:s18+s2] =	stream.linear.scatter [tilespmem:s6], [sflag:$0x5], $0x4000, $0x38;
	[tilespmem:$0x1C000] =	vst v63  }
0x115: {  	_ =	swait.ge [sflag:s12], $0x4000  }
0x116: {  	s20 =	sor.u32 $0x10D000, s31;
	[sflag:s12] =	ssyncset.done $0x0  }
0x117: {  	s19 =	sadd.s32 s30, s20;
	[sflag:s12] =	ssyncadd.s32 $0xFFFFC000  }
0x118: {  	[tilespmem:s8], [sflag:$0x3] =	stream.linear.gather [hbm4b:s19+s2], $0x4000, $0x38;
	[tilespmem:$0x1C000] =	vst v63  }
0x119: {  	_ =	swait.ge [sflag:s9], $0x4000  }
0x11a: {  	[sflag:s9] =	ssyncset.done $0x0  }
0x11b: {  	s20 =	sadd.s32 s0, s20;
	[sflag:s9] =	ssyncadd.s32 $0xFFFFC000  }
0x11c: {  	[hbm4b:s20+s2] =	stream.linear.scatter [tilespmem:s8], [sflag:$0x6], $0x4000, $0x38;
	[tilespmem:$0x1C000] =	vst v63  }
0x11d: {  	_ =	swait.ge [sflag:s10], $0x4000  }
0x11e: {  	s22 =	sor.u32 $0x10D800, s31;
	[sflag:s10] =	ssyncset.done $0x0  }
0x11f: {  	s21 =	sadd.s32 s30, s22;
	[sflag:s10] =	ssyncadd.s32 $0xFFFFC000  }
0x120: {  	[tilespmem:s4], [sflag:$0x1] =	stream.linear.gather [hbm4b:s21+s2], $0x4000, $0x38;
	[tilespmem:$0x1C000] =	vst v63  }
0x121: {  	_ =	swait.ge [sflag:s5], $0x4000  }
0x122: {  	[sflag:s5] =	ssyncset.done $0x0  }
0x123: {  	s22 =	sadd.s32 s0, s22;
	[sflag:s5] =	ssyncadd.s32 $0xFFFFC000  }
0x124: {  	[hbm4b:s22+s2] =	stream.linear.scatter [tilespmem:s4], [sflag:$0x4], $0x4000, $0x38;
	[tilespmem:$0x1C000] =	vst v63  }
0x125: {  	_ =	swait.ge [sflag:s11], $0x4000  }
0x126: {  	s24 =	sor.u32 $0x10E000, s31;
	[sflag:s11] =	ssyncset.done $0x0  }
0x127: {  	s23 =	sadd.s32 s30, s24;
	[sflag:s11] =	ssyncadd.s32 $0xFFFFC000  }
0x128: {  	[tilespmem:s6], [sflag:$0x2] =	stream.linear.gather [hbm4b:s23+s2], $0x4000, $0x38;
	[tilespmem:$0x1C000] =	vst v63  }
0x129: {  	_ =	swait.ge [sflag:s7], $0x4000  }
0x12a: {  	[sflag:s7] =	ssyncset.done $0x0  }
0x12b: {  	s24 =	sadd.s32 s0, s24;
	[sflag:s7] =	ssyncadd.s32 $0xFFFFC000  }
0x12c: {  	[hbm4b:s24+s2] =	stream.linear.scatter [tilespmem:s6], [sflag:$0x5], $0x4000, $0x38;
	[tilespmem:$0x1C000] =	vst v63  }
0x12d: {  	_ =	swait.ge [sflag:s12], $0x4000  }
0x12e: {  	s26 =	sor.u32 $0x10E800, s31;
	[sflag:s12] =	ssyncset.done $0x0  }
0x12f: {  	s25 =	sadd.s32 s30, s26;
	[sflag:s12] =	ssyncadd.s32 $0xFFFFC000  }
0x130: {  	[tilespmem:s8], [sflag:$0x3] =	stream.linear.gather [hbm4b:s25+s2], $0x4000, $0x38;
	[tilespmem:$0x1C000] =	vst v63  }
0x131: {  	_ =	swait.ge [sflag:s9], $0x4000  }
0x132: {  	[sflag:s9] =	ssyncset.done $0x0  }
0x133: {  	s26 =	sadd.s32 s0, s26;
	[sflag:s9] =	ssyncadd.s32 $0xFFFFC000  }
0x134: {  	[hbm4b:s26+s2] =	stream.linear.scatter [tilespmem:s8], [sflag:$0x6], $0x4000, $0x38;
	[tilespmem:$0x1C000] =	vst v63  }
0x135: {  	_ =	swait.ge [sflag:s10], $0x4000  }
0x136: {  	s29 =	sor.u32 $0x10F000, s31;
	[sflag:s10] =	ssyncset.done $0x0  }
0x137: {  	s28 =	sadd.s32 s30, s29;
	[sflag:s10] =	ssyncadd.s32 $0xFFFFC000  }
0x138: {  	[tilespmem:s4], [sflag:$0x1] =	stream.linear.gather [hbm4b:s28+s2], $0x4000, $0x38;
	[tilespmem:$0x1C000] =	vst v63  }
0x139: {  	_ =	swait.ge [sflag:s5], $0x4000  }
0x13a: {  	[sflag:s5] =	ssyncset.done $0x0  }
0x13b: {  	s29 =	sadd.s32 s0, s29;
	[sflag:s5] =	ssyncadd.s32 $0xFFFFC000  }
0x13c: {  	[hbm4b:s29+s2] =	stream.linear.scatter [tilespmem:s4], [sflag:$0x4], $0x4000, $0x38;
	[tilespmem:$0x1C000] =	vst v63  }
0x13d: {  	_ =	swait.ge [sflag:s11], $0x4000  }
0x13e: {  	s31 =	sor.u32 $0x10F800, s31;
	[sflag:s11] =	ssyncset.done $0x0  }
0x13f: {  	s30 =	sadd.s32 s30, s31;
	[sflag:s11] =	ssyncadd.s32 $0xFFFFC000  }
0x140: {  	[tilespmem:s6], [sflag:$0x2] =	stream.linear.gather [hbm4b:s30+s2], $0x4000, $0x38;
	[tilespmem:$0x1C000] =	vst v63  }
0x141: {  	_ =	swait.ge [sflag:s7], $0x4000  }
0x142: {  	s3 =	ssub.s32 $0x2, s1;
	[sflag:s7] =	ssyncset.done $0x0  }
0x143: {  	s1 =	sshrl.u32 s3, $0x1;
	s31 =	sadd.s32 s0, s31;
	[sflag:s7] =	ssyncadd.s32 $0xFFFFC000  }
0x144: {  	[hbm4b:s31+s2] =	stream.linear.scatter [tilespmem:s6], [sflag:$0x5], $0x4000, $0x38;
	[tilespmem:$0x1C000] =	vst v63  }
0x145: {  	s0 =	ssub.s32 s3, s1;
	_ =	swait.ge [sflag:s12], $0x4000  }
0x146: {  	s0 =	smax.u32 s0, $0x1;
	[sflag:s12] =	ssyncset.done $0x0  }
0x147: {  	p0 =	sne.s32 s0, $0x1;
	[sflag:s12] =	ssyncadd.s32 $0xFFFFC000  }
.Ltmp1:
0x148: {  	_ =	swait.ge [sflag:s10], $0x4000;
	(pc) =	sbr.rel @!p0 .LBB2_3-.Ltmp1, $4  }
0x149: {  	[sflag:s10] =	ssyncset.done $0x0  }
0x14a: {  	[sflag:s10] =	ssyncadd.s32 $0xFFFFC000  }
0x14b: {  	_ =	swait.ge [sflag:s11], $0x4000  }
0x14c: {  	s0 =	sadd.s32 $0xFFFFFFFF, s0;
	[sflag:s11] =	ssyncset.done $0x0  }
.LBB2_2:
0x14d: {  	s1 =	sld [smem:$0x7ED];
	_ =	sdelay $0x1  }
0x14e: {  	[sflag:s11] =	ssyncadd.s32 $0xFFFFC000  }
0x14f: {  	[tilespmem:s4], [sflag:$0x1] =	stream.linear.gather [hbm4b:s1+s2], $0x4000, $0x38;
	[tilespmem:$0x1C000] =	vst v63  }
0x150: {  	_ =	swait.ge [sflag:s5], $0x4000  }
0x151: {  	[sflag:s5] =	ssyncset.done $0x0  }
0x152: {  	s1 =	rddreg [dreg:$0x3];
	[sflag:s5] =	ssyncadd.s32 $0xFFFFC000  }
0x153: {  	[hbm4b:s1+s2] =	stream.linear.scatter [tilespmem:s4], [sflag:$0x4], $0x4000, $0x38;
	[tilespmem:$0x1C000] =	vst v63  }
0x154: {  	s3 =	rddreg [dreg:$0x4]  }
0x155: {  	[tilespmem:s6], [sflag:$0x2] =	stream.linear.gather [hbm4b:s3+s2], $0x4000, $0x38;
	[tilespmem:$0x1C000] =	vst v63  }
0x156: {  	_ =	swait.ge [sflag:s7], $0x4000  }
0x157: {  	[sflag:s7] =	ssyncset.done $0x0  }
0x158: {  	s1 =	rddreg [dreg:$0x5];
	[sflag:s7] =	ssyncadd.s32 $0xFFFFC000  }
0x159: {  	[hbm4b:s1+s2] =	stream.linear.scatter [tilespmem:s6], [sflag:$0x5], $0x4000, $0x38;
	[tilespmem:$0x1C000] =	vst v63  }
0x15a: {  	s3 =	rddreg [dreg:$0x6]  }
0x15b: {  	[tilespmem:s8], [sflag:$0x3] =	stream.linear.gather [hbm4b:s3+s2], $0x4000, $0x38;
	[tilespmem:$0x1C000] =	vst v63  }
0x15c: {  	_ =	swait.ge [sflag:s9], $0x4000  }
0x15d: {  	[sflag:s9] =	ssyncset.done $0x0  }
0x15e: {  	s3 =	rddreg [dreg:$0x7];
	[sflag:s9] =	ssyncadd.s32 $0xFFFFC000  }
0x15f: {  	[hbm4b:s3+s2] =	stream.linear.scatter [tilespmem:s8], [sflag:$0x6], $0x4000, $0x38;
	[tilespmem:$0x1C000] =	vst v63  }
0x160: {  	_ =	swait.ge [sflag:s10], $0x4000  }
0x161: {  	[sflag:s10] =	ssyncset.done $0x0  }
0x162: {  	s3 =	rddreg [dreg:$0x8];
	[sflag:s10] =	ssyncadd.s32 $0xFFFFC000  }
0x163: {  	[tilespmem:s4], [sflag:$0x1] =	stream.linear.gather [hbm4b:s3+s2], $0x4000, $0x38;
	[tilespmem:$0x1C000] =	vst v63  }
0x164: {  	_ =	swait.ge [sflag:s5], $0x4000  }
0x165: {  	[sflag:s5] =	ssyncset.done $0x0  }
0x166: {  	s3 =	rddreg [dreg:$0x9];
	[sflag:s5] =	ssyncadd.s32 $0xFFFFC000  }
0x167: {  	[hbm4b:s3+s2] =	stream.linear.scatter [tilespmem:s4], [sflag:$0x4], $0x4000, $0x38;
	[tilespmem:$0x1C000] =	vst v63  }
0x168: {  	_ =	swait.ge [sflag:s11], $0x4000  }
0x169: {  	[sflag:s11] =	ssyncset.done $0x0  }
0x16a: {  	s3 =	rddreg [dreg:$0xa];
	[sflag:s11] =	ssyncadd.s32 $0xFFFFC000  }
0x16b: {  	[tilespmem:s6], [sflag:$0x2] =	stream.linear.gather [hbm4b:s3+s2], $0x4000, $0x38;
	[tilespmem:$0x1C000] =	vst v63  }
0x16c: {  	_ =	swait.ge [sflag:s7], $0x4000  }
0x16d: {  	[sflag:s7] =	ssyncset.done $0x0  }
0x16e: {  	s3 =	rddreg [dreg:$0xb];
	[sflag:s7] =	ssyncadd.s32 $0xFFFFC000  }
0x16f: {  	[hbm4b:s3+s2] =	stream.linear.scatter [tilespmem:s6], [sflag:$0x5], $0x4000, $0x38;
	[tilespmem:$0x1C000] =	vst v63  }
0x170: {  	_ =	swait.ge [sflag:s12], $0x4000  }
0x171: {  	[sflag:s12] =	ssyncset.done $0x0  }
0x172: {  	s3 =	rddreg [dreg:$0xc];
	[sflag:s12] =	ssyncadd.s32 $0xFFFFC000  }
0x173: {  	[tilespmem:s8], [sflag:$0x3] =	stream.linear.gather [hbm4b:s3+s2], $0x4000, $0x38;
	[tilespmem:$0x1C000] =	vst v63  }
0x174: {  	_ =	swait.ge [sflag:s9], $0x4000  }
0x175: {  	[sflag:s9] =	ssyncset.done $0x0  }
0x176: {  	s3 =	rddreg [dreg:$0xd];
	[sflag:s9] =	ssyncadd.s32 $0xFFFFC000  }
0x177: {  	[hbm4b:s3+s2] =	stream.linear.scatter [tilespmem:s8], [sflag:$0x6], $0x4000, $0x38;
	[tilespmem:$0x1C000] =	vst v63  }
0x178: {  	_ =	swait.ge [sflag:s10], $0x4000  }
0x179: {  	[sflag:s10] =	ssyncset.done $0x0  }
0x17a: {  	s3 =	rddreg [dreg:$0xe];
	[sflag:s10] =	ssyncadd.s32 $0xFFFFC000  }
0x17b: {  	[tilespmem:s4], [sflag:$0x1] =	stream.linear.gather [hbm4b:s3+s2], $0x4000, $0x38;
	[tilespmem:$0x1C000] =	vst v63  }
0x17c: {  	_ =	swait.ge [sflag:s5], $0x4000  }
0x17d: {  	[sflag:s5] =	ssyncset.done $0x0  }
0x17e: {  	s3 =	rddreg [dreg:$0xf];
	[sflag:s5] =	ssyncadd.s32 $0xFFFFC000  }
0x17f: {  	[hbm4b:s3+s2] =	stream.linear.scatter [tilespmem:s4], [sflag:$0x4], $0x4000, $0x38;
	[tilespmem:$0x1C000] =	vst v63  }
0x180: {  	_ =	swait.ge [sflag:s11], $0x4000  }
0x181: {  	[sflag:s11] =	ssyncset.done $0x0  }
0x182: {  	s3 =	rddreg [dreg:$0x10];
	[sflag:s11] =	ssyncadd.s32 $0xFFFFC000  }
0x183: {  	[tilespmem:s6], [sflag:$0x2] =	stream.linear.gather [hbm4b:s3+s2], $0x4000, $0x38;
	[tilespmem:$0x1C000] =	vst v63  }
0x184: {  	_ =	swait.ge [sflag:s7], $0x4000  }
0x185: {  	[sflag:s7] =	ssyncset.done $0x0  }
0x186: {  	s3 =	rddreg [dreg:$0x11];
	[sflag:s7] =	ssyncadd.s32 $0xFFFFC000  }
0x187: {  	[hbm4b:s3+s2] =	stream.linear.scatter [tilespmem:s6], [sflag:$0x5], $0x4000, $0x38;
	[tilespmem:$0x1C000] =	vst v63  }
0x188: {  	_ =	swait.ge [sflag:s12], $0x4000  }
0x189: {  	[sflag:s12] =	ssyncset.done $0x0  }
0x18a: {  	s3 =	rddreg [dreg:$0x12];
	[sflag:s12] =	ssyncadd.s32 $0xFFFFC000  }
0x18b: {  	[tilespmem:s8], [sflag:$0x3] =	stream.linear.gather [hbm4b:s3+s2], $0x4000, $0x38;
	[tilespmem:$0x1C000] =	vst v63  }
0x18c: {  	_ =	swait.ge [sflag:s9], $0x4000  }
0x18d: {  	[sflag:s9] =	ssyncset.done $0x0  }
0x18e: {  	s3 =	rddreg [dreg:$0x13];
	[sflag:s9] =	ssyncadd.s32 $0xFFFFC000  }
0x18f: {  	[hbm4b:s3+s2] =	stream.linear.scatter [tilespmem:s8], [sflag:$0x6], $0x4000, $0x38;
	[tilespmem:$0x1C000] =	vst v63  }
0x190: {  	_ =	swait.ge [sflag:s10], $0x4000  }
0x191: {  	[sflag:s10] =	ssyncset.done $0x0  }
0x192: {  	s3 =	rddreg [dreg:$0x14];
	[sflag:s10] =	ssyncadd.s32 $0xFFFFC000  }
0x193: {  	[tilespmem:s4], [sflag:$0x1] =	stream.linear.gather [hbm4b:s3+s2], $0x4000, $0x38;
	[tilespmem:$0x1C000] =	vst v63  }
0x194: {  	_ =	swait.ge [sflag:s5], $0x4000  }
0x195: {  	[sflag:s5] =	ssyncset.done $0x0  }
0x196: {  	s3 =	rddreg [dreg:$0x15];
	[sflag:s5] =	ssyncadd.s32 $0xFFFFC000  }
0x197: {  	[hbm4b:s3+s2] =	stream.linear.scatter [tilespmem:s4], [sflag:$0x4], $0x4000, $0x38;
	[tilespmem:$0x1C000] =	vst v63  }
0x198: {  	_ =	swait.ge [sflag:s11], $0x4000  }
0x199: {  	[sflag:s11] =	ssyncset.done $0x0  }
0x19a: {  	s3 =	rddreg [dreg:$0x16];
	[sflag:s11] =	ssyncadd.s32 $0xFFFFC000  }
0x19b: {  	[tilespmem:s6], [sflag:$0x2] =	stream.linear.gather [hbm4b:s3+s2], $0x4000, $0x38;
	[tilespmem:$0x1C000] =	vst v63  }
0x19c: {  	_ =	swait.ge [sflag:s7], $0x4000  }
0x19d: {  	[sflag:s7] =	ssyncset.done $0x0  }
0x19e: {  	s3 =	rddreg [dreg:$0x17];
	[sflag:s7] =	ssyncadd.s32 $0xFFFFC000  }
0x19f: {  	[hbm4b:s3+s2] =	stream.linear.scatter [tilespmem:s6], [sflag:$0x5], $0x4000, $0x38;
	[tilespmem:$0x1C000] =	vst v63  }
0x1a0: {  	_ =	swait.ge [sflag:s12], $0x4000  }
0x1a1: {  	[sflag:s12] =	ssyncset.done $0x0  }
0x1a2: {  	s3 =	rddreg [dreg:$0x18];
	[sflag:s12] =	ssyncadd.s32 $0xFFFFC000  }
0x1a3: {  	[tilespmem:s8], [sflag:$0x3] =	stream.linear.gather [hbm4b:s3+s2], $0x4000, $0x38;
	[tilespmem:$0x1C000] =	vst v63  }
0x1a4: {  	_ =	swait.ge [sflag:s9], $0x4000  }
0x1a5: {  	[sflag:s9] =	ssyncset.done $0x0  }
0x1a6: {  	s3 =	rddreg [dreg:$0x19];
	[sflag:s9] =	ssyncadd.s32 $0xFFFFC000  }
0x1a7: {  	[hbm4b:s3+s2] =	stream.linear.scatter [tilespmem:s8], [sflag:$0x6], $0x4000, $0x38;
	[tilespmem:$0x1C000] =	vst v63  }
0x1a8: {  	_ =	swait.ge [sflag:s10], $0x4000  }
0x1a9: {  	[sflag:s10] =	ssyncset.done $0x0  }
0x1aa: {  	s3 =	rddreg [dreg:$0x1a];
	[sflag:s10] =	ssyncadd.s32 $0xFFFFC000  }
0x1ab: {  	[tilespmem:s4], [sflag:$0x1] =	stream.linear.gather [hbm4b:s3+s2], $0x4000, $0x38;
	[tilespmem:$0x1C000] =	vst v63  }
0x1ac: {  	_ =	swait.ge [sflag:s5], $0x4000  }
0x1ad: {  	[sflag:s5] =	ssyncset.done $0x0  }
0x1ae: {  	s3 =	rddreg [dreg:$0x1b];
	[sflag:s5] =	ssyncadd.s32 $0xFFFFC000  }
0x1af: {  	[hbm4b:s3+s2] =	stream.linear.scatter [tilespmem:s4], [sflag:$0x4], $0x4000, $0x38;
	[tilespmem:$0x1C000] =	vst v63  }
0x1b0: {  	_ =	swait.ge [sflag:s11], $0x4000  }
0x1b1: {  	[sflag:s11] =	ssyncset.done $0x0  }
0x1b2: {  	s3 =	rddreg [dreg:$0x1c];
	[sflag:s11] =	ssyncadd.s32 $0xFFFFC000  }
0x1b3: {  	[tilespmem:s6], [sflag:$0x2] =	stream.linear.gather [hbm4b:s3+s2], $0x4000, $0x38;
	[tilespmem:$0x1C000] =	vst v63  }
0x1b4: {  	_ =	swait.ge [sflag:s7], $0x4000  }
0x1b5: {  	[sflag:s7] =	ssyncset.done $0x0  }
0x1b6: {  	s3 =	rddreg [dreg:$0x1d];
	[sflag:s7] =	ssyncadd.s32 $0xFFFFC000  }
0x1b7: {  	[hbm4b:s3+s2] =	stream.linear.scatter [tilespmem:s6], [sflag:$0x5], $0x4000, $0x38;
	[tilespmem:$0x1C000] =	vst v63  }
0x1b8: {  	_ =	swait.ge [sflag:s12], $0x4000  }
0x1b9: {  	[sflag:s12] =	ssyncset.done $0x0  }
0x1ba: {  	s3 =	rddreg [dreg:$0x1e];
	[sflag:s12] =	ssyncadd.s32 $0xFFFFC000  }
0x1bb: {  	[tilespmem:s8], [sflag:$0x3] =	stream.linear.gather [hbm4b:s3+s2], $0x4000, $0x38;
	[tilespmem:$0x1C000] =	vst v63  }
0x1bc: {  	_ =	swait.ge [sflag:s9], $0x4000  }
0x1bd: {  	[sflag:s9] =	ssyncset.done $0x0  }
0x1be: {  	s3 =	rddreg [dreg:$0x1f];
	[sflag:s9] =	ssyncadd.s32 $0xFFFFC000  }
0x1bf: {  	[hbm4b:s3+s2] =	stream.linear.scatter [tilespmem:s8], [sflag:$0x6], $0x4000, $0x38;
	[tilespmem:$0x1C000] =	vst v63  }
0x1c0: {  	_ =	swait.ge [sflag:s10], $0x4000  }
0x1c1: {  	s3 =	sld [smem:$0x7EE]  }
0x1c2: {  	[sflag:s10] =	ssyncset.done $0x0  }
0x1c3: {  	[sflag:s10] =	ssyncadd.s32 $0xFFFFC000  }
0x1c4: {  	[tilespmem:s4], [sflag:$0x1] =	stream.linear.gather [hbm4b:s3+s2], $0x4000, $0x38;
	[tilespmem:$0x1C000] =	vst v63  }
0x1c5: {  	_ =	swait.ge [sflag:s5], $0x4000  }
0x1c6: {  	s3 =	sld [smem:$0x7EF]  }
0x1c7: {  	[sflag:s5] =	ssyncset.done $0x0  }
0x1c8: {  	[sflag:s5] =	ssyncadd.s32 $0xFFFFC000  }
0x1c9: {  	[hbm4b:s3+s2] =	stream.linear.scatter [tilespmem:s4], [sflag:$0x4], $0x4000, $0x38;
	[tilespmem:$0x1C000] =	vst v63  }
0x1ca: {  	_ =	swait.ge [sflag:s11], $0x4000  }
0x1cb: {  	s3 =	sld [smem:$0x7F0]  }
0x1cc: {  	[sflag:s11] =	ssyncset.done $0x0  }
0x1cd: {  	[sflag:s11] =	ssyncadd.s32 $0xFFFFC000  }
0x1ce: {  	[tilespmem:s6], [sflag:$0x2] =	stream.linear.gather [hbm4b:s3+s2], $0x4000, $0x38;
	[tilespmem:$0x1C000] =	vst v63  }
0x1cf: {  	_ =	swait.ge [sflag:s7], $0x4000  }
0x1d0: {  	s3 =	sld [smem:$0x7F1]  }
0x1d1: {  	[sflag:s7] =	ssyncset.done $0x0  }
0x1d2: {  	[sflag:s7] =	ssyncadd.s32 $0xFFFFC000  }
0x1d3: {  	[hbm4b:s3+s2] =	stream.linear.scatter [tilespmem:s6], [sflag:$0x5], $0x4000, $0x38;
	[tilespmem:$0x1C000] =	vst v63  }
0x1d4: {  	_ =	swait.ge [sflag:s12], $0x4000  }
0x1d5: {  	s3 =	sld [smem:$0x7F2]  }
0x1d6: {  	[sflag:s12] =	ssyncset.done $0x0  }
0x1d7: {  	[sflag:s12] =	ssyncadd.s32 $0xFFFFC000  }
0x1d8: {  	[tilespmem:s8], [sflag:$0x3] =	stream.linear.gather [hbm4b:s3+s2], $0x4000, $0x38;
	[tilespmem:$0x1C000] =	vst v63  }
0x1d9: {  	_ =	swait.ge [sflag:s9], $0x4000  }
0x1da: {  	s3 =	sld [smem:$0x7F3]  }
0x1db: {  	[sflag:s9] =	ssyncset.done $0x0  }
0x1dc: {  	[sflag:s9] =	ssyncadd.s32 $0xFFFFC000  }
0x1dd: {  	[hbm4b:s3+s2] =	stream.linear.scatter [tilespmem:s8], [sflag:$0x6], $0x4000, $0x38;
	[tilespmem:$0x1C000] =	vst v63  }
0x1de: {  	_ =	swait.ge [sflag:s10], $0x4000  }
0x1df: {  	s3 =	sld [smem:$0x7F4]  }
0x1e0: {  	[sflag:s10] =	ssyncset.done $0x0  }
0x1e1: {  	[sflag:s10] =	ssyncadd.s32 $0xFFFFC000  }
0x1e2: {  	[tilespmem:s4], [sflag:$0x1] =	stream.linear.gather [hbm4b:s3+s2], $0x4000, $0x38;
	[tilespmem:$0x1C000] =	vst v63  }
0x1e3: {  	_ =	swait.ge [sflag:s5], $0x4000  }
0x1e4: {  	s3 =	sld [smem:$0x7F5]  }
0x1e5: {  	[sflag:s5] =	ssyncset.done $0x0  }
0x1e6: {  	[sflag:s5] =	ssyncadd.s32 $0xFFFFC000  }
0x1e7: {  	[hbm4b:s3+s2] =	stream.linear.scatter [tilespmem:s4], [sflag:$0x4], $0x4000, $0x38;
	[tilespmem:$0x1C000] =	vst v63  }
0x1e8: {  	_ =	swait.ge [sflag:s11], $0x4000  }
0x1e9: {  	s3 =	sld [smem:$0x7F6]  }
0x1ea: {  	[sflag:s11] =	ssyncset.done $0x0  }
0x1eb: {  	[sflag:s11] =	ssyncadd.s32 $0xFFFFC000  }
0x1ec: {  	[tilespmem:s6], [sflag:$0x2] =	stream.linear.gather [hbm4b:s3+s2], $0x4000, $0x38;
	[tilespmem:$0x1C000] =	vst v63  }
0x1ed: {  	_ =	swait.ge [sflag:s7], $0x4000  }
0x1ee: {  	s3 =	sld [smem:$0x7F7]  }
0x1ef: {  	[sflag:s7] =	ssyncset.done $0x0  }
0x1f0: {  	[sflag:s7] =	ssyncadd.s32 $0xFFFFC000  }
0x1f1: {  	[hbm4b:s3+s2] =	stream.linear.scatter [tilespmem:s6], [sflag:$0x5], $0x4000, $0x38;
	[tilespmem:$0x1C000] =	vst v63  }
0x1f2: {  	_ =	swait.ge [sflag:s12], $0x4000  }
0x1f3: {  	s3 =	sld [smem:$0x7F8]  }
0x1f4: {  	[sflag:s12] =	ssyncset.done $0x0  }
0x1f5: {  	[sflag:s12] =	ssyncadd.s32 $0xFFFFC000  }
0x1f6: {  	[tilespmem:s8], [sflag:$0x3] =	stream.linear.gather [hbm4b:s3+s2], $0x4000, $0x38;
	[tilespmem:$0x1C000] =	vst v63  }
0x1f7: {  	_ =	swait.ge [sflag:s9], $0x4000  }
0x1f8: {  	s3 =	sld [smem:$0x7F9]  }
0x1f9: {  	[sflag:s9] =	ssyncset.done $0x0  }
0x1fa: {  	[sflag:s9] =	ssyncadd.s32 $0xFFFFC000  }
0x1fb: {  	[hbm4b:s3+s2] =	stream.linear.scatter [tilespmem:s8], [sflag:$0x6], $0x4000, $0x38;
	[tilespmem:$0x1C000] =	vst v63  }
0x1fc: {  	_ =	swait.ge [sflag:s10], $0x4000  }
0x1fd: {  	s3 =	sld [smem:$0x7FA]  }
0x1fe: {  	[sflag:s10] =	ssyncset.done $0x0  }
0x1ff: {  	[sflag:s10] =	ssyncadd.s32 $0xFFFFC000  }
0x200: {  	[tilespmem:s4], [sflag:$0x1] =	stream.linear.gather [hbm4b:s3+s2], $0x4000, $0x38;
	[tilespmem:$0x1C000] =	vst v63  }
0x201: {  	_ =	swait.ge [sflag:s5], $0x4000  }
0x202: {  	s3 =	sld [smem:$0x7FB]  }
0x203: {  	[sflag:s5] =	ssyncset.done $0x0  }
0x204: {  	[sflag:s5] =	ssyncadd.s32 $0xFFFFC000  }
0x205: {  	[hbm4b:s3+s2] =	stream.linear.scatter [tilespmem:s4], [sflag:$0x4], $0x4000, $0x38;
	[tilespmem:$0x1C000] =	vst v63  }
0x206: {  	_ =	swait.ge [sflag:s11], $0x4000  }
0x207: {  	s3 =	sld [smem:$0x7FC]  }
0x208: {  	[sflag:s11] =	ssyncset.done $0x0  }
0x209: {  	[sflag:s11] =	ssyncadd.s32 $0xFFFFC000  }
0x20a: {  	[tilespmem:s6], [sflag:$0x2] =	stream.linear.gather [hbm4b:s3+s2], $0x4000, $0x38;
	[tilespmem:$0x1C000] =	vst v63  }
0x20b: {  	_ =	swait.ge [sflag:s7], $0x4000  }
0x20c: {  	s3 =	sld [smem:$0x7FD]  }
0x20d: {  	[sflag:s7] =	ssyncset.done $0x0  }
0x20e: {  	[sflag:s7] =	ssyncadd.s32 $0xFFFFC000  }
0x20f: {  	[hbm4b:s3+s2] =	stream.linear.scatter [tilespmem:s6], [sflag:$0x5], $0x4000, $0x38;
	[tilespmem:$0x1C000] =	vst v63  }
0x210: {  	_ =	swait.ge [sflag:s12], $0x4000  }
0x211: {  	[sflag:s12] =	ssyncset.done $0x0  }
0x212: {  	[sflag:s12] =	ssyncadd.s32 $0xFFFFC000  }
0x213: {  	[tilespmem:s8], [sflag:$0x3] =	stream.linear.gather [hbm4b:s13+s2], $0x4000, $0x38;
	[tilespmem:$0x1C000] =	vst v63  }
0x214: {  	_ =	swait.ge [sflag:s9], $0x4000  }
0x215: {  	[sflag:s9] =	ssyncset.done $0x0  }
0x216: {  	[sflag:s9] =	ssyncadd.s32 $0xFFFFC000  }
0x217: {  	[hbm4b:s14+s2] =	stream.linear.scatter [tilespmem:s8], [sflag:$0x6], $0x4000, $0x38;
	[tilespmem:$0x1C000] =	vst v63  }
0x218: {  	_ =	swait.ge [sflag:s10], $0x4000  }
0x219: {  	[sflag:s10] =	ssyncset.done $0x0  }
0x21a: {  	[sflag:s10] =	ssyncadd.s32 $0xFFFFC000  }
0x21b: {  	[tilespmem:s4], [sflag:$0x1] =	stream.linear.gather [hbm4b:s15+s2], $0x4000, $0x38;
	[tilespmem:$0x1C000] =	vst v63  }
0x21c: {  	_ =	swait.ge [sflag:s5], $0x4000  }
0x21d: {  	[sflag:s5] =	ssyncset.done $0x0  }
0x21e: {  	[sflag:s5] =	ssyncadd.s32 $0xFFFFC000  }
0x21f: {  	[hbm4b:s16+s2] =	stream.linear.scatter [tilespmem:s4], [sflag:$0x4], $0x4000, $0x38;
	[tilespmem:$0x1C000] =	vst v63  }
0x220: {  	_ =	swait.ge [sflag:s11], $0x4000  }
0x221: {  	[sflag:s11] =	ssyncset.done $0x0  }
0x222: {  	[sflag:s11] =	ssyncadd.s32 $0xFFFFC000  }
0x223: {  	[tilespmem:s6], [sflag:$0x2] =	stream.linear.gather [hbm4b:s17+s2], $0x4000, $0x38;
	[tilespmem:$0x1C000] =	vst v63  }
0x224: {  	_ =	swait.ge [sflag:s7], $0x4000  }
0x225: {  	[sflag:s7] =	ssyncset.done $0x0  }
0x226: {  	[sflag:s7] =	ssyncadd.s32 $0xFFFFC000  }
0x227: {  	[hbm4b:s18+s2] =	stream.linear.scatter [tilespmem:s6], [sflag:$0x5], $0x4000, $0x38;
	[tilespmem:$0x1C000] =	vst v63  }
0x228: {  	_ =	swait.ge [sflag:s12], $0x4000  }
0x229: {  	[sflag:s12] =	ssyncset.done $0x0  }
0x22a: {  	[sflag:s12] =	ssyncadd.s32 $0xFFFFC000  }
0x22b: {  	[tilespmem:s8], [sflag:$0x3] =	stream.linear.gather [hbm4b:s19+s2], $0x4000, $0x38;
	[tilespmem:$0x1C000] =	vst v63  }
0x22c: {  	_ =	swait.ge [sflag:s9], $0x4000  }
0x22d: {  	[sflag:s9] =	ssyncset.done $0x0  }
0x22e: {  	[sflag:s9] =	ssyncadd.s32 $0xFFFFC000  }
0x22f: {  	[hbm4b:s20+s2] =	stream.linear.scatter [tilespmem:s8], [sflag:$0x6], $0x4000, $0x38;
	[tilespmem:$0x1C000] =	vst v63  }
0x230: {  	_ =	swait.ge [sflag:s10], $0x4000  }
0x231: {  	[sflag:s10] =	ssyncset.done $0x0  }
0x232: {  	[sflag:s10] =	ssyncadd.s32 $0xFFFFC000  }
0x233: {  	[tilespmem:s4], [sflag:$0x1] =	stream.linear.gather [hbm4b:s21+s2], $0x4000, $0x38;
	[tilespmem:$0x1C000] =	vst v63  }
0x234: {  	_ =	swait.ge [sflag:s5], $0x4000  }
0x235: {  	[sflag:s5] =	ssyncset.done $0x0  }
0x236: {  	[sflag:s5] =	ssyncadd.s32 $0xFFFFC000  }
0x237: {  	[hbm4b:s22+s2] =	stream.linear.scatter [tilespmem:s4], [sflag:$0x4], $0x4000, $0x38;
	[tilespmem:$0x1C000] =	vst v63  }
0x238: {  	_ =	swait.ge [sflag:s11], $0x4000  }
0x239: {  	[sflag:s11] =	ssyncset.done $0x0  }
0x23a: {  	[sflag:s11] =	ssyncadd.s32 $0xFFFFC000  }
0x23b: {  	[tilespmem:s6], [sflag:$0x2] =	stream.linear.gather [hbm4b:s23+s2], $0x4000, $0x38;
	[tilespmem:$0x1C000] =	vst v63  }
0x23c: {  	_ =	swait.ge [sflag:s7], $0x4000  }
0x23d: {  	[sflag:s7] =	ssyncset.done $0x0  }
0x23e: {  	[sflag:s7] =	ssyncadd.s32 $0xFFFFC000  }
0x23f: {  	[hbm4b:s24+s2] =	stream.linear.scatter [tilespmem:s6], [sflag:$0x5], $0x4000, $0x38;
	[tilespmem:$0x1C000] =	vst v63  }
0x240: {  	_ =	swait.ge [sflag:s12], $0x4000  }
0x241: {  	[sflag:s12] =	ssyncset.done $0x0  }
0x242: {  	[sflag:s12] =	ssyncadd.s32 $0xFFFFC000  }
0x243: {  	[tilespmem:s8], [sflag:$0x3] =	stream.linear.gather [hbm4b:s25+s2], $0x4000, $0x38;
	[tilespmem:$0x1C000] =	vst v63  }
0x244: {  	_ =	swait.ge [sflag:s9], $0x4000  }
0x245: {  	[sflag:s9] =	ssyncset.done $0x0  }
0x246: {  	[sflag:s9] =	ssyncadd.s32 $0xFFFFC000  }
0x247: {  	[hbm4b:s26+s2] =	stream.linear.scatter [tilespmem:s8], [sflag:$0x6], $0x4000, $0x38;
	[tilespmem:$0x1C000] =	vst v63  }
0x248: {  	_ =	swait.ge [sflag:s10], $0x4000  }
0x249: {  	[sflag:s10] =	ssyncset.done $0x0  }
0x24a: {  	[sflag:s10] =	ssyncadd.s32 $0xFFFFC000  }
0x24b: {  	[tilespmem:s4], [sflag:$0x1] =	stream.linear.gather [hbm4b:s28+s2], $0x4000, $0x38;
	[tilespmem:$0x1C000] =	vst v63  }
0x24c: {  	_ =	swait.ge [sflag:s5], $0x4000  }
0x24d: {  	[sflag:s5] =	ssyncset.done $0x0  }
0x24e: {  	[sflag:s5] =	ssyncadd.s32 $0xFFFFC000  }
0x24f: {  	[hbm4b:s29+s2] =	stream.linear.scatter [tilespmem:s4], [sflag:$0x4], $0x4000, $0x38;
	[tilespmem:$0x1C000] =	vst v63  }
0x250: {  	_ =	swait.ge [sflag:s11], $0x4000  }
0x251: {  	[sflag:s11] =	ssyncset.done $0x0  }
0x252: {  	[sflag:s11] =	ssyncadd.s32 $0xFFFFC000  }
0x253: {  	[tilespmem:s6], [sflag:$0x2] =	stream.linear.gather [hbm4b:s30+s2], $0x4000, $0x38;
	[tilespmem:$0x1C000] =	vst v63  }
0x254: {  	_ =	swait.ge [sflag:s7], $0x4000  }
0x255: {  	[sflag:s7] =	ssyncset.done $0x0  }
0x256: {  	[sflag:s7] =	ssyncadd.s32 $0xFFFFC000  }
0x257: {  	[hbm4b:s31+s2] =	stream.linear.scatter [tilespmem:s6], [sflag:$0x5], $0x4000, $0x38;
	[tilespmem:$0x1C000] =	vst v63  }
0x258: {  	_ =	swait.ge [sflag:s12], $0x4000  }
0x259: {  	[sflag:s12] =	ssyncset.done $0x0  }
0x25a: {  	p0 =	sne.s32 s0, $0x1;
	[sflag:s12] =	ssyncadd.s32 $0xFFFFC000  }
.Ltmp2:
0x25b: {  	_ =	swait.ge [sflag:s10], $0x4000;
	(pc) =	sbr.rel @p0 .LBB2_2-.Ltmp2, $4  }
0x25c: {  	[sflag:s10] =	ssyncset.done $0x0  }
0x25d: {  	[sflag:s10] =	ssyncadd.s32 $0xFFFFC000  }
0x25e: {  	_ =	swait.ge [sflag:s11], $0x4000  }
0x25f: {  	s0 =	sadd.s32 $0xFFFFFFFF, s0;
	[sflag:s11] =	ssyncset.done $0x0  }
.LBB2_3:
0x260: {  	[sflag:s11] =	ssyncadd.s32 $0xFFFFC000  }
0x261: {  	s3 =	stileid.u32;
	s1 =	rddreg [dreg:$0x2]  }
.LBB2_4:
0x262: {  	_ =	sfence.sel $0x180000  }
0x263: {  	[bflag:$0x0] =	sbarrier.arrive $0xFFFF  }
0x264: {  	p0 =	sne.s32 s3, $0x0;
	_ =	strace $0x90000047  }
0x265: {  	s0 =	sadd.s32 @!p0 $0x100000, s1;
	[bflag:$0x2] =	sbarrier.arrive $0xFFFF  }
0x266: {  	[sflag:s0] =	ssyncadd.tile.s32 @!p0 $0x1;
	_ =	shalt  }
.Lfunc_end2:
_tile_overlayer_lowered:
.L_overlay_start_2:
0x267: {  	(tag) =	ssettag $0x2  }
0x268: {  	s0 =	rddreg [dreg:$0x0];
	s2 =	stileid.u32  }
0x269: {  	s1 =	rddreg [dreg:$0x1];
	p0 =	sne.s32 s2, $0x0  }
0x26a: {  	s3 =	rddreg [dreg:$0x2];
	[bflag:$0x3] =	sbarrier.arrive $0xFFFF;
	s2 =	simm.s32 @!p0 $0x1C07  }
0x26b: {  	[timem:s3], [sflag:s2] =	dma.local @!p0 [hbm:s0], s1  }
0x26c: {  	s0 =	simm.s32 @!p0 $0x7  }
0x26d: {  	_ =	swait.ge @!p0 [sflag:s0], s1  }
0x26e: {  	s1 =	ssub.s32 @!p0 $0x0, s1;
	[sflag:s0] =	ssyncset.done @!p0 $0x0  }
0x26f: {  	[sflag:s0] =	ssyncadd.s32 @!p0 s1  }
0x270: {  	[bflag:$0x3] =	sbarrier.arrive $0xFFFF  }
0x271: {  	_ =	shalt  }

</sc_bundles>
